<compile_context>
chip_gen: v7x
topology: tpu7x:2x2x1
jax: 0.10.2.dev20260603
libtpu: 0.0.44.dev20260713+nightly
codegen_flags: <defaults>
</compile_context>

<pallas_src>
import functools

import jax
import jax.numpy as jnp
from jax import lax
from jax.experimental import pallas as pl
from jax.experimental.pallas import tpu as pltpu
from jax.experimental.pallas import tpu_sc as plsc

_NW = 32
_ST = 25
_BT = 128
_BTW = 4
_STC = 5


@jax.jit
def _embed(xq, wcols):
    d = wcols.shape[0]
    mesh = plsc.VectorSubcoreMesh(core_axis_name="c", subcore_axis_name="s")

    n_stc = _ST // _STC
    n_chunks = _BTW * n_stc

    @functools.partial(
        pl.kernel,
        out_type=jax.ShapeDtypeStruct((d, _ST, _BT, 8, 128), jnp.float32),
        mesh=mesh,
        scratch_types=[
            pltpu.VMEM((2, _STC, 8, 128), jnp.int32),
            pltpu.VMEM((2, d, _STC, 8, 128), jnp.float32),
            pltpu.VMEM((d, 16), jnp.float32),
            pltpu.SemaphoreType.DMA,
            pltpu.SemaphoreType.DMA,
            pltpu.SemaphoreType.DMA,
            pltpu.SemaphoreType.DMA,
        ],
        compiler_params=pltpu.CompilerParams(
            use_tc_tiling_on_sc=False, needs_layout_passes=False
        ),
    )
    def k(w_hbm, x_hbm, out_hbm, xv, outv, wv, si0, si1, so0, so1):
        in_sems = (si0, si1)
        out_sems = (so0, so1)
        wid = lax.axis_index("s") * 2 + lax.axis_index("c")
        bt0 = wid * _BTW
        pltpu.sync_copy(w_hbm, wv)
        wc = [wv[c] for c in range(d)]

        def x_src(ci):
            bt = bt0 + ci // n_stc
            st0 = (ci % n_stc) * _STC
            return x_hbm.at[pl.ds(st0, _STC), bt]

        def out_dst(ci):
            bt = bt0 + ci // n_stc
            st0 = (ci % n_stc) * _STC
            return out_hbm.at[:, pl.ds(st0, _STC), bt]

        for b in range(2):
            pltpu.make_async_copy(x_src(b), xv.at[b], in_sems[b]).start()

        def body(j, carry):
            for b in range(2):
                ci = 2 * j + b

                @pl.when(ci >= 2)
                def _():
                    pltpu.make_async_copy(
                        outv.at[b], out_dst(ci - 2), out_sems[b]
                    ).wait()

                pltpu.make_async_copy(x_src(ci), xv.at[b], in_sems[b]).wait()

                @plsc.parallel_loop(0, _STC * 8, unroll=4)
                def st_body(g):
                    sl = g // 8
                    si = g % 8
                    for bq in range(8):
                        xs = xv[b, sl, si, pl.ds(bq * 16, 16)]
                        for c in range(d):
                            vals = jnp.take_along_axis(wc[c], xs, axis=0)
                            outv[b, c, sl, si, pl.ds(bq * 16, 16)] = vals
                pltpu.make_async_copy(
                    outv.at[b], out_dst(ci), out_sems[b]
                ).start()

                @pl.when(ci + 2 < n_chunks)
                def _():
                    pltpu.make_async_copy(
                        x_src(ci + 2), xv.at[b], in_sems[b]
                    ).start()

            return carry

        lax.fori_loop(0, n_chunks // 2, body, 0)
        for b in range(2):
            pltpu.make_async_copy(
                outv.at[b], out_dst(n_chunks - 2 + b), out_sems[b]
            ).wait()

    return k(wcols, xq)


def kernel(x, weight):
    v, d = weight.shape
    wcols = jnp.zeros((d, 16), jnp.float32).at[:, :v].set(weight.T)
    xq = (
        x.astype(jnp.int32)
        .reshape(_BT, 128, _ST, 8)
        .transpose(2, 0, 3, 1)
    )
    out_q = _embed(xq, wcols)
    return (
        out_q.transpose(2, 4, 1, 3, 0)
        .reshape(16384, 200, d)
    )

# --- scband reference (transcript-rebuilt; emitter-appended) ---
"""Pipeline reference for scband-simple-embedding-26276609917054 (READ-ONLY COPY).

The authoritative reference and input builder live on the scoring server;
editing this copy changes nothing except your own understanding.
"""

import jax, jax.numpy as jnp
import numpy as np

def setup_inputs(seed: int = 0) -> dict:
    key = jax.random.key(seed)
    k_idx, k_w = jax.random.split(key)
    x = jax.random.randint(k_idx, (16384, 200), 0, 10, dtype=jnp.int64) if jax.config.jax_enable_x64 else jax.random.randint(k_idx, (16384, 200), 0, 10, dtype=jnp.int32)
    weight = jax.random.normal(k_w, (10, 5), dtype=jnp.float32)
    return {"x": x, "weight": weight}

def reference(x, weight):
    # nn.Embedding forward: gather rows of the table by index
    return jnp.take(weight, x, axis=0)

if __name__ == "__main__":
    import jax
    _d = setup_inputs()
    print(jax.jit(kernel)(*tuple(_d.values())))

</pallas_src>

<mosaic_0001>
#map = affine_map<(d0, d1) -> (0, 0)>
#map1 = affine_map<(d0, d1) -> (0, 0, 0, 0)>
#map2 = affine_map<(d0, d1) -> (0, 0, 0, 0, 0)>
module attributes {stable_mosaic.version = 14 : i64} {
  func.func @k(%arg0: i32, %arg1: i32, %arg2: memref<5x16xf32, #tpu.memory_space<hbm>>, %arg3: memref<25x128x8x128xi32, #tpu.memory_space<hbm>>, %arg4: memref<5x25x128x8x128xf32, #tpu.memory_space<hbm>>, %arg5: memref<2x5x8x128xi32, #tpu.memory_space<vmem>>, %arg6: memref<2x5x5x8x128xf32, #tpu.memory_space<vmem>>, %arg7: memref<5x16xf32, #tpu.memory_space<vmem>>, %arg8: memref<!tpu.dma_semaphore, #tpu.memory_space<semaphore_mem>>, %arg9: memref<!tpu.dma_semaphore, #tpu.memory_space<semaphore_mem>>, %arg10: memref<!tpu.dma_semaphore, #tpu.memory_space<semaphore_mem>>, %arg11: memref<!tpu.dma_semaphore, #tpu.memory_space<semaphore_mem>>) attributes {dimension_semantics = [#tpu.dimension_semantics<core_parallel>, #tpu.dimension_semantics<subcore_parallel>], iteration_bounds = array<i64: 2, 16>, scalar_prefetch = 0 : i64, scratch_operands = 7 : i64, tpu.core_type = #tpu.core_type<sc_vector_subcore>, window_params = [{transform_indices = #map}, {transform_indices = #map1}, {transform_indices = #map2}]} {
    %mul3A = arith.constant 2 : i32
    %mul3A_0 = arith.muli %arg1, %mul3A : i32
    %add3A = arith.addi %mul3A_0, %arg0 : i32
    %mul3A_1 = arith.constant 4 : i32
    %mul3A_2 = arith.muli %add3A, %mul3A_1 : i32
    "tpu.region"() ({
      %run_scoped3A = tpu.sem_alloc : memref<!tpu.dma_semaphore, #tpu.memory_space<semaphore_mem>>
      tpu.enqueue_dma source(%arg2 : memref<5x16xf32, #tpu.memory_space<hbm>>) target(%arg7 : memref<5x16xf32, #tpu.memory_space<vmem>>) target_semaphore(%run_scoped3A : memref<!tpu.dma_semaphore, #tpu.memory_space<semaphore_mem>>)
      tpu.wait_dma2 semaphore(%run_scoped3A : memref<!tpu.dma_semaphore, #tpu.memory_space<semaphore_mem>>) src(%arg2 : memref<5x16xf32, #tpu.memory_space<hbm>>) dst(%arg7 : memref<5x16xf32, #tpu.memory_space<vmem>>)
      tpu.yield
    }) : () -> ()
    %get3A = arith.constant 0 : i32
    %get3A_3 = arith.index_cast %get3A : i32 to index
    %get3A_4 = arith.constant 0 : index
    %get3A_5 = tpu.vector_load %arg7[%get3A_3, %get3A_4] {strides = array<i32>} : memref<5x16xf32, #tpu.memory_space<vmem>>, vector<16xf32>,
    %get3A_6 = arith.constant 1 : i32
    %get3A_7 = arith.index_cast %get3A_6 : i32 to index
    %get3A_8 = arith.constant 0 : index
    %get3A_9 = tpu.vector_load %arg7[%get3A_7, %get3A_8] {strides = array<i32>} : memref<5x16xf32, #tpu.memory_space<vmem>>, vector<16xf32>,
    %get3A_10 = arith.constant 2 : i32
    %get3A_11 = arith.index_cast %get3A_10 : i32 to index
    %get3A_12 = arith.constant 0 : index
    %get3A_13 = tpu.vector_load %arg7[%get3A_11, %get3A_12] {strides = array<i32>} : memref<5x16xf32, #tpu.memory_space<vmem>>, vector<16xf32>,
    %get3A_14 = arith.constant 3 : i32
    %get3A_15 = arith.index_cast %get3A_14 : i32 to index
    %get3A_16 = arith.constant 0 : index
    %get3A_17 = tpu.vector_load %arg7[%get3A_15, %get3A_16] {strides = array<i32>} : memref<5x16xf32, #tpu.memory_space<vmem>>, vector<16xf32>,
    %get3A_18 = arith.constant 4 : i32
    %get3A_19 = arith.index_cast %get3A_18 : i32 to index
    %get3A_20 = arith.constant 0 : index
    %get3A_21 = tpu.vector_load %arg7[%get3A_19, %get3A_20] {strides = array<i32>} : memref<5x16xf32, #tpu.memory_space<vmem>>, vector<16xf32>,
    %add3A_22 = arith.constant 0 : i32
    %add3A_23 = arith.addi %mul3A_2, %add3A_22 : i32
    %dma_start3A = arith.constant 0 : i32
    %dma_start3A_24 = arith.constant 0 : i32
    %dma_start3A_25 = arith.constant 0 : i32
    %dma_start3A_26 = arith.constant 0 : i32
    %dma_start3A_27 = tpu.memref_slice %arg5[%dma_start3A, %dma_start3A_24, %dma_start3A_25, %dma_start3A_26] : memref<2x5x8x128xi32, #tpu.memory_space<vmem>> -> memref<1x5x8x128xi32, #tpu.memory_space<vmem>>
    %dma_start3A_28 = tpu.memref_squeeze %dma_start3A_27 : memref<1x5x8x128xi32, #tpu.memory_space<vmem>> -> memref<5x8x128xi32, #tpu.memory_space<vmem>>
    %dma_start3A_29 = arith.constant 0 : i32
    %dma_start3A_30 = arith.constant 0 : i32
    %dma_start3A_31 = arith.constant 0 : i32
    %dma_start3A_32 = tpu.memref_slice %arg3[%dma_start3A_29, %add3A_23, %dma_start3A_30, %dma_start3A_31] : memref<25x128x8x128xi32, #tpu.memory_space<hbm>> -> memref<5x1x8x128xi32, #tpu.memory_space<hbm>>
    %dma_start3A_33 = tpu.memref_squeeze %dma_start3A_32 : memref<5x1x8x128xi32, #tpu.memory_space<hbm>> -> memref<5x8x128xi32, #tpu.memory_space<hbm>>
    %dma_start3A_34 = arith.constant 0 : i32
    %dma_start3A_35 = arith.constant 0 : i32
    %dma_start3A_36 = arith.constant 0 : i32
    %dma_start3A_37 = tpu.memref_slice %arg5[%dma_start3A, %dma_start3A_34, %dma_start3A_35, %dma_start3A_36] : memref<2x5x8x128xi32, #tpu.memory_space<vmem>> -> memref<1x5x8x128xi32, #tpu.memory_space<vmem>>
    %dma_start3A_38 = tpu.memref_squeeze %dma_start3A_37 : memref<1x5x8x128xi32, #tpu.memory_space<vmem>> -> memref<5x8x128xi32, #tpu.memory_space<vmem>>
    %dma_start3A_39 = arith.constant 0 : i32
    %dma_start3A_40 = arith.constant 0 : i32
    %dma_start3A_41 = arith.constant 0 : i32
    %dma_start3A_42 = tpu.memref_slice %arg3[%dma_start3A_39, %add3A_23, %dma_start3A_40, %dma_start3A_41] : memref<25x128x8x128xi32, #tpu.memory_space<hbm>> -> memref<5x1x8x128xi32, #tpu.memory_space<hbm>>
    %dma_start3A_43 = tpu.memref_squeeze %dma_start3A_42 : memref<5x1x8x128xi32, #tpu.memory_space<hbm>> -> memref<5x8x128xi32, #tpu.memory_space<hbm>>
    tpu.enqueue_dma source(%dma_start3A_43 : memref<5x8x128xi32, #tpu.memory_space<hbm>>) target(%dma_start3A_38 : memref<5x8x128xi32, #tpu.memory_space<vmem>>) target_semaphore(%arg8 : memref<!tpu.dma_semaphore, #tpu.memory_space<semaphore_mem>>)
    %add3A_44 = arith.constant 0 : i32
    %add3A_45 = arith.addi %mul3A_2, %add3A_44 : i32
    %dma_start3A_46 = arith.constant 1 : i32
    %dma_start3A_47 = arith.constant 0 : i32
    %dma_start3A_48 = arith.constant 0 : i32
    %dma_start3A_49 = arith.constant 0 : i32
    %dma_start3A_50 = tpu.memref_slice %arg5[%dma_start3A_46, %dma_start3A_47, %dma_start3A_48, %dma_start3A_49] : memref<2x5x8x128xi32, #tpu.memory_space<vmem>> -> memref<1x5x8x128xi32, #tpu.memory_space<vmem>>
    %dma_start3A_51 = tpu.memref_squeeze %dma_start3A_50 : memref<1x5x8x128xi32, #tpu.memory_space<vmem>> -> memref<5x8x128xi32, #tpu.memory_space<vmem>>
    %dma_start3A_52 = arith.constant 5 : i32
    %dma_start3A_53 = arith.constant 0 : i32
    %dma_start3A_54 = arith.constant 0 : i32
    %dma_start3A_55 = tpu.memref_slice %arg3[%dma_start3A_52, %add3A_45, %dma_start3A_53, %dma_start3A_54] : memref<25x128x8x128xi32, #tpu.memory_space<hbm>> -> memref<5x1x8x128xi32, #tpu.memory_space<hbm>>
    %dma_start3A_56 = tpu.memref_squeeze %dma_start3A_55 : memref<5x1x8x128xi32, #tpu.memory_space<hbm>> -> memref<5x8x128xi32, #tpu.memory_space<hbm>>
    %dma_start3A_57 = arith.constant 0 : i32
    %dma_start3A_58 = arith.constant 0 : i32
    %dma_start3A_59 = arith.constant 0 : i32
    %dma_start3A_60 = tpu.memref_slice %arg5[%dma_start3A_46, %dma_start3A_57, %dma_start3A_58, %dma_start3A_59] : memref<2x5x8x128xi32, #tpu.memory_space<vmem>> -> memref<1x5x8x128xi32, #tpu.memory_space<vmem>>
    %dma_start3A_61 = tpu.memref_squeeze %dma_start3A_60 : memref<1x5x8x128xi32, #tpu.memory_space<vmem>> -> memref<5x8x128xi32, #tpu.memory_space<vmem>>
    %dma_start3A_62 = arith.constant 5 : i32
    %dma_start3A_63 = arith.constant 0 : i32
    %dma_start3A_64 = arith.constant 0 : i32
    %dma_start3A_65 = tpu.memref_slice %arg3[%dma_start3A_62, %add3A_45, %dma_start3A_63, %dma_start3A_64] : memref<25x128x8x128xi32, #tpu.memory_space<hbm>> -> memref<5x1x8x128xi32, #tpu.memory_space<hbm>>
    %dma_start3A_66 = tpu.memref_squeeze %dma_start3A_65 : memref<5x1x8x128xi32, #tpu.memory_space<hbm>> -> memref<5x8x128xi32, #tpu.memory_space<hbm>>
    tpu.enqueue_dma source(%dma_start3A_66 : memref<5x8x128xi32, #tpu.memory_space<hbm>>) target(%dma_start3A_61 : memref<5x8x128xi32, #tpu.memory_space<vmem>>) target_semaphore(%arg9 : memref<!tpu.dma_semaphore, #tpu.memory_space<semaphore_mem>>)
    %scan3A = arith.constant 0 : i32
    %scan3A_67 = arith.constant 0 : i32
    %scan3A_68 = arith.constant 10 : i32
    %scan3A_69 = arith.addi %scan3A_67, %scan3A_68 : i32
    %scan3A_70 = arith.constant 1 : i32
    scf.for %scan3A_125 = %scan3A_67 to %scan3A_69 step %scan3A_70  : i32 {
      %mul3A_126 = arith.constant 2 : i32
      %mul3A_127 = arith.muli %mul3A_126, %scan3A_125 : i32
      %add3A_128 = arith.constant 0 : i32
      %add3A_129 = arith.addi %mul3A_127, %add3A_128 : i32
      %ge3A = arith.constant 2 : i32
      %ge3A_130 = arith.cmpi sge, %add3A_129, %ge3A : i32
      %convert_element_type3A = arith.extui %ge3A_130 : i1 to i32
      %cond3A = arith.constant 0 : i32
      %cond3A_131 = arith.cmpi ne, %convert_element_type3A, %cond3A : i32
      scf.if %cond3A_131 {
        %sub3A_406 = arith.constant 2 : i32
        %sub3A_407 = arith.subi %add3A_129, %sub3A_406 : i32
        %jit3A_408 = arith.constant 5 : i32
        %div3A_409 = arith.divsi %sub3A_407, %jit3A_408 : i32
        %sign3A_410 = arith.constant 0 : i32
        %sign3A_411 = arith.cmpi sgt, %sub3A_407, %sign3A_410 : i32
        %sign3A_412 = arith.extui %sign3A_411 : i1 to i32
        %sign3A_413 = arith.constant 0 : i32
        %sign3A_414 = arith.cmpi slt, %sub3A_407, %sign3A_413 : i32
        %sign3A_415 = arith.extui %sign3A_414 : i1 to i32
        %sign3A_416 = arith.subi %sign3A_412, %sign3A_415 : i32
        %sign3A_417 = arith.constant 0 : i32
        %sign3A_418 = arith.cmpi sgt, %jit3A_408, %sign3A_417 : i32
        %sign3A_419 = arith.extui %sign3A_418 : i1 to i32
        %sign3A_420 = arith.constant 0 : i32
        %sign3A_421 = arith.cmpi slt, %jit3A_408, %sign3A_420 : i32
        %sign3A_422 = arith.extui %sign3A_421 : i1 to i32
        %sign3A_423 = arith.subi %sign3A_419, %sign3A_422 : i32
        %ne3A_424 = arith.cmpi ne, %sign3A_416, %sign3A_423 : i32
        %rem3A_425 = arith.remsi %sub3A_407, %jit3A_408 : i32
        %ne3A_426 = arith.constant 0 : i32
        %ne3A_427 = arith.cmpi ne, %rem3A_425, %ne3A_426 : i32
        %and3A_428 = arith.andi %ne3A_424, %ne3A_427 : i1
        %sub3A_429 = arith.constant 1 : i32
        %sub3A_430 = arith.subi %div3A_409, %sub3A_429 : i32
        %select_n3A_431 = arith.select %and3A_428, %sub3A_430, %div3A_409 : i32
        %add3A_432 = arith.addi %mul3A_2, %select_n3A_431 : i32
        %jit3A_433 = arith.constant 5 : i32
        %eq3A_434 = arith.constant 0 : i32
        %eq3A_435 = arith.cmpi eq, %jit3A_433, %eq3A_434 : i32
        %jit3A_436 = arith.constant 1 : i32
        %select_n3A_437 = arith.select %eq3A_435, %jit3A_436, %jit3A_433 : i32
        %rem3A_438 = arith.remsi %sub3A_407, %select_n3A_437 : i32
        %ne3A_439 = arith.constant 0 : i32
        %ne3A_440 = arith.cmpi ne, %rem3A_438, %ne3A_439 : i32
        %lt3A_441 = arith.constant 0 : i32
        %lt3A_442 = arith.cmpi slt, %rem3A_438, %lt3A_441 : i32
        %lt3A_443 = arith.constant 0 : i32
        %lt3A_444 = arith.cmpi slt, %select_n3A_437, %lt3A_443 : i32
        %ne3A_445 = arith.xori %lt3A_442, %lt3A_444 : i1
        %and3A_446 = arith.andi %ne3A_445, %ne3A_440 : i1
        %add3A_447 = arith.addi %rem3A_438, %select_n3A_437 : i32
        %select_n3A_448 = arith.select %and3A_446, %add3A_447, %rem3A_438 : i32
        %mul3A_449 = arith.constant 5 : i32
        %mul3A_450 = arith.muli %select_n3A_448, %mul3A_449 : i32
        %dma_wait3A_451 = arith.constant 0 : i32
        %dma_wait3A_452 = arith.constant 0 : i32
        %dma_wait3A_453 = arith.constant 0 : i32
        %dma_wait3A_454 = arith.constant 0 : i32
        %dma_wait3A_455 = arith.constant 0 : i32
        %dma_wait3A_456 = tpu.memref_slice %arg6[%dma_wait3A_451, %dma_wait3A_452, %dma_wait3A_453, %dma_wait3A_454, %dma_wait3A_455] : memref<2x5x5x8x128xf32, #tpu.memory_space<vmem>> -> memref<1x5x5x8x128xf32, #tpu.memory_space<vmem>>
        %dma_wait3A_457 = tpu.memref_squeeze %dma_wait3A_456 : memref<1x5x5x8x128xf32, #tpu.memory_space<vmem>> -> memref<5x5x8x128xf32, #tpu.memory_space<vmem>>
        %dma_wait3A_458 = arith.constant 0 : i32
        %dma_wait3A_459 = arith.constant 0 : i32
        %dma_wait3A_460 = arith.constant 0 : i32
        %dma_wait3A_461 = tpu.memref_slice %arg4[%dma_wait3A_458, %mul3A_450, %add3A_432, %dma_wait3A_459, %dma_wait3A_460] : memref<5x25x128x8x128xf32, #tpu.memory_space<hbm>> -> memref<5x5x1x8x128xf32, #tpu.memory_space<hbm>>
        %dma_wait3A_462 = tpu.memref_squeeze %dma_wait3A_461 : memref<5x5x1x8x128xf32, #tpu.memory_space<hbm>> -> memref<5x5x8x128xf32, #tpu.memory_space<hbm>>
        %dma_wait3A_463 = arith.constant 0 : i32
        %dma_wait3A_464 = arith.constant 0 : i32
        %dma_wait3A_465 = arith.constant 0 : i32
        %dma_wait3A_466 = tpu.memref_slice %arg4[%dma_wait3A_463, %mul3A_450, %add3A_432, %dma_wait3A_464, %dma_wait3A_465] : memref<5x25x128x8x128xf32, #tpu.memory_space<hbm>> -> memref<5x5x1x8x128xf32, #tpu.memory_space<hbm>>
        %dma_wait3A_467 = tpu.memref_squeeze %dma_wait3A_466 : memref<5x5x1x8x128xf32, #tpu.memory_space<hbm>> -> memref<5x5x8x128xf32, #tpu.memory_space<hbm>>
        %dma_wait3A_468 = arith.constant 0 : i32
        %dma_wait3A_469 = arith.constant 0 : i32
        %dma_wait3A_470 = arith.constant 0 : i32
        %dma_wait3A_471 = arith.constant 0 : i32
        %dma_wait3A_472 = tpu.memref_slice %arg6[%dma_wait3A_451, %dma_wait3A_468, %dma_wait3A_469, %dma_wait3A_470, %dma_wait3A_471] : memref<2x5x5x8x128xf32, #tpu.memory_space<vmem>> -> memref<1x5x5x8x128xf32, #tpu.memory_space<vmem>>
        %dma_wait3A_473 = tpu.memref_squeeze %dma_wait3A_472 : memref<1x5x5x8x128xf32, #tpu.memory_space<vmem>> -> memref<5x5x8x128xf32, #tpu.memory_space<vmem>>
        tpu.wait_dma2 semaphore(%arg10 : memref<!tpu.dma_semaphore, #tpu.memory_space<semaphore_mem>>) src(%dma_wait3A_473 : memref<5x5x8x128xf32, #tpu.memory_space<vmem>>) dst(%dma_wait3A_467 : memref<5x5x8x128xf32, #tpu.memory_space<hbm>>)
      } else {
      }
      %jit3A = arith.constant 5 : i32
      %div3A = arith.divsi %add3A_129, %jit3A : i32
      %sign3A = arith.constant 0 : i32
      %sign3A_132 = arith.cmpi sgt, %add3A_129, %sign3A : i32
      %sign3A_133 = arith.extui %sign3A_132 : i1 to i32
      %sign3A_134 = arith.constant 0 : i32
      %sign3A_135 = arith.cmpi slt, %add3A_129, %sign3A_134 : i32
      %sign3A_136 = arith.extui %sign3A_135 : i1 to i32
      %sign3A_137 = arith.subi %sign3A_133, %sign3A_136 : i32
      %sign3A_138 = arith.constant 0 : i32
      %sign3A_139 = arith.cmpi sgt, %jit3A, %sign3A_138 : i32
      %sign3A_140 = arith.extui %sign3A_139 : i1 to i32
      %sign3A_141 = arith.constant 0 : i32
      %sign3A_142 = arith.cmpi slt, %jit3A, %sign3A_141 : i32
      %sign3A_143 = arith.extui %sign3A_142 : i1 to i32
      %sign3A_144 = arith.subi %sign3A_140, %sign3A_143 : i32
      %ne3A = arith.cmpi ne, %sign3A_137, %sign3A_144 : i32
      %rem3A = arith.remsi %add3A_129, %jit3A : i32
      %ne3A_145 = arith.constant 0 : i32
      %ne3A_146 = arith.cmpi ne, %rem3A, %ne3A_145 : i32
      %and3A = arith.andi %ne3A, %ne3A_146 : i1
      %sub3A = arith.constant 1 : i32
      %sub3A_147 = arith.subi %div3A, %sub3A : i32
      %select_n3A = arith.select %and3A, %sub3A_147, %div3A : i32
      %add3A_148 = arith.addi %mul3A_2, %select_n3A : i32
      %jit3A_149 = arith.constant 5 : i32
      %eq3A = arith.constant 0 : i32
      %eq3A_150 = arith.cmpi eq, %jit3A_149, %eq3A : i32
      %jit3A_151 = arith.constant 1 : i32
      %select_n3A_152 = arith.select %eq3A_150, %jit3A_151, %jit3A_149 : i32
      %rem3A_153 = arith.remsi %add3A_129, %select_n3A_152 : i32
      %ne3A_154 = arith.constant 0 : i32
      %ne3A_155 = arith.cmpi ne, %rem3A_153, %ne3A_154 : i32
      %lt3A = arith.constant 0 : i32
      %lt3A_156 = arith.cmpi slt, %rem3A_153, %lt3A : i32
      %lt3A_157 = arith.constant 0 : i32
      %lt3A_158 = arith.cmpi slt, %select_n3A_152, %lt3A_157 : i32
      %ne3A_159 = arith.xori %lt3A_156, %lt3A_158 : i1
      %and3A_160 = arith.andi %ne3A_159, %ne3A_155 : i1
      %add3A_161 = arith.addi %rem3A_153, %select_n3A_152 : i32
      %select_n3A_162 = arith.select %and3A_160, %add3A_161, %rem3A_153 : i32
      %mul3A_163 = arith.constant 5 : i32
      %mul3A_164 = arith.muli %select_n3A_162, %mul3A_163 : i32
      %dma_wait3A_165 = arith.constant 0 : i32
      %dma_wait3A_166 = arith.constant 0 : i32
      %dma_wait3A_167 = arith.constant 0 : i32
      %dma_wait3A_168 = arith.constant 0 : i32
      %dma_wait3A_169 = tpu.memref_slice %arg5[%dma_wait3A_165, %dma_wait3A_166, %dma_wait3A_167, %dma_wait3A_168] : memref<2x5x8x128xi32, #tpu.memory_space<vmem>> -> memref<1x5x8x128xi32, #tpu.memory_space<vmem>>
      %dma_wait3A_170 = tpu.memref_squeeze %dma_wait3A_169 : memref<1x5x8x128xi32, #tpu.memory_space<vmem>> -> memref<5x8x128xi32, #tpu.memory_space<vmem>>
      %dma_wait3A_171 = arith.constant 0 : i32
      %dma_wait3A_172 = arith.constant 0 : i32
      %dma_wait3A_173 = tpu.memref_slice %arg3[%mul3A_164, %add3A_148, %dma_wait3A_171, %dma_wait3A_172] : memref<25x128x8x128xi32, #tpu.memory_space<hbm>> -> memref<5x1x8x128xi32, #tpu.memory_space<hbm>>
      %dma_wait3A_174 = tpu.memref_squeeze %dma_wait3A_173 : memref<5x1x8x128xi32, #tpu.memory_space<hbm>> -> memref<5x8x128xi32, #tpu.memory_space<hbm>>
      %dma_wait3A_175 = arith.constant 0 : i32
      %dma_wait3A_176 = arith.constant 0 : i32
      %dma_wait3A_177 = arith.constant 0 : i32
      %dma_wait3A_178 = tpu.memref_slice %arg5[%dma_wait3A_165, %dma_wait3A_175, %dma_wait3A_176, %dma_wait3A_177] : memref<2x5x8x128xi32, #tpu.memory_space<vmem>> -> memref<1x5x8x128xi32, #tpu.memory_space<vmem>>
      %dma_wait3A_179 = tpu.memref_squeeze %dma_wait3A_178 : memref<1x5x8x128xi32, #tpu.memory_space<vmem>> -> memref<5x8x128xi32, #tpu.memory_space<vmem>>
      %dma_wait3A_180 = arith.constant 0 : i32
      %dma_wait3A_181 = arith.constant 0 : i32
      %dma_wait3A_182 = tpu.memref_slice %arg3[%mul3A_164, %add3A_148, %dma_wait3A_180, %dma_wait3A_181] : memref<25x128x8x128xi32, #tpu.memory_space<hbm>> -> memref<5x1x8x128xi32, #tpu.memory_space<hbm>>
      %dma_wait3A_183 = tpu.memref_squeeze %dma_wait3A_182 : memref<5x1x8x128xi32, #tpu.memory_space<hbm>> -> memref<5x8x128xi32, #tpu.memory_space<hbm>>
      tpu.wait_dma2 semaphore(%arg8 : memref<!tpu.dma_semaphore, #tpu.memory_space<semaphore_mem>>) src(%dma_wait3A_183 : memref<5x8x128xi32, #tpu.memory_space<hbm>>) dst(%dma_wait3A_179 : memref<5x8x128xi32, #tpu.memory_space<vmem>>)
      %parallel_loop3A = arith.constant 0 : i32
      %parallel_loop3A_184 = arith.constant 40 : i32
      %parallel_loop3A_185 = arith.constant 1 : i32
      scf.for %parallel_loop3A_406 = %parallel_loop3A to %parallel_loop3A_184 step %parallel_loop3A_185  : i32 {
        %parallel_loop3A_407 = arith.constant 8 : i32
        %parallel_loop3A_408 = arith.divsi %parallel_loop3A_406, %parallel_loop3A_407 : i32
        %parallel_loop3A_409 = arith.constant 0 : i32
        %parallel_loop3A_410 = arith.cmpi sgt, %parallel_loop3A_406, %parallel_loop3A_409 : i32
        %parallel_loop3A_411 = arith.extui %parallel_loop3A_410 : i1 to i32
        %parallel_loop3A_412 = arith.constant 0 : i32
        %parallel_loop3A_413 = arith.cmpi slt, %parallel_loop3A_406, %parallel_loop3A_412 : i32
        %parallel_loop3A_414 = arith.extui %parallel_loop3A_413 : i1 to i32
        %parallel_loop3A_415 = arith.subi %parallel_loop3A_411, %parallel_loop3A_414 : i32
        %parallel_loop3A_416 = arith.constant 0 : i32
        %parallel_loop3A_417 = arith.cmpi sgt, %parallel_loop3A_407, %parallel_loop3A_416 : i32
        %parallel_loop3A_418 = arith.extui %parallel_loop3A_417 : i1 to i32
        %parallel_loop3A_419 = arith.constant 0 : i32
        %parallel_loop3A_420 = arith.cmpi slt, %parallel_loop3A_407, %parallel_loop3A_419 : i32
        %parallel_loop3A_421 = arith.extui %parallel_loop3A_420 : i1 to i32
        %parallel_loop3A_422 = arith.subi %parallel_loop3A_418, %parallel_loop3A_421 : i32
        %parallel_loop3A_423 = arith.cmpi ne, %parallel_loop3A_415, %parallel_loop3A_422 : i32
        %parallel_loop3A_424 = arith.remsi %parallel_loop3A_406, %parallel_loop3A_407 : i32
        %parallel_loop3A_425 = arith.constant 0 : i32
        %parallel_loop3A_426 = arith.cmpi ne, %parallel_loop3A_424, %parallel_loop3A_425 : i32
        %parallel_loop3A_427 = arith.andi %parallel_loop3A_423, %parallel_loop3A_426 : i1
        %parallel_loop3A_428 = arith.constant 1 : i32
        %parallel_loop3A_429 = arith.subi %parallel_loop3A_408, %parallel_loop3A_428 : i32
        %parallel_loop3A_430 = arith.select %parallel_loop3A_427, %parallel_loop3A_429, %parallel_loop3A_408 : i32
        %parallel_loop3A_431 = arith.constant 8 : i32
        %parallel_loop3A_432 = arith.constant 0 : i32
        %parallel_loop3A_433 = arith.cmpi eq, %parallel_loop3A_431, %parallel_loop3A_432 : i32
        %parallel_loop3A_434 = arith.constant 1 : i32
        %parallel_loop3A_435 = arith.select %parallel_loop3A_433, %parallel_loop3A_434, %parallel_loop3A_431 : i32
        %parallel_loop3A_436 = arith.remsi %parallel_loop3A_406, %parallel_loop3A_435 : i32
        %parallel_loop3A_437 = arith.constant 0 : i32
        %parallel_loop3A_438 = arith.cmpi ne, %parallel_loop3A_436, %parallel_loop3A_437 : i32
        %parallel_loop3A_439 = arith.constant 0 : i32
        %parallel_loop3A_440 = arith.cmpi slt, %parallel_loop3A_436, %parallel_loop3A_439 : i32
        %parallel_loop3A_441 = arith.constant 0 : i32
        %parallel_loop3A_442 = arith.cmpi slt, %parallel_loop3A_435, %parallel_loop3A_441 : i32
        %parallel_loop3A_443 = arith.xori %parallel_loop3A_440, %parallel_loop3A_442 : i1
        %parallel_loop3A_444 = arith.andi %parallel_loop3A_443, %parallel_loop3A_438 : i1
        %parallel_loop3A_445 = arith.addi %parallel_loop3A_436, %parallel_loop3A_435 : i32
        %parallel_loop3A_446 = arith.select %parallel_loop3A_444, %parallel_loop3A_445, %parallel_loop3A_436 : i32
        %parallel_loop3A_447 = arith.constant 0 : i32
        %parallel_loop3A_448 = arith.index_cast %parallel_loop3A_447 : i32 to index
        %parallel_loop3A_449 = arith.index_cast %parallel_loop3A_430 : i32 to index
        %parallel_loop3A_450 = arith.index_cast %parallel_loop3A_446 : i32 to index
        %parallel_loop3A_451 = arith.constant 0 : index
        %parallel_loop3A_452 = tpu.vector_load %arg5[%parallel_loop3A_448, %parallel_loop3A_449, %parallel_loop3A_450, %parallel_loop3A_451] {strides = array<i32>} : memref<2x5x8x128xi32, #tpu.memory_space<vmem>>, vector<16xi32>,
        %parallel_loop3A_453 = arith.constant 0 : i32
        %parallel_loop3A_454 = vector.broadcast %parallel_loop3A_453 : i32 to vector<16xi32>
        %parallel_loop3A_455 = arith.cmpi slt, %parallel_loop3A_452, %parallel_loop3A_454 : vector<16xi32>
        %parallel_loop3A_456 = arith.constant 16 : i32
        %parallel_loop3A_457 = vector.broadcast %parallel_loop3A_456 : i32 to vector<16xi32>
        %parallel_loop3A_458 = arith.addi %parallel_loop3A_452, %parallel_loop3A_457 : vector<16xi32>
        %parallel_loop3A_459 = arith.select %parallel_loop3A_455, %parallel_loop3A_458, %parallel_loop3A_452 : vector<16xi1>, vector<16xi32>
        %parallel_loop3A_460 = vector.shape_cast %parallel_loop3A_459 : vector<16xi32> to vector<16x1xi32>
        %parallel_loop3A_461 = vector.shape_cast %parallel_loop3A_460 : vector<16x1xi32> to vector<16xi32>
        %parallel_loop3A_462 = tpu.dynamic_gather %get3A_5[%parallel_loop3A_461] in [0] : vector<16xf32>, vector<16xi32> -> vector<16xf32>
        %parallel_loop3A_463 = arith.constant 0 : i32
        %parallel_loop3A_464 = arith.constant 0 : i32
        %parallel_loop3A_465 = arith.index_cast %parallel_loop3A_463 : i32 to index
        %parallel_loop3A_466 = arith.index_cast %parallel_loop3A_464 : i32 to index
        %parallel_loop3A_467 = arith.index_cast %parallel_loop3A_430 : i32 to index
        %parallel_loop3A_468 = arith.index_cast %parallel_loop3A_446 : i32 to index
        %parallel_loop3A_469 = arith.constant 0 : index
        %parallel_loop3A_470 = tpu.vector_load %arg6[%parallel_loop3A_465, %parallel_loop3A_466, %parallel_loop3A_467, %parallel_loop3A_468, %parallel_loop3A_469] {strides = array<i32>} : memref<2x5x5x8x128xf32, #tpu.memory_space<vmem>>, vector<16xf32>,
        tpu.vector_store %arg6[%parallel_loop3A_465, %parallel_loop3A_466, %parallel_loop3A_467, %parallel_loop3A_468, %parallel_loop3A_469], %parallel_loop3A_462 {strides = array<i32>} : memref<2x5x5x8x128xf32, #tpu.memory_space<vmem>>, vector<16xf32>,
        %parallel_loop3A_471 = arith.constant 0 : i32
        %parallel_loop3A_472 = vector.broadcast %parallel_loop3A_471 : i32 to vector<16xi32>
        %parallel_loop3A_473 = arith.cmpi slt, %parallel_loop3A_452, %parallel_loop3A_472 : vector<16xi32>
        %parallel_loop3A_474 = arith.constant 16 : i32
        %parallel_loop3A_475 = vector.broadcast %parallel_loop3A_474 : i32 to vector<16xi32>
        %parallel_loop3A_476 = arith.addi %parallel_loop3A_452, %parallel_loop3A_475 : vector<16xi32>
        %parallel_loop3A_477 = arith.select %parallel_loop3A_473, %parallel_loop3A_476, %parallel_loop3A_452 : vector<16xi1>, vector<16xi32>
        %parallel_loop3A_478 = vector.shape_cast %parallel_loop3A_477 : vector<16xi32> to vector<16x1xi32>
        %parallel_loop3A_479 = vector.shape_cast %parallel_loop3A_478 : vector<16x1xi32> to vector<16xi32>
        %parallel_loop3A_480 = tpu.dynamic_gather %get3A_9[%parallel_loop3A_479] in [0] : vector<16xf32>, vector<16xi32> -> vector<16xf32>
        %parallel_loop3A_481 = arith.constant 0 : i32
        %parallel_loop3A_482 = arith.constant 1 : i32
        %parallel_loop3A_483 = arith.index_cast %parallel_loop3A_481 : i32 to index
        %parallel_loop3A_484 = arith.index_cast %parallel_loop3A_482 : i32 to index
        %parallel_loop3A_485 = arith.index_cast %parallel_loop3A_430 : i32 to index
        %parallel_loop3A_486 = arith.index_cast %parallel_loop3A_446 : i32 to index
        %parallel_loop3A_487 = arith.constant 0 : index
        %parallel_loop3A_488 = tpu.vector_load %arg6[%parallel_loop3A_483, %parallel_loop3A_484, %parallel_loop3A_485, %parallel_loop3A_486, %parallel_loop3A_487] {strides = array<i32>} : memref<2x5x5x8x128xf32, #tpu.memory_space<vmem>>, vector<16xf32>,
        tpu.vector_store %arg6[%parallel_loop3A_483, %parallel_loop3A_484, %parallel_loop3A_485, %parallel_loop3A_486, %parallel_loop3A_487], %parallel_loop3A_480 {strides = array<i32>} : memref<2x5x5x8x128xf32, #tpu.memory_space<vmem>>, vector<16xf32>,
        %parallel_loop3A_489 = arith.constant 0 : i32
        %parallel_loop3A_490 = vector.broadcast %parallel_loop3A_489 : i32 to vector<16xi32>
        %parallel_loop3A_491 = arith.cmpi slt, %parallel_loop3A_452, %parallel_loop3A_490 : vector<16xi32>
        %parallel_loop3A_492 = arith.constant 16 : i32
        %parallel_loop3A_493 = vector.broadcast %parallel_loop3A_492 : i32 to vector<16xi32>
        %parallel_loop3A_494 = arith.addi %parallel_loop3A_452, %parallel_loop3A_493 : vector<16xi32>
        %parallel_loop3A_495 = arith.select %parallel_loop3A_491, %parallel_loop3A_494, %parallel_loop3A_452 : vector<16xi1>, vector<16xi32>
        %parallel_loop3A_496 = vector.shape_cast %parallel_loop3A_495 : vector<16xi32> to vector<16x1xi32>
        %parallel_loop3A_497 = vector.shape_cast %parallel_loop3A_496 : vector<16x1xi32> to vector<16xi32>
        %parallel_loop3A_498 = tpu.dynamic_gather %get3A_13[%parallel_loop3A_497] in [0] : vector<16xf32>, vector<16xi32> -> vector<16xf32>
        %parallel_loop3A_499 = arith.constant 0 : i32
        %parallel_loop3A_500 = arith.constant 2 : i32
        %parallel_loop3A_501 = arith.index_cast %parallel_loop3A_499 : i32 to index
        %parallel_loop3A_502 = arith.index_cast %parallel_loop3A_500 : i32 to index
        %parallel_loop3A_503 = arith.index_cast %parallel_loop3A_430 : i32 to index
        %parallel_loop3A_504 = arith.index_cast %parallel_loop3A_446 : i32 to index
        %parallel_loop3A_505 = arith.constant 0 : index
        %parallel_loop3A_506 = tpu.vector_load %arg6[%parallel_loop3A_501, %parallel_loop3A_502, %parallel_loop3A_503, %parallel_loop3A_504, %parallel_loop3A_505] {strides = array<i32>} : memref<2x5x5x8x128xf32, #tpu.memory_space<vmem>>, vector<16xf32>,
        tpu.vector_store %arg6[%parallel_loop3A_501, %parallel_loop3A_502, %parallel_loop3A_503, %parallel_loop3A_504, %parallel_loop3A_505], %parallel_loop3A_498 {strides = array<i32>} : memref<2x5x5x8x128xf32, #tpu.memory_space<vmem>>, vector<16xf32>,
        %parallel_loop3A_507 = arith.constant 0 : i32
        %parallel_loop3A_508 = vector.broadcast %parallel_loop3A_507 : i32 to vector<16xi32>
        %parallel_loop3A_509 = arith.cmpi slt, %parallel_loop3A_452, %parallel_loop3A_508 : vector<16xi32>
        %parallel_loop3A_510 = arith.constant 16 : i32
        %parallel_loop3A_511 = vector.broadcast %parallel_loop3A_510 : i32 to vector<16xi32>
        %parallel_loop3A_512 = arith.addi %parallel_loop3A_452, %parallel_loop3A_511 : vector<16xi32>
        %parallel_loop3A_513 = arith.select %parallel_loop3A_509, %parallel_loop3A_512, %parallel_loop3A_452 : vector<16xi1>, vector<16xi32>
        %parallel_loop3A_514 = vector.shape_cast %parallel_loop3A_513 : vector<16xi32> to vector<16x1xi32>
        %parallel_loop3A_515 = vector.shape_cast %parallel_loop3A_514 : vector<16x1xi32> to vector<16xi32>
        %parallel_loop3A_516 = tpu.dynamic_gather %get3A_17[%parallel_loop3A_515] in [0] : vector<16xf32>, vector<16xi32> -> vector<16xf32>
        %parallel_loop3A_517 = arith.constant 0 : i32
        %parallel_loop3A_518 = arith.constant 3 : i32
        %parallel_loop3A_519 = arith.index_cast %parallel_loop3A_517 : i32 to index
        %parallel_loop3A_520 = arith.index_cast %parallel_loop3A_518 : i32 to index
        %parallel_loop3A_521 = arith.index_cast %parallel_loop3A_430 : i32 to index
        %parallel_loop3A_522 = arith.index_cast %parallel_loop3A_446 : i32 to index
        %parallel_loop3A_523 = arith.constant 0 : index
        %parallel_loop3A_524 = tpu.vector_load %arg6[%parallel_loop3A_519, %parallel_loop3A_520, %parallel_loop3A_521, %parallel_loop3A_522, %parallel_loop3A_523] {strides = array<i32>} : memref<2x5x5x8x128xf32, #tpu.memory_space<vmem>>, vector<16xf32>,
        tpu.vector_store %arg6[%parallel_loop3A_519, %parallel_loop3A_520, %parallel_loop3A_521, %parallel_loop3A_522, %parallel_loop3A_523], %parallel_loop3A_516 {strides = array<i32>} : memref<2x5x5x8x128xf32, #tpu.memory_space<vmem>>, vector<16xf32>,
        %parallel_loop3A_525 = arith.constant 0 : i32
        %parallel_loop3A_526 = vector.broadcast %parallel_loop3A_525 : i32 to vector<16xi32>
        %parallel_loop3A_527 = arith.cmpi slt, %parallel_loop3A_452, %parallel_loop3A_526 : vector<16xi32>
        %parallel_loop3A_528 = arith.constant 16 : i32
        %parallel_loop3A_529 = vector.broadcast %parallel_loop3A_528 : i32 to vector<16xi32>
        %parallel_loop3A_530 = arith.addi %parallel_loop3A_452, %parallel_loop3A_529 : vector<16xi32>
        %parallel_loop3A_531 = arith.select %parallel_loop3A_527, %parallel_loop3A_530, %parallel_loop3A_452 : vector<16xi1>, vector<16xi32>
        %parallel_loop3A_532 = vector.shape_cast %parallel_loop3A_531 : vector<16xi32> to vector<16x1xi32>
        %parallel_loop3A_533 = vector.shape_cast %parallel_loop3A_532 : vector<16x1xi32> to vector<16xi32>
        %parallel_loop3A_534 = tpu.dynamic_gather %get3A_21[%parallel_loop3A_533] in [0] : vector<16xf32>, vector<16xi32> -> vector<16xf32>
        %parallel_loop3A_535 = arith.constant 0 : i32
        %parallel_loop3A_536 = arith.constant 4 : i32
        %parallel_loop3A_537 = arith.index_cast %parallel_loop3A_535 : i32 to index
        %parallel_loop3A_538 = arith.index_cast %parallel_loop3A_536 : i32 to index
        %parallel_loop3A_539 = arith.index_cast %parallel_loop3A_430 : i32 to index
        %parallel_loop3A_540 = arith.index_cast %parallel_loop3A_446 : i32 to index
        %parallel_loop3A_541 = arith.constant 0 : index
        %parallel_loop3A_542 = tpu.vector_load %arg6[%parallel_loop3A_537, %parallel_loop3A_538, %parallel_loop3A_539, %parallel_loop3A_540, %parallel_loop3A_541] {strides = array<i32>} : memref<2x5x5x8x128xf32, #tpu.memory_space<vmem>>, vector<16xf32>,
        tpu.vector_store %arg6[%parallel_loop3A_537, %parallel_loop3A_538, %parallel_loop3A_539, %parallel_loop3A_540, %parallel_loop3A_541], %parallel_loop3A_534 {strides = array<i32>} : memref<2x5x5x8x128xf32, #tpu.memory_space<vmem>>, vector<16xf32>,
        %parallel_loop3A_543 = arith.constant 0 : i32
        %parallel_loop3A_544 = arith.index_cast %parallel_loop3A_543 : i32 to index
        %parallel_loop3A_545 = arith.index_cast %parallel_loop3A_430 : i32 to index
        %parallel_loop3A_546 = arith.index_cast %parallel_loop3A_446 : i32 to index
        %parallel_loop3A_547 = arith.constant 16 : index
        %parallel_loop3A_548 = tpu.vector_load %arg5[%parallel_loop3A_544, %parallel_loop3A_545, %parallel_loop3A_546, %parallel_loop3A_547] {strides = array<i32>} : memref<2x5x8x128xi32, #tpu.memory_space<vmem>>, vector<16xi32>,
        %parallel_loop3A_549 = arith.constant 0 : i32
        %parallel_loop3A_550 = vector.broadcast %parallel_loop3A_549 : i32 to vector<16xi32>
        %parallel_loop3A_551 = arith.cmpi slt, %parallel_loop3A_548, %parallel_loop3A_550 : vector<16xi32>
        %parallel_loop3A_552 = arith.constant 16 : i32
        %parallel_loop3A_553 = vector.broadcast %parallel_loop3A_552 : i32 to vector<16xi32>
        %parallel_loop3A_554 = arith.addi %parallel_loop3A_548, %parallel_loop3A_553 : vector<16xi32>
        %parallel_loop3A_555 = arith.select %parallel_loop3A_551, %parallel_loop3A_554, %parallel_loop3A_548 : vector<16xi1>, vector<16xi32>
        %parallel_loop3A_556 = vector.shape_cast %parallel_loop3A_555 : vector<16xi32> to vector<16x1xi32>
        %parallel_loop3A_557 = vector.shape_cast %parallel_loop3A_556 : vector<16x1xi32> to vector<16xi32>
        %parallel_loop3A_558 = tpu.dynamic_gather %get3A_5[%parallel_loop3A_557] in [0] : vector<16xf32>, vector<16xi32> -> vector<16xf32>
        %parallel_loop3A_559 = arith.constant 0 : i32
        %parallel_loop3A_560 = arith.constant 0 : i32
        %parallel_loop3A_561 = arith.index_cast %parallel_loop3A_559 : i32 to index
        %parallel_loop3A_562 = arith.index_cast %parallel_loop3A_560 : i32 to index
        %parallel_loop3A_563 = arith.index_cast %parallel_loop3A_430 : i32 to index
        %parallel_loop3A_564 = arith.index_cast %parallel_loop3A_446 : i32 to index
        %parallel_loop3A_565 = arith.constant 16 : index
        %parallel_loop3A_566 = tpu.vector_load %arg6[%parallel_loop3A_561, %parallel_loop3A_562, %parallel_loop3A_563, %parallel_loop3A_564, %parallel_loop3A_565] {strides = array<i32>} : memref<2x5x5x8x128xf32, #tpu.memory_space<vmem>>, vector<16xf32>,
        tpu.vector_store %arg6[%parallel_loop3A_561, %parallel_loop3A_562, %parallel_loop3A_563, %parallel_loop3A_564, %parallel_loop3A_565], %parallel_loop3A_558 {strides = array<i32>} : memref<2x5x5x8x128xf32, #tpu.memory_space<vmem>>, vector<16xf32>,
        %parallel_loop3A_567 = arith.constant 0 : i32
        %parallel_loop3A_568 = vector.broadcast %parallel_loop3A_567 : i32 to vector<16xi32>
        %parallel_loop3A_569 = arith.cmpi slt, %parallel_loop3A_548, %parallel_loop3A_568 : vector<16xi32>
        %parallel_loop3A_570 = arith.constant 16 : i32
        %parallel_loop3A_571 = vector.broadcast %parallel_loop3A_570 : i32 to vector<16xi32>
        %parallel_loop3A_572 = arith.addi %parallel_loop3A_548, %parallel_loop3A_571 : vector<16xi32>
        %parallel_loop3A_573 = arith.select %parallel_loop3A_569, %parallel_loop3A_572, %parallel_loop3A_548 : vector<16xi1>, vector<16xi32>
        %parallel_loop3A_574 = vector.shape_cast %parallel_loop3A_573 : vector<16xi32> to vector<16x1xi32>
        %parallel_loop3A_575 = vector.shape_cast %parallel_loop3A_574 : vector<16x1xi32> to vector<16xi32>
        %parallel_loop3A_576 = tpu.dynamic_gather %get3A_9[%parallel_loop3A_575] in [0] : vector<16xf32>, vector<16xi32> -> vector<16xf32>
        %parallel_loop3A_577 = arith.constant 0 : i32
        %parallel_loop3A_578 = arith.constant 1 : i32
        %parallel_loop3A_579 = arith.index_cast %parallel_loop3A_577 : i32 to index
        %parallel_loop3A_580 = arith.index_cast %parallel_loop3A_578 : i32 to index
        %parallel_loop3A_581 = arith.index_cast %parallel_loop3A_430 : i32 to index
        %parallel_loop3A_582 = arith.index_cast %parallel_loop3A_446 : i32 to index
        %parallel_loop3A_583 = arith.constant 16 : index
        %parallel_loop3A_584 = tpu.vector_load %arg6[%parallel_loop3A_579, %parallel_loop3A_580, %parallel_loop3A_581, %parallel_loop3A_582, %parallel_loop3A_583] {strides = array<i32>} : memref<2x5x5x8x128xf32, #tpu.memory_space<vmem>>, vector<16xf32>,
        tpu.vector_store %arg6[%parallel_loop3A_579, %parallel_loop3A_580, %parallel_loop3A_581, %parallel_loop3A_582, %parallel_loop3A_583], %parallel_loop3A_576 {strides = array<i32>} : memref<2x5x5x8x128xf32, #tpu.memory_space<vmem>>, vector<16xf32>,
        %parallel_loop3A_585 = arith.constant 0 : i32
        %parallel_loop3A_586 = vector.broadcast %parallel_loop3A_585 : i32 to vector<16xi32>
        %parallel_loop3A_587 = arith.cmpi slt, %parallel_loop3A_548, %parallel_loop3A_586 : vector<16xi32>
        %parallel_loop3A_588 = arith.constant 16 : i32
        %parallel_loop3A_589 = vector.broadcast %parallel_loop3A_588 : i32 to vector<16xi32>
        %parallel_loop3A_590 = arith.addi %parallel_loop3A_548, %parallel_loop3A_589 : vector<16xi32>
        %parallel_loop3A_591 = arith.select %parallel_loop3A_587, %parallel_loop3A_590, %parallel_loop3A_548 : vector<16xi1>, vector<16xi32>
        %parallel_loop3A_592 = vector.shape_cast %parallel_loop3A_591 : vector<16xi32> to vector<16x1xi32>
        %parallel_loop3A_593 = vector.shape_cast %parallel_loop3A_592 : vector<16x1xi32> to vector<16xi32>
        %parallel_loop3A_594 = tpu.dynamic_gather %get3A_13[%parallel_loop3A_593] in [0] : vector<16xf32>, vector<16xi32> -> vector<16xf32>
        %parallel_loop3A_595 = arith.constant 0 : i32
        %parallel_loop3A_596 = arith.constant 2 : i32
        %parallel_loop3A_597 = arith.index_cast %parallel_loop3A_595 : i32 to index
        %parallel_loop3A_598 = arith.index_cast %parallel_loop3A_596 : i32 to index
        %parallel_loop3A_599 = arith.index_cast %parallel_loop3A_430 : i32 to index
        %parallel_loop3A_600 = arith.index_cast %parallel_loop3A_446 : i32 to index
        %parallel_loop3A_601 = arith.constant 16 : index
        %parallel_loop3A_602 = tpu.vector_load %arg6[%parallel_loop3A_597, %parallel_loop3A_598, %parallel_loop3A_599, %parallel_loop3A_600, %parallel_loop3A_601] {strides = array<i32>} : memref<2x5x5x8x128xf32, #tpu.memory_space<vmem>>, vector<16xf32>,
        tpu.vector_store %arg6[%parallel_loop3A_597, %parallel_loop3A_598, %parallel_loop3A_599, %parallel_loop3A_600, %parallel_loop3A_601], %parallel_loop3A_594 {strides = array<i32>} : memref<2x5x5x8x128xf32, #tpu.memory_space<vmem>>, vector<16xf32>,
        %parallel_loop3A_603 = arith.constant 0 : i32
        %parallel_loop3A_604 = vector.broadcast %parallel_loop3A_603 : i32 to vector<16xi32>
        %parallel_loop3A_605 = arith.cmpi slt, %parallel_loop3A_548, %parallel_loop3A_604 : vector<16xi32>
        %parallel_loop3A_606 = arith.constant 16 : i32
        %parallel_loop3A_607 = vector.broadcast %parallel_loop3A_606 : i32 to vector<16xi32>
        %parallel_loop3A_608 = arith.addi %parallel_loop3A_548, %parallel_loop3A_607 : vector<16xi32>
        %parallel_loop3A_609 = arith.select %parallel_loop3A_605, %parallel_loop3A_608, %parallel_loop3A_548 : vector<16xi1>, vector<16xi32>
        %parallel_loop3A_610 = vector.shape_cast %parallel_loop3A_609 : vector<16xi32> to vector<16x1xi32>
        %parallel_loop3A_611 = vector.shape_cast %parallel_loop3A_610 : vector<16x1xi32> to vector<16xi32>
        %parallel_loop3A_612 = tpu.dynamic_gather %get3A_17[%parallel_loop3A_611] in [0] : vector<16xf32>, vector<16xi32> -> vector<16xf32>
        %parallel_loop3A_613 = arith.constant 0 : i32
        %parallel_loop3A_614 = arith.constant 3 : i32
        %parallel_loop3A_615 = arith.index_cast %parallel_loop3A_613 : i32 to index
        %parallel_loop3A_616 = arith.index_cast %parallel_loop3A_614 : i32 to index
        %parallel_loop3A_617 = arith.index_cast %parallel_loop3A_430 : i32 to index
        %parallel_loop3A_618 = arith.index_cast %parallel_loop3A_446 : i32 to index
        %parallel_loop3A_619 = arith.constant 16 : index
        %parallel_loop3A_620 = tpu.vector_load %arg6[%parallel_loop3A_615, %parallel_loop3A_616, %parallel_loop3A_617, %parallel_loop3A_618, %parallel_loop3A_619] {strides = array<i32>} : memref<2x5x5x8x128xf32, #tpu.memory_space<vmem>>, vector<16xf32>,
        tpu.vector_store %arg6[%parallel_loop3A_615, %parallel_loop3A_616, %parallel_loop3A_617, %parallel_loop3A_618, %parallel_loop3A_619], %parallel_loop3A_612 {strides = array<i32>} : memref<2x5x5x8x128xf32, #tpu.memory_space<vmem>>, vector<16xf32>,
        %parallel_loop3A_621 = arith.constant 0 : i32
        %parallel_loop3A_622 = vector.broadcast %parallel_loop3A_621 : i32 to vector<16xi32>
        %parallel_loop3A_623 = arith.cmpi slt, %parallel_loop3A_548, %parallel_loop3A_622 : vector<16xi32>
        %parallel_loop3A_624 = arith.constant 16 : i32
        %parallel_loop3A_625 = vector.broadcast %parallel_loop3A_624 : i32 to vector<16xi32>
        %parallel_loop3A_626 = arith.addi %parallel_loop3A_548, %parallel_loop3A_625 : vector<16xi32>
        %parallel_loop3A_627 = arith.select %parallel_loop3A_623, %parallel_loop3A_626, %parallel_loop3A_548 : vector<16xi1>, vector<16xi32>
        %parallel_loop3A_628 = vector.shape_cast %parallel_loop3A_627 : vector<16xi32> to vector<16x1xi32>
        %parallel_loop3A_629 = vector.shape_cast %parallel_loop3A_628 : vector<16x1xi32> to vector<16xi32>
        %parallel_loop3A_630 = tpu.dynamic_gather %get3A_21[%parallel_loop3A_629] in [0] : vector<16xf32>, vector<16xi32> -> vector<16xf32>
        %parallel_loop3A_631 = arith.constant 0 : i32
        %parallel_loop3A_632 = arith.constant 4 : i32
        %parallel_loop3A_633 = arith.index_cast %parallel_loop3A_631 : i32 to index
        %parallel_loop3A_634 = arith.index_cast %parallel_loop3A_632 : i32 to index
        %parallel_loop3A_635 = arith.index_cast %parallel_loop3A_430 : i32 to index
        %parallel_loop3A_636 = arith.index_cast %parallel_loop3A_446 : i32 to index
        %parallel_loop3A_637 = arith.constant 16 : index
        %parallel_loop3A_638 = tpu.vector_load %arg6[%parallel_loop3A_633, %parallel_loop3A_634, %parallel_loop3A_635, %parallel_loop3A_636, %parallel_loop3A_637] {strides = array<i32>} : memref<2x5x5x8x128xf32, #tpu.memory_space<vmem>>, vector<16xf32>,
        tpu.vector_store %arg6[%parallel_loop3A_633, %parallel_loop3A_634, %parallel_loop3A_635, %parallel_loop3A_636, %parallel_loop3A_637], %parallel_loop3A_630 {strides = array<i32>} : memref<2x5x5x8x128xf32, #tpu.memory_space<vmem>>, vector<16xf32>,
        %parallel_loop3A_639 = arith.constant 0 : i32
        %parallel_loop3A_640 = arith.index_cast %parallel_loop3A_639 : i32 to index
        %parallel_loop3A_641 = arith.index_cast %parallel_loop3A_430 : i32 to index
        %parallel_loop3A_642 = arith.index_cast %parallel_loop3A_446 : i32 to index
        %parallel_loop3A_643 = arith.constant 32 : index
        %parallel_loop3A_644 = tpu.vector_load %arg5[%parallel_loop3A_640, %parallel_loop3A_641, %parallel_loop3A_642, %parallel_loop3A_643] {strides = array<i32>} : memref<2x5x8x128xi32, #tpu.memory_space<vmem>>, vector<16xi32>,
        %parallel_loop3A_645 = arith.constant 0 : i32
        %parallel_loop3A_646 = vector.broadcast %parallel_loop3A_645 : i32 to vector<16xi32>
        %parallel_loop3A_647 = arith.cmpi slt, %parallel_loop3A_644, %parallel_loop3A_646 : vector<16xi32>
        %parallel_loop3A_648 = arith.constant 16 : i32
        %parallel_loop3A_649 = vector.broadcast %parallel_loop3A_648 : i32 to vector<16xi32>
        %parallel_loop3A_650 = arith.addi %parallel_loop3A_644, %parallel_loop3A_649 : vector<16xi32>
        %parallel_loop3A_651 = arith.select %parallel_loop3A_647, %parallel_loop3A_650, %parallel_loop3A_644 : vector<16xi1>, vector<16xi32>
        %parallel_loop3A_652 = vector.shape_cast %parallel_loop3A_651 : vector<16xi32> to vector<16x1xi32>
        %parallel_loop3A_653 = vector.shape_cast %parallel_loop3A_652 : vector<16x1xi32> to vector<16xi32>
        %parallel_loop3A_654 = tpu.dynamic_gather %get3A_5[%parallel_loop3A_653] in [0] : vector<16xf32>, vector<16xi32> -> vector<16xf32>
        %parallel_loop3A_655 = arith.constant 0 : i32
        %parallel_loop3A_656 = arith.constant 0 : i32
        %parallel_loop3A_657 = arith.index_cast %parallel_loop3A_655 : i32 to index
        %parallel_loop3A_658 = arith.index_cast %parallel_loop3A_656 : i32 to index
        %parallel_loop3A_659 = arith.index_cast %parallel_loop3A_430 : i32 to index
        %parallel_loop3A_660 = arith.index_cast %parallel_loop3A_446 : i32 to index
        %parallel_loop3A_661 = arith.constant 32 : index
        %parallel_loop3A_662 = tpu.vector_load %arg6[%parallel_loop3A_657, %parallel_loop3A_658, %parallel_loop3A_659, %parallel_loop3A_660, %parallel_loop3A_661] {strides = array<i32>} : memref<2x5x5x8x128xf32, #tpu.memory_space<vmem>>, vector<16xf32>,
        tpu.vector_store %arg6[%parallel_loop3A_657, %parallel_loop3A_658, %parallel_loop3A_659, %parallel_loop3A_660, %parallel_loop3A_661], %parallel_loop3A_654 {strides = array<i32>} : memref<2x5x5x8x128xf32, #tpu.memory_space<vmem>>, vector<16xf32>,
        %parallel_loop3A_663 = arith.constant 0 : i32
        %parallel_loop3A_664 = vector.broadcast %parallel_loop3A_663 : i32 to vector<16xi32>
        %parallel_loop3A_665 = arith.cmpi slt, %parallel_loop3A_644, %parallel_loop3A_664 : vector<16xi32>
        %parallel_loop3A_666 = arith.constant 16 : i32
        %parallel_loop3A_667 = vector.broadcast %parallel_loop3A_666 : i32 to vector<16xi32>
        %parallel_loop3A_668 = arith.addi %parallel_loop3A_644, %parallel_loop3A_667 : vector<16xi32>
        %parallel_loop3A_669 = arith.select %parallel_loop3A_665, %parallel_loop3A_668, %parallel_loop3A_644 : vector<16xi1>, vector<16xi32>
        %parallel_loop3A_670 = vector.shape_cast %parallel_loop3A_669 : vector<16xi32> to vector<16x1xi32>
        %parallel_loop3A_671 = vector.shape_cast %parallel_loop3A_670 : vector<16x1xi32> to vector<16xi32>
        %parallel_loop3A_672 = tpu.dynamic_gather %get3A_9[%parallel_loop3A_671] in [0] : vector<16xf32>, vector<16xi32> -> vector<16xf32>
        %parallel_loop3A_673 = arith.constant 0 : i32
        %parallel_loop3A_674 = arith.constant 1 : i32
        %parallel_loop3A_675 = arith.index_cast %parallel_loop3A_673 : i32 to index
        %parallel_loop3A_676 = arith.index_cast %parallel_loop3A_674 : i32 to index
        %parallel_loop3A_677 = arith.index_cast %parallel_loop3A_430 : i32 to index
        %parallel_loop3A_678 = arith.index_cast %parallel_loop3A_446 : i32 to index
        %parallel_loop3A_679 = arith.constant 32 : index
        %parallel_loop3A_680 = tpu.vector_load %arg6[%parallel_loop3A_675, %parallel_loop3A_676, %parallel_loop3A_677, %parallel_loop3A_678, %parallel_loop3A_679] {strides = array<i32>} : memref<2x5x5x8x128xf32, #tpu.memory_space<vmem>>, vector<16xf32>,
        tpu.vector_store %arg6[%parallel_loop3A_675, %parallel_loop3A_676, %parallel_loop3A_677, %parallel_loop3A_678, %parallel_loop3A_679], %parallel_loop3A_672 {strides = array<i32>} : memref<2x5x5x8x128xf32, #tpu.memory_space<vmem>>, vector<16xf32>,
        %parallel_loop3A_681 = arith.constant 0 : i32
        %parallel_loop3A_682 = vector.broadcast %parallel_loop3A_681 : i32 to vector<16xi32>
        %parallel_loop3A_683 = arith.cmpi slt, %parallel_loop3A_644, %parallel_loop3A_682 : vector<16xi32>
        %parallel_loop3A_684 = arith.constant 16 : i32
        %parallel_loop3A_685 = vector.broadcast %parallel_loop3A_684 : i32 to vector<16xi32>
        %parallel_loop3A_686 = arith.addi %parallel_loop3A_644, %parallel_loop3A_685 : vector<16xi32>
        %parallel_loop3A_687 = arith.select %parallel_loop3A_683, %parallel_loop3A_686, %parallel_loop3A_644 : vector<16xi1>, vector<16xi32>
        %parallel_loop3A_688 = vector.shape_cast %parallel_loop3A_687 : vector<16xi32> to vector<16x1xi32>
        %parallel_loop3A_689 = vector.shape_cast %parallel_loop3A_688 : vector<16x1xi32> to vector<16xi32>
        %parallel_loop3A_690 = tpu.dynamic_gather %get3A_13[%parallel_loop3A_689] in [0] : vector<16xf32>, vector<16xi32> -> vector<16xf32>
        %parallel_loop3A_691 = arith.constant 0 : i32
        %parallel_loop3A_692 = arith.constant 2 : i32
        %parallel_loop3A_693 = arith.index_cast %parallel_loop3A_691 : i32 to index
        %parallel_loop3A_694 = arith.index_cast %parallel_loop3A_692 : i32 to index
        %parallel_loop3A_695 = arith.index_cast %parallel_loop3A_430 : i32 to index
        %parallel_loop3A_696 = arith.index_cast %parallel_loop3A_446 : i32 to index
        %parallel_loop3A_697 = arith.constant 32 : index
        %parallel_loop3A_698 = tpu.vector_load %arg6[%parallel_loop3A_693, %parallel_loop3A_694, %parallel_loop3A_695, %parallel_loop3A_696, %parallel_loop3A_697] {strides = array<i32>} : memref<2x5x5x8x128xf32, #tpu.memory_space<vmem>>, vector<16xf32>,
        tpu.vector_store %arg6[%parallel_loop3A_693, %parallel_loop3A_694, %parallel_loop3A_695, %parallel_loop3A_696, %parallel_loop3A_697], %parallel_loop3A_690 {strides = array<i32>} : memref<2x5x5x8x128xf32, #tpu.memory_space<vmem>>, vector<16xf32>,
        %parallel_loop3A_699 = arith.constant 0 : i32
        %parallel_loop3A_700 = vector.broadcast %parallel_loop3A_699 : i32 to vector<16xi32>
        %parallel_loop3A_701 = arith.cmpi slt, %parallel_loop3A_644, %parallel_loop3A_700 : vector<16xi32>
        %parallel_loop3A_702 = arith.constant 16 : i32
        %parallel_loop3A_703 = vector.broadcast %parallel_loop3A_702 : i32 to vector<16xi32>
        %parallel_loop3A_704 = arith.addi %parallel_loop3A_644, %parallel_loop3A_703 : vector<16xi32>
        %parallel_loop3A_705 = arith.select %parallel_loop3A_701, %parallel_loop3A_704, %parallel_loop3A_644 : vector<16xi1>, vector<16xi32>
        %parallel_loop3A_706 = vector.shape_cast %parallel_loop3A_705 : vector<16xi32> to vector<16x1xi32>
        %parallel_loop3A_707 = vector.shape_cast %parallel_loop3A_706 : vector<16x1xi32> to vector<16xi32>
        %parallel_loop3A_708 = tpu.dynamic_gather %get3A_17[%parallel_loop3A_707] in [0] : vector<16xf32>, vector<16xi32> -> vector<16xf32>
        %parallel_loop3A_709 = arith.constant 0 : i32
        %parallel_loop3A_710 = arith.constant 3 : i32
        %parallel_loop3A_711 = arith.index_cast %parallel_loop3A_709 : i32 to index
        %parallel_loop3A_712 = arith.index_cast %parallel_loop3A_710 : i32 to index
        %parallel_loop3A_713 = arith.index_cast %parallel_loop3A_430 : i32 to index
        %parallel_loop3A_714 = arith.index_cast %parallel_loop3A_446 : i32 to index
        %parallel_loop3A_715 = arith.constant 32 : index
        %parallel_loop3A_716 = tpu.vector_load %arg6[%parallel_loop3A_711, %parallel_loop3A_712, %parallel_loop3A_713, %parallel_loop3A_714, %parallel_loop3A_715] {strides = array<i32>} : memref<2x5x5x8x128xf32, #tpu.memory_space<vmem>>, vector<16xf32>,
        tpu.vector_store %arg6[%parallel_loop3A_711, %parallel_loop3A_712, %parallel_loop3A_713, %parallel_loop3A_714, %parallel_loop3A_715], %parallel_loop3A_708 {strides = array<i32>} : memref<2x5x5x8x128xf32, #tpu.memory_space<vmem>>, vector<16xf32>,
        %parallel_loop3A_717 = arith.constant 0 : i32
        %parallel_loop3A_718 = vector.broadcast %parallel_loop3A_717 : i32 to vector<16xi32>
        %parallel_loop3A_719 = arith.cmpi slt, %parallel_loop3A_644, %parallel_loop3A_718 : vector<16xi32>
        %parallel_loop3A_720 = arith.constant 16 : i32
        %parallel_loop3A_721 = vector.broadcast %parallel_loop3A_720 : i32 to vector<16xi32>
        %parallel_loop3A_722 = arith.addi %parallel_loop3A_644, %parallel_loop3A_721 : vector<16xi32>
        %parallel_loop3A_723 = arith.select %parallel_loop3A_719, %parallel_loop3A_722, %parallel_loop3A_644 : vector<16xi1>, vector<16xi32>
        %parallel_loop3A_724 = vector.shape_cast %parallel_loop3A_723 : vector<16xi32> to vector<16x1xi32>
        %parallel_loop3A_725 = vector.shape_cast %parallel_loop3A_724 : vector<16x1xi32> to vector<16xi32>
        %parallel_loop3A_726 = tpu.dynamic_gather %get3A_21[%parallel_loop3A_725] in [0] : vector<16xf32>, vector<16xi32> -> vector<16xf32>
        %parallel_loop3A_727 = arith.constant 0 : i32
        %parallel_loop3A_728 = arith.constant 4 : i32
        %parallel_loop3A_729 = arith.index_cast %parallel_loop3A_727 : i32 to index
        %parallel_loop3A_730 = arith.index_cast %parallel_loop3A_728 : i32 to index
        %parallel_loop3A_731 = arith.index_cast %parallel_loop3A_430 : i32 to index
        %parallel_loop3A_732 = arith.index_cast %parallel_loop3A_446 : i32 to index
        %parallel_loop3A_733 = arith.constant 32 : index
        %parallel_loop3A_734 = tpu.vector_load %arg6[%parallel_loop3A_729, %parallel_loop3A_730, %parallel_loop3A_731, %parallel_loop3A_732, %parallel_loop3A_733] {strides = array<i32>} : memref<2x5x5x8x128xf32, #tpu.memory_space<vmem>>, vector<16xf32>,
        tpu.vector_store %arg6[%parallel_loop3A_729, %parallel_loop3A_730, %parallel_loop3A_731, %parallel_loop3A_732, %parallel_loop3A_733], %parallel_loop3A_726 {strides = array<i32>} : memref<2x5x5x8x128xf32, #tpu.memory_space<vmem>>, vector<16xf32>,
        %parallel_loop3A_735 = arith.constant 0 : i32
        %parallel_loop3A_736 = arith.index_cast %parallel_loop3A_735 : i32 to index
        %parallel_loop3A_737 = arith.index_cast %parallel_loop3A_430 : i32 to index
        %parallel_loop3A_738 = arith.index_cast %parallel_loop3A_446 : i32 to index
        %parallel_loop3A_739 = arith.constant 48 : index
        %parallel_loop3A_740 = tpu.vector_load %arg5[%parallel_loop3A_736, %parallel_loop3A_737, %parallel_loop3A_738, %parallel_loop3A_739] {strides = array<i32>} : memref<2x5x8x128xi32, #tpu.memory_space<vmem>>, vector<16xi32>,
        %parallel_loop3A_741 = arith.constant 0 : i32
        %parallel_loop3A_742 = vector.broadcast %parallel_loop3A_741 : i32 to vector<16xi32>
        %parallel_loop3A_743 = arith.cmpi slt, %parallel_loop3A_740, %parallel_loop3A_742 : vector<16xi32>
        %parallel_loop3A_744 = arith.constant 16 : i32
        %parallel_loop3A_745 = vector.broadcast %parallel_loop3A_744 : i32 to vector<16xi32>
        %parallel_loop3A_746 = arith.addi %parallel_loop3A_740, %parallel_loop3A_745 : vector<16xi32>
        %parallel_loop3A_747 = arith.select %parallel_loop3A_743, %parallel_loop3A_746, %parallel_loop3A_740 : vector<16xi1>, vector<16xi32>
        %parallel_loop3A_748 = vector.shape_cast %parallel_loop3A_747 : vector<16xi32> to vector<16x1xi32>
        %parallel_loop3A_749 = vector.shape_cast %parallel_loop3A_748 : vector<16x1xi32> to vector<16xi32>
        %parallel_loop3A_750 = tpu.dynamic_gather %get3A_5[%parallel_loop3A_749] in [0] : vector<16xf32>, vector<16xi32> -> vector<16xf32>
        %parallel_loop3A_751 = arith.constant 0 : i32
        %parallel_loop3A_752 = arith.constant 0 : i32
        %parallel_loop3A_753 = arith.index_cast %parallel_loop3A_751 : i32 to index
        %parallel_loop3A_754 = arith.index_cast %parallel_loop3A_752 : i32 to index
        %parallel_loop3A_755 = arith.index_cast %parallel_loop3A_430 : i32 to index
        %parallel_loop3A_756 = arith.index_cast %parallel_loop3A_446 : i32 to index
        %parallel_loop3A_757 = arith.constant 48 : index
        %parallel_loop3A_758 = tpu.vector_load %arg6[%parallel_loop3A_753, %parallel_loop3A_754, %parallel_loop3A_755, %parallel_loop3A_756, %parallel_loop3A_757] {strides = array<i32>} : memref<2x5x5x8x128xf32, #tpu.memory_space<vmem>>, vector<16xf32>,
        tpu.vector_store %arg6[%parallel_loop3A_753, %parallel_loop3A_754, %parallel_loop3A_755, %parallel_loop3A_756, %parallel_loop3A_757], %parallel_loop3A_750 {strides = array<i32>} : memref<2x5x5x8x128xf32, #tpu.memory_space<vmem>>, vector<16xf32>,
        %parallel_loop3A_759 = arith.constant 0 : i32
        %parallel_loop3A_760 = vector.broadcast %parallel_loop3A_759 : i32 to vector<16xi32>
        %parallel_loop3A_761 = arith.cmpi slt, %parallel_loop3A_740, %parallel_loop3A_760 : vector<16xi32>
        %parallel_loop3A_762 = arith.constant 16 : i32
        %parallel_loop3A_763 = vector.broadcast %parallel_loop3A_762 : i32 to vector<16xi32>
        %parallel_loop3A_764 = arith.addi %parallel_loop3A_740, %parallel_loop3A_763 : vector<16xi32>
        %parallel_loop3A_765 = arith.select %parallel_loop3A_761, %parallel_loop3A_764, %parallel_loop3A_740 : vector<16xi1>, vector<16xi32>
        %parallel_loop3A_766 = vector.shape_cast %parallel_loop3A_765 : vector<16xi32> to vector<16x1xi32>
        %parallel_loop3A_767 = vector.shape_cast %parallel_loop3A_766 : vector<16x1xi32> to vector<16xi32>
        %parallel_loop3A_768 = tpu.dynamic_gather %get3A_9[%parallel_loop3A_767] in [0] : vector<16xf32>, vector<16xi32> -> vector<16xf32>
        %parallel_loop3A_769 = arith.constant 0 : i32
        %parallel_loop3A_770 = arith.constant 1 : i32
        %parallel_loop3A_771 = arith.index_cast %parallel_loop3A_769 : i32 to index
        %parallel_loop3A_772 = arith.index_cast %parallel_loop3A_770 : i32 to index
        %parallel_loop3A_773 = arith.index_cast %parallel_loop3A_430 : i32 to index
        %parallel_loop3A_774 = arith.index_cast %parallel_loop3A_446 : i32 to index
        %parallel_loop3A_775 = arith.constant 48 : index
        %parallel_loop3A_776 = tpu.vector_load %arg6[%parallel_loop3A_771, %parallel_loop3A_772, %parallel_loop3A_773, %parallel_loop3A_774, %parallel_loop3A_775] {strides = array<i32>} : memref<2x5x5x8x128xf32, #tpu.memory_space<vmem>>, vector<16xf32>,
        tpu.vector_store %arg6[%parallel_loop3A_771, %parallel_loop3A_772, %parallel_loop3A_773, %parallel_loop3A_774, %parallel_loop3A_775], %parallel_loop3A_768 {strides = array<i32>} : memref<2x5x5x8x128xf32, #tpu.memory_space<vmem>>, vector<16xf32>,
        %parallel_loop3A_777 = arith.constant 0 : i32
        %parallel_loop3A_778 = vector.broadcast %parallel_loop3A_777 : i32 to vector<16xi32>
        %parallel_loop3A_779 = arith.cmpi slt, %parallel_loop3A_740, %parallel_loop3A_778 : vector<16xi32>
        %parallel_loop3A_780 = arith.constant 16 : i32
        %parallel_loop3A_781 = vector.broadcast %parallel_loop3A_780 : i32 to vector<16xi32>
        %parallel_loop3A_782 = arith.addi %parallel_loop3A_740, %parallel_loop3A_781 : vector<16xi32>
        %parallel_loop3A_783 = arith.select %parallel_loop3A_779, %parallel_loop3A_782, %parallel_loop3A_740 : vector<16xi1>, vector<16xi32>
        %parallel_loop3A_784 = vector.shape_cast %parallel_loop3A_783 : vector<16xi32> to vector<16x1xi32>
        %parallel_loop3A_785 = vector.shape_cast %parallel_loop3A_784 : vector<16x1xi32> to vector<16xi32>
        %parallel_loop3A_786 = tpu.dynamic_gather %get3A_13[%parallel_loop3A_785] in [0] : vector<16xf32>, vector<16xi32> -> vector<16xf32>
        %parallel_loop3A_787 = arith.constant 0 : i32
        %parallel_loop3A_788 = arith.constant 2 : i32
        %parallel_loop3A_789 = arith.index_cast %parallel_loop3A_787 : i32 to index
        %parallel_loop3A_790 = arith.index_cast %parallel_loop3A_788 : i32 to index
        %parallel_loop3A_791 = arith.index_cast %parallel_loop3A_430 : i32 to index
        %parallel_loop3A_792 = arith.index_cast %parallel_loop3A_446 : i32 to index
        %parallel_loop3A_793 = arith.constant 48 : index
        %parallel_loop3A_794 = tpu.vector_load %arg6[%parallel_loop3A_789, %parallel_loop3A_790, %parallel_loop3A_791, %parallel_loop3A_792, %parallel_loop3A_793] {strides = array<i32>} : memref<2x5x5x8x128xf32, #tpu.memory_space<vmem>>, vector<16xf32>,
        tpu.vector_store %arg6[%parallel_loop3A_789, %parallel_loop3A_790, %parallel_loop3A_791, %parallel_loop3A_792, %parallel_loop3A_793], %parallel_loop3A_786 {strides = array<i32>} : memref<2x5x5x8x128xf32, #tpu.memory_space<vmem>>, vector<16xf32>,
        %parallel_loop3A_795 = arith.constant 0 : i32
        %parallel_loop3A_796 = vector.broadcast %parallel_loop3A_795 : i32 to vector<16xi32>
        %parallel_loop3A_797 = arith.cmpi slt, %parallel_loop3A_740, %parallel_loop3A_796 : vector<16xi32>
        %parallel_loop3A_798 = arith.constant 16 : i32
        %parallel_loop3A_799 = vector.broadcast %parallel_loop3A_798 : i32 to vector<16xi32>
        %parallel_loop3A_800 = arith.addi %parallel_loop3A_740, %parallel_loop3A_799 : vector<16xi32>
        %parallel_loop3A_801 = arith.select %parallel_loop3A_797, %parallel_loop3A_800, %parallel_loop3A_740 : vector<16xi1>, vector<16xi32>
        %parallel_loop3A_802 = vector.shape_cast %parallel_loop3A_801 : vector<16xi32> to vector<16x1xi32>
        %parallel_loop3A_803 = vector.shape_cast %parallel_loop3A_802 : vector<16x1xi32> to vector<16xi32>
        %parallel_loop3A_804 = tpu.dynamic_gather %get3A_17[%parallel_loop3A_803] in [0] : vector<16xf32>, vector<16xi32> -> vector<16xf32>
        %parallel_loop3A_805 = arith.constant 0 : i32
        %parallel_loop3A_806 = arith.constant 3 : i32
        %parallel_loop3A_807 = arith.index_cast %parallel_loop3A_805 : i32 to index
        %parallel_loop3A_808 = arith.index_cast %parallel_loop3A_806 : i32 to index
        %parallel_loop3A_809 = arith.index_cast %parallel_loop3A_430 : i32 to index
        %parallel_loop3A_810 = arith.index_cast %parallel_loop3A_446 : i32 to index
        %parallel_loop3A_811 = arith.constant 48 : index
        %parallel_loop3A_812 = tpu.vector_load %arg6[%parallel_loop3A_807, %parallel_loop3A_808, %parallel_loop3A_809, %parallel_loop3A_810, %parallel_loop3A_811] {strides = array<i32>} : memref<2x5x5x8x128xf32, #tpu.memory_space<vmem>>, vector<16xf32>,
        tpu.vector_store %arg6[%parallel_loop3A_807, %parallel_loop3A_808, %parallel_loop3A_809, %parallel_loop3A_810, %parallel_loop3A_811], %parallel_loop3A_804 {strides = array<i32>} : memref<2x5x5x8x128xf32, #tpu.memory_space<vmem>>, vector<16xf32>,
        %parallel_loop3A_813 = arith.constant 0 : i32
        %parallel_loop3A_814 = vector.broadcast %parallel_loop3A_813 : i32 to vector<16xi32>
        %parallel_loop3A_815 = arith.cmpi slt, %parallel_loop3A_740, %parallel_loop3A_814 : vector<16xi32>
        %parallel_loop3A_816 = arith.constant 16 : i32
        %parallel_loop3A_817 = vector.broadcast %parallel_loop3A_816 : i32 to vector<16xi32>
        %parallel_loop3A_818 = arith.addi %parallel_loop3A_740, %parallel_loop3A_817 : vector<16xi32>
        %parallel_loop3A_819 = arith.select %parallel_loop3A_815, %parallel_loop3A_818, %parallel_loop3A_740 : vector<16xi1>, vector<16xi32>
        %parallel_loop3A_820 = vector.shape_cast %parallel_loop3A_819 : vector<16xi32> to vector<16x1xi32>
        %parallel_loop3A_821 = vector.shape_cast %parallel_loop3A_820 : vector<16x1xi32> to vector<16xi32>
        %parallel_loop3A_822 = tpu.dynamic_gather %get3A_21[%parallel_loop3A_821] in [0] : vector<16xf32>, vector<16xi32> -> vector<16xf32>
        %parallel_loop3A_823 = arith.constant 0 : i32
        %parallel_loop3A_824 = arith.constant 4 : i32
        %parallel_loop3A_825 = arith.index_cast %parallel_loop3A_823 : i32 to index
        %parallel_loop3A_826 = arith.index_cast %parallel_loop3A_824 : i32 to index
        %parallel_loop3A_827 = arith.index_cast %parallel_loop3A_430 : i32 to index
        %parallel_loop3A_828 = arith.index_cast %parallel_loop3A_446 : i32 to index
        %parallel_loop3A_829 = arith.constant 48 : index
        %parallel_loop3A_830 = tpu.vector_load %arg6[%parallel_loop3A_825, %parallel_loop3A_826, %parallel_loop3A_827, %parallel_loop3A_828, %parallel_loop3A_829] {strides = array<i32>} : memref<2x5x5x8x128xf32, #tpu.memory_space<vmem>>, vector<16xf32>,
        tpu.vector_store %arg6[%parallel_loop3A_825, %parallel_loop3A_826, %parallel_loop3A_827, %parallel_loop3A_828, %parallel_loop3A_829], %parallel_loop3A_822 {strides = array<i32>} : memref<2x5x5x8x128xf32, #tpu.memory_space<vmem>>, vector<16xf32>,
        %parallel_loop3A_831 = arith.constant 0 : i32
        %parallel_loop3A_832 = arith.index_cast %parallel_loop3A_831 : i32 to index
        %parallel_loop3A_833 = arith.index_cast %parallel_loop3A_430 : i32 to index
        %parallel_loop3A_834 = arith.index_cast %parallel_loop3A_446 : i32 to index
        %parallel_loop3A_835 = arith.constant 64 : index
        %parallel_loop3A_836 = tpu.vector_load %arg5[%parallel_loop3A_832, %parallel_loop3A_833, %parallel_loop3A_834, %parallel_loop3A_835] {strides = array<i32>} : memref<2x5x8x128xi32, #tpu.memory_space<vmem>>, vector<16xi32>,
        %parallel_loop3A_837 = arith.constant 0 : i32
        %parallel_loop3A_838 = vector.broadcast %parallel_loop3A_837 : i32 to vector<16xi32>
        %parallel_loop3A_839 = arith.cmpi slt, %parallel_loop3A_836, %parallel_loop3A_838 : vector<16xi32>
        %parallel_loop3A_840 = arith.constant 16 : i32
        %parallel_loop3A_841 = vector.broadcast %parallel_loop3A_840 : i32 to vector<16xi32>
        %parallel_loop3A_842 = arith.addi %parallel_loop3A_836, %parallel_loop3A_841 : vector<16xi32>
        %parallel_loop3A_843 = arith.select %parallel_loop3A_839, %parallel_loop3A_842, %parallel_loop3A_836 : vector<16xi1>, vector<16xi32>
        %parallel_loop3A_844 = vector.shape_cast %parallel_loop3A_843 : vector<16xi32> to vector<16x1xi32>
        %parallel_loop3A_845 = vector.shape_cast %parallel_loop3A_844 : vector<16x1xi32> to vector<16xi32>
        %parallel_loop3A_846 = tpu.dynamic_gather %get3A_5[%parallel_loop3A_845] in [0] : vector<16xf32>, vector<16xi32> -> vector<16xf32>
        %parallel_loop3A_847 = arith.constant 0 : i32
        %parallel_loop3A_848 = arith.constant 0 : i32
        %parallel_loop3A_849 = arith.index_cast %parallel_loop3A_847 : i32 to index
        %parallel_loop3A_850 = arith.index_cast %parallel_loop3A_848 : i32 to index
        %parallel_loop3A_851 = arith.index_cast %parallel_loop3A_430 : i32 to index
        %parallel_loop3A_852 = arith.index_cast %parallel_loop3A_446 : i32 to index
        %parallel_loop3A_853 = arith.constant 64 : index
        %parallel_loop3A_854 = tpu.vector_load %arg6[%parallel_loop3A_849, %parallel_loop3A_850, %parallel_loop3A_851, %parallel_loop3A_852, %parallel_loop3A_853] {strides = array<i32>} : memref<2x5x5x8x128xf32, #tpu.memory_space<vmem>>, vector<16xf32>,
        tpu.vector_store %arg6[%parallel_loop3A_849, %parallel_loop3A_850, %parallel_loop3A_851, %parallel_loop3A_852, %parallel_loop3A_853], %parallel_loop3A_846 {strides = array<i32>} : memref<2x5x5x8x128xf32, #tpu.memory_space<vmem>>, vector<16xf32>,
        %parallel_loop3A_855 = arith.constant 0 : i32
        %parallel_loop3A_856 = vector.broadcast %parallel_loop3A_855 : i32 to vector<16xi32>
        %parallel_loop3A_857 = arith.cmpi slt, %parallel_loop3A_836, %parallel_loop3A_856 : vector<16xi32>
        %parallel_loop3A_858 = arith.constant 16 : i32
        %parallel_loop3A_859 = vector.broadcast %parallel_loop3A_858 : i32 to vector<16xi32>
        %parallel_loop3A_860 = arith.addi %parallel_loop3A_836, %parallel_loop3A_859 : vector<16xi32>
        %parallel_loop3A_861 = arith.select %parallel_loop3A_857, %parallel_loop3A_860, %parallel_loop3A_836 : vector<16xi1>, vector<16xi32>
        %parallel_loop3A_862 = vector.shape_cast %parallel_loop3A_861 : vector<16xi32> to vector<16x1xi32>
        %parallel_loop3A_863 = vector.shape_cast %parallel_loop3A_862 : vector<16x1xi32> to vector<16xi32>
        %parallel_loop3A_864 = tpu.dynamic_gather %get3A_9[%parallel_loop3A_863] in [0] : vector<16xf32>, vector<16xi32> -> vector<16xf32>
        %parallel_loop3A_865 = arith.constant 0 : i32
        %parallel_loop3A_866 = arith.constant 1 : i32
        %parallel_loop3A_867 = arith.index_cast %parallel_loop3A_865 : i32 to index
        %parallel_loop3A_868 = arith.index_cast %parallel_loop3A_866 : i32 to index
        %parallel_loop3A_869 = arith.index_cast %parallel_loop3A_430 : i32 to index
        %parallel_loop3A_870 = arith.index_cast %parallel_loop3A_446 : i32 to index
        %parallel_loop3A_871 = arith.constant 64 : index
        %parallel_loop3A_872 = tpu.vector_load %arg6[%parallel_loop3A_867, %parallel_loop3A_868, %parallel_loop3A_869, %parallel_loop3A_870, %parallel_loop3A_871] {strides = array<i32>} : memref<2x5x5x8x128xf32, #tpu.memory_space<vmem>>, vector<16xf32>,
        tpu.vector_store %arg6[%parallel_loop3A_867, %parallel_loop3A_868, %parallel_loop3A_869, %parallel_loop3A_870, %parallel_loop3A_871], %parallel_loop3A_864 {strides = array<i32>} : memref<2x5x5x8x128xf32, #tpu.memory_space<vmem>>, vector<16xf32>,
        %parallel_loop3A_873 = arith.constant 0 : i32
        %parallel_loop3A_874 = vector.broadcast %parallel_loop3A_873 : i32 to vector<16xi32>
        %parallel_loop3A_875 = arith.cmpi slt, %parallel_loop3A_836, %parallel_loop3A_874 : vector<16xi32>
        %parallel_loop3A_876 = arith.constant 16 : i32
        %parallel_loop3A_877 = vector.broadcast %parallel_loop3A_876 : i32 to vector<16xi32>
        %parallel_loop3A_878 = arith.addi %parallel_loop3A_836, %parallel_loop3A_877 : vector<16xi32>
        %parallel_loop3A_879 = arith.select %parallel_loop3A_875, %parallel_loop3A_878, %parallel_loop3A_836 : vector<16xi1>, vector<16xi32>
        %parallel_loop3A_880 = vector.shape_cast %parallel_loop3A_879 : vector<16xi32> to vector<16x1xi32>
        %parallel_loop3A_881 = vector.shape_cast %parallel_loop3A_880 : vector<16x1xi32> to vector<16xi32>
        %parallel_loop3A_882 = tpu.dynamic_gather %get3A_13[%parallel_loop3A_881] in [0] : vector<16xf32>, vector<16xi32> -> vector<16xf32>
        %parallel_loop3A_883 = arith.constant 0 : i32
        %parallel_loop3A_884 = arith.constant 2 : i32
        %parallel_loop3A_885 = arith.index_cast %parallel_loop3A_883 : i32 to index
        %parallel_loop3A_886 = arith.index_cast %parallel_loop3A_884 : i32 to index
        %parallel_loop3A_887 = arith.index_cast %parallel_loop3A_430 : i32 to index
        %parallel_loop3A_888 = arith.index_cast %parallel_loop3A_446 : i32 to index
        %parallel_loop3A_889 = arith.constant 64 : index
        %parallel_loop3A_890 = tpu.vector_load %arg6[%parallel_loop3A_885, %parallel_loop3A_886, %parallel_loop3A_887, %parallel_loop3A_888, %parallel_loop3A_889] {strides = array<i32>} : memref<2x5x5x8x128xf32, #tpu.memory_space<vmem>>, vector<16xf32>,
        tpu.vector_store %arg6[%parallel_loop3A_885, %parallel_loop3A_886, %parallel_loop3A_887, %parallel_loop3A_888, %parallel_loop3A_889], %parallel_loop3A_882 {strides = array<i32>} : memref<2x5x5x8x128xf32, #tpu.memory_space<vmem>>, vector<16xf32>,
        %parallel_loop3A_891 = arith.constant 0 : i32
        %parallel_loop3A_892 = vector.broadcast %parallel_loop3A_891 : i32 to vector<16xi32>
        %parallel_loop3A_893 = arith.cmpi slt, %parallel_loop3A_836, %parallel_loop3A_892 : vector<16xi32>
        %parallel_loop3A_894 = arith.constant 16 : i32
        %parallel_loop3A_895 = vector.broadcast %parallel_loop3A_894 : i32 to vector<16xi32>
        %parallel_loop3A_896 = arith.addi %parallel_loop3A_836, %parallel_loop3A_895 : vector<16xi32>
        %parallel_loop3A_897 = arith.select %parallel_loop3A_893, %parallel_loop3A_896, %parallel_loop3A_836 : vector<16xi1>, vector<16xi32>
        %parallel_loop3A_898 = vector.shape_cast %parallel_loop3A_897 : vector<16xi32> to vector<16x1xi32>
        %parallel_loop3A_899 = vector.shape_cast %parallel_loop3A_898 : vector<16x1xi32> to vector<16xi32>
        %parallel_loop3A_900 = tpu.dynamic_gather %get3A_17[%parallel_loop3A_899] in [0] : vector<16xf32>, vector<16xi32> -> vector<16xf32>
        %parallel_loop3A_901 = arith.constant 0 : i32
        %parallel_loop3A_902 = arith.constant 3 : i32
        %parallel_loop3A_903 = arith.index_cast %parallel_loop3A_901 : i32 to index
        %parallel_loop3A_904 = arith.index_cast %parallel_loop3A_902 : i32 to index
        %parallel_loop3A_905 = arith.index_cast %parallel_loop3A_430 : i32 to index
        %parallel_loop3A_906 = arith.index_cast %parallel_loop3A_446 : i32 to index
        %parallel_loop3A_907 = arith.constant 64 : index
        %parallel_loop3A_908 = tpu.vector_load %arg6[%parallel_loop3A_903, %parallel_loop3A_904, %parallel_loop3A_905, %parallel_loop3A_906, %parallel_loop3A_907] {strides = array<i32>} : memref<2x5x5x8x128xf32, #tpu.memory_space<vmem>>, vector<16xf32>,
        tpu.vector_store %arg6[%parallel_loop3A_903, %parallel_loop3A_904, %parallel_loop3A_905, %parallel_loop3A_906, %parallel_loop3A_907], %parallel_loop3A_900 {strides = array<i32>} : memref<2x5x5x8x128xf32, #tpu.memory_space<vmem>>, vector<16xf32>,
        %parallel_loop3A_909 = arith.constant 0 : i32
        %parallel_loop3A_910 = vector.broadcast %parallel_loop3A_909 : i32 to vector<16xi32>
        %parallel_loop3A_911 = arith.cmpi slt, %parallel_loop3A_836, %parallel_loop3A_910 : vector<16xi32>
        %parallel_loop3A_912 = arith.constant 16 : i32
        %parallel_loop3A_913 = vector.broadcast %parallel_loop3A_912 : i32 to vector<16xi32>
        %parallel_loop3A_914 = arith.addi %parallel_loop3A_836, %parallel_loop3A_913 : vector<16xi32>
        %parallel_loop3A_915 = arith.select %parallel_loop3A_911, %parallel_loop3A_914, %parallel_loop3A_836 : vector<16xi1>, vector<16xi32>
        %parallel_loop3A_916 = vector.shape_cast %parallel_loop3A_915 : vector<16xi32> to vector<16x1xi32>
        %parallel_loop3A_917 = vector.shape_cast %parallel_loop3A_916 : vector<16x1xi32> to vector<16xi32>
        %parallel_loop3A_918 = tpu.dynamic_gather %get3A_21[%parallel_loop3A_917] in [0] : vector<16xf32>, vector<16xi32> -> vector<16xf32>
        %parallel_loop3A_919 = arith.constant 0 : i32
        %parallel_loop3A_920 = arith.constant 4 : i32
        %parallel_loop3A_921 = arith.index_cast %parallel_loop3A_919 : i32 to index
        %parallel_loop3A_922 = arith.index_cast %parallel_loop3A_920 : i32 to index
        %parallel_loop3A_923 = arith.index_cast %parallel_loop3A_430 : i32 to index
        %parallel_loop3A_924 = arith.index_cast %parallel_loop3A_446 : i32 to index
        %parallel_loop3A_925 = arith.constant 64 : index
        %parallel_loop3A_926 = tpu.vector_load %arg6[%parallel_loop3A_921, %parallel_loop3A_922, %parallel_loop3A_923, %parallel_loop3A_924, %parallel_loop3A_925] {strides = array<i32>} : memref<2x5x5x8x128xf32, #tpu.memory_space<vmem>>, vector<16xf32>,
        tpu.vector_store %arg6[%parallel_loop3A_921, %parallel_loop3A_922, %parallel_loop3A_923, %parallel_loop3A_924, %parallel_loop3A_925], %parallel_loop3A_918 {strides = array<i32>} : memref<2x5x5x8x128xf32, #tpu.memory_space<vmem>>, vector<16xf32>,
        %parallel_loop3A_927 = arith.constant 0 : i32
        %parallel_loop3A_928 = arith.index_cast %parallel_loop3A_927 : i32 to index
        %parallel_loop3A_929 = arith.index_cast %parallel_loop3A_430 : i32 to index
        %parallel_loop3A_930 = arith.index_cast %parallel_loop3A_446 : i32 to index
        %parallel_loop3A_931 = arith.constant 80 : index
        %parallel_loop3A_932 = tpu.vector_load %arg5[%parallel_loop3A_928, %parallel_loop3A_929, %parallel_loop3A_930, %parallel_loop3A_931] {strides = array<i32>} : memref<2x5x8x128xi32, #tpu.memory_space<vmem>>, vector<16xi32>,
        %parallel_loop3A_933 = arith.constant 0 : i32
        %parallel_loop3A_934 = vector.broadcast %parallel_loop3A_933 : i32 to vector<16xi32>
        %parallel_loop3A_935 = arith.cmpi slt, %parallel_loop3A_932, %parallel_loop3A_934 : vector<16xi32>
        %parallel_loop3A_936 = arith.constant 16 : i32
        %parallel_loop3A_937 = vector.broadcast %parallel_loop3A_936 : i32 to vector<16xi32>
        %parallel_loop3A_938 = arith.addi %parallel_loop3A_932, %parallel_loop3A_937 : vector<16xi32>
        %parallel_loop3A_939 = arith.select %parallel_loop3A_935, %parallel_loop3A_938, %parallel_loop3A_932 : vector<16xi1>, vector<16xi32>
        %parallel_loop3A_940 = vector.shape_cast %parallel_loop3A_939 : vector<16xi32> to vector<16x1xi32>
        %parallel_loop3A_941 = vector.shape_cast %parallel_loop3A_940 : vector<16x1xi32> to vector<16xi32>
        %parallel_loop3A_942 = tpu.dynamic_gather %get3A_5[%parallel_loop3A_941] in [0] : vector<16xf32>, vector<16xi32> -> vector<16xf32>
        %parallel_loop3A_943 = arith.constant 0 : i32
        %parallel_loop3A_944 = arith.constant 0 : i32
        %parallel_loop3A_945 = arith.index_cast %parallel_loop3A_943 : i32 to index
        %parallel_loop3A_946 = arith.index_cast %parallel_loop3A_944 : i32 to index
        %parallel_loop3A_947 = arith.index_cast %parallel_loop3A_430 : i32 to index
        %parallel_loop3A_948 = arith.index_cast %parallel_loop3A_446 : i32 to index
        %parallel_loop3A_949 = arith.constant 80 : index
        %parallel_loop3A_950 = tpu.vector_load %arg6[%parallel_loop3A_945, %parallel_loop3A_946, %parallel_loop3A_947, %parallel_loop3A_948, %parallel_loop3A_949] {strides = array<i32>} : memref<2x5x5x8x128xf32, #tpu.memory_space<vmem>>, vector<16xf32>,
        tpu.vector_store %arg6[%parallel_loop3A_945, %parallel_loop3A_946, %parallel_loop3A_947, %parallel_loop3A_948, %parallel_loop3A_949], %parallel_loop3A_942 {strides = array<i32>} : memref<2x5x5x8x128xf32, #tpu.memory_space<vmem>>, vector<16xf32>,
        %parallel_loop3A_951 = arith.constant 0 : i32
        %parallel_loop3A_952 = vector.broadcast %parallel_loop3A_951 : i32 to vector<16xi32>
        %parallel_loop3A_953 = arith.cmpi slt, %parallel_loop3A_932, %parallel_loop3A_952 : vector<16xi32>
        %parallel_loop3A_954 = arith.constant 16 : i32
        %parallel_loop3A_955 = vector.broadcast %parallel_loop3A_954 : i32 to vector<16xi32>
        %parallel_loop3A_956 = arith.addi %parallel_loop3A_932, %parallel_loop3A_955 : vector<16xi32>
        %parallel_loop3A_957 = arith.select %parallel_loop3A_953, %parallel_loop3A_956, %parallel_loop3A_932 : vector<16xi1>, vector<16xi32>
        %parallel_loop3A_958 = vector.shape_cast %parallel_loop3A_957 : vector<16xi32> to vector<16x1xi32>
        %parallel_loop3A_959 = vector.shape_cast %parallel_loop3A_958 : vector<16x1xi32> to vector<16xi32>
        %parallel_loop3A_960 = tpu.dynamic_gather %get3A_9[%parallel_loop3A_959] in [0] : vector<16xf32>, vector<16xi32> -> vector<16xf32>
        %parallel_loop3A_961 = arith.constant 0 : i32
        %parallel_loop3A_962 = arith.constant 1 : i32
        %parallel_loop3A_963 = arith.index_cast %parallel_loop3A_961 : i32 to index
        %parallel_loop3A_964 = arith.index_cast %parallel_loop3A_962 : i32 to index
        %parallel_loop3A_965 = arith.index_cast %parallel_loop3A_430 : i32 to index
        %parallel_loop3A_966 = arith.index_cast %parallel_loop3A_446 : i32 to index
        %parallel_loop3A_967 = arith.constant 80 : index
        %parallel_loop3A_968 = tpu.vector_load %arg6[%parallel_loop3A_963, %parallel_loop3A_964, %parallel_loop3A_965, %parallel_loop3A_966, %parallel_loop3A_967] {strides = array<i32>} : memref<2x5x5x8x128xf32, #tpu.memory_space<vmem>>, vector<16xf32>,
        tpu.vector_store %arg6[%parallel_loop3A_963, %parallel_loop3A_964, %parallel_loop3A_965, %parallel_loop3A_966, %parallel_loop3A_967], %parallel_loop3A_960 {strides = array<i32>} : memref<2x5x5x8x128xf32, #tpu.memory_space<vmem>>, vector<16xf32>,
        %parallel_loop3A_969 = arith.constant 0 : i32
        %parallel_loop3A_970 = vector.broadcast %parallel_loop3A_969 : i32 to vector<16xi32>
        %parallel_loop3A_971 = arith.cmpi slt, %parallel_loop3A_932, %parallel_loop3A_970 : vector<16xi32>
        %parallel_loop3A_972 = arith.constant 16 : i32
        %parallel_loop3A_973 = vector.broadcast %parallel_loop3A_972 : i32 to vector<16xi32>
        %parallel_loop3A_974 = arith.addi %parallel_loop3A_932, %parallel_loop3A_973 : vector<16xi32>
        %parallel_loop3A_975 = arith.select %parallel_loop3A_971, %parallel_loop3A_974, %parallel_loop3A_932 : vector<16xi1>, vector<16xi32>
        %parallel_loop3A_976 = vector.shape_cast %parallel_loop3A_975 : vector<16xi32> to vector<16x1xi32>
        %parallel_loop3A_977 = vector.shape_cast %parallel_loop3A_976 : vector<16x1xi32> to vector<16xi32>
        %parallel_loop3A_978 = tpu.dynamic_gather %get3A_13[%parallel_loop3A_977] in [0] : vector<16xf32>, vector<16xi32> -> vector<16xf32>
        %parallel_loop3A_979 = arith.constant 0 : i32
        %parallel_loop3A_980 = arith.constant 2 : i32
        %parallel_loop3A_981 = arith.index_cast %parallel_loop3A_979 : i32 to index
        %parallel_loop3A_982 = arith.index_cast %parallel_loop3A_980 : i32 to index
        %parallel_loop3A_983 = arith.index_cast %parallel_loop3A_430 : i32 to index
        %parallel_loop3A_984 = arith.index_cast %parallel_loop3A_446 : i32 to index
        %parallel_loop3A_985 = arith.constant 80 : index
        %parallel_loop3A_986 = tpu.vector_load %arg6[%parallel_loop3A_981, %parallel_loop3A_982, %parallel_loop3A_983, %parallel_loop3A_984, %parallel_loop3A_985] {strides = array<i32>} : memref<2x5x5x8x128xf32, #tpu.memory_space<vmem>>, vector<16xf32>,
        tpu.vector_store %arg6[%parallel_loop3A_981, %parallel_loop3A_982, %parallel_loop3A_983, %parallel_loop3A_984, %parallel_loop3A_985], %parallel_loop3A_978 {strides = array<i32>} : memref<2x5x5x8x128xf32, #tpu.memory_space<vmem>>, vector<16xf32>,
        %parallel_loop3A_987 = arith.constant 0 : i32
        %parallel_loop3A_988 = vector.broadcast %parallel_loop3A_987 : i32 to vector<16xi32>
        %parallel_loop3A_989 = arith.cmpi slt, %parallel_loop3A_932, %parallel_loop3A_988 : vector<16xi32>
        %parallel_loop3A_990 = arith.constant 16 : i32
        %parallel_loop3A_991 = vector.broadcast %parallel_loop3A_990 : i32 to vector<16xi32>
        %parallel_loop3A_992 = arith.addi %parallel_loop3A_932, %parallel_loop3A_991 : vector<16xi32>
        %parallel_loop3A_993 = arith.select %parallel_loop3A_989, %parallel_loop3A_992, %parallel_loop3A_932 : vector<16xi1>, vector<16xi32>
        %parallel_loop3A_994 = vector.shape_cast %parallel_loop3A_993 : vector<16xi32> to vector<16x1xi32>
        %parallel_loop3A_995 = vector.shape_cast %parallel_loop3A_994 : vector<16x1xi32> to vector<16xi32>
        %parallel_loop3A_996 = tpu.dynamic_gather %get3A_17[%parallel_loop3A_995] in [0] : vector<16xf32>, vector<16xi32> -> vector<16xf32>
        %parallel_loop3A_997 = arith.constant 0 : i32
        %parallel_loop3A_998 = arith.constant 3 : i32
        %parallel_loop3A_999 = arith.index_cast %parallel_loop3A_997 : i32 to index
        %parallel_loop3A_1000 = arith.index_cast %parallel_loop3A_998 : i32 to index
        %parallel_loop3A_1001 = arith.index_cast %parallel_loop3A_430 : i32 to index
        %parallel_loop3A_1002 = arith.index_cast %parallel_loop3A_446 : i32 to index
        %parallel_loop3A_1003 = arith.constant 80 : index
        %parallel_loop3A_1004 = tpu.vector_load %arg6[%parallel_loop3A_999, %parallel_loop3A_1000, %parallel_loop3A_1001, %parallel_loop3A_1002, %parallel_loop3A_1003] {strides = array<i32>} : memref<2x5x5x8x128xf32, #tpu.memory_space<vmem>>, vector<16xf32>,
        tpu.vector_store %arg6[%parallel_loop3A_999, %parallel_loop3A_1000, %parallel_loop3A_1001, %parallel_loop3A_1002, %parallel_loop3A_1003], %parallel_loop3A_996 {strides = array<i32>} : memref<2x5x5x8x128xf32, #tpu.memory_space<vmem>>, vector<16xf32>,
        %parallel_loop3A_1005 = arith.constant 0 : i32
        %parallel_loop3A_1006 = vector.broadcast %parallel_loop3A_1005 : i32 to vector<16xi32>
        %parallel_loop3A_1007 = arith.cmpi slt, %parallel_loop3A_932, %parallel_loop3A_1006 : vector<16xi32>
        %parallel_loop3A_1008 = arith.constant 16 : i32
        %parallel_loop3A_1009 = vector.broadcast %parallel_loop3A_1008 : i32 to vector<16xi32>
        %parallel_loop3A_1010 = arith.addi %parallel_loop3A_932, %parallel_loop3A_1009 : vector<16xi32>
        %parallel_loop3A_1011 = arith.select %parallel_loop3A_1007, %parallel_loop3A_1010, %parallel_loop3A_932 : vector<16xi1>, vector<16xi32>
        %parallel_loop3A_1012 = vector.shape_cast %parallel_loop3A_1011 : vector<16xi32> to vector<16x1xi32>
        %parallel_loop3A_1013 = vector.shape_cast %parallel_loop3A_1012 : vector<16x1xi32> to vector<16xi32>
        %parallel_loop3A_1014 = tpu.dynamic_gather %get3A_21[%parallel_loop3A_1013] in [0] : vector<16xf32>, vector<16xi32> -> vector<16xf32>
        %parallel_loop3A_1015 = arith.constant 0 : i32
        %parallel_loop3A_1016 = arith.constant 4 : i32
        %parallel_loop3A_1017 = arith.index_cast %parallel_loop3A_1015 : i32 to index
        %parallel_loop3A_1018 = arith.index_cast %parallel_loop3A_1016 : i32 to index
        %parallel_loop3A_1019 = arith.index_cast %parallel_loop3A_430 : i32 to index
        %parallel_loop3A_1020 = arith.index_cast %parallel_loop3A_446 : i32 to index
        %parallel_loop3A_1021 = arith.constant 80 : index
        %parallel_loop3A_1022 = tpu.vector_load %arg6[%parallel_loop3A_1017, %parallel_loop3A_1018, %parallel_loop3A_1019, %parallel_loop3A_1020, %parallel_loop3A_1021] {strides = array<i32>} : memref<2x5x5x8x128xf32, #tpu.memory_space<vmem>>, vector<16xf32>,
        tpu.vector_store %arg6[%parallel_loop3A_1017, %parallel_loop3A_1018, %parallel_loop3A_1019, %parallel_loop3A_1020, %parallel_loop3A_1021], %parallel_loop3A_1014 {strides = array<i32>} : memref<2x5x5x8x128xf32, #tpu.memory_space<vmem>>, vector<16xf32>,
        %parallel_loop3A_1023 = arith.constant 0 : i32
        %parallel_loop3A_1024 = arith.index_cast %parallel_loop3A_1023 : i32 to index
        %parallel_loop3A_1025 = arith.index_cast %parallel_loop3A_430 : i32 to index
        %parallel_loop3A_1026 = arith.index_cast %parallel_loop3A_446 : i32 to index
        %parallel_loop3A_1027 = arith.constant 96 : index
        %parallel_loop3A_1028 = tpu.vector_load %arg5[%parallel_loop3A_1024, %parallel_loop3A_1025, %parallel_loop3A_1026, %parallel_loop3A_1027] {strides = array<i32>} : memref<2x5x8x128xi32, #tpu.memory_space<vmem>>, vector<16xi32>,
        %parallel_loop3A_1029 = arith.constant 0 : i32
        %parallel_loop3A_1030 = vector.broadcast %parallel_loop3A_1029 : i32 to vector<16xi32>
        %parallel_loop3A_1031 = arith.cmpi slt, %parallel_loop3A_1028, %parallel_loop3A_1030 : vector<16xi32>
        %parallel_loop3A_1032 = arith.constant 16 : i32
        %parallel_loop3A_1033 = vector.broadcast %parallel_loop3A_1032 : i32 to vector<16xi32>
        %parallel_loop3A_1034 = arith.addi %parallel_loop3A_1028, %parallel_loop3A_1033 : vector<16xi32>
        %parallel_loop3A_1035 = arith.select %parallel_loop3A_1031, %parallel_loop3A_1034, %parallel_loop3A_1028 : vector<16xi1>, vector<16xi32>
        %parallel_loop3A_1036 = vector.shape_cast %parallel_loop3A_1035 : vector<16xi32> to vector<16x1xi32>
        %parallel_loop3A_1037 = vector.shape_cast %parallel_loop3A_1036 : vector<16x1xi32> to vector<16xi32>
        %parallel_loop3A_1038 = tpu.dynamic_gather %get3A_5[%parallel_loop3A_1037] in [0] : vector<16xf32>, vector<16xi32> -> vector<16xf32>
        %parallel_loop3A_1039 = arith.constant 0 : i32
        %parallel_loop3A_1040 = arith.constant 0 : i32
        %parallel_loop3A_1041 = arith.index_cast %parallel_loop3A_1039 : i32 to index
        %parallel_loop3A_1042 = arith.index_cast %parallel_loop3A_1040 : i32 to index
        %parallel_loop3A_1043 = arith.index_cast %parallel_loop3A_430 : i32 to index
        %parallel_loop3A_1044 = arith.index_cast %parallel_loop3A_446 : i32 to index
        %parallel_loop3A_1045 = arith.constant 96 : index
        %parallel_loop3A_1046 = tpu.vector_load %arg6[%parallel_loop3A_1041, %parallel_loop3A_1042, %parallel_loop3A_1043, %parallel_loop3A_1044, %parallel_loop3A_1045] {strides = array<i32>} : memref<2x5x5x8x128xf32, #tpu.memory_space<vmem>>, vector<16xf32>,
        tpu.vector_store %arg6[%parallel_loop3A_1041, %parallel_loop3A_1042, %parallel_loop3A_1043, %parallel_loop3A_1044, %parallel_loop3A_1045], %parallel_loop3A_1038 {strides = array<i32>} : memref<2x5x5x8x128xf32, #tpu.memory_space<vmem>>, vector<16xf32>,
        %parallel_loop3A_1047 = arith.constant 0 : i32
        %parallel_loop3A_1048 = vector.broadcast %parallel_loop3A_1047 : i32 to vector<16xi32>
        %parallel_loop3A_1049 = arith.cmpi slt, %parallel_loop3A_1028, %parallel_loop3A_1048 : vector<16xi32>
        %parallel_loop3A_1050 = arith.constant 16 : i32
        %parallel_loop3A_1051 = vector.broadcast %parallel_loop3A_1050 : i32 to vector<16xi32>
        %parallel_loop3A_1052 = arith.addi %parallel_loop3A_1028, %parallel_loop3A_1051 : vector<16xi32>
        %parallel_loop3A_1053 = arith.select %parallel_loop3A_1049, %parallel_loop3A_1052, %parallel_loop3A_1028 : vector<16xi1>, vector<16xi32>
        %parallel_loop3A_1054 = vector.shape_cast %parallel_loop3A_1053 : vector<16xi32> to vector<16x1xi32>
        %parallel_loop3A_1055 = vector.shape_cast %parallel_loop3A_1054 : vector<16x1xi32> to vector<16xi32>
        %parallel_loop3A_1056 = tpu.dynamic_gather %get3A_9[%parallel_loop3A_1055] in [0] : vector<16xf32>, vector<16xi32> -> vector<16xf32>
        %parallel_loop3A_1057 = arith.constant 0 : i32
        %parallel_loop3A_1058 = arith.constant 1 : i32
        %parallel_loop3A_1059 = arith.index_cast %parallel_loop3A_1057 : i32 to index
        %parallel_loop3A_1060 = arith.index_cast %parallel_loop3A_1058 : i32 to index
        %parallel_loop3A_1061 = arith.index_cast %parallel_loop3A_430 : i32 to index
        %parallel_loop3A_1062 = arith.index_cast %parallel_loop3A_446 : i32 to index
        %parallel_loop3A_1063 = arith.constant 96 : index
        %parallel_loop3A_1064 = tpu.vector_load %arg6[%parallel_loop3A_1059, %parallel_loop3A_1060, %parallel_loop3A_1061, %parallel_loop3A_1062, %parallel_loop3A_1063] {strides = array<i32>} : memref<2x5x5x8x128xf32, #tpu.memory_space<vmem>>, vector<16xf32>,
        tpu.vector_store %arg6[%parallel_loop3A_1059, %parallel_loop3A_1060, %parallel_loop3A_1061, %parallel_loop3A_1062, %parallel_loop3A_1063], %parallel_loop3A_1056 {strides = array<i32>} : memref<2x5x5x8x128xf32, #tpu.memory_space<vmem>>, vector<16xf32>,
        %parallel_loop3A_1065 = arith.constant 0 : i32
        %parallel_loop3A_1066 = vector.broadcast %parallel_loop3A_1065 : i32 to vector<16xi32>
        %parallel_loop3A_1067 = arith.cmpi slt, %parallel_loop3A_1028, %parallel_loop3A_1066 : vector<16xi32>
        %parallel_loop3A_1068 = arith.constant 16 : i32
        %parallel_loop3A_1069 = vector.broadcast %parallel_loop3A_1068 : i32 to vector<16xi32>
        %parallel_loop3A_1070 = arith.addi %parallel_loop3A_1028, %parallel_loop3A_1069 : vector<16xi32>
        %parallel_loop3A_1071 = arith.select %parallel_loop3A_1067, %parallel_loop3A_1070, %parallel_loop3A_1028 : vector<16xi1>, vector<16xi32>
        %parallel_loop3A_1072 = vector.shape_cast %parallel_loop3A_1071 : vector<16xi32> to vector<16x1xi32>
        %parallel_loop3A_1073 = vector.shape_cast %parallel_loop3A_1072 : vector<16x1xi32> to vector<16xi32>
        %parallel_loop3A_1074 = tpu.dynamic_gather %get3A_13[%parallel_loop3A_1073] in [0] : vector<16xf32>, vector<16xi32> -> vector<16xf32>
        %parallel_loop3A_1075 = arith.constant 0 : i32
        %parallel_loop3A_1076 = arith.constant 2 : i32
        %parallel_loop3A_1077 = arith.index_cast %parallel_loop3A_1075 : i32 to index
        %parallel_loop3A_1078 = arith.index_cast %parallel_loop3A_1076 : i32 to index
        %parallel_loop3A_1079 = arith.index_cast %parallel_loop3A_430 : i32 to index
        %parallel_loop3A_1080 = arith.index_cast %parallel_loop3A_446 : i32 to index
        %parallel_loop3A_1081 = arith.constant 96 : index
        %parallel_loop3A_1082 = tpu.vector_load %arg6[%parallel_loop3A_1077, %parallel_loop3A_1078, %parallel_loop3A_1079, %parallel_loop3A_1080, %parallel_loop3A_1081] {strides = array<i32>} : memref<2x5x5x8x128xf32, #tpu.memory_space<vmem>>, vector<16xf32>,
        tpu.vector_store %arg6[%parallel_loop3A_1077, %parallel_loop3A_1078, %parallel_loop3A_1079, %parallel_loop3A_1080, %parallel_loop3A_1081], %parallel_loop3A_1074 {strides = array<i32>} : memref<2x5x5x8x128xf32, #tpu.memory_space<vmem>>, vector<16xf32>,
        %parallel_loop3A_1083 = arith.constant 0 : i32
        %parallel_loop3A_1084 = vector.broadcast %parallel_loop3A_1083 : i32 to vector<16xi32>
        %parallel_loop3A_1085 = arith.cmpi slt, %parallel_loop3A_1028, %parallel_loop3A_1084 : vector<16xi32>
        %parallel_loop3A_1086 = arith.constant 16 : i32
        %parallel_loop3A_1087 = vector.broadcast %parallel_loop3A_1086 : i32 to vector<16xi32>
        %parallel_loop3A_1088 = arith.addi %parallel_loop3A_1028, %parallel_loop3A_1087 : vector<16xi32>
        %parallel_loop3A_1089 = arith.select %parallel_loop3A_1085, %parallel_loop3A_1088, %parallel_loop3A_1028 : vector<16xi1>, vector<16xi32>
        %parallel_loop3A_1090 = vector.shape_cast %parallel_loop3A_1089 : vector<16xi32> to vector<16x1xi32>
        %parallel_loop3A_1091 = vector.shape_cast %parallel_loop3A_1090 : vector<16x1xi32> to vector<16xi32>
        %parallel_loop3A_1092 = tpu.dynamic_gather %get3A_17[%parallel_loop3A_1091] in [0] : vector<16xf32>, vector<16xi32> -> vector<16xf32>
        %parallel_loop3A_1093 = arith.constant 0 : i32
        %parallel_loop3A_1094 = arith.constant 3 : i32
        %parallel_loop3A_1095 = arith.index_cast %parallel_loop3A_1093 : i32 to index
        %parallel_loop3A_1096 = arith.index_cast %parallel_loop3A_1094 : i32 to index
        %parallel_loop3A_1097 = arith.index_cast %parallel_loop3A_430 : i32 to index
        %parallel_loop3A_1098 = arith.index_cast %parallel_loop3A_446 : i32 to index
        %parallel_loop3A_1099 = arith.constant 96 : index
        %parallel_loop3A_1100 = tpu.vector_load %arg6[%parallel_loop3A_1095, %parallel_loop3A_1096, %parallel_loop3A_1097, %parallel_loop3A_1098, %parallel_loop3A_1099] {strides = array<i32>} : memref<2x5x5x8x128xf32, #tpu.memory_space<vmem>>, vector<16xf32>,
        tpu.vector_store %arg6[%parallel_loop3A_1095, %parallel_loop3A_1096, %parallel_loop3A_1097, %parallel_loop3A_1098, %parallel_loop3A_1099], %parallel_loop3A_1092 {strides = array<i32>} : memref<2x5x5x8x128xf32, #tpu.memory_space<vmem>>, vector<16xf32>,
        %parallel_loop3A_1101 = arith.constant 0 : i32
        %parallel_loop3A_1102 = vector.broadcast %parallel_loop3A_1101 : i32 to vector<16xi32>
        %parallel_loop3A_1103 = arith.cmpi slt, %parallel_loop3A_1028, %parallel_loop3A_1102 : vector<16xi32>
        %parallel_loop3A_1104 = arith.constant 16 : i32
        %parallel_loop3A_1105 = vector.broadcast %parallel_loop3A_1104 : i32 to vector<16xi32>
        %parallel_loop3A_1106 = arith.addi %parallel_loop3A_1028, %parallel_loop3A_1105 : vector<16xi32>
        %parallel_loop3A_1107 = arith.select %parallel_loop3A_1103, %parallel_loop3A_1106, %parallel_loop3A_1028 : vector<16xi1>, vector<16xi32>
        %parallel_loop3A_1108 = vector.shape_cast %parallel_loop3A_1107 : vector<16xi32> to vector<16x1xi32>
        %parallel_loop3A_1109 = vector.shape_cast %parallel_loop3A_1108 : vector<16x1xi32> to vector<16xi32>
        %parallel_loop3A_1110 = tpu.dynamic_gather %get3A_21[%parallel_loop3A_1109] in [0] : vector<16xf32>, vector<16xi32> -> vector<16xf32>
        %parallel_loop3A_1111 = arith.constant 0 : i32
        %parallel_loop3A_1112 = arith.constant 4 : i32
        %parallel_loop3A_1113 = arith.index_cast %parallel_loop3A_1111 : i32 to index
        %parallel_loop3A_1114 = arith.index_cast %parallel_loop3A_1112 : i32 to index
        %parallel_loop3A_1115 = arith.index_cast %parallel_loop3A_430 : i32 to index
        %parallel_loop3A_1116 = arith.index_cast %parallel_loop3A_446 : i32 to index
        %parallel_loop3A_1117 = arith.constant 96 : index
        %parallel_loop3A_1118 = tpu.vector_load %arg6[%parallel_loop3A_1113, %parallel_loop3A_1114, %parallel_loop3A_1115, %parallel_loop3A_1116, %parallel_loop3A_1117] {strides = array<i32>} : memref<2x5x5x8x128xf32, #tpu.memory_space<vmem>>, vector<16xf32>,
        tpu.vector_store %arg6[%parallel_loop3A_1113, %parallel_loop3A_1114, %parallel_loop3A_1115, %parallel_loop3A_1116, %parallel_loop3A_1117], %parallel_loop3A_1110 {strides = array<i32>} : memref<2x5x5x8x128xf32, #tpu.memory_space<vmem>>, vector<16xf32>,
        %parallel_loop3A_1119 = arith.constant 0 : i32
        %parallel_loop3A_1120 = arith.index_cast %parallel_loop3A_1119 : i32 to index
        %parallel_loop3A_1121 = arith.index_cast %parallel_loop3A_430 : i32 to index
        %parallel_loop3A_1122 = arith.index_cast %parallel_loop3A_446 : i32 to index
        %parallel_loop3A_1123 = arith.constant 112 : index
        %parallel_loop3A_1124 = tpu.vector_load %arg5[%parallel_loop3A_1120, %parallel_loop3A_1121, %parallel_loop3A_1122, %parallel_loop3A_1123] {strides = array<i32>} : memref<2x5x8x128xi32, #tpu.memory_space<vmem>>, vector<16xi32>,
        %parallel_loop3A_1125 = arith.constant 0 : i32
        %parallel_loop3A_1126 = vector.broadcast %parallel_loop3A_1125 : i32 to vector<16xi32>
        %parallel_loop3A_1127 = arith.cmpi slt, %parallel_loop3A_1124, %parallel_loop3A_1126 : vector<16xi32>
        %parallel_loop3A_1128 = arith.constant 16 : i32
        %parallel_loop3A_1129 = vector.broadcast %parallel_loop3A_1128 : i32 to vector<16xi32>
        %parallel_loop3A_1130 = arith.addi %parallel_loop3A_1124, %parallel_loop3A_1129 : vector<16xi32>
        %parallel_loop3A_1131 = arith.select %parallel_loop3A_1127, %parallel_loop3A_1130, %parallel_loop3A_1124 : vector<16xi1>, vector<16xi32>
        %parallel_loop3A_1132 = vector.shape_cast %parallel_loop3A_1131 : vector<16xi32> to vector<16x1xi32>
        %parallel_loop3A_1133 = vector.shape_cast %parallel_loop3A_1132 : vector<16x1xi32> to vector<16xi32>
        %parallel_loop3A_1134 = tpu.dynamic_gather %get3A_5[%parallel_loop3A_1133] in [0] : vector<16xf32>, vector<16xi32> -> vector<16xf32>
        %parallel_loop3A_1135 = arith.constant 0 : i32
        %parallel_loop3A_1136 = arith.constant 0 : i32
        %parallel_loop3A_1137 = arith.index_cast %parallel_loop3A_1135 : i32 to index
        %parallel_loop3A_1138 = arith.index_cast %parallel_loop3A_1136 : i32 to index
        %parallel_loop3A_1139 = arith.index_cast %parallel_loop3A_430 : i32 to index
        %parallel_loop3A_1140 = arith.index_cast %parallel_loop3A_446 : i32 to index
        %parallel_loop3A_1141 = arith.constant 112 : index
        %parallel_loop3A_1142 = tpu.vector_load %arg6[%parallel_loop3A_1137, %parallel_loop3A_1138, %parallel_loop3A_1139, %parallel_loop3A_1140, %parallel_loop3A_1141] {strides = array<i32>} : memref<2x5x5x8x128xf32, #tpu.memory_space<vmem>>, vector<16xf32>,
        tpu.vector_store %arg6[%parallel_loop3A_1137, %parallel_loop3A_1138, %parallel_loop3A_1139, %parallel_loop3A_1140, %parallel_loop3A_1141], %parallel_loop3A_1134 {strides = array<i32>} : memref<2x5x5x8x128xf32, #tpu.memory_space<vmem>>, vector<16xf32>,
        %parallel_loop3A_1143 = arith.constant 0 : i32
        %parallel_loop3A_1144 = vector.broadcast %parallel_loop3A_1143 : i32 to vector<16xi32>
        %parallel_loop3A_1145 = arith.cmpi slt, %parallel_loop3A_1124, %parallel_loop3A_1144 : vector<16xi32>
        %parallel_loop3A_1146 = arith.constant 16 : i32
        %parallel_loop3A_1147 = vector.broadcast %parallel_loop3A_1146 : i32 to vector<16xi32>
        %parallel_loop3A_1148 = arith.addi %parallel_loop3A_1124, %parallel_loop3A_1147 : vector<16xi32>
        %parallel_loop3A_1149 = arith.select %parallel_loop3A_1145, %parallel_loop3A_1148, %parallel_loop3A_1124 : vector<16xi1>, vector<16xi32>
        %parallel_loop3A_1150 = vector.shape_cast %parallel_loop3A_1149 : vector<16xi32> to vector<16x1xi32>
        %parallel_loop3A_1151 = vector.shape_cast %parallel_loop3A_1150 : vector<16x1xi32> to vector<16xi32>
        %parallel_loop3A_1152 = tpu.dynamic_gather %get3A_9[%parallel_loop3A_1151] in [0] : vector<16xf32>, vector<16xi32> -> vector<16xf32>
        %parallel_loop3A_1153 = arith.constant 0 : i32
        %parallel_loop3A_1154 = arith.constant 1 : i32
        %parallel_loop3A_1155 = arith.index_cast %parallel_loop3A_1153 : i32 to index
        %parallel_loop3A_1156 = arith.index_cast %parallel_loop3A_1154 : i32 to index
        %parallel_loop3A_1157 = arith.index_cast %parallel_loop3A_430 : i32 to index
        %parallel_loop3A_1158 = arith.index_cast %parallel_loop3A_446 : i32 to index
        %parallel_loop3A_1159 = arith.constant 112 : index
        %parallel_loop3A_1160 = tpu.vector_load %arg6[%parallel_loop3A_1155, %parallel_loop3A_1156, %parallel_loop3A_1157, %parallel_loop3A_1158, %parallel_loop3A_1159] {strides = array<i32>} : memref<2x5x5x8x128xf32, #tpu.memory_space<vmem>>, vector<16xf32>,
        tpu.vector_store %arg6[%parallel_loop3A_1155, %parallel_loop3A_1156, %parallel_loop3A_1157, %parallel_loop3A_1158, %parallel_loop3A_1159], %parallel_loop3A_1152 {strides = array<i32>} : memref<2x5x5x8x128xf32, #tpu.memory_space<vmem>>, vector<16xf32>,
        %parallel_loop3A_1161 = arith.constant 0 : i32
        %parallel_loop3A_1162 = vector.broadcast %parallel_loop3A_1161 : i32 to vector<16xi32>
        %parallel_loop3A_1163 = arith.cmpi slt, %parallel_loop3A_1124, %parallel_loop3A_1162 : vector<16xi32>
        %parallel_loop3A_1164 = arith.constant 16 : i32
        %parallel_loop3A_1165 = vector.broadcast %parallel_loop3A_1164 : i32 to vector<16xi32>
        %parallel_loop3A_1166 = arith.addi %parallel_loop3A_1124, %parallel_loop3A_1165 : vector<16xi32>
        %parallel_loop3A_1167 = arith.select %parallel_loop3A_1163, %parallel_loop3A_1166, %parallel_loop3A_1124 : vector<16xi1>, vector<16xi32>
        %parallel_loop3A_1168 = vector.shape_cast %parallel_loop3A_1167 : vector<16xi32> to vector<16x1xi32>
        %parallel_loop3A_1169 = vector.shape_cast %parallel_loop3A_1168 : vector<16x1xi32> to vector<16xi32>
        %parallel_loop3A_1170 = tpu.dynamic_gather %get3A_13[%parallel_loop3A_1169] in [0] : vector<16xf32>, vector<16xi32> -> vector<16xf32>
        %parallel_loop3A_1171 = arith.constant 0 : i32
        %parallel_loop3A_1172 = arith.constant 2 : i32
        %parallel_loop3A_1173 = arith.index_cast %parallel_loop3A_1171 : i32 to index
        %parallel_loop3A_1174 = arith.index_cast %parallel_loop3A_1172 : i32 to index
        %parallel_loop3A_1175 = arith.index_cast %parallel_loop3A_430 : i32 to index
        %parallel_loop3A_1176 = arith.index_cast %parallel_loop3A_446 : i32 to index
        %parallel_loop3A_1177 = arith.constant 112 : index
        %parallel_loop3A_1178 = tpu.vector_load %arg6[%parallel_loop3A_1173, %parallel_loop3A_1174, %parallel_loop3A_1175, %parallel_loop3A_1176, %parallel_loop3A_1177] {strides = array<i32>} : memref<2x5x5x8x128xf32, #tpu.memory_space<vmem>>, vector<16xf32>,
        tpu.vector_store %arg6[%parallel_loop3A_1173, %parallel_loop3A_1174, %parallel_loop3A_1175, %parallel_loop3A_1176, %parallel_loop3A_1177], %parallel_loop3A_1170 {strides = array<i32>} : memref<2x5x5x8x128xf32, #tpu.memory_space<vmem>>, vector<16xf32>,
        %parallel_loop3A_1179 = arith.constant 0 : i32
        %parallel_loop3A_1180 = vector.broadcast %parallel_loop3A_1179 : i32 to vector<16xi32>
        %parallel_loop3A_1181 = arith.cmpi slt, %parallel_loop3A_1124, %parallel_loop3A_1180 : vector<16xi32>
        %parallel_loop3A_1182 = arith.constant 16 : i32
        %parallel_loop3A_1183 = vector.broadcast %parallel_loop3A_1182 : i32 to vector<16xi32>
        %parallel_loop3A_1184 = arith.addi %parallel_loop3A_1124, %parallel_loop3A_1183 : vector<16xi32>
        %parallel_loop3A_1185 = arith.select %parallel_loop3A_1181, %parallel_loop3A_1184, %parallel_loop3A_1124 : vector<16xi1>, vector<16xi32>
        %parallel_loop3A_1186 = vector.shape_cast %parallel_loop3A_1185 : vector<16xi32> to vector<16x1xi32>
        %parallel_loop3A_1187 = vector.shape_cast %parallel_loop3A_1186 : vector<16x1xi32> to vector<16xi32>
        %parallel_loop3A_1188 = tpu.dynamic_gather %get3A_17[%parallel_loop3A_1187] in [0] : vector<16xf32>, vector<16xi32> -> vector<16xf32>
        %parallel_loop3A_1189 = arith.constant 0 : i32
        %parallel_loop3A_1190 = arith.constant 3 : i32
        %parallel_loop3A_1191 = arith.index_cast %parallel_loop3A_1189 : i32 to index
        %parallel_loop3A_1192 = arith.index_cast %parallel_loop3A_1190 : i32 to index
        %parallel_loop3A_1193 = arith.index_cast %parallel_loop3A_430 : i32 to index
        %parallel_loop3A_1194 = arith.index_cast %parallel_loop3A_446 : i32 to index
        %parallel_loop3A_1195 = arith.constant 112 : index
        %parallel_loop3A_1196 = tpu.vector_load %arg6[%parallel_loop3A_1191, %parallel_loop3A_1192, %parallel_loop3A_1193, %parallel_loop3A_1194, %parallel_loop3A_1195] {strides = array<i32>} : memref<2x5x5x8x128xf32, #tpu.memory_space<vmem>>, vector<16xf32>,
        tpu.vector_store %arg6[%parallel_loop3A_1191, %parallel_loop3A_1192, %parallel_loop3A_1193, %parallel_loop3A_1194, %parallel_loop3A_1195], %parallel_loop3A_1188 {strides = array<i32>} : memref<2x5x5x8x128xf32, #tpu.memory_space<vmem>>, vector<16xf32>,
        %parallel_loop3A_1197 = arith.constant 0 : i32
        %parallel_loop3A_1198 = vector.broadcast %parallel_loop3A_1197 : i32 to vector<16xi32>
        %parallel_loop3A_1199 = arith.cmpi slt, %parallel_loop3A_1124, %parallel_loop3A_1198 : vector<16xi32>
        %parallel_loop3A_1200 = arith.constant 16 : i32
        %parallel_loop3A_1201 = vector.broadcast %parallel_loop3A_1200 : i32 to vector<16xi32>
        %parallel_loop3A_1202 = arith.addi %parallel_loop3A_1124, %parallel_loop3A_1201 : vector<16xi32>
        %parallel_loop3A_1203 = arith.select %parallel_loop3A_1199, %parallel_loop3A_1202, %parallel_loop3A_1124 : vector<16xi1>, vector<16xi32>
        %parallel_loop3A_1204 = vector.shape_cast %parallel_loop3A_1203 : vector<16xi32> to vector<16x1xi32>
        %parallel_loop3A_1205 = vector.shape_cast %parallel_loop3A_1204 : vector<16x1xi32> to vector<16xi32>
        %parallel_loop3A_1206 = tpu.dynamic_gather %get3A_21[%parallel_loop3A_1205] in [0] : vector<16xf32>, vector<16xi32> -> vector<16xf32>
        %parallel_loop3A_1207 = arith.constant 0 : i32
        %parallel_loop3A_1208 = arith.constant 4 : i32
        %parallel_loop3A_1209 = arith.index_cast %parallel_loop3A_1207 : i32 to index
        %parallel_loop3A_1210 = arith.index_cast %parallel_loop3A_1208 : i32 to index
        %parallel_loop3A_1211 = arith.index_cast %parallel_loop3A_430 : i32 to index
        %parallel_loop3A_1212 = arith.index_cast %parallel_loop3A_446 : i32 to index
        %parallel_loop3A_1213 = arith.constant 112 : index
        %parallel_loop3A_1214 = tpu.vector_load %arg6[%parallel_loop3A_1209, %parallel_loop3A_1210, %parallel_loop3A_1211, %parallel_loop3A_1212, %parallel_loop3A_1213] {strides = array<i32>} : memref<2x5x5x8x128xf32, #tpu.memory_space<vmem>>, vector<16xf32>,
        tpu.vector_store %arg6[%parallel_loop3A_1209, %parallel_loop3A_1210, %parallel_loop3A_1211, %parallel_loop3A_1212, %parallel_loop3A_1213], %parallel_loop3A_1206 {strides = array<i32>} : memref<2x5x5x8x128xf32, #tpu.memory_space<vmem>>, vector<16xf32>,
      } {sc.loop_unroll_factor = 4 : i64, sc.parallel_access}
      %jit3A_186 = arith.constant 5 : i32
      %div3A_187 = arith.divsi %add3A_129, %jit3A_186 : i32
      %sign3A_188 = arith.constant 0 : i32
      %sign3A_189 = arith.cmpi sgt, %add3A_129, %sign3A_188 : i32
      %sign3A_190 = arith.extui %sign3A_189 : i1 to i32
      %sign3A_191 = arith.constant 0 : i32
      %sign3A_192 = arith.cmpi slt, %add3A_129, %sign3A_191 : i32
      %sign3A_193 = arith.extui %sign3A_192 : i1 to i32
      %sign3A_194 = arith.subi %sign3A_190, %sign3A_193 : i32
      %sign3A_195 = arith.constant 0 : i32
      %sign3A_196 = arith.cmpi sgt, %jit3A_186, %sign3A_195 : i32
      %sign3A_197 = arith.extui %sign3A_196 : i1 to i32
      %sign3A_198 = arith.constant 0 : i32
      %sign3A_199 = arith.cmpi slt, %jit3A_186, %sign3A_198 : i32
      %sign3A_200 = arith.extui %sign3A_199 : i1 to i32
      %sign3A_201 = arith.subi %sign3A_197, %sign3A_200 : i32
      %ne3A_202 = arith.cmpi ne, %sign3A_194, %sign3A_201 : i32
      %rem3A_203 = arith.remsi %add3A_129, %jit3A_186 : i32
      %ne3A_204 = arith.constant 0 : i32
      %ne3A_205 = arith.cmpi ne, %rem3A_203, %ne3A_204 : i32
      %and3A_206 = arith.andi %ne3A_202, %ne3A_205 : i1
      %sub3A_207 = arith.constant 1 : i32
      %sub3A_208 = arith.subi %div3A_187, %sub3A_207 : i32
      %select_n3A_209 = arith.select %and3A_206, %sub3A_208, %div3A_187 : i32
      %add3A_210 = arith.addi %mul3A_2, %select_n3A_209 : i32
      %jit3A_211 = arith.constant 5 : i32
      %eq3A_212 = arith.constant 0 : i32
      %eq3A_213 = arith.cmpi eq, %jit3A_211, %eq3A_212 : i32
      %jit3A_214 = arith.constant 1 : i32
      %select_n3A_215 = arith.select %eq3A_213, %jit3A_214, %jit3A_211 : i32
      %rem3A_216 = arith.remsi %add3A_129, %select_n3A_215 : i32
      %ne3A_217 = arith.constant 0 : i32
      %ne3A_218 = arith.cmpi ne, %rem3A_216, %ne3A_217 : i32
      %lt3A_219 = arith.constant 0 : i32
      %lt3A_220 = arith.cmpi slt, %rem3A_216, %lt3A_219 : i32
      %lt3A_221 = arith.constant 0 : i32
      %lt3A_222 = arith.cmpi slt, %select_n3A_215, %lt3A_221 : i32
      %ne3A_223 = arith.xori %lt3A_220, %lt3A_222 : i1
      %and3A_224 = arith.andi %ne3A_223, %ne3A_218 : i1
      %add3A_225 = arith.addi %rem3A_216, %select_n3A_215 : i32
      %select_n3A_226 = arith.select %and3A_224, %add3A_225, %rem3A_216 : i32
      %mul3A_227 = arith.constant 5 : i32
      %mul3A_228 = arith.muli %select_n3A_226, %mul3A_227 : i32
      %dma_start3A_229 = arith.constant 0 : i32
      %dma_start3A_230 = arith.constant 0 : i32
      %dma_start3A_231 = arith.constant 0 : i32
      %dma_start3A_232 = arith.constant 0 : i32
      %dma_start3A_233 = arith.constant 0 : i32
      %dma_start3A_234 = tpu.memref_slice %arg6[%dma_start3A_229, %dma_start3A_230, %dma_start3A_231, %dma_start3A_232, %dma_start3A_233] : memref<2x5x5x8x128xf32, #tpu.memory_space<vmem>> -> memref<1x5x5x8x128xf32, #tpu.memory_space<vmem>>
      %dma_start3A_235 = tpu.memref_squeeze %dma_start3A_234 : memref<1x5x5x8x128xf32, #tpu.memory_space<vmem>> -> memref<5x5x8x128xf32, #tpu.memory_space<vmem>>
      %dma_start3A_236 = arith.constant 0 : i32
      %dma_start3A_237 = arith.constant 0 : i32
      %dma_start3A_238 = arith.constant 0 : i32
      %dma_start3A_239 = tpu.memref_slice %arg4[%dma_start3A_236, %mul3A_228, %add3A_210, %dma_start3A_237, %dma_start3A_238] : memref<5x25x128x8x128xf32, #tpu.memory_space<hbm>> -> memref<5x5x1x8x128xf32, #tpu.memory_space<hbm>>
      %dma_start3A_240 = tpu.memref_squeeze %dma_start3A_239 : memref<5x5x1x8x128xf32, #tpu.memory_space<hbm>> -> memref<5x5x8x128xf32, #tpu.memory_space<hbm>>
      %dma_start3A_241 = arith.constant 0 : i32
      %dma_start3A_242 = arith.constant 0 : i32
      %dma_start3A_243 = arith.constant 0 : i32
      %dma_start3A_244 = tpu.memref_slice %arg4[%dma_start3A_241, %mul3A_228, %add3A_210, %dma_start3A_242, %dma_start3A_243] : memref<5x25x128x8x128xf32, #tpu.memory_space<hbm>> -> memref<5x5x1x8x128xf32, #tpu.memory_space<hbm>>
      %dma_start3A_245 = tpu.memref_squeeze %dma_start3A_244 : memref<5x5x1x8x128xf32, #tpu.memory_space<hbm>> -> memref<5x5x8x128xf32, #tpu.memory_space<hbm>>
      %dma_start3A_246 = arith.constant 0 : i32
      %dma_start3A_247 = arith.constant 0 : i32
      %dma_start3A_248 = arith.constant 0 : i32
      %dma_start3A_249 = arith.constant 0 : i32
      %dma_start3A_250 = tpu.memref_slice %arg6[%dma_start3A_229, %dma_start3A_246, %dma_start3A_247, %dma_start3A_248, %dma_start3A_249] : memref<2x5x5x8x128xf32, #tpu.memory_space<vmem>> -> memref<1x5x5x8x128xf32, #tpu.memory_space<vmem>>
      %dma_start3A_251 = tpu.memref_squeeze %dma_start3A_250 : memref<1x5x5x8x128xf32, #tpu.memory_space<vmem>> -> memref<5x5x8x128xf32, #tpu.memory_space<vmem>>
      tpu.enqueue_dma source(%dma_start3A_251 : memref<5x5x8x128xf32, #tpu.memory_space<vmem>>) target(%dma_start3A_245 : memref<5x5x8x128xf32, #tpu.memory_space<hbm>>) target_semaphore(%arg10 : memref<!tpu.dma_semaphore, #tpu.memory_space<semaphore_mem>>)
      %add3A_252 = arith.constant 2 : i32
      %add3A_253 = arith.addi %add3A_129, %add3A_252 : i32
      %lt3A_254 = arith.constant 20 : i32
      %lt3A_255 = arith.cmpi slt, %add3A_253, %lt3A_254 : i32
      %convert_element_type3A_256 = arith.extui %lt3A_255 : i1 to i32
      %cond3A_257 = arith.constant 0 : i32
      %cond3A_258 = arith.cmpi ne, %convert_element_type3A_256, %cond3A_257 : i32
      scf.if %cond3A_258 {
        %add3A_406 = arith.constant 2 : i32
        %add3A_407 = arith.addi %add3A_129, %add3A_406 : i32
        %jit3A_408 = arith.constant 5 : i32
        %div3A_409 = arith.divsi %add3A_407, %jit3A_408 : i32
        %sign3A_410 = arith.constant 0 : i32
        %sign3A_411 = arith.cmpi sgt, %add3A_407, %sign3A_410 : i32
        %sign3A_412 = arith.extui %sign3A_411 : i1 to i32
        %sign3A_413 = arith.constant 0 : i32
        %sign3A_414 = arith.cmpi slt, %add3A_407, %sign3A_413 : i32
        %sign3A_415 = arith.extui %sign3A_414 : i1 to i32
        %sign3A_416 = arith.subi %sign3A_412, %sign3A_415 : i32
        %sign3A_417 = arith.constant 0 : i32
        %sign3A_418 = arith.cmpi sgt, %jit3A_408, %sign3A_417 : i32
        %sign3A_419 = arith.extui %sign3A_418 : i1 to i32
        %sign3A_420 = arith.constant 0 : i32
        %sign3A_421 = arith.cmpi slt, %jit3A_408, %sign3A_420 : i32
        %sign3A_422 = arith.extui %sign3A_421 : i1 to i32
        %sign3A_423 = arith.subi %sign3A_419, %sign3A_422 : i32
        %ne3A_424 = arith.cmpi ne, %sign3A_416, %sign3A_423 : i32
        %rem3A_425 = arith.remsi %add3A_407, %jit3A_408 : i32
        %ne3A_426 = arith.constant 0 : i32
        %ne3A_427 = arith.cmpi ne, %rem3A_425, %ne3A_426 : i32
        %and3A_428 = arith.andi %ne3A_424, %ne3A_427 : i1
        %sub3A_429 = arith.constant 1 : i32
        %sub3A_430 = arith.subi %div3A_409, %sub3A_429 : i32
        %select_n3A_431 = arith.select %and3A_428, %sub3A_430, %div3A_409 : i32
        %add3A_432 = arith.addi %mul3A_2, %select_n3A_431 : i32
        %jit3A_433 = arith.constant 5 : i32
        %eq3A_434 = arith.constant 0 : i32
        %eq3A_435 = arith.cmpi eq, %jit3A_433, %eq3A_434 : i32
        %jit3A_436 = arith.constant 1 : i32
        %select_n3A_437 = arith.select %eq3A_435, %jit3A_436, %jit3A_433 : i32
        %rem3A_438 = arith.remsi %add3A_407, %select_n3A_437 : i32
        %ne3A_439 = arith.constant 0 : i32
        %ne3A_440 = arith.cmpi ne, %rem3A_438, %ne3A_439 : i32
        %lt3A_441 = arith.constant 0 : i32
        %lt3A_442 = arith.cmpi slt, %rem3A_438, %lt3A_441 : i32
        %lt3A_443 = arith.constant 0 : i32
        %lt3A_444 = arith.cmpi slt, %select_n3A_437, %lt3A_443 : i32
        %ne3A_445 = arith.xori %lt3A_442, %lt3A_444 : i1
        %and3A_446 = arith.andi %ne3A_445, %ne3A_440 : i1
        %add3A_447 = arith.addi %rem3A_438, %select_n3A_437 : i32
        %select_n3A_448 = arith.select %and3A_446, %add3A_447, %rem3A_438 : i32
        %mul3A_449 = arith.constant 5 : i32
        %mul3A_450 = arith.muli %select_n3A_448, %mul3A_449 : i32
        %dma_start3A_451 = arith.constant 0 : i32
        %dma_start3A_452 = arith.constant 0 : i32
        %dma_start3A_453 = arith.constant 0 : i32
        %dma_start3A_454 = arith.constant 0 : i32
        %dma_start3A_455 = tpu.memref_slice %arg5[%dma_start3A_451, %dma_start3A_452, %dma_start3A_453, %dma_start3A_454] : memref<2x5x8x128xi32, #tpu.memory_space<vmem>> -> memref<1x5x8x128xi32, #tpu.memory_space<vmem>>
        %dma_start3A_456 = tpu.memref_squeeze %dma_start3A_455 : memref<1x5x8x128xi32, #tpu.memory_space<vmem>> -> memref<5x8x128xi32, #tpu.memory_space<vmem>>
        %dma_start3A_457 = arith.constant 0 : i32
        %dma_start3A_458 = arith.constant 0 : i32
        %dma_start3A_459 = tpu.memref_slice %arg3[%mul3A_450, %add3A_432, %dma_start3A_457, %dma_start3A_458] : memref<25x128x8x128xi32, #tpu.memory_space<hbm>> -> memref<5x1x8x128xi32, #tpu.memory_space<hbm>>
        %dma_start3A_460 = tpu.memref_squeeze %dma_start3A_459 : memref<5x1x8x128xi32, #tpu.memory_space<hbm>> -> memref<5x8x128xi32, #tpu.memory_space<hbm>>
        %dma_start3A_461 = arith.constant 0 : i32
        %dma_start3A_462 = arith.constant 0 : i32
        %dma_start3A_463 = arith.constant 0 : i32
        %dma_start3A_464 = tpu.memref_slice %arg5[%dma_start3A_451, %dma_start3A_461, %dma_start3A_462, %dma_start3A_463] : memref<2x5x8x128xi32, #tpu.memory_space<vmem>> -> memref<1x5x8x128xi32, #tpu.memory_space<vmem>>
        %dma_start3A_465 = tpu.memref_squeeze %dma_start3A_464 : memref<1x5x8x128xi32, #tpu.memory_space<vmem>> -> memref<5x8x128xi32, #tpu.memory_space<vmem>>
        %dma_start3A_466 = arith.constant 0 : i32
        %dma_start3A_467 = arith.constant 0 : i32
        %dma_start3A_468 = tpu.memref_slice %arg3[%mul3A_450, %add3A_432, %dma_start3A_466, %dma_start3A_467] : memref<25x128x8x128xi32, #tpu.memory_space<hbm>> -> memref<5x1x8x128xi32, #tpu.memory_space<hbm>>
        %dma_start3A_469 = tpu.memref_squeeze %dma_start3A_468 : memref<5x1x8x128xi32, #tpu.memory_space<hbm>> -> memref<5x8x128xi32, #tpu.memory_space<hbm>>
        tpu.enqueue_dma source(%dma_start3A_469 : memref<5x8x128xi32, #tpu.memory_space<hbm>>) target(%dma_start3A_465 : memref<5x8x128xi32, #tpu.memory_space<vmem>>) target_semaphore(%arg8 : memref<!tpu.dma_semaphore, #tpu.memory_space<semaphore_mem>>)
      } else {
      }
      %mul3A_259 = arith.constant 2 : i32
      %mul3A_260 = arith.muli %mul3A_259, %scan3A_125 : i32
      %add3A_261 = arith.constant 1 : i32
      %add3A_262 = arith.addi %mul3A_260, %add3A_261 : i32
      %ge3A_263 = arith.constant 2 : i32
      %ge3A_264 = arith.cmpi sge, %add3A_262, %ge3A_263 : i32
      %convert_element_type3A_265 = arith.extui %ge3A_264 : i1 to i32
      %cond3A_266 = arith.constant 0 : i32
      %cond3A_267 = arith.cmpi ne, %convert_element_type3A_265, %cond3A_266 : i32
      scf.if %cond3A_267 {
        %sub3A_406 = arith.constant 2 : i32
        %sub3A_407 = arith.subi %add3A_262, %sub3A_406 : i32
        %jit3A_408 = arith.constant 5 : i32
        %div3A_409 = arith.divsi %sub3A_407, %jit3A_408 : i32
        %sign3A_410 = arith.constant 0 : i32
        %sign3A_411 = arith.cmpi sgt, %sub3A_407, %sign3A_410 : i32
        %sign3A_412 = arith.extui %sign3A_411 : i1 to i32
        %sign3A_413 = arith.constant 0 : i32
        %sign3A_414 = arith.cmpi slt, %sub3A_407, %sign3A_413 : i32
        %sign3A_415 = arith.extui %sign3A_414 : i1 to i32
        %sign3A_416 = arith.subi %sign3A_412, %sign3A_415 : i32
        %sign3A_417 = arith.constant 0 : i32
        %sign3A_418 = arith.cmpi sgt, %jit3A_408, %sign3A_417 : i32
        %sign3A_419 = arith.extui %sign3A_418 : i1 to i32
        %sign3A_420 = arith.constant 0 : i32
        %sign3A_421 = arith.cmpi slt, %jit3A_408, %sign3A_420 : i32
        %sign3A_422 = arith.extui %sign3A_421 : i1 to i32
        %sign3A_423 = arith.subi %sign3A_419, %sign3A_422 : i32
        %ne3A_424 = arith.cmpi ne, %sign3A_416, %sign3A_423 : i32
        %rem3A_425 = arith.remsi %sub3A_407, %jit3A_408 : i32
        %ne3A_426 = arith.constant 0 : i32
        %ne3A_427 = arith.cmpi ne, %rem3A_425, %ne3A_426 : i32
        %and3A_428 = arith.andi %ne3A_424, %ne3A_427 : i1
        %sub3A_429 = arith.constant 1 : i32
        %sub3A_430 = arith.subi %div3A_409, %sub3A_429 : i32
        %select_n3A_431 = arith.select %and3A_428, %sub3A_430, %div3A_409 : i32
        %add3A_432 = arith.addi %mul3A_2, %select_n3A_431 : i32
        %jit3A_433 = arith.constant 5 : i32
        %eq3A_434 = arith.constant 0 : i32
        %eq3A_435 = arith.cmpi eq, %jit3A_433, %eq3A_434 : i32
        %jit3A_436 = arith.constant 1 : i32
        %select_n3A_437 = arith.select %eq3A_435, %jit3A_436, %jit3A_433 : i32
        %rem3A_438 = arith.remsi %sub3A_407, %select_n3A_437 : i32
        %ne3A_439 = arith.constant 0 : i32
        %ne3A_440 = arith.cmpi ne, %rem3A_438, %ne3A_439 : i32
        %lt3A_441 = arith.constant 0 : i32
        %lt3A_442 = arith.cmpi slt, %rem3A_438, %lt3A_441 : i32
        %lt3A_443 = arith.constant 0 : i32
        %lt3A_444 = arith.cmpi slt, %select_n3A_437, %lt3A_443 : i32
        %ne3A_445 = arith.xori %lt3A_442, %lt3A_444 : i1
        %and3A_446 = arith.andi %ne3A_445, %ne3A_440 : i1
        %add3A_447 = arith.addi %rem3A_438, %select_n3A_437 : i32
        %select_n3A_448 = arith.select %and3A_446, %add3A_447, %rem3A_438 : i32
        %mul3A_449 = arith.constant 5 : i32
        %mul3A_450 = arith.muli %select_n3A_448, %mul3A_449 : i32
        %dma_wait3A_451 = arith.constant 1 : i32
        %dma_wait3A_452 = arith.constant 0 : i32
        %dma_wait3A_453 = arith.constant 0 : i32
        %dma_wait3A_454 = arith.constant 0 : i32
        %dma_wait3A_455 = arith.constant 0 : i32
        %dma_wait3A_456 = tpu.memref_slice %arg6[%dma_wait3A_451, %dma_wait3A_452, %dma_wait3A_453, %dma_wait3A_454, %dma_wait3A_455] : memref<2x5x5x8x128xf32, #tpu.memory_space<vmem>> -> memref<1x5x5x8x128xf32, #tpu.memory_space<vmem>>
        %dma_wait3A_457 = tpu.memref_squeeze %dma_wait3A_456 : memref<1x5x5x8x128xf32, #tpu.memory_space<vmem>> -> memref<5x5x8x128xf32, #tpu.memory_space<vmem>>
        %dma_wait3A_458 = arith.constant 0 : i32
        %dma_wait3A_459 = arith.constant 0 : i32
        %dma_wait3A_460 = arith.constant 0 : i32
        %dma_wait3A_461 = tpu.memref_slice %arg4[%dma_wait3A_458, %mul3A_450, %add3A_432, %dma_wait3A_459, %dma_wait3A_460] : memref<5x25x128x8x128xf32, #tpu.memory_space<hbm>> -> memref<5x5x1x8x128xf32, #tpu.memory_space<hbm>>
        %dma_wait3A_462 = tpu.memref_squeeze %dma_wait3A_461 : memref<5x5x1x8x128xf32, #tpu.memory_space<hbm>> -> memref<5x5x8x128xf32, #tpu.memory_space<hbm>>
        %dma_wait3A_463 = arith.constant 0 : i32
        %dma_wait3A_464 = arith.constant 0 : i32
        %dma_wait3A_465 = arith.constant 0 : i32
        %dma_wait3A_466 = tpu.memref_slice %arg4[%dma_wait3A_463, %mul3A_450, %add3A_432, %dma_wait3A_464, %dma_wait3A_465] : memref<5x25x128x8x128xf32, #tpu.memory_space<hbm>> -> memref<5x5x1x8x128xf32, #tpu.memory_space<hbm>>
        %dma_wait3A_467 = tpu.memref_squeeze %dma_wait3A_466 : memref<5x5x1x8x128xf32, #tpu.memory_space<hbm>> -> memref<5x5x8x128xf32, #tpu.memory_space<hbm>>
        %dma_wait3A_468 = arith.constant 0 : i32
        %dma_wait3A_469 = arith.constant 0 : i32
        %dma_wait3A_470 = arith.constant 0 : i32
        %dma_wait3A_471 = arith.constant 0 : i32
        %dma_wait3A_472 = tpu.memref_slice %arg6[%dma_wait3A_451, %dma_wait3A_468, %dma_wait3A_469, %dma_wait3A_470, %dma_wait3A_471] : memref<2x5x5x8x128xf32, #tpu.memory_space<vmem>> -> memref<1x5x5x8x128xf32, #tpu.memory_space<vmem>>
        %dma_wait3A_473 = tpu.memref_squeeze %dma_wait3A_472 : memref<1x5x5x8x128xf32, #tpu.memory_space<vmem>> -> memref<5x5x8x128xf32, #tpu.memory_space<vmem>>
        tpu.wait_dma2 semaphore(%arg11 : memref<!tpu.dma_semaphore, #tpu.memory_space<semaphore_mem>>) src(%dma_wait3A_473 : memref<5x5x8x128xf32, #tpu.memory_space<vmem>>) dst(%dma_wait3A_467 : memref<5x5x8x128xf32, #tpu.memory_space<hbm>>)
      } else {
      }
      %jit3A_268 = arith.constant 5 : i32
      %div3A_269 = arith.divsi %add3A_262, %jit3A_268 : i32
      %sign3A_270 = arith.constant 0 : i32
      %sign3A_271 = arith.cmpi sgt, %add3A_262, %sign3A_270 : i32
      %sign3A_272 = arith.extui %sign3A_271 : i1 to i32
      %sign3A_273 = arith.constant 0 : i32
      %sign3A_274 = arith.cmpi slt, %add3A_262, %sign3A_273 : i32
      %sign3A_275 = arith.extui %sign3A_274 : i1 to i32
      %sign3A_276 = arith.subi %sign3A_272, %sign3A_275 : i32
      %sign3A_277 = arith.constant 0 : i32
      %sign3A_278 = arith.cmpi sgt, %jit3A_268, %sign3A_277 : i32
      %sign3A_279 = arith.extui %sign3A_278 : i1 to i32
      %sign3A_280 = arith.constant 0 : i32
      %sign3A_281 = arith.cmpi slt, %jit3A_268, %sign3A_280 : i32
      %sign3A_282 = arith.extui %sign3A_281 : i1 to i32
      %sign3A_283 = arith.subi %sign3A_279, %sign3A_282 : i32
      %ne3A_284 = arith.cmpi ne, %sign3A_276, %sign3A_283 : i32
      %rem3A_285 = arith.remsi %add3A_262, %jit3A_268 : i32
      %ne3A_286 = arith.constant 0 : i32
      %ne3A_287 = arith.cmpi ne, %rem3A_285, %ne3A_286 : i32
      %and3A_288 = arith.andi %ne3A_284, %ne3A_287 : i1
      %sub3A_289 = arith.constant 1 : i32
      %sub3A_290 = arith.subi %div3A_269, %sub3A_289 : i32
      %select_n3A_291 = arith.select %and3A_288, %sub3A_290, %div3A_269 : i32
      %add3A_292 = arith.addi %mul3A_2, %select_n3A_291 : i32
      %jit3A_293 = arith.constant 5 : i32
      %eq3A_294 = arith.constant 0 : i32
      %eq3A_295 = arith.cmpi eq, %jit3A_293, %eq3A_294 : i32
      %jit3A_296 = arith.constant 1 : i32
      %select_n3A_297 = arith.select %eq3A_295, %jit3A_296, %jit3A_293 : i32
      %rem3A_298 = arith.remsi %add3A_262, %select_n3A_297 : i32
      %ne3A_299 = arith.constant 0 : i32
      %ne3A_300 = arith.cmpi ne, %rem3A_298, %ne3A_299 : i32
      %lt3A_301 = arith.constant 0 : i32
      %lt3A_302 = arith.cmpi slt, %rem3A_298, %lt3A_301 : i32
      %lt3A_303 = arith.constant 0 : i32
      %lt3A_304 = arith.cmpi slt, %select_n3A_297, %lt3A_303 : i32
      %ne3A_305 = arith.xori %lt3A_302, %lt3A_304 : i1
      %and3A_306 = arith.andi %ne3A_305, %ne3A_300 : i1
      %add3A_307 = arith.addi %rem3A_298, %select_n3A_297 : i32
      %select_n3A_308 = arith.select %and3A_306, %add3A_307, %rem3A_298 : i32
      %mul3A_309 = arith.constant 5 : i32
      %mul3A_310 = arith.muli %select_n3A_308, %mul3A_309 : i32
      %dma_wait3A_311 = arith.constant 1 : i32
      %dma_wait3A_312 = arith.constant 0 : i32
      %dma_wait3A_313 = arith.constant 0 : i32
      %dma_wait3A_314 = arith.constant 0 : i32
      %dma_wait3A_315 = tpu.memref_slice %arg5[%dma_wait3A_311, %dma_wait3A_312, %dma_wait3A_313, %dma_wait3A_314] : memref<2x5x8x128xi32, #tpu.memory_space<vmem>> -> memref<1x5x8x128xi32, #tpu.memory_space<vmem>>
      %dma_wait3A_316 = tpu.memref_squeeze %dma_wait3A_315 : memref<1x5x8x128xi32, #tpu.memory_space<vmem>> -> memref<5x8x128xi32, #tpu.memory_space<vmem>>
      %dma_wait3A_317 = arith.constant 0 : i32
      %dma_wait3A_318 = arith.constant 0 : i32
      %dma_wait3A_319 = tpu.memref_slice %arg3[%mul3A_310, %add3A_292, %dma_wait3A_317, %dma_wait3A_318] : memref<25x128x8x128xi32, #tpu.memory_space<hbm>> -> memref<5x1x8x128xi32, #tpu.memory_space<hbm>>
      %dma_wait3A_320 = tpu.memref_squeeze %dma_wait3A_319 : memref<5x1x8x128xi32, #tpu.memory_space<hbm>> -> memref<5x8x128xi32, #tpu.memory_space<hbm>>
      %dma_wait3A_321 = arith.constant 0 : i32
      %dma_wait3A_322 = arith.constant 0 : i32
      %dma_wait3A_323 = arith.constant 0 : i32
      %dma_wait3A_324 = tpu.memref_slice %arg5[%dma_wait3A_311, %dma_wait3A_321, %dma_wait3A_322, %dma_wait3A_323] : memref<2x5x8x128xi32, #tpu.memory_space<vmem>> -> memref<1x5x8x128xi32, #tpu.memory_space<vmem>>
      %dma_wait3A_325 = tpu.memref_squeeze %dma_wait3A_324 : memref<1x5x8x128xi32, #tpu.memory_space<vmem>> -> memref<5x8x128xi32, #tpu.memory_space<vmem>>
      %dma_wait3A_326 = arith.constant 0 : i32
      %dma_wait3A_327 = arith.constant 0 : i32
      %dma_wait3A_328 = tpu.memref_slice %arg3[%mul3A_310, %add3A_292, %dma_wait3A_326, %dma_wait3A_327] : memref<25x128x8x128xi32, #tpu.memory_space<hbm>> -> memref<5x1x8x128xi32, #tpu.memory_space<hbm>>
      %dma_wait3A_329 = tpu.memref_squeeze %dma_wait3A_328 : memref<5x1x8x128xi32, #tpu.memory_space<hbm>> -> memref<5x8x128xi32, #tpu.memory_space<hbm>>
      tpu.wait_dma2 semaphore(%arg9 : memref<!tpu.dma_semaphore, #tpu.memory_space<semaphore_mem>>) src(%dma_wait3A_329 : memref<5x8x128xi32, #tpu.memory_space<hbm>>) dst(%dma_wait3A_325 : memref<5x8x128xi32, #tpu.memory_space<vmem>>)
      %parallel_loop3A_330 = arith.constant 0 : i32
      %parallel_loop3A_331 = arith.constant 40 : i32
      %parallel_loop3A_332 = arith.constant 1 : i32
      scf.for %parallel_loop3A_406 = %parallel_loop3A_330 to %parallel_loop3A_331 step %parallel_loop3A_332  : i32 {
        %parallel_loop3A_407 = arith.constant 8 : i32
        %parallel_loop3A_408 = arith.divsi %parallel_loop3A_406, %parallel_loop3A_407 : i32
        %parallel_loop3A_409 = arith.constant 0 : i32
        %parallel_loop3A_410 = arith.cmpi sgt, %parallel_loop3A_406, %parallel_loop3A_409 : i32
        %parallel_loop3A_411 = arith.extui %parallel_loop3A_410 : i1 to i32
        %parallel_loop3A_412 = arith.constant 0 : i32
        %parallel_loop3A_413 = arith.cmpi slt, %parallel_loop3A_406, %parallel_loop3A_412 : i32
        %parallel_loop3A_414 = arith.extui %parallel_loop3A_413 : i1 to i32
        %parallel_loop3A_415 = arith.subi %parallel_loop3A_411, %parallel_loop3A_414 : i32
        %parallel_loop3A_416 = arith.constant 0 : i32
        %parallel_loop3A_417 = arith.cmpi sgt, %parallel_loop3A_407, %parallel_loop3A_416 : i32
        %parallel_loop3A_418 = arith.extui %parallel_loop3A_417 : i1 to i32
        %parallel_loop3A_419 = arith.constant 0 : i32
        %parallel_loop3A_420 = arith.cmpi slt, %parallel_loop3A_407, %parallel_loop3A_419 : i32
        %parallel_loop3A_421 = arith.extui %parallel_loop3A_420 : i1 to i32
        %parallel_loop3A_422 = arith.subi %parallel_loop3A_418, %parallel_loop3A_421 : i32
        %parallel_loop3A_423 = arith.cmpi ne, %parallel_loop3A_415, %parallel_loop3A_422 : i32
        %parallel_loop3A_424 = arith.remsi %parallel_loop3A_406, %parallel_loop3A_407 : i32
        %parallel_loop3A_425 = arith.constant 0 : i32
        %parallel_loop3A_426 = arith.cmpi ne, %parallel_loop3A_424, %parallel_loop3A_425 : i32
        %parallel_loop3A_427 = arith.andi %parallel_loop3A_423, %parallel_loop3A_426 : i1
        %parallel_loop3A_428 = arith.constant 1 : i32
        %parallel_loop3A_429 = arith.subi %parallel_loop3A_408, %parallel_loop3A_428 : i32
        %parallel_loop3A_430 = arith.select %parallel_loop3A_427, %parallel_loop3A_429, %parallel_loop3A_408 : i32
        %parallel_loop3A_431 = arith.constant 8 : i32
        %parallel_loop3A_432 = arith.constant 0 : i32
        %parallel_loop3A_433 = arith.cmpi eq, %parallel_loop3A_431, %parallel_loop3A_432 : i32
        %parallel_loop3A_434 = arith.constant 1 : i32
        %parallel_loop3A_435 = arith.select %parallel_loop3A_433, %parallel_loop3A_434, %parallel_loop3A_431 : i32
        %parallel_loop3A_436 = arith.remsi %parallel_loop3A_406, %parallel_loop3A_435 : i32
        %parallel_loop3A_437 = arith.constant 0 : i32
        %parallel_loop3A_438 = arith.cmpi ne, %parallel_loop3A_436, %parallel_loop3A_437 : i32
        %parallel_loop3A_439 = arith.constant 0 : i32
        %parallel_loop3A_440 = arith.cmpi slt, %parallel_loop3A_436, %parallel_loop3A_439 : i32
        %parallel_loop3A_441 = arith.constant 0 : i32
        %parallel_loop3A_442 = arith.cmpi slt, %parallel_loop3A_435, %parallel_loop3A_441 : i32
        %parallel_loop3A_443 = arith.xori %parallel_loop3A_440, %parallel_loop3A_442 : i1
        %parallel_loop3A_444 = arith.andi %parallel_loop3A_443, %parallel_loop3A_438 : i1
        %parallel_loop3A_445 = arith.addi %parallel_loop3A_436, %parallel_loop3A_435 : i32
        %parallel_loop3A_446 = arith.select %parallel_loop3A_444, %parallel_loop3A_445, %parallel_loop3A_436 : i32
        %parallel_loop3A_447 = arith.constant 1 : i32
        %parallel_loop3A_448 = arith.index_cast %parallel_loop3A_447 : i32 to index
        %parallel_loop3A_449 = arith.index_cast %parallel_loop3A_430 : i32 to index
        %parallel_loop3A_450 = arith.index_cast %parallel_loop3A_446 : i32 to index
        %parallel_loop3A_451 = arith.constant 0 : index
        %parallel_loop3A_452 = tpu.vector_load %arg5[%parallel_loop3A_448, %parallel_loop3A_449, %parallel_loop3A_450, %parallel_loop3A_451] {strides = array<i32>} : memref<2x5x8x128xi32, #tpu.memory_space<vmem>>, vector<16xi32>,
        %parallel_loop3A_453 = arith.constant 0 : i32
        %parallel_loop3A_454 = vector.broadcast %parallel_loop3A_453 : i32 to vector<16xi32>
        %parallel_loop3A_455 = arith.cmpi slt, %parallel_loop3A_452, %parallel_loop3A_454 : vector<16xi32>
        %parallel_loop3A_456 = arith.constant 16 : i32
        %parallel_loop3A_457 = vector.broadcast %parallel_loop3A_456 : i32 to vector<16xi32>
        %parallel_loop3A_458 = arith.addi %parallel_loop3A_452, %parallel_loop3A_457 : vector<16xi32>
        %parallel_loop3A_459 = arith.select %parallel_loop3A_455, %parallel_loop3A_458, %parallel_loop3A_452 : vector<16xi1>, vector<16xi32>
        %parallel_loop3A_460 = vector.shape_cast %parallel_loop3A_459 : vector<16xi32> to vector<16x1xi32>
        %parallel_loop3A_461 = vector.shape_cast %parallel_loop3A_460 : vector<16x1xi32> to vector<16xi32>
        %parallel_loop3A_462 = tpu.dynamic_gather %get3A_5[%parallel_loop3A_461] in [0] : vector<16xf32>, vector<16xi32> -> vector<16xf32>
        %parallel_loop3A_463 = arith.constant 1 : i32
        %parallel_loop3A_464 = arith.constant 0 : i32
        %parallel_loop3A_465 = arith.index_cast %parallel_loop3A_463 : i32 to index
        %parallel_loop3A_466 = arith.index_cast %parallel_loop3A_464 : i32 to index
        %parallel_loop3A_467 = arith.index_cast %parallel_loop3A_430 : i32 to index
        %parallel_loop3A_468 = arith.index_cast %parallel_loop3A_446 : i32 to index
        %parallel_loop3A_469 = arith.constant 0 : index
        %parallel_loop3A_470 = tpu.vector_load %arg6[%parallel_loop3A_465, %parallel_loop3A_466, %parallel_loop3A_467, %parallel_loop3A_468, %parallel_loop3A_469] {strides = array<i32>} : memref<2x5x5x8x128xf32, #tpu.memory_space<vmem>>, vector<16xf32>,
        tpu.vector_store %arg6[%parallel_loop3A_465, %parallel_loop3A_466, %parallel_loop3A_467, %parallel_loop3A_468, %parallel_loop3A_469], %parallel_loop3A_462 {strides = array<i32>} : memref<2x5x5x8x128xf32, #tpu.memory_space<vmem>>, vector<16xf32>,
        %parallel_loop3A_471 = arith.constant 0 : i32
        %parallel_loop3A_472 = vector.broadcast %parallel_loop3A_471 : i32 to vector<16xi32>
        %parallel_loop3A_473 = arith.cmpi slt, %parallel_loop3A_452, %parallel_loop3A_472 : vector<16xi32>
        %parallel_loop3A_474 = arith.constant 16 : i32
        %parallel_loop3A_475 = vector.broadcast %parallel_loop3A_474 : i32 to vector<16xi32>
        %parallel_loop3A_476 = arith.addi %parallel_loop3A_452, %parallel_loop3A_475 : vector<16xi32>
        %parallel_loop3A_477 = arith.select %parallel_loop3A_473, %parallel_loop3A_476, %parallel_loop3A_452 : vector<16xi1>, vector<16xi32>
        %parallel_loop3A_478 = vector.shape_cast %parallel_loop3A_477 : vector<16xi32> to vector<16x1xi32>
        %parallel_loop3A_479 = vector.shape_cast %parallel_loop3A_478 : vector<16x1xi32> to vector<16xi32>
        %parallel_loop3A_480 = tpu.dynamic_gather %get3A_9[%parallel_loop3A_479] in [0] : vector<16xf32>, vector<16xi32> -> vector<16xf32>
        %parallel_loop3A_481 = arith.constant 1 : i32
        %parallel_loop3A_482 = arith.constant 1 : i32
        %parallel_loop3A_483 = arith.index_cast %parallel_loop3A_481 : i32 to index
        %parallel_loop3A_484 = arith.index_cast %parallel_loop3A_482 : i32 to index
        %parallel_loop3A_485 = arith.index_cast %parallel_loop3A_430 : i32 to index
        %parallel_loop3A_486 = arith.index_cast %parallel_loop3A_446 : i32 to index
        %parallel_loop3A_487 = arith.constant 0 : index
        %parallel_loop3A_488 = tpu.vector_load %arg6[%parallel_loop3A_483, %parallel_loop3A_484, %parallel_loop3A_485, %parallel_loop3A_486, %parallel_loop3A_487] {strides = array<i32>} : memref<2x5x5x8x128xf32, #tpu.memory_space<vmem>>, vector<16xf32>,
        tpu.vector_store %arg6[%parallel_loop3A_483, %parallel_loop3A_484, %parallel_loop3A_485, %parallel_loop3A_486, %parallel_loop3A_487], %parallel_loop3A_480 {strides = array<i32>} : memref<2x5x5x8x128xf32, #tpu.memory_space<vmem>>, vector<16xf32>,
        %parallel_loop3A_489 = arith.constant 0 : i32
        %parallel_loop3A_490 = vector.broadcast %parallel_loop3A_489 : i32 to vector<16xi32>
        %parallel_loop3A_491 = arith.cmpi slt, %parallel_loop3A_452, %parallel_loop3A_490 : vector<16xi32>
        %parallel_loop3A_492 = arith.constant 16 : i32
        %parallel_loop3A_493 = vector.broadcast %parallel_loop3A_492 : i32 to vector<16xi32>
        %parallel_loop3A_494 = arith.addi %parallel_loop3A_452, %parallel_loop3A_493 : vector<16xi32>
        %parallel_loop3A_495 = arith.select %parallel_loop3A_491, %parallel_loop3A_494, %parallel_loop3A_452 : vector<16xi1>, vector<16xi32>
        %parallel_loop3A_496 = vector.shape_cast %parallel_loop3A_495 : vector<16xi32> to vector<16x1xi32>
        %parallel_loop3A_497 = vector.shape_cast %parallel_loop3A_496 : vector<16x1xi32> to vector<16xi32>
        %parallel_loop3A_498 = tpu.dynamic_gather %get3A_13[%parallel_loop3A_497] in [0] : vector<16xf32>, vector<16xi32> -> vector<16xf32>
        %parallel_loop3A_499 = arith.constant 1 : i32
        %parallel_loop3A_500 = arith.constant 2 : i32
        %parallel_loop3A_501 = arith.index_cast %parallel_loop3A_499 : i32 to index
        %parallel_loop3A_502 = arith.index_cast %parallel_loop3A_500 : i32 to index
        %parallel_loop3A_503 = arith.index_cast %parallel_loop3A_430 : i32 to index
        %parallel_loop3A_504 = arith.index_cast %parallel_loop3A_446 : i32 to index
        %parallel_loop3A_505 = arith.constant 0 : index
        %parallel_loop3A_506 = tpu.vector_load %arg6[%parallel_loop3A_501, %parallel_loop3A_502, %parallel_loop3A_503, %parallel_loop3A_504, %parallel_loop3A_505] {strides = array<i32>} : memref<2x5x5x8x128xf32, #tpu.memory_space<vmem>>, vector<16xf32>,
        tpu.vector_store %arg6[%parallel_loop3A_501, %parallel_loop3A_502, %parallel_loop3A_503, %parallel_loop3A_504, %parallel_loop3A_505], %parallel_loop3A_498 {strides = array<i32>} : memref<2x5x5x8x128xf32, #tpu.memory_space<vmem>>, vector<16xf32>,
        %parallel_loop3A_507 = arith.constant 0 : i32
        %parallel_loop3A_508 = vector.broadcast %parallel_loop3A_507 : i32 to vector<16xi32>
        %parallel_loop3A_509 = arith.cmpi slt, %parallel_loop3A_452, %parallel_loop3A_508 : vector<16xi32>
        %parallel_loop3A_510 = arith.constant 16 : i32
        %parallel_loop3A_511 = vector.broadcast %parallel_loop3A_510 : i32 to vector<16xi32>
        %parallel_loop3A_512 = arith.addi %parallel_loop3A_452, %parallel_loop3A_511 : vector<16xi32>
        %parallel_loop3A_513 = arith.select %parallel_loop3A_509, %parallel_loop3A_512, %parallel_loop3A_452 : vector<16xi1>, vector<16xi32>
        %parallel_loop3A_514 = vector.shape_cast %parallel_loop3A_513 : vector<16xi32> to vector<16x1xi32>
        %parallel_loop3A_515 = vector.shape_cast %parallel_loop3A_514 : vector<16x1xi32> to vector<16xi32>
        %parallel_loop3A_516 = tpu.dynamic_gather %get3A_17[%parallel_loop3A_515] in [0] : vector<16xf32>, vector<16xi32> -> vector<16xf32>
        %parallel_loop3A_517 = arith.constant 1 : i32
        %parallel_loop3A_518 = arith.constant 3 : i32
        %parallel_loop3A_519 = arith.index_cast %parallel_loop3A_517 : i32 to index
        %parallel_loop3A_520 = arith.index_cast %parallel_loop3A_518 : i32 to index
        %parallel_loop3A_521 = arith.index_cast %parallel_loop3A_430 : i32 to index
        %parallel_loop3A_522 = arith.index_cast %parallel_loop3A_446 : i32 to index
        %parallel_loop3A_523 = arith.constant 0 : index
        %parallel_loop3A_524 = tpu.vector_load %arg6[%parallel_loop3A_519, %parallel_loop3A_520, %parallel_loop3A_521, %parallel_loop3A_522, %parallel_loop3A_523] {strides = array<i32>} : memref<2x5x5x8x128xf32, #tpu.memory_space<vmem>>, vector<16xf32>,
        tpu.vector_store %arg6[%parallel_loop3A_519, %parallel_loop3A_520, %parallel_loop3A_521, %parallel_loop3A_522, %parallel_loop3A_523], %parallel_loop3A_516 {strides = array<i32>} : memref<2x5x5x8x128xf32, #tpu.memory_space<vmem>>, vector<16xf32>,
        %parallel_loop3A_525 = arith.constant 0 : i32
        %parallel_loop3A_526 = vector.broadcast %parallel_loop3A_525 : i32 to vector<16xi32>
        %parallel_loop3A_527 = arith.cmpi slt, %parallel_loop3A_452, %parallel_loop3A_526 : vector<16xi32>
        %parallel_loop3A_528 = arith.constant 16 : i32
        %parallel_loop3A_529 = vector.broadcast %parallel_loop3A_528 : i32 to vector<16xi32>
        %parallel_loop3A_530 = arith.addi %parallel_loop3A_452, %parallel_loop3A_529 : vector<16xi32>
        %parallel_loop3A_531 = arith.select %parallel_loop3A_527, %parallel_loop3A_530, %parallel_loop3A_452 : vector<16xi1>, vector<16xi32>
        %parallel_loop3A_532 = vector.shape_cast %parallel_loop3A_531 : vector<16xi32> to vector<16x1xi32>
        %parallel_loop3A_533 = vector.shape_cast %parallel_loop3A_532 : vector<16x1xi32> to vector<16xi32>
        %parallel_loop3A_534 = tpu.dynamic_gather %get3A_21[%parallel_loop3A_533] in [0] : vector<16xf32>, vector<16xi32> -> vector<16xf32>
        %parallel_loop3A_535 = arith.constant 1 : i32
        %parallel_loop3A_536 = arith.constant 4 : i32
        %parallel_loop3A_537 = arith.index_cast %parallel_loop3A_535 : i32 to index
        %parallel_loop3A_538 = arith.index_cast %parallel_loop3A_536 : i32 to index
        %parallel_loop3A_539 = arith.index_cast %parallel_loop3A_430 : i32 to index
        %parallel_loop3A_540 = arith.index_cast %parallel_loop3A_446 : i32 to index
        %parallel_loop3A_541 = arith.constant 0 : index
        %parallel_loop3A_542 = tpu.vector_load %arg6[%parallel_loop3A_537, %parallel_loop3A_538, %parallel_loop3A_539, %parallel_loop3A_540, %parallel_loop3A_541] {strides = array<i32>} : memref<2x5x5x8x128xf32, #tpu.memory_space<vmem>>, vector<16xf32>,
        tpu.vector_store %arg6[%parallel_loop3A_537, %parallel_loop3A_538, %parallel_loop3A_539, %parallel_loop3A_540, %parallel_loop3A_541], %parallel_loop3A_534 {strides = array<i32>} : memref<2x5x5x8x128xf32, #tpu.memory_space<vmem>>, vector<16xf32>,
        %parallel_loop3A_543 = arith.constant 1 : i32
        %parallel_loop3A_544 = arith.index_cast %parallel_loop3A_543 : i32 to index
        %parallel_loop3A_545 = arith.index_cast %parallel_loop3A_430 : i32 to index
        %parallel_loop3A_546 = arith.index_cast %parallel_loop3A_446 : i32 to index
        %parallel_loop3A_547 = arith.constant 16 : index
        %parallel_loop3A_548 = tpu.vector_load %arg5[%parallel_loop3A_544, %parallel_loop3A_545, %parallel_loop3A_546, %parallel_loop3A_547] {strides = array<i32>} : memref<2x5x8x128xi32, #tpu.memory_space<vmem>>, vector<16xi32>,
        %parallel_loop3A_549 = arith.constant 0 : i32
        %parallel_loop3A_550 = vector.broadcast %parallel_loop3A_549 : i32 to vector<16xi32>
        %parallel_loop3A_551 = arith.cmpi slt, %parallel_loop3A_548, %parallel_loop3A_550 : vector<16xi32>
        %parallel_loop3A_552 = arith.constant 16 : i32
        %parallel_loop3A_553 = vector.broadcast %parallel_loop3A_552 : i32 to vector<16xi32>
        %parallel_loop3A_554 = arith.addi %parallel_loop3A_548, %parallel_loop3A_553 : vector<16xi32>
        %parallel_loop3A_555 = arith.select %parallel_loop3A_551, %parallel_loop3A_554, %parallel_loop3A_548 : vector<16xi1>, vector<16xi32>
        %parallel_loop3A_556 = vector.shape_cast %parallel_loop3A_555 : vector<16xi32> to vector<16x1xi32>
        %parallel_loop3A_557 = vector.shape_cast %parallel_loop3A_556 : vector<16x1xi32> to vector<16xi32>
        %parallel_loop3A_558 = tpu.dynamic_gather %get3A_5[%parallel_loop3A_557] in [0] : vector<16xf32>, vector<16xi32> -> vector<16xf32>
        %parallel_loop3A_559 = arith.constant 1 : i32
        %parallel_loop3A_560 = arith.constant 0 : i32
        %parallel_loop3A_561 = arith.index_cast %parallel_loop3A_559 : i32 to index
        %parallel_loop3A_562 = arith.index_cast %parallel_loop3A_560 : i32 to index
        %parallel_loop3A_563 = arith.index_cast %parallel_loop3A_430 : i32 to index
        %parallel_loop3A_564 = arith.index_cast %parallel_loop3A_446 : i32 to index
        %parallel_loop3A_565 = arith.constant 16 : index
        %parallel_loop3A_566 = tpu.vector_load %arg6[%parallel_loop3A_561, %parallel_loop3A_562, %parallel_loop3A_563, %parallel_loop3A_564, %parallel_loop3A_565] {strides = array<i32>} : memref<2x5x5x8x128xf32, #tpu.memory_space<vmem>>, vector<16xf32>,
        tpu.vector_store %arg6[%parallel_loop3A_561, %parallel_loop3A_562, %parallel_loop3A_563, %parallel_loop3A_564, %parallel_loop3A_565], %parallel_loop3A_558 {strides = array<i32>} : memref<2x5x5x8x128xf32, #tpu.memory_space<vmem>>, vector<16xf32>,
        %parallel_loop3A_567 = arith.constant 0 : i32
        %parallel_loop3A_568 = vector.broadcast %parallel_loop3A_567 : i32 to vector<16xi32>
        %parallel_loop3A_569 = arith.cmpi slt, %parallel_loop3A_548, %parallel_loop3A_568 : vector<16xi32>
        %parallel_loop3A_570 = arith.constant 16 : i32
        %parallel_loop3A_571 = vector.broadcast %parallel_loop3A_570 : i32 to vector<16xi32>
        %parallel_loop3A_572 = arith.addi %parallel_loop3A_548, %parallel_loop3A_571 : vector<16xi32>
        %parallel_loop3A_573 = arith.select %parallel_loop3A_569, %parallel_loop3A_572, %parallel_loop3A_548 : vector<16xi1>, vector<16xi32>
        %parallel_loop3A_574 = vector.shape_cast %parallel_loop3A_573 : vector<16xi32> to vector<16x1xi32>
        %parallel_loop3A_575 = vector.shape_cast %parallel_loop3A_574 : vector<16x1xi32> to vector<16xi32>
        %parallel_loop3A_576 = tpu.dynamic_gather %get3A_9[%parallel_loop3A_575] in [0] : vector<16xf32>, vector<16xi32> -> vector<16xf32>
        %parallel_loop3A_577 = arith.constant 1 : i32
        %parallel_loop3A_578 = arith.constant 1 : i32
        %parallel_loop3A_579 = arith.index_cast %parallel_loop3A_577 : i32 to index
        %parallel_loop3A_580 = arith.index_cast %parallel_loop3A_578 : i32 to index
        %parallel_loop3A_581 = arith.index_cast %parallel_loop3A_430 : i32 to index
        %parallel_loop3A_582 = arith.index_cast %parallel_loop3A_446 : i32 to index
        %parallel_loop3A_583 = arith.constant 16 : index
        %parallel_loop3A_584 = tpu.vector_load %arg6[%parallel_loop3A_579, %parallel_loop3A_580, %parallel_loop3A_581, %parallel_loop3A_582, %parallel_loop3A_583] {strides = array<i32>} : memref<2x5x5x8x128xf32, #tpu.memory_space<vmem>>, vector<16xf32>,
        tpu.vector_store %arg6[%parallel_loop3A_579, %parallel_loop3A_580, %parallel_loop3A_581, %parallel_loop3A_582, %parallel_loop3A_583], %parallel_loop3A_576 {strides = array<i32>} : memref<2x5x5x8x128xf32, #tpu.memory_space<vmem>>, vector<16xf32>,
        %parallel_loop3A_585 = arith.constant 0 : i32
        %parallel_loop3A_586 = vector.broadcast %parallel_loop3A_585 : i32 to vector<16xi32>
        %parallel_loop3A_587 = arith.cmpi slt, %parallel_loop3A_548, %parallel_loop3A_586 : vector<16xi32>
        %parallel_loop3A_588 = arith.constant 16 : i32
        %parallel_loop3A_589 = vector.broadcast %parallel_loop3A_588 : i32 to vector<16xi32>
        %parallel_loop3A_590 = arith.addi %parallel_loop3A_548, %parallel_loop3A_589 : vector<16xi32>
        %parallel_loop3A_591 = arith.select %parallel_loop3A_587, %parallel_loop3A_590, %parallel_loop3A_548 : vector<16xi1>, vector<16xi32>
        %parallel_loop3A_592 = vector.shape_cast %parallel_loop3A_591 : vector<16xi32> to vector<16x1xi32>
        %parallel_loop3A_593 = vector.shape_cast %parallel_loop3A_592 : vector<16x1xi32> to vector<16xi32>
        %parallel_loop3A_594 = tpu.dynamic_gather %get3A_13[%parallel_loop3A_593] in [0] : vector<16xf32>, vector<16xi32> -> vector<16xf32>
        %parallel_loop3A_595 = arith.constant 1 : i32
        %parallel_loop3A_596 = arith.constant 2 : i32
        %parallel_loop3A_597 = arith.index_cast %parallel_loop3A_595 : i32 to index
        %parallel_loop3A_598 = arith.index_cast %parallel_loop3A_596 : i32 to index
        %parallel_loop3A_599 = arith.index_cast %parallel_loop3A_430 : i32 to index
        %parallel_loop3A_600 = arith.index_cast %parallel_loop3A_446 : i32 to index
        %parallel_loop3A_601 = arith.constant 16 : index
        %parallel_loop3A_602 = tpu.vector_load %arg6[%parallel_loop3A_597, %parallel_loop3A_598, %parallel_loop3A_599, %parallel_loop3A_600, %parallel_loop3A_601] {strides = array<i32>} : memref<2x5x5x8x128xf32, #tpu.memory_space<vmem>>, vector<16xf32>,
        tpu.vector_store %arg6[%parallel_loop3A_597, %parallel_loop3A_598, %parallel_loop3A_599, %parallel_loop3A_600, %parallel_loop3A_601], %parallel_loop3A_594 {strides = array<i32>} : memref<2x5x5x8x128xf32, #tpu.memory_space<vmem>>, vector<16xf32>,
        %parallel_loop3A_603 = arith.constant 0 : i32
        %parallel_loop3A_604 = vector.broadcast %parallel_loop3A_603 : i32 to vector<16xi32>
        %parallel_loop3A_605 = arith.cmpi slt, %parallel_loop3A_548, %parallel_loop3A_604 : vector<16xi32>
        %parallel_loop3A_606 = arith.constant 16 : i32
        %parallel_loop3A_607 = vector.broadcast %parallel_loop3A_606 : i32 to vector<16xi32>
        %parallel_loop3A_608 = arith.addi %parallel_loop3A_548, %parallel_loop3A_607 : vector<16xi32>
        %parallel_loop3A_609 = arith.select %parallel_loop3A_605, %parallel_loop3A_608, %parallel_loop3A_548 : vector<16xi1>, vector<16xi32>
        %parallel_loop3A_610 = vector.shape_cast %parallel_loop3A_609 : vector<16xi32> to vector<16x1xi32>
        %parallel_loop3A_611 = vector.shape_cast %parallel_loop3A_610 : vector<16x1xi32> to vector<16xi32>
        %parallel_loop3A_612 = tpu.dynamic_gather %get3A_17[%parallel_loop3A_611] in [0] : vector<16xf32>, vector<16xi32> -> vector<16xf32>
        %parallel_loop3A_613 = arith.constant 1 : i32
        %parallel_loop3A_614 = arith.constant 3 : i32
        %parallel_loop3A_615 = arith.index_cast %parallel_loop3A_613 : i32 to index
        %parallel_loop3A_616 = arith.index_cast %parallel_loop3A_614 : i32 to index
        %parallel_loop3A_617 = arith.index_cast %parallel_loop3A_430 : i32 to index
        %parallel_loop3A_618 = arith.index_cast %parallel_loop3A_446 : i32 to index
        %parallel_loop3A_619 = arith.constant 16 : index
        %parallel_loop3A_620 = tpu.vector_load %arg6[%parallel_loop3A_615, %parallel_loop3A_616, %parallel_loop3A_617, %parallel_loop3A_618, %parallel_loop3A_619] {strides = array<i32>} : memref<2x5x5x8x128xf32, #tpu.memory_space<vmem>>, vector<16xf32>,
        tpu.vector_store %arg6[%parallel_loop3A_615, %parallel_loop3A_616, %parallel_loop3A_617, %parallel_loop3A_618, %parallel_loop3A_619], %parallel_loop3A_612 {strides = array<i32>} : memref<2x5x5x8x128xf32, #tpu.memory_space<vmem>>, vector<16xf32>,
        %parallel_loop3A_621 = arith.constant 0 : i32
        %parallel_loop3A_622 = vector.broadcast %parallel_loop3A_621 : i32 to vector<16xi32>
        %parallel_loop3A_623 = arith.cmpi slt, %parallel_loop3A_548, %parallel_loop3A_622 : vector<16xi32>
        %parallel_loop3A_624 = arith.constant 16 : i32
        %parallel_loop3A_625 = vector.broadcast %parallel_loop3A_624 : i32 to vector<16xi32>
        %parallel_loop3A_626 = arith.addi %parallel_loop3A_548, %parallel_loop3A_625 : vector<16xi32>
        %parallel_loop3A_627 = arith.select %parallel_loop3A_623, %parallel_loop3A_626, %parallel_loop3A_548 : vector<16xi1>, vector<16xi32>
        %parallel_loop3A_628 = vector.shape_cast %parallel_loop3A_627 : vector<16xi32> to vector<16x1xi32>
        %parallel_loop3A_629 = vector.shape_cast %parallel_loop3A_628 : vector<16x1xi32> to vector<16xi32>
        %parallel_loop3A_630 = tpu.dynamic_gather %get3A_21[%parallel_loop3A_629] in [0] : vector<16xf32>, vector<16xi32> -> vector<16xf32>
        %parallel_loop3A_631 = arith.constant 1 : i32
        %parallel_loop3A_632 = arith.constant 4 : i32
        %parallel_loop3A_633 = arith.index_cast %parallel_loop3A_631 : i32 to index
        %parallel_loop3A_634 = arith.index_cast %parallel_loop3A_632 : i32 to index
        %parallel_loop3A_635 = arith.index_cast %parallel_loop3A_430 : i32 to index
        %parallel_loop3A_636 = arith.index_cast %parallel_loop3A_446 : i32 to index
        %parallel_loop3A_637 = arith.constant 16 : index
        %parallel_loop3A_638 = tpu.vector_load %arg6[%parallel_loop3A_633, %parallel_loop3A_634, %parallel_loop3A_635, %parallel_loop3A_636, %parallel_loop3A_637] {strides = array<i32>} : memref<2x5x5x8x128xf32, #tpu.memory_space<vmem>>, vector<16xf32>,
        tpu.vector_store %arg6[%parallel_loop3A_633, %parallel_loop3A_634, %parallel_loop3A_635, %parallel_loop3A_636, %parallel_loop3A_637], %parallel_loop3A_630 {strides = array<i32>} : memref<2x5x5x8x128xf32, #tpu.memory_space<vmem>>, vector<16xf32>,
        %parallel_loop3A_639 = arith.constant 1 : i32
        %parallel_loop3A_640 = arith.index_cast %parallel_loop3A_639 : i32 to index
        %parallel_loop3A_641 = arith.index_cast %parallel_loop3A_430 : i32 to index
        %parallel_loop3A_642 = arith.index_cast %parallel_loop3A_446 : i32 to index
        %parallel_loop3A_643 = arith.constant 32 : index
        %parallel_loop3A_644 = tpu.vector_load %arg5[%parallel_loop3A_640, %parallel_loop3A_641, %parallel_loop3A_642, %parallel_loop3A_643] {strides = array<i32>} : memref<2x5x8x128xi32, #tpu.memory_space<vmem>>, vector<16xi32>,
        %parallel_loop3A_645 = arith.constant 0 : i32
        %parallel_loop3A_646 = vector.broadcast %parallel_loop3A_645 : i32 to vector<16xi32>
        %parallel_loop3A_647 = arith.cmpi slt, %parallel_loop3A_644, %parallel_loop3A_646 : vector<16xi32>
        %parallel_loop3A_648 = arith.constant 16 : i32
        %parallel_loop3A_649 = vector.broadcast %parallel_loop3A_648 : i32 to vector<16xi32>
        %parallel_loop3A_650 = arith.addi %parallel_loop3A_644, %parallel_loop3A_649 : vector<16xi32>
        %parallel_loop3A_651 = arith.select %parallel_loop3A_647, %parallel_loop3A_650, %parallel_loop3A_644 : vector<16xi1>, vector<16xi32>
        %parallel_loop3A_652 = vector.shape_cast %parallel_loop3A_651 : vector<16xi32> to vector<16x1xi32>
        %parallel_loop3A_653 = vector.shape_cast %parallel_loop3A_652 : vector<16x1xi32> to vector<16xi32>
        %parallel_loop3A_654 = tpu.dynamic_gather %get3A_5[%parallel_loop3A_653] in [0] : vector<16xf32>, vector<16xi32> -> vector<16xf32>
        %parallel_loop3A_655 = arith.constant 1 : i32
        %parallel_loop3A_656 = arith.constant 0 : i32
        %parallel_loop3A_657 = arith.index_cast %parallel_loop3A_655 : i32 to index
        %parallel_loop3A_658 = arith.index_cast %parallel_loop3A_656 : i32 to index
        %parallel_loop3A_659 = arith.index_cast %parallel_loop3A_430 : i32 to index
        %parallel_loop3A_660 = arith.index_cast %parallel_loop3A_446 : i32 to index
        %parallel_loop3A_661 = arith.constant 32 : index
        %parallel_loop3A_662 = tpu.vector_load %arg6[%parallel_loop3A_657, %parallel_loop3A_658, %parallel_loop3A_659, %parallel_loop3A_660, %parallel_loop3A_661] {strides = array<i32>} : memref<2x5x5x8x128xf32, #tpu.memory_space<vmem>>, vector<16xf32>,
        tpu.vector_store %arg6[%parallel_loop3A_657, %parallel_loop3A_658, %parallel_loop3A_659, %parallel_loop3A_660, %parallel_loop3A_661], %parallel_loop3A_654 {strides = array<i32>} : memref<2x5x5x8x128xf32, #tpu.memory_space<vmem>>, vector<16xf32>,
        %parallel_loop3A_663 = arith.constant 0 : i32
        %parallel_loop3A_664 = vector.broadcast %parallel_loop3A_663 : i32 to vector<16xi32>
        %parallel_loop3A_665 = arith.cmpi slt, %parallel_loop3A_644, %parallel_loop3A_664 : vector<16xi32>
        %parallel_loop3A_666 = arith.constant 16 : i32
        %parallel_loop3A_667 = vector.broadcast %parallel_loop3A_666 : i32 to vector<16xi32>
        %parallel_loop3A_668 = arith.addi %parallel_loop3A_644, %parallel_loop3A_667 : vector<16xi32>
        %parallel_loop3A_669 = arith.select %parallel_loop3A_665, %parallel_loop3A_668, %parallel_loop3A_644 : vector<16xi1>, vector<16xi32>
        %parallel_loop3A_670 = vector.shape_cast %parallel_loop3A_669 : vector<16xi32> to vector<16x1xi32>
        %parallel_loop3A_671 = vector.shape_cast %parallel_loop3A_670 : vector<16x1xi32> to vector<16xi32>
        %parallel_loop3A_672 = tpu.dynamic_gather %get3A_9[%parallel_loop3A_671] in [0] : vector<16xf32>, vector<16xi32> -> vector<16xf32>
        %parallel_loop3A_673 = arith.constant 1 : i32
        %parallel_loop3A_674 = arith.constant 1 : i32
        %parallel_loop3A_675 = arith.index_cast %parallel_loop3A_673 : i32 to index
        %parallel_loop3A_676 = arith.index_cast %parallel_loop3A_674 : i32 to index
        %parallel_loop3A_677 = arith.index_cast %parallel_loop3A_430 : i32 to index
        %parallel_loop3A_678 = arith.index_cast %parallel_loop3A_446 : i32 to index
        %parallel_loop3A_679 = arith.constant 32 : index
        %parallel_loop3A_680 = tpu.vector_load %arg6[%parallel_loop3A_675, %parallel_loop3A_676, %parallel_loop3A_677, %parallel_loop3A_678, %parallel_loop3A_679] {strides = array<i32>} : memref<2x5x5x8x128xf32, #tpu.memory_space<vmem>>, vector<16xf32>,
        tpu.vector_store %arg6[%parallel_loop3A_675, %parallel_loop3A_676, %parallel_loop3A_677, %parallel_loop3A_678, %parallel_loop3A_679], %parallel_loop3A_672 {strides = array<i32>} : memref<2x5x5x8x128xf32, #tpu.memory_space<vmem>>, vector<16xf32>,
        %parallel_loop3A_681 = arith.constant 0 : i32
        %parallel_loop3A_682 = vector.broadcast %parallel_loop3A_681 : i32 to vector<16xi32>
        %parallel_loop3A_683 = arith.cmpi slt, %parallel_loop3A_644, %parallel_loop3A_682 : vector<16xi32>
        %parallel_loop3A_684 = arith.constant 16 : i32
        %parallel_loop3A_685 = vector.broadcast %parallel_loop3A_684 : i32 to vector<16xi32>
        %parallel_loop3A_686 = arith.addi %parallel_loop3A_644, %parallel_loop3A_685 : vector<16xi32>
        %parallel_loop3A_687 = arith.select %parallel_loop3A_683, %parallel_loop3A_686, %parallel_loop3A_644 : vector<16xi1>, vector<16xi32>
        %parallel_loop3A_688 = vector.shape_cast %parallel_loop3A_687 : vector<16xi32> to vector<16x1xi32>
        %parallel_loop3A_689 = vector.shape_cast %parallel_loop3A_688 : vector<16x1xi32> to vector<16xi32>
        %parallel_loop3A_690 = tpu.dynamic_gather %get3A_13[%parallel_loop3A_689] in [0] : vector<16xf32>, vector<16xi32> -> vector<16xf32>
        %parallel_loop3A_691 = arith.constant 1 : i32
        %parallel_loop3A_692 = arith.constant 2 : i32
        %parallel_loop3A_693 = arith.index_cast %parallel_loop3A_691 : i32 to index
        %parallel_loop3A_694 = arith.index_cast %parallel_loop3A_692 : i32 to index
        %parallel_loop3A_695 = arith.index_cast %parallel_loop3A_430 : i32 to index
        %parallel_loop3A_696 = arith.index_cast %parallel_loop3A_446 : i32 to index
        %parallel_loop3A_697 = arith.constant 32 : index
        %parallel_loop3A_698 = tpu.vector_load %arg6[%parallel_loop3A_693, %parallel_loop3A_694, %parallel_loop3A_695, %parallel_loop3A_696, %parallel_loop3A_697] {strides = array<i32>} : memref<2x5x5x8x128xf32, #tpu.memory_space<vmem>>, vector<16xf32>,
        tpu.vector_store %arg6[%parallel_loop3A_693, %parallel_loop3A_694, %parallel_loop3A_695, %parallel_loop3A_696, %parallel_loop3A_697], %parallel_loop3A_690 {strides = array<i32>} : memref<2x5x5x8x128xf32, #tpu.memory_space<vmem>>, vector<16xf32>,
        %parallel_loop3A_699 = arith.constant 0 : i32
        %parallel_loop3A_700 = vector.broadcast %parallel_loop3A_699 : i32 to vector<16xi32>
        %parallel_loop3A_701 = arith.cmpi slt, %parallel_loop3A_644, %parallel_loop3A_700 : vector<16xi32>
        %parallel_loop3A_702 = arith.constant 16 : i32
        %parallel_loop3A_703 = vector.broadcast %parallel_loop3A_702 : i32 to vector<16xi32>
        %parallel_loop3A_704 = arith.addi %parallel_loop3A_644, %parallel_loop3A_703 : vector<16xi32>
        %parallel_loop3A_705 = arith.select %parallel_loop3A_701, %parallel_loop3A_704, %parallel_loop3A_644 : vector<16xi1>, vector<16xi32>
        %parallel_loop3A_706 = vector.shape_cast %parallel_loop3A_705 : vector<16xi32> to vector<16x1xi32>
        %parallel_loop3A_707 = vector.shape_cast %parallel_loop3A_706 : vector<16x1xi32> to vector<16xi32>
        %parallel_loop3A_708 = tpu.dynamic_gather %get3A_17[%parallel_loop3A_707] in [0] : vector<16xf32>, vector<16xi32> -> vector<16xf32>
        %parallel_loop3A_709 = arith.constant 1 : i32
        %parallel_loop3A_710 = arith.constant 3 : i32
        %parallel_loop3A_711 = arith.index_cast %parallel_loop3A_709 : i32 to index
        %parallel_loop3A_712 = arith.index_cast %parallel_loop3A_710 : i32 to index
        %parallel_loop3A_713 = arith.index_cast %parallel_loop3A_430 : i32 to index
        %parallel_loop3A_714 = arith.index_cast %parallel_loop3A_446 : i32 to index
        %parallel_loop3A_715 = arith.constant 32 : index
        %parallel_loop3A_716 = tpu.vector_load %arg6[%parallel_loop3A_711, %parallel_loop3A_712, %parallel_loop3A_713, %parallel_loop3A_714, %parallel_loop3A_715] {strides = array<i32>} : memref<2x5x5x8x128xf32, #tpu.memory_space<vmem>>, vector<16xf32>,
        tpu.vector_store %arg6[%parallel_loop3A_711, %parallel_loop3A_712, %parallel_loop3A_713, %parallel_loop3A_714, %parallel_loop3A_715], %parallel_loop3A_708 {strides = array<i32>} : memref<2x5x5x8x128xf32, #tpu.memory_space<vmem>>, vector<16xf32>,
        %parallel_loop3A_717 = arith.constant 0 : i32
        %parallel_loop3A_718 = vector.broadcast %parallel_loop3A_717 : i32 to vector<16xi32>
        %parallel_loop3A_719 = arith.cmpi slt, %parallel_loop3A_644, %parallel_loop3A_718 : vector<16xi32>
        %parallel_loop3A_720 = arith.constant 16 : i32
        %parallel_loop3A_721 = vector.broadcast %parallel_loop3A_720 : i32 to vector<16xi32>
        %parallel_loop3A_722 = arith.addi %parallel_loop3A_644, %parallel_loop3A_721 : vector<16xi32>
        %parallel_loop3A_723 = arith.select %parallel_loop3A_719, %parallel_loop3A_722, %parallel_loop3A_644 : vector<16xi1>, vector<16xi32>
        %parallel_loop3A_724 = vector.shape_cast %parallel_loop3A_723 : vector<16xi32> to vector<16x1xi32>
        %parallel_loop3A_725 = vector.shape_cast %parallel_loop3A_724 : vector<16x1xi32> to vector<16xi32>
        %parallel_loop3A_726 = tpu.dynamic_gather %get3A_21[%parallel_loop3A_725] in [0] : vector<16xf32>, vector<16xi32> -> vector<16xf32>
        %parallel_loop3A_727 = arith.constant 1 : i32
        %parallel_loop3A_728 = arith.constant 4 : i32
        %parallel_loop3A_729 = arith.index_cast %parallel_loop3A_727 : i32 to index
        %parallel_loop3A_730 = arith.index_cast %parallel_loop3A_728 : i32 to index
        %parallel_loop3A_731 = arith.index_cast %parallel_loop3A_430 : i32 to index
        %parallel_loop3A_732 = arith.index_cast %parallel_loop3A_446 : i32 to index
        %parallel_loop3A_733 = arith.constant 32 : index
        %parallel_loop3A_734 = tpu.vector_load %arg6[%parallel_loop3A_729, %parallel_loop3A_730, %parallel_loop3A_731, %parallel_loop3A_732, %parallel_loop3A_733] {strides = array<i32>} : memref<2x5x5x8x128xf32, #tpu.memory_space<vmem>>, vector<16xf32>,
        tpu.vector_store %arg6[%parallel_loop3A_729, %parallel_loop3A_730, %parallel_loop3A_731, %parallel_loop3A_732, %parallel_loop3A_733], %parallel_loop3A_726 {strides = array<i32>} : memref<2x5x5x8x128xf32, #tpu.memory_space<vmem>>, vector<16xf32>,
        %parallel_loop3A_735 = arith.constant 1 : i32
        %parallel_loop3A_736 = arith.index_cast %parallel_loop3A_735 : i32 to index
        %parallel_loop3A_737 = arith.index_cast %parallel_loop3A_430 : i32 to index
        %parallel_loop3A_738 = arith.index_cast %parallel_loop3A_446 : i32 to index
        %parallel_loop3A_739 = arith.constant 48 : index
        %parallel_loop3A_740 = tpu.vector_load %arg5[%parallel_loop3A_736, %parallel_loop3A_737, %parallel_loop3A_738, %parallel_loop3A_739] {strides = array<i32>} : memref<2x5x8x128xi32, #tpu.memory_space<vmem>>, vector<16xi32>,
        %parallel_loop3A_741 = arith.constant 0 : i32
        %parallel_loop3A_742 = vector.broadcast %parallel_loop3A_741 : i32 to vector<16xi32>
        %parallel_loop3A_743 = arith.cmpi slt, %parallel_loop3A_740, %parallel_loop3A_742 : vector<16xi32>
        %parallel_loop3A_744 = arith.constant 16 : i32
        %parallel_loop3A_745 = vector.broadcast %parallel_loop3A_744 : i32 to vector<16xi32>
        %parallel_loop3A_746 = arith.addi %parallel_loop3A_740, %parallel_loop3A_745 : vector<16xi32>
        %parallel_loop3A_747 = arith.select %parallel_loop3A_743, %parallel_loop3A_746, %parallel_loop3A_740 : vector<16xi1>, vector<16xi32>
        %parallel_loop3A_748 = vector.shape_cast %parallel_loop3A_747 : vector<16xi32> to vector<16x1xi32>
        %parallel_loop3A_749 = vector.shape_cast %parallel_loop3A_748 : vector<16x1xi32> to vector<16xi32>
        %parallel_loop3A_750 = tpu.dynamic_gather %get3A_5[%parallel_loop3A_749] in [0] : vector<16xf32>, vector<16xi32> -> vector<16xf32>
        %parallel_loop3A_751 = arith.constant 1 : i32
        %parallel_loop3A_752 = arith.constant 0 : i32
        %parallel_loop3A_753 = arith.index_cast %parallel_loop3A_751 : i32 to index
        %parallel_loop3A_754 = arith.index_cast %parallel_loop3A_752 : i32 to index
        %parallel_loop3A_755 = arith.index_cast %parallel_loop3A_430 : i32 to index
        %parallel_loop3A_756 = arith.index_cast %parallel_loop3A_446 : i32 to index
        %parallel_loop3A_757 = arith.constant 48 : index
        %parallel_loop3A_758 = tpu.vector_load %arg6[%parallel_loop3A_753, %parallel_loop3A_754, %parallel_loop3A_755, %parallel_loop3A_756, %parallel_loop3A_757] {strides = array<i32>} : memref<2x5x5x8x128xf32, #tpu.memory_space<vmem>>, vector<16xf32>,
        tpu.vector_store %arg6[%parallel_loop3A_753, %parallel_loop3A_754, %parallel_loop3A_755, %parallel_loop3A_756, %parallel_loop3A_757], %parallel_loop3A_750 {strides = array<i32>} : memref<2x5x5x8x128xf32, #tpu.memory_space<vmem>>, vector<16xf32>,
        %parallel_loop3A_759 = arith.constant 0 : i32
        %parallel_loop3A_760 = vector.broadcast %parallel_loop3A_759 : i32 to vector<16xi32>
        %parallel_loop3A_761 = arith.cmpi slt, %parallel_loop3A_740, %parallel_loop3A_760 : vector<16xi32>
        %parallel_loop3A_762 = arith.constant 16 : i32
        %parallel_loop3A_763 = vector.broadcast %parallel_loop3A_762 : i32 to vector<16xi32>
        %parallel_loop3A_764 = arith.addi %parallel_loop3A_740, %parallel_loop3A_763 : vector<16xi32>
        %parallel_loop3A_765 = arith.select %parallel_loop3A_761, %parallel_loop3A_764, %parallel_loop3A_740 : vector<16xi1>, vector<16xi32>
        %parallel_loop3A_766 = vector.shape_cast %parallel_loop3A_765 : vector<16xi32> to vector<16x1xi32>
        %parallel_loop3A_767 = vector.shape_cast %parallel_loop3A_766 : vector<16x1xi32> to vector<16xi32>
        %parallel_loop3A_768 = tpu.dynamic_gather %get3A_9[%parallel_loop3A_767] in [0] : vector<16xf32>, vector<16xi32> -> vector<16xf32>
        %parallel_loop3A_769 = arith.constant 1 : i32
        %parallel_loop3A_770 = arith.constant 1 : i32
        %parallel_loop3A_771 = arith.index_cast %parallel_loop3A_769 : i32 to index
        %parallel_loop3A_772 = arith.index_cast %parallel_loop3A_770 : i32 to index
        %parallel_loop3A_773 = arith.index_cast %parallel_loop3A_430 : i32 to index
        %parallel_loop3A_774 = arith.index_cast %parallel_loop3A_446 : i32 to index
        %parallel_loop3A_775 = arith.constant 48 : index
        %parallel_loop3A_776 = tpu.vector_load %arg6[%parallel_loop3A_771, %parallel_loop3A_772, %parallel_loop3A_773, %parallel_loop3A_774, %parallel_loop3A_775] {strides = array<i32>} : memref<2x5x5x8x128xf32, #tpu.memory_space<vmem>>, vector<16xf32>,
        tpu.vector_store %arg6[%parallel_loop3A_771, %parallel_loop3A_772, %parallel_loop3A_773, %parallel_loop3A_774, %parallel_loop3A_775], %parallel_loop3A_768 {strides = array<i32>} : memref<2x5x5x8x128xf32, #tpu.memory_space<vmem>>, vector<16xf32>,
        %parallel_loop3A_777 = arith.constant 0 : i32
        %parallel_loop3A_778 = vector.broadcast %parallel_loop3A_777 : i32 to vector<16xi32>
        %parallel_loop3A_779 = arith.cmpi slt, %parallel_loop3A_740, %parallel_loop3A_778 : vector<16xi32>
        %parallel_loop3A_780 = arith.constant 16 : i32
        %parallel_loop3A_781 = vector.broadcast %parallel_loop3A_780 : i32 to vector<16xi32>
        %parallel_loop3A_782 = arith.addi %parallel_loop3A_740, %parallel_loop3A_781 : vector<16xi32>
        %parallel_loop3A_783 = arith.select %parallel_loop3A_779, %parallel_loop3A_782, %parallel_loop3A_740 : vector<16xi1>, vector<16xi32>
        %parallel_loop3A_784 = vector.shape_cast %parallel_loop3A_783 : vector<16xi32> to vector<16x1xi32>
        %parallel_loop3A_785 = vector.shape_cast %parallel_loop3A_784 : vector<16x1xi32> to vector<16xi32>
        %parallel_loop3A_786 = tpu.dynamic_gather %get3A_13[%parallel_loop3A_785] in [0] : vector<16xf32>, vector<16xi32> -> vector<16xf32>
        %parallel_loop3A_787 = arith.constant 1 : i32
        %parallel_loop3A_788 = arith.constant 2 : i32
        %parallel_loop3A_789 = arith.index_cast %parallel_loop3A_787 : i32 to index
        %parallel_loop3A_790 = arith.index_cast %parallel_loop3A_788 : i32 to index
        %parallel_loop3A_791 = arith.index_cast %parallel_loop3A_430 : i32 to index
        %parallel_loop3A_792 = arith.index_cast %parallel_loop3A_446 : i32 to index
        %parallel_loop3A_793 = arith.constant 48 : index
        %parallel_loop3A_794 = tpu.vector_load %arg6[%parallel_loop3A_789, %parallel_loop3A_790, %parallel_loop3A_791, %parallel_loop3A_792, %parallel_loop3A_793] {strides = array<i32>} : memref<2x5x5x8x128xf32, #tpu.memory_space<vmem>>, vector<16xf32>,
        tpu.vector_store %arg6[%parallel_loop3A_789, %parallel_loop3A_790, %parallel_loop3A_791, %parallel_loop3A_792, %parallel_loop3A_793], %parallel_loop3A_786 {strides = array<i32>} : memref<2x5x5x8x128xf32, #tpu.memory_space<vmem>>, vector<16xf32>,
        %parallel_loop3A_795 = arith.constant 0 : i32
        %parallel_loop3A_796 = vector.broadcast %parallel_loop3A_795 : i32 to vector<16xi32>
        %parallel_loop3A_797 = arith.cmpi slt, %parallel_loop3A_740, %parallel_loop3A_796 : vector<16xi32>
        %parallel_loop3A_798 = arith.constant 16 : i32
        %parallel_loop3A_799 = vector.broadcast %parallel_loop3A_798 : i32 to vector<16xi32>
        %parallel_loop3A_800 = arith.addi %parallel_loop3A_740, %parallel_loop3A_799 : vector<16xi32>
        %parallel_loop3A_801 = arith.select %parallel_loop3A_797, %parallel_loop3A_800, %parallel_loop3A_740 : vector<16xi1>, vector<16xi32>
        %parallel_loop3A_802 = vector.shape_cast %parallel_loop3A_801 : vector<16xi32> to vector<16x1xi32>
        %parallel_loop3A_803 = vector.shape_cast %parallel_loop3A_802 : vector<16x1xi32> to vector<16xi32>
        %parallel_loop3A_804 = tpu.dynamic_gather %get3A_17[%parallel_loop3A_803] in [0] : vector<16xf32>, vector<16xi32> -> vector<16xf32>
        %parallel_loop3A_805 = arith.constant 1 : i32
        %parallel_loop3A_806 = arith.constant 3 : i32
        %parallel_loop3A_807 = arith.index_cast %parallel_loop3A_805 : i32 to index
        %parallel_loop3A_808 = arith.index_cast %parallel_loop3A_806 : i32 to index
        %parallel_loop3A_809 = arith.index_cast %parallel_loop3A_430 : i32 to index
        %parallel_loop3A_810 = arith.index_cast %parallel_loop3A_446 : i32 to index
        %parallel_loop3A_811 = arith.constant 48 : index
        %parallel_loop3A_812 = tpu.vector_load %arg6[%parallel_loop3A_807, %parallel_loop3A_808, %parallel_loop3A_809, %parallel_loop3A_810, %parallel_loop3A_811] {strides = array<i32>} : memref<2x5x5x8x128xf32, #tpu.memory_space<vmem>>, vector<16xf32>,
        tpu.vector_store %arg6[%parallel_loop3A_807, %parallel_loop3A_808, %parallel_loop3A_809, %parallel_loop3A_810, %parallel_loop3A_811], %parallel_loop3A_804 {strides = array<i32>} : memref<2x5x5x8x128xf32, #tpu.memory_space<vmem>>, vector<16xf32>,
        %parallel_loop3A_813 = arith.constant 0 : i32
        %parallel_loop3A_814 = vector.broadcast %parallel_loop3A_813 : i32 to vector<16xi32>
        %parallel_loop3A_815 = arith.cmpi slt, %parallel_loop3A_740, %parallel_loop3A_814 : vector<16xi32>
        %parallel_loop3A_816 = arith.constant 16 : i32
        %parallel_loop3A_817 = vector.broadcast %parallel_loop3A_816 : i32 to vector<16xi32>
        %parallel_loop3A_818 = arith.addi %parallel_loop3A_740, %parallel_loop3A_817 : vector<16xi32>
        %parallel_loop3A_819 = arith.select %parallel_loop3A_815, %parallel_loop3A_818, %parallel_loop3A_740 : vector<16xi1>, vector<16xi32>
        %parallel_loop3A_820 = vector.shape_cast %parallel_loop3A_819 : vector<16xi32> to vector<16x1xi32>
        %parallel_loop3A_821 = vector.shape_cast %parallel_loop3A_820 : vector<16x1xi32> to vector<16xi32>
        %parallel_loop3A_822 = tpu.dynamic_gather %get3A_21[%parallel_loop3A_821] in [0] : vector<16xf32>, vector<16xi32> -> vector<16xf32>
        %parallel_loop3A_823 = arith.constant 1 : i32
        %parallel_loop3A_824 = arith.constant 4 : i32
        %parallel_loop3A_825 = arith.index_cast %parallel_loop3A_823 : i32 to index
        %parallel_loop3A_826 = arith.index_cast %parallel_loop3A_824 : i32 to index
        %parallel_loop3A_827 = arith.index_cast %parallel_loop3A_430 : i32 to index
        %parallel_loop3A_828 = arith.index_cast %parallel_loop3A_446 : i32 to index
        %parallel_loop3A_829 = arith.constant 48 : index
        %parallel_loop3A_830 = tpu.vector_load %arg6[%parallel_loop3A_825, %parallel_loop3A_826, %parallel_loop3A_827, %parallel_loop3A_828, %parallel_loop3A_829] {strides = array<i32>} : memref<2x5x5x8x128xf32, #tpu.memory_space<vmem>>, vector<16xf32>,
        tpu.vector_store %arg6[%parallel_loop3A_825, %parallel_loop3A_826, %parallel_loop3A_827, %parallel_loop3A_828, %parallel_loop3A_829], %parallel_loop3A_822 {strides = array<i32>} : memref<2x5x5x8x128xf32, #tpu.memory_space<vmem>>, vector<16xf32>,
        %parallel_loop3A_831 = arith.constant 1 : i32
        %parallel_loop3A_832 = arith.index_cast %parallel_loop3A_831 : i32 to index
        %parallel_loop3A_833 = arith.index_cast %parallel_loop3A_430 : i32 to index
        %parallel_loop3A_834 = arith.index_cast %parallel_loop3A_446 : i32 to index
        %parallel_loop3A_835 = arith.constant 64 : index
        %parallel_loop3A_836 = tpu.vector_load %arg5[%parallel_loop3A_832, %parallel_loop3A_833, %parallel_loop3A_834, %parallel_loop3A_835] {strides = array<i32>} : memref<2x5x8x128xi32, #tpu.memory_space<vmem>>, vector<16xi32>,
        %parallel_loop3A_837 = arith.constant 0 : i32
        %parallel_loop3A_838 = vector.broadcast %parallel_loop3A_837 : i32 to vector<16xi32>
        %parallel_loop3A_839 = arith.cmpi slt, %parallel_loop3A_836, %parallel_loop3A_838 : vector<16xi32>
        %parallel_loop3A_840 = arith.constant 16 : i32
        %parallel_loop3A_841 = vector.broadcast %parallel_loop3A_840 : i32 to vector<16xi32>
        %parallel_loop3A_842 = arith.addi %parallel_loop3A_836, %parallel_loop3A_841 : vector<16xi32>
        %parallel_loop3A_843 = arith.select %parallel_loop3A_839, %parallel_loop3A_842, %parallel_loop3A_836 : vector<16xi1>, vector<16xi32>
        %parallel_loop3A_844 = vector.shape_cast %parallel_loop3A_843 : vector<16xi32> to vector<16x1xi32>
        %parallel_loop3A_845 = vector.shape_cast %parallel_loop3A_844 : vector<16x1xi32> to vector<16xi32>
        %parallel_loop3A_846 = tpu.dynamic_gather %get3A_5[%parallel_loop3A_845] in [0] : vector<16xf32>, vector<16xi32> -> vector<16xf32>
        %parallel_loop3A_847 = arith.constant 1 : i32
        %parallel_loop3A_848 = arith.constant 0 : i32
        %parallel_loop3A_849 = arith.index_cast %parallel_loop3A_847 : i32 to index
        %parallel_loop3A_850 = arith.index_cast %parallel_loop3A_848 : i32 to index
        %parallel_loop3A_851 = arith.index_cast %parallel_loop3A_430 : i32 to index
        %parallel_loop3A_852 = arith.index_cast %parallel_loop3A_446 : i32 to index
        %parallel_loop3A_853 = arith.constant 64 : index
        %parallel_loop3A_854 = tpu.vector_load %arg6[%parallel_loop3A_849, %parallel_loop3A_850, %parallel_loop3A_851, %parallel_loop3A_852, %parallel_loop3A_853] {strides = array<i32>} : memref<2x5x5x8x128xf32, #tpu.memory_space<vmem>>, vector<16xf32>,
        tpu.vector_store %arg6[%parallel_loop3A_849, %parallel_loop3A_850, %parallel_loop3A_851, %parallel_loop3A_852, %parallel_loop3A_853], %parallel_loop3A_846 {strides = array<i32>} : memref<2x5x5x8x128xf32, #tpu.memory_space<vmem>>, vector<16xf32>,
        %parallel_loop3A_855 = arith.constant 0 : i32
        %parallel_loop3A_856 = vector.broadcast %parallel_loop3A_855 : i32 to vector<16xi32>
        %parallel_loop3A_857 = arith.cmpi slt, %parallel_loop3A_836, %parallel_loop3A_856 : vector<16xi32>
        %parallel_loop3A_858 = arith.constant 16 : i32
        %parallel_loop3A_859 = vector.broadcast %parallel_loop3A_858 : i32 to vector<16xi32>
        %parallel_loop3A_860 = arith.addi %parallel_loop3A_836, %parallel_loop3A_859 : vector<16xi32>
        %parallel_loop3A_861 = arith.select %parallel_loop3A_857, %parallel_loop3A_860, %parallel_loop3A_836 : vector<16xi1>, vector<16xi32>
        %parallel_loop3A_862 = vector.shape_cast %parallel_loop3A_861 : vector<16xi32> to vector<16x1xi32>
        %parallel_loop3A_863 = vector.shape_cast %parallel_loop3A_862 : vector<16x1xi32> to vector<16xi32>
        %parallel_loop3A_864 = tpu.dynamic_gather %get3A_9[%parallel_loop3A_863] in [0] : vector<16xf32>, vector<16xi32> -> vector<16xf32>
        %parallel_loop3A_865 = arith.constant 1 : i32
        %parallel_loop3A_866 = arith.constant 1 : i32
        %parallel_loop3A_867 = arith.index_cast %parallel_loop3A_865 : i32 to index
        %parallel_loop3A_868 = arith.index_cast %parallel_loop3A_866 : i32 to index
        %parallel_loop3A_869 = arith.index_cast %parallel_loop3A_430 : i32 to index
        %parallel_loop3A_870 = arith.index_cast %parallel_loop3A_446 : i32 to index
        %parallel_loop3A_871 = arith.constant 64 : index
        %parallel_loop3A_872 = tpu.vector_load %arg6[%parallel_loop3A_867, %parallel_loop3A_868, %parallel_loop3A_869, %parallel_loop3A_870, %parallel_loop3A_871] {strides = array<i32>} : memref<2x5x5x8x128xf32, #tpu.memory_space<vmem>>, vector<16xf32>,
        tpu.vector_store %arg6[%parallel_loop3A_867, %parallel_loop3A_868, %parallel_loop3A_869, %parallel_loop3A_870, %parallel_loop3A_871], %parallel_loop3A_864 {strides = array<i32>} : memref<2x5x5x8x128xf32, #tpu.memory_space<vmem>>, vector<16xf32>,
        %parallel_loop3A_873 = arith.constant 0 : i32
        %parallel_loop3A_874 = vector.broadcast %parallel_loop3A_873 : i32 to vector<16xi32>
        %parallel_loop3A_875 = arith.cmpi slt, %parallel_loop3A_836, %parallel_loop3A_874 : vector<16xi32>
        %parallel_loop3A_876 = arith.constant 16 : i32
        %parallel_loop3A_877 = vector.broadcast %parallel_loop3A_876 : i32 to vector<16xi32>
        %parallel_loop3A_878 = arith.addi %parallel_loop3A_836, %parallel_loop3A_877 : vector<16xi32>
        %parallel_loop3A_879 = arith.select %parallel_loop3A_875, %parallel_loop3A_878, %parallel_loop3A_836 : vector<16xi1>, vector<16xi32>
        %parallel_loop3A_880 = vector.shape_cast %parallel_loop3A_879 : vector<16xi32> to vector<16x1xi32>
        %parallel_loop3A_881 = vector.shape_cast %parallel_loop3A_880 : vector<16x1xi32> to vector<16xi32>
        %parallel_loop3A_882 = tpu.dynamic_gather %get3A_13[%parallel_loop3A_881] in [0] : vector<16xf32>, vector<16xi32> -> vector<16xf32>
        %parallel_loop3A_883 = arith.constant 1 : i32
        %parallel_loop3A_884 = arith.constant 2 : i32
        %parallel_loop3A_885 = arith.index_cast %parallel_loop3A_883 : i32 to index
        %parallel_loop3A_886 = arith.index_cast %parallel_loop3A_884 : i32 to index
        %parallel_loop3A_887 = arith.index_cast %parallel_loop3A_430 : i32 to index
        %parallel_loop3A_888 = arith.index_cast %parallel_loop3A_446 : i32 to index
        %parallel_loop3A_889 = arith.constant 64 : index
        %parallel_loop3A_890 = tpu.vector_load %arg6[%parallel_loop3A_885, %parallel_loop3A_886, %parallel_loop3A_887, %parallel_loop3A_888, %parallel_loop3A_889] {strides = array<i32>} : memref<2x5x5x8x128xf32, #tpu.memory_space<vmem>>, vector<16xf32>,
        tpu.vector_store %arg6[%parallel_loop3A_885, %parallel_loop3A_886, %parallel_loop3A_887, %parallel_loop3A_888, %parallel_loop3A_889], %parallel_loop3A_882 {strides = array<i32>} : memref<2x5x5x8x128xf32, #tpu.memory_space<vmem>>, vector<16xf32>,
        %parallel_loop3A_891 = arith.constant 0 : i32
        %parallel_loop3A_892 = vector.broadcast %parallel_loop3A_891 : i32 to vector<16xi32>
        %parallel_loop3A_893 = arith.cmpi slt, %parallel_loop3A_836, %parallel_loop3A_892 : vector<16xi32>
        %parallel_loop3A_894 = arith.constant 16 : i32
        %parallel_loop3A_895 = vector.broadcast %parallel_loop3A_894 : i32 to vector<16xi32>
        %parallel_loop3A_896 = arith.addi %parallel_loop3A_836, %parallel_loop3A_895 : vector<16xi32>
        %parallel_loop3A_897 = arith.select %parallel_loop3A_893, %parallel_loop3A_896, %parallel_loop3A_836 : vector<16xi1>, vector<16xi32>
        %parallel_loop3A_898 = vector.shape_cast %parallel_loop3A_897 : vector<16xi32> to vector<16x1xi32>
        %parallel_loop3A_899 = vector.shape_cast %parallel_loop3A_898 : vector<16x1xi32> to vector<16xi32>
        %parallel_loop3A_900 = tpu.dynamic_gather %get3A_17[%parallel_loop3A_899] in [0] : vector<16xf32>, vector<16xi32> -> vector<16xf32>
        %parallel_loop3A_901 = arith.constant 1 : i32
        %parallel_loop3A_902 = arith.constant 3 : i32
        %parallel_loop3A_903 = arith.index_cast %parallel_loop3A_901 : i32 to index
        %parallel_loop3A_904 = arith.index_cast %parallel_loop3A_902 : i32 to index
        %parallel_loop3A_905 = arith.index_cast %parallel_loop3A_430 : i32 to index
        %parallel_loop3A_906 = arith.index_cast %parallel_loop3A_446 : i32 to index
        %parallel_loop3A_907 = arith.constant 64 : index
        %parallel_loop3A_908 = tpu.vector_load %arg6[%parallel_loop3A_903, %parallel_loop3A_904, %parallel_loop3A_905, %parallel_loop3A_906, %parallel_loop3A_907] {strides = array<i32>} : memref<2x5x5x8x128xf32, #tpu.memory_space<vmem>>, vector<16xf32>,
        tpu.vector_store %arg6[%parallel_loop3A_903, %parallel_loop3A_904, %parallel_loop3A_905, %parallel_loop3A_906, %parallel_loop3A_907], %parallel_loop3A_900 {strides = array<i32>} : memref<2x5x5x8x128xf32, #tpu.memory_space<vmem>>, vector<16xf32>,
        %parallel_loop3A_909 = arith.constant 0 : i32
        %parallel_loop3A_910 = vector.broadcast %parallel_loop3A_909 : i32 to vector<16xi32>
        %parallel_loop3A_911 = arith.cmpi slt, %parallel_loop3A_836, %parallel_loop3A_910 : vector<16xi32>
        %parallel_loop3A_912 = arith.constant 16 : i32
        %parallel_loop3A_913 = vector.broadcast %parallel_loop3A_912 : i32 to vector<16xi32>
        %parallel_loop3A_914 = arith.addi %parallel_loop3A_836, %parallel_loop3A_913 : vector<16xi32>
        %parallel_loop3A_915 = arith.select %parallel_loop3A_911, %parallel_loop3A_914, %parallel_loop3A_836 : vector<16xi1>, vector<16xi32>
        %parallel_loop3A_916 = vector.shape_cast %parallel_loop3A_915 : vector<16xi32> to vector<16x1xi32>
        %parallel_loop3A_917 = vector.shape_cast %parallel_loop3A_916 : vector<16x1xi32> to vector<16xi32>
        %parallel_loop3A_918 = tpu.dynamic_gather %get3A_21[%parallel_loop3A_917] in [0] : vector<16xf32>, vector<16xi32> -> vector<16xf32>
        %parallel_loop3A_919 = arith.constant 1 : i32
        %parallel_loop3A_920 = arith.constant 4 : i32
        %parallel_loop3A_921 = arith.index_cast %parallel_loop3A_919 : i32 to index
        %parallel_loop3A_922 = arith.index_cast %parallel_loop3A_920 : i32 to index
        %parallel_loop3A_923 = arith.index_cast %parallel_loop3A_430 : i32 to index
        %parallel_loop3A_924 = arith.index_cast %parallel_loop3A_446 : i32 to index
        %parallel_loop3A_925 = arith.constant 64 : index
        %parallel_loop3A_926 = tpu.vector_load %arg6[%parallel_loop3A_921, %parallel_loop3A_922, %parallel_loop3A_923, %parallel_loop3A_924, %parallel_loop3A_925] {strides = array<i32>} : memref<2x5x5x8x128xf32, #tpu.memory_space<vmem>>, vector<16xf32>,
        tpu.vector_store %arg6[%parallel_loop3A_921, %parallel_loop3A_922, %parallel_loop3A_923, %parallel_loop3A_924, %parallel_loop3A_925], %parallel_loop3A_918 {strides = array<i32>} : memref<2x5x5x8x128xf32, #tpu.memory_space<vmem>>, vector<16xf32>,
        %parallel_loop3A_927 = arith.constant 1 : i32
        %parallel_loop3A_928 = arith.index_cast %parallel_loop3A_927 : i32 to index
        %parallel_loop3A_929 = arith.index_cast %parallel_loop3A_430 : i32 to index
        %parallel_loop3A_930 = arith.index_cast %parallel_loop3A_446 : i32 to index
        %parallel_loop3A_931 = arith.constant 80 : index
        %parallel_loop3A_932 = tpu.vector_load %arg5[%parallel_loop3A_928, %parallel_loop3A_929, %parallel_loop3A_930, %parallel_loop3A_931] {strides = array<i32>} : memref<2x5x8x128xi32, #tpu.memory_space<vmem>>, vector<16xi32>,
        %parallel_loop3A_933 = arith.constant 0 : i32
        %parallel_loop3A_934 = vector.broadcast %parallel_loop3A_933 : i32 to vector<16xi32>
        %parallel_loop3A_935 = arith.cmpi slt, %parallel_loop3A_932, %parallel_loop3A_934 : vector<16xi32>
        %parallel_loop3A_936 = arith.constant 16 : i32
        %parallel_loop3A_937 = vector.broadcast %parallel_loop3A_936 : i32 to vector<16xi32>
        %parallel_loop3A_938 = arith.addi %parallel_loop3A_932, %parallel_loop3A_937 : vector<16xi32>
        %parallel_loop3A_939 = arith.select %parallel_loop3A_935, %parallel_loop3A_938, %parallel_loop3A_932 : vector<16xi1>, vector<16xi32>
        %parallel_loop3A_940 = vector.shape_cast %parallel_loop3A_939 : vector<16xi32> to vector<16x1xi32>
        %parallel_loop3A_941 = vector.shape_cast %parallel_loop3A_940 : vector<16x1xi32> to vector<16xi32>
        %parallel_loop3A_942 = tpu.dynamic_gather %get3A_5[%parallel_loop3A_941] in [0] : vector<16xf32>, vector<16xi32> -> vector<16xf32>
        %parallel_loop3A_943 = arith.constant 1 : i32
        %parallel_loop3A_944 = arith.constant 0 : i32
        %parallel_loop3A_945 = arith.index_cast %parallel_loop3A_943 : i32 to index
        %parallel_loop3A_946 = arith.index_cast %parallel_loop3A_944 : i32 to index
        %parallel_loop3A_947 = arith.index_cast %parallel_loop3A_430 : i32 to index
        %parallel_loop3A_948 = arith.index_cast %parallel_loop3A_446 : i32 to index
        %parallel_loop3A_949 = arith.constant 80 : index
        %parallel_loop3A_950 = tpu.vector_load %arg6[%parallel_loop3A_945, %parallel_loop3A_946, %parallel_loop3A_947, %parallel_loop3A_948, %parallel_loop3A_949] {strides = array<i32>} : memref<2x5x5x8x128xf32, #tpu.memory_space<vmem>>, vector<16xf32>,
        tpu.vector_store %arg6[%parallel_loop3A_945, %parallel_loop3A_946, %parallel_loop3A_947, %parallel_loop3A_948, %parallel_loop3A_949], %parallel_loop3A_942 {strides = array<i32>} : memref<2x5x5x8x128xf32, #tpu.memory_space<vmem>>, vector<16xf32>,
        %parallel_loop3A_951 = arith.constant 0 : i32
        %parallel_loop3A_952 = vector.broadcast %parallel_loop3A_951 : i32 to vector<16xi32>
        %parallel_loop3A_953 = arith.cmpi slt, %parallel_loop3A_932, %parallel_loop3A_952 : vector<16xi32>
        %parallel_loop3A_954 = arith.constant 16 : i32
        %parallel_loop3A_955 = vector.broadcast %parallel_loop3A_954 : i32 to vector<16xi32>
        %parallel_loop3A_956 = arith.addi %parallel_loop3A_932, %parallel_loop3A_955 : vector<16xi32>
        %parallel_loop3A_957 = arith.select %parallel_loop3A_953, %parallel_loop3A_956, %parallel_loop3A_932 : vector<16xi1>, vector<16xi32>
        %parallel_loop3A_958 = vector.shape_cast %parallel_loop3A_957 : vector<16xi32> to vector<16x1xi32>
        %parallel_loop3A_959 = vector.shape_cast %parallel_loop3A_958 : vector<16x1xi32> to vector<16xi32>
        %parallel_loop3A_960 = tpu.dynamic_gather %get3A_9[%parallel_loop3A_959] in [0] : vector<16xf32>, vector<16xi32> -> vector<16xf32>
        %parallel_loop3A_961 = arith.constant 1 : i32
        %parallel_loop3A_962 = arith.constant 1 : i32
        %parallel_loop3A_963 = arith.index_cast %parallel_loop3A_961 : i32 to index
        %parallel_loop3A_964 = arith.index_cast %parallel_loop3A_962 : i32 to index
        %parallel_loop3A_965 = arith.index_cast %parallel_loop3A_430 : i32 to index
        %parallel_loop3A_966 = arith.index_cast %parallel_loop3A_446 : i32 to index
        %parallel_loop3A_967 = arith.constant 80 : index
        %parallel_loop3A_968 = tpu.vector_load %arg6[%parallel_loop3A_963, %parallel_loop3A_964, %parallel_loop3A_965, %parallel_loop3A_966, %parallel_loop3A_967] {strides = array<i32>} : memref<2x5x5x8x128xf32, #tpu.memory_space<vmem>>, vector<16xf32>,
        tpu.vector_store %arg6[%parallel_loop3A_963, %parallel_loop3A_964, %parallel_loop3A_965, %parallel_loop3A_966, %parallel_loop3A_967], %parallel_loop3A_960 {strides = array<i32>} : memref<2x5x5x8x128xf32, #tpu.memory_space<vmem>>, vector<16xf32>,
        %parallel_loop3A_969 = arith.constant 0 : i32
        %parallel_loop3A_970 = vector.broadcast %parallel_loop3A_969 : i32 to vector<16xi32>
        %parallel_loop3A_971 = arith.cmpi slt, %parallel_loop3A_932, %parallel_loop3A_970 : vector<16xi32>
        %parallel_loop3A_972 = arith.constant 16 : i32
        %parallel_loop3A_973 = vector.broadcast %parallel_loop3A_972 : i32 to vector<16xi32>
        %parallel_loop3A_974 = arith.addi %parallel_loop3A_932, %parallel_loop3A_973 : vector<16xi32>
        %parallel_loop3A_975 = arith.select %parallel_loop3A_971, %parallel_loop3A_974, %parallel_loop3A_932 : vector<16xi1>, vector<16xi32>
        %parallel_loop3A_976 = vector.shape_cast %parallel_loop3A_975 : vector<16xi32> to vector<16x1xi32>
        %parallel_loop3A_977 = vector.shape_cast %parallel_loop3A_976 : vector<16x1xi32> to vector<16xi32>
        %parallel_loop3A_978 = tpu.dynamic_gather %get3A_13[%parallel_loop3A_977] in [0] : vector<16xf32>, vector<16xi32> -> vector<16xf32>
        %parallel_loop3A_979 = arith.constant 1 : i32
        %parallel_loop3A_980 = arith.constant 2 : i32
        %parallel_loop3A_981 = arith.index_cast %parallel_loop3A_979 : i32 to index
        %parallel_loop3A_982 = arith.index_cast %parallel_loop3A_980 : i32 to index
        %parallel_loop3A_983 = arith.index_cast %parallel_loop3A_430 : i32 to index
        %parallel_loop3A_984 = arith.index_cast %parallel_loop3A_446 : i32 to index
        %parallel_loop3A_985 = arith.constant 80 : index
        %parallel_loop3A_986 = tpu.vector_load %arg6[%parallel_loop3A_981, %parallel_loop3A_982, %parallel_loop3A_983, %parallel_loop3A_984, %parallel_loop3A_985] {strides = array<i32>} : memref<2x5x5x8x128xf32, #tpu.memory_space<vmem>>, vector<16xf32>,
        tpu.vector_store %arg6[%parallel_loop3A_981, %parallel_loop3A_982, %parallel_loop3A_983, %parallel_loop3A_984, %parallel_loop3A_985], %parallel_loop3A_978 {strides = array<i32>} : memref<2x5x5x8x128xf32, #tpu.memory_space<vmem>>, vector<16xf32>,
        %parallel_loop3A_987 = arith.constant 0 : i32
        %parallel_loop3A_988 = vector.broadcast %parallel_loop3A_987 : i32 to vector<16xi32>
        %parallel_loop3A_989 = arith.cmpi slt, %parallel_loop3A_932, %parallel_loop3A_988 : vector<16xi32>
        %parallel_loop3A_990 = arith.constant 16 : i32
        %parallel_loop3A_991 = vector.broadcast %parallel_loop3A_990 : i32 to vector<16xi32>
        %parallel_loop3A_992 = arith.addi %parallel_loop3A_932, %parallel_loop3A_991 : vector<16xi32>
        %parallel_loop3A_993 = arith.select %parallel_loop3A_989, %parallel_loop3A_992, %parallel_loop3A_932 : vector<16xi1>, vector<16xi32>
        %parallel_loop3A_994 = vector.shape_cast %parallel_loop3A_993 : vector<16xi32> to vector<16x1xi32>
        %parallel_loop3A_995 = vector.shape_cast %parallel_loop3A_994 : vector<16x1xi32> to vector<16xi32>
        %parallel_loop3A_996 = tpu.dynamic_gather %get3A_17[%parallel_loop3A_995] in [0] : vector<16xf32>, vector<16xi32> -> vector<16xf32>
        %parallel_loop3A_997 = arith.constant 1 : i32
        %parallel_loop3A_998 = arith.constant 3 : i32
        %parallel_loop3A_999 = arith.index_cast %parallel_loop3A_997 : i32 to index
        %parallel_loop3A_1000 = arith.index_cast %parallel_loop3A_998 : i32 to index
        %parallel_loop3A_1001 = arith.index_cast %parallel_loop3A_430 : i32 to index
        %parallel_loop3A_1002 = arith.index_cast %parallel_loop3A_446 : i32 to index
        %parallel_loop3A_1003 = arith.constant 80 : index
        %parallel_loop3A_1004 = tpu.vector_load %arg6[%parallel_loop3A_999, %parallel_loop3A_1000, %parallel_loop3A_1001, %parallel_loop3A_1002, %parallel_loop3A_1003] {strides = array<i32>} : memref<2x5x5x8x128xf32, #tpu.memory_space<vmem>>, vector<16xf32>,
        tpu.vector_store %arg6[%parallel_loop3A_999, %parallel_loop3A_1000, %parallel_loop3A_1001, %parallel_loop3A_1002, %parallel_loop3A_1003], %parallel_loop3A_996 {strides = array<i32>} : memref<2x5x5x8x128xf32, #tpu.memory_space<vmem>>, vector<16xf32>,
        %parallel_loop3A_1005 = arith.constant 0 : i32
        %parallel_loop3A_1006 = vector.broadcast %parallel_loop3A_1005 : i32 to vector<16xi32>
        %parallel_loop3A_1007 = arith.cmpi slt, %parallel_loop3A_932, %parallel_loop3A_1006 : vector<16xi32>
        %parallel_loop3A_1008 = arith.constant 16 : i32
        %parallel_loop3A_1009 = vector.broadcast %parallel_loop3A_1008 : i32 to vector<16xi32>
        %parallel_loop3A_1010 = arith.addi %parallel_loop3A_932, %parallel_loop3A_1009 : vector<16xi32>
        %parallel_loop3A_1011 = arith.select %parallel_loop3A_1007, %parallel_loop3A_1010, %parallel_loop3A_932 : vector<16xi1>, vector<16xi32>
        %parallel_loop3A_1012 = vector.shape_cast %parallel_loop3A_1011 : vector<16xi32> to vector<16x1xi32>
        %parallel_loop3A_1013 = vector.shape_cast %parallel_loop3A_1012 : vector<16x1xi32> to vector<16xi32>
        %parallel_loop3A_1014 = tpu.dynamic_gather %get3A_21[%parallel_loop3A_1013] in [0] : vector<16xf32>, vector<16xi32> -> vector<16xf32>
        %parallel_loop3A_1015 = arith.constant 1 : i32
        %parallel_loop3A_1016 = arith.constant 4 : i32
        %parallel_loop3A_1017 = arith.index_cast %parallel_loop3A_1015 : i32 to index
        %parallel_loop3A_1018 = arith.index_cast %parallel_loop3A_1016 : i32 to index
        %parallel_loop3A_1019 = arith.index_cast %parallel_loop3A_430 : i32 to index
        %parallel_loop3A_1020 = arith.index_cast %parallel_loop3A_446 : i32 to index
        %parallel_loop3A_1021 = arith.constant 80 : index
        %parallel_loop3A_1022 = tpu.vector_load %arg6[%parallel_loop3A_1017, %parallel_loop3A_1018, %parallel_loop3A_1019, %parallel_loop3A_1020, %parallel_loop3A_1021] {strides = array<i32>} : memref<2x5x5x8x128xf32, #tpu.memory_space<vmem>>, vector<16xf32>,
        tpu.vector_store %arg6[%parallel_loop3A_1017, %parallel_loop3A_1018, %parallel_loop3A_1019, %parallel_loop3A_1020, %parallel_loop3A_1021], %parallel_loop3A_1014 {strides = array<i32>} : memref<2x5x5x8x128xf32, #tpu.memory_space<vmem>>, vector<16xf32>,
        %parallel_loop3A_1023 = arith.constant 1 : i32
        %parallel_loop3A_1024 = arith.index_cast %parallel_loop3A_1023 : i32 to index
        %parallel_loop3A_1025 = arith.index_cast %parallel_loop3A_430 : i32 to index
        %parallel_loop3A_1026 = arith.index_cast %parallel_loop3A_446 : i32 to index
        %parallel_loop3A_1027 = arith.constant 96 : index
        %parallel_loop3A_1028 = tpu.vector_load %arg5[%parallel_loop3A_1024, %parallel_loop3A_1025, %parallel_loop3A_1026, %parallel_loop3A_1027] {strides = array<i32>} : memref<2x5x8x128xi32, #tpu.memory_space<vmem>>, vector<16xi32>,
        %parallel_loop3A_1029 = arith.constant 0 : i32
        %parallel_loop3A_1030 = vector.broadcast %parallel_loop3A_1029 : i32 to vector<16xi32>
        %parallel_loop3A_1031 = arith.cmpi slt, %parallel_loop3A_1028, %parallel_loop3A_1030 : vector<16xi32>
        %parallel_loop3A_1032 = arith.constant 16 : i32
        %parallel_loop3A_1033 = vector.broadcast %parallel_loop3A_1032 : i32 to vector<16xi32>
        %parallel_loop3A_1034 = arith.addi %parallel_loop3A_1028, %parallel_loop3A_1033 : vector<16xi32>
        %parallel_loop3A_1035 = arith.select %parallel_loop3A_1031, %parallel_loop3A_1034, %parallel_loop3A_1028 : vector<16xi1>, vector<16xi32>
        %parallel_loop3A_1036 = vector.shape_cast %parallel_loop3A_1035 : vector<16xi32> to vector<16x1xi32>
        %parallel_loop3A_1037 = vector.shape_cast %parallel_loop3A_1036 : vector<16x1xi32> to vector<16xi32>
        %parallel_loop3A_1038 = tpu.dynamic_gather %get3A_5[%parallel_loop3A_1037] in [0] : vector<16xf32>, vector<16xi32> -> vector<16xf32>
        %parallel_loop3A_1039 = arith.constant 1 : i32
        %parallel_loop3A_1040 = arith.constant 0 : i32
        %parallel_loop3A_1041 = arith.index_cast %parallel_loop3A_1039 : i32 to index
        %parallel_loop3A_1042 = arith.index_cast %parallel_loop3A_1040 : i32 to index
        %parallel_loop3A_1043 = arith.index_cast %parallel_loop3A_430 : i32 to index
        %parallel_loop3A_1044 = arith.index_cast %parallel_loop3A_446 : i32 to index
        %parallel_loop3A_1045 = arith.constant 96 : index
        %parallel_loop3A_1046 = tpu.vector_load %arg6[%parallel_loop3A_1041, %parallel_loop3A_1042, %parallel_loop3A_1043, %parallel_loop3A_1044, %parallel_loop3A_1045] {strides = array<i32>} : memref<2x5x5x8x128xf32, #tpu.memory_space<vmem>>, vector<16xf32>,
        tpu.vector_store %arg6[%parallel_loop3A_1041, %parallel_loop3A_1042, %parallel_loop3A_1043, %parallel_loop3A_1044, %parallel_loop3A_1045], %parallel_loop3A_1038 {strides = array<i32>} : memref<2x5x5x8x128xf32, #tpu.memory_space<vmem>>, vector<16xf32>,
        %parallel_loop3A_1047 = arith.constant 0 : i32
        %parallel_loop3A_1048 = vector.broadcast %parallel_loop3A_1047 : i32 to vector<16xi32>
        %parallel_loop3A_1049 = arith.cmpi slt, %parallel_loop3A_1028, %parallel_loop3A_1048 : vector<16xi32>
        %parallel_loop3A_1050 = arith.constant 16 : i32
        %parallel_loop3A_1051 = vector.broadcast %parallel_loop3A_1050 : i32 to vector<16xi32>
        %parallel_loop3A_1052 = arith.addi %parallel_loop3A_1028, %parallel_loop3A_1051 : vector<16xi32>
        %parallel_loop3A_1053 = arith.select %parallel_loop3A_1049, %parallel_loop3A_1052, %parallel_loop3A_1028 : vector<16xi1>, vector<16xi32>
        %parallel_loop3A_1054 = vector.shape_cast %parallel_loop3A_1053 : vector<16xi32> to vector<16x1xi32>
        %parallel_loop3A_1055 = vector.shape_cast %parallel_loop3A_1054 : vector<16x1xi32> to vector<16xi32>
        %parallel_loop3A_1056 = tpu.dynamic_gather %get3A_9[%parallel_loop3A_1055] in [0] : vector<16xf32>, vector<16xi32> -> vector<16xf32>
        %parallel_loop3A_1057 = arith.constant 1 : i32
        %parallel_loop3A_1058 = arith.constant 1 : i32
        %parallel_loop3A_1059 = arith.index_cast %parallel_loop3A_1057 : i32 to index
        %parallel_loop3A_1060 = arith.index_cast %parallel_loop3A_1058 : i32 to index
        %parallel_loop3A_1061 = arith.index_cast %parallel_loop3A_430 : i32 to index
        %parallel_loop3A_1062 = arith.index_cast %parallel_loop3A_446 : i32 to index
        %parallel_loop3A_1063 = arith.constant 96 : index
        %parallel_loop3A_1064 = tpu.vector_load %arg6[%parallel_loop3A_1059, %parallel_loop3A_1060, %parallel_loop3A_1061, %parallel_loop3A_1062, %parallel_loop3A_1063] {strides = array<i32>} : memref<2x5x5x8x128xf32, #tpu.memory_space<vmem>>, vector<16xf32>,
        tpu.vector_store %arg6[%parallel_loop3A_1059, %parallel_loop3A_1060, %parallel_loop3A_1061, %parallel_loop3A_1062, %parallel_loop3A_1063], %parallel_loop3A_1056 {strides = array<i32>} : memref<2x5x5x8x128xf32, #tpu.memory_space<vmem>>, vector<16xf32>,
        %parallel_loop3A_1065 = arith.constant 0 : i32
        %parallel_loop3A_1066 = vector.broadcast %parallel_loop3A_1065 : i32 to vector<16xi32>
        %parallel_loop3A_1067 = arith.cmpi slt, %parallel_loop3A_1028, %parallel_loop3A_1066 : vector<16xi32>
        %parallel_loop3A_1068 = arith.constant 16 : i32
        %parallel_loop3A_1069 = vector.broadcast %parallel_loop3A_1068 : i32 to vector<16xi32>
        %parallel_loop3A_1070 = arith.addi %parallel_loop3A_1028, %parallel_loop3A_1069 : vector<16xi32>
        %parallel_loop3A_1071 = arith.select %parallel_loop3A_1067, %parallel_loop3A_1070, %parallel_loop3A_1028 : vector<16xi1>, vector<16xi32>
        %parallel_loop3A_1072 = vector.shape_cast %parallel_loop3A_1071 : vector<16xi32> to vector<16x1xi32>
        %parallel_loop3A_1073 = vector.shape_cast %parallel_loop3A_1072 : vector<16x1xi32> to vector<16xi32>
        %parallel_loop3A_1074 = tpu.dynamic_gather %get3A_13[%parallel_loop3A_1073] in [0] : vector<16xf32>, vector<16xi32> -> vector<16xf32>
        %parallel_loop3A_1075 = arith.constant 1 : i32
        %parallel_loop3A_1076 = arith.constant 2 : i32
        %parallel_loop3A_1077 = arith.index_cast %parallel_loop3A_1075 : i32 to index
        %parallel_loop3A_1078 = arith.index_cast %parallel_loop3A_1076 : i32 to index
        %parallel_loop3A_1079 = arith.index_cast %parallel_loop3A_430 : i32 to index
        %parallel_loop3A_1080 = arith.index_cast %parallel_loop3A_446 : i32 to index
        %parallel_loop3A_1081 = arith.constant 96 : index
        %parallel_loop3A_1082 = tpu.vector_load %arg6[%parallel_loop3A_1077, %parallel_loop3A_1078, %parallel_loop3A_1079, %parallel_loop3A_1080, %parallel_loop3A_1081] {strides = array<i32>} : memref<2x5x5x8x128xf32, #tpu.memory_space<vmem>>, vector<16xf32>,
        tpu.vector_store %arg6[%parallel_loop3A_1077, %parallel_loop3A_1078, %parallel_loop3A_1079, %parallel_loop3A_1080, %parallel_loop3A_1081], %parallel_loop3A_1074 {strides = array<i32>} : memref<2x5x5x8x128xf32, #tpu.memory_space<vmem>>, vector<16xf32>,
        %parallel_loop3A_1083 = arith.constant 0 : i32
        %parallel_loop3A_1084 = vector.broadcast %parallel_loop3A_1083 : i32 to vector<16xi32>
        %parallel_loop3A_1085 = arith.cmpi slt, %parallel_loop3A_1028, %parallel_loop3A_1084 : vector<16xi32>
        %parallel_loop3A_1086 = arith.constant 16 : i32
        %parallel_loop3A_1087 = vector.broadcast %parallel_loop3A_1086 : i32 to vector<16xi32>
        %parallel_loop3A_1088 = arith.addi %parallel_loop3A_1028, %parallel_loop3A_1087 : vector<16xi32>
        %parallel_loop3A_1089 = arith.select %parallel_loop3A_1085, %parallel_loop3A_1088, %parallel_loop3A_1028 : vector<16xi1>, vector<16xi32>
        %parallel_loop3A_1090 = vector.shape_cast %parallel_loop3A_1089 : vector<16xi32> to vector<16x1xi32>
        %parallel_loop3A_1091 = vector.shape_cast %parallel_loop3A_1090 : vector<16x1xi32> to vector<16xi32>
        %parallel_loop3A_1092 = tpu.dynamic_gather %get3A_17[%parallel_loop3A_1091] in [0] : vector<16xf32>, vector<16xi32> -> vector<16xf32>
        %parallel_loop3A_1093 = arith.constant 1 : i32
        %parallel_loop3A_1094 = arith.constant 3 : i32
        %parallel_loop3A_1095 = arith.index_cast %parallel_loop3A_1093 : i32 to index
        %parallel_loop3A_1096 = arith.index_cast %parallel_loop3A_1094 : i32 to index
        %parallel_loop3A_1097 = arith.index_cast %parallel_loop3A_430 : i32 to index
        %parallel_loop3A_1098 = arith.index_cast %parallel_loop3A_446 : i32 to index
        %parallel_loop3A_1099 = arith.constant 96 : index
        %parallel_loop3A_1100 = tpu.vector_load %arg6[%parallel_loop3A_1095, %parallel_loop3A_1096, %parallel_loop3A_1097, %parallel_loop3A_1098, %parallel_loop3A_1099] {strides = array<i32>} : memref<2x5x5x8x128xf32, #tpu.memory_space<vmem>>, vector<16xf32>,
        tpu.vector_store %arg6[%parallel_loop3A_1095, %parallel_loop3A_1096, %parallel_loop3A_1097, %parallel_loop3A_1098, %parallel_loop3A_1099], %parallel_loop3A_1092 {strides = array<i32>} : memref<2x5x5x8x128xf32, #tpu.memory_space<vmem>>, vector<16xf32>,
        %parallel_loop3A_1101 = arith.constant 0 : i32
        %parallel_loop3A_1102 = vector.broadcast %parallel_loop3A_1101 : i32 to vector<16xi32>
        %parallel_loop3A_1103 = arith.cmpi slt, %parallel_loop3A_1028, %parallel_loop3A_1102 : vector<16xi32>
        %parallel_loop3A_1104 = arith.constant 16 : i32
        %parallel_loop3A_1105 = vector.broadcast %parallel_loop3A_1104 : i32 to vector<16xi32>
        %parallel_loop3A_1106 = arith.addi %parallel_loop3A_1028, %parallel_loop3A_1105 : vector<16xi32>
        %parallel_loop3A_1107 = arith.select %parallel_loop3A_1103, %parallel_loop3A_1106, %parallel_loop3A_1028 : vector<16xi1>, vector<16xi32>
        %parallel_loop3A_1108 = vector.shape_cast %parallel_loop3A_1107 : vector<16xi32> to vector<16x1xi32>
        %parallel_loop3A_1109 = vector.shape_cast %parallel_loop3A_1108 : vector<16x1xi32> to vector<16xi32>
        %parallel_loop3A_1110 = tpu.dynamic_gather %get3A_21[%parallel_loop3A_1109] in [0] : vector<16xf32>, vector<16xi32> -> vector<16xf32>
        %parallel_loop3A_1111 = arith.constant 1 : i32
        %parallel_loop3A_1112 = arith.constant 4 : i32
        %parallel_loop3A_1113 = arith.index_cast %parallel_loop3A_1111 : i32 to index
        %parallel_loop3A_1114 = arith.index_cast %parallel_loop3A_1112 : i32 to index
        %parallel_loop3A_1115 = arith.index_cast %parallel_loop3A_430 : i32 to index
        %parallel_loop3A_1116 = arith.index_cast %parallel_loop3A_446 : i32 to index
        %parallel_loop3A_1117 = arith.constant 96 : index
        %parallel_loop3A_1118 = tpu.vector_load %arg6[%parallel_loop3A_1113, %parallel_loop3A_1114, %parallel_loop3A_1115, %parallel_loop3A_1116, %parallel_loop3A_1117] {strides = array<i32>} : memref<2x5x5x8x128xf32, #tpu.memory_space<vmem>>, vector<16xf32>,
        tpu.vector_store %arg6[%parallel_loop3A_1113, %parallel_loop3A_1114, %parallel_loop3A_1115, %parallel_loop3A_1116, %parallel_loop3A_1117], %parallel_loop3A_1110 {strides = array<i32>} : memref<2x5x5x8x128xf32, #tpu.memory_space<vmem>>, vector<16xf32>,
        %parallel_loop3A_1119 = arith.constant 1 : i32
        %parallel_loop3A_1120 = arith.index_cast %parallel_loop3A_1119 : i32 to index
        %parallel_loop3A_1121 = arith.index_cast %parallel_loop3A_430 : i32 to index
        %parallel_loop3A_1122 = arith.index_cast %parallel_loop3A_446 : i32 to index
        %parallel_loop3A_1123 = arith.constant 112 : index
        %parallel_loop3A_1124 = tpu.vector_load %arg5[%parallel_loop3A_1120, %parallel_loop3A_1121, %parallel_loop3A_1122, %parallel_loop3A_1123] {strides = array<i32>} : memref<2x5x8x128xi32, #tpu.memory_space<vmem>>, vector<16xi32>,
        %parallel_loop3A_1125 = arith.constant 0 : i32
        %parallel_loop3A_1126 = vector.broadcast %parallel_loop3A_1125 : i32 to vector<16xi32>
        %parallel_loop3A_1127 = arith.cmpi slt, %parallel_loop3A_1124, %parallel_loop3A_1126 : vector<16xi32>
        %parallel_loop3A_1128 = arith.constant 16 : i32
        %parallel_loop3A_1129 = vector.broadcast %parallel_loop3A_1128 : i32 to vector<16xi32>
        %parallel_loop3A_1130 = arith.addi %parallel_loop3A_1124, %parallel_loop3A_1129 : vector<16xi32>
        %parallel_loop3A_1131 = arith.select %parallel_loop3A_1127, %parallel_loop3A_1130, %parallel_loop3A_1124 : vector<16xi1>, vector<16xi32>
        %parallel_loop3A_1132 = vector.shape_cast %parallel_loop3A_1131 : vector<16xi32> to vector<16x1xi32>
        %parallel_loop3A_1133 = vector.shape_cast %parallel_loop3A_1132 : vector<16x1xi32> to vector<16xi32>
        %parallel_loop3A_1134 = tpu.dynamic_gather %get3A_5[%parallel_loop3A_1133] in [0] : vector<16xf32>, vector<16xi32> -> vector<16xf32>
        %parallel_loop3A_1135 = arith.constant 1 : i32
        %parallel_loop3A_1136 = arith.constant 0 : i32
        %parallel_loop3A_1137 = arith.index_cast %parallel_loop3A_1135 : i32 to index
        %parallel_loop3A_1138 = arith.index_cast %parallel_loop3A_1136 : i32 to index
        %parallel_loop3A_1139 = arith.index_cast %parallel_loop3A_430 : i32 to index
        %parallel_loop3A_1140 = arith.index_cast %parallel_loop3A_446 : i32 to index
        %parallel_loop3A_1141 = arith.constant 112 : index
        %parallel_loop3A_1142 = tpu.vector_load %arg6[%parallel_loop3A_1137, %parallel_loop3A_1138, %parallel_loop3A_1139, %parallel_loop3A_1140, %parallel_loop3A_1141] {strides = array<i32>} : memref<2x5x5x8x128xf32, #tpu.memory_space<vmem>>, vector<16xf32>,
        tpu.vector_store %arg6[%parallel_loop3A_1137, %parallel_loop3A_1138, %parallel_loop3A_1139, %parallel_loop3A_1140, %parallel_loop3A_1141], %parallel_loop3A_1134 {strides = array<i32>} : memref<2x5x5x8x128xf32, #tpu.memory_space<vmem>>, vector<16xf32>,
        %parallel_loop3A_1143 = arith.constant 0 : i32
        %parallel_loop3A_1144 = vector.broadcast %parallel_loop3A_1143 : i32 to vector<16xi32>
        %parallel_loop3A_1145 = arith.cmpi slt, %parallel_loop3A_1124, %parallel_loop3A_1144 : vector<16xi32>
        %parallel_loop3A_1146 = arith.constant 16 : i32
        %parallel_loop3A_1147 = vector.broadcast %parallel_loop3A_1146 : i32 to vector<16xi32>
        %parallel_loop3A_1148 = arith.addi %parallel_loop3A_1124, %parallel_loop3A_1147 : vector<16xi32>
        %parallel_loop3A_1149 = arith.select %parallel_loop3A_1145, %parallel_loop3A_1148, %parallel_loop3A_1124 : vector<16xi1>, vector<16xi32>
        %parallel_loop3A_1150 = vector.shape_cast %parallel_loop3A_1149 : vector<16xi32> to vector<16x1xi32>
        %parallel_loop3A_1151 = vector.shape_cast %parallel_loop3A_1150 : vector<16x1xi32> to vector<16xi32>
        %parallel_loop3A_1152 = tpu.dynamic_gather %get3A_9[%parallel_loop3A_1151] in [0] : vector<16xf32>, vector<16xi32> -> vector<16xf32>
        %parallel_loop3A_1153 = arith.constant 1 : i32
        %parallel_loop3A_1154 = arith.constant 1 : i32
        %parallel_loop3A_1155 = arith.index_cast %parallel_loop3A_1153 : i32 to index
        %parallel_loop3A_1156 = arith.index_cast %parallel_loop3A_1154 : i32 to index
        %parallel_loop3A_1157 = arith.index_cast %parallel_loop3A_430 : i32 to index
        %parallel_loop3A_1158 = arith.index_cast %parallel_loop3A_446 : i32 to index
        %parallel_loop3A_1159 = arith.constant 112 : index
        %parallel_loop3A_1160 = tpu.vector_load %arg6[%parallel_loop3A_1155, %parallel_loop3A_1156, %parallel_loop3A_1157, %parallel_loop3A_1158, %parallel_loop3A_1159] {strides = array<i32>} : memref<2x5x5x8x128xf32, #tpu.memory_space<vmem>>, vector<16xf32>,
        tpu.vector_store %arg6[%parallel_loop3A_1155, %parallel_loop3A_1156, %parallel_loop3A_1157, %parallel_loop3A_1158, %parallel_loop3A_1159], %parallel_loop3A_1152 {strides = array<i32>} : memref<2x5x5x8x128xf32, #tpu.memory_space<vmem>>, vector<16xf32>,
        %parallel_loop3A_1161 = arith.constant 0 : i32
        %parallel_loop3A_1162 = vector.broadcast %parallel_loop3A_1161 : i32 to vector<16xi32>
        %parallel_loop3A_1163 = arith.cmpi slt, %parallel_loop3A_1124, %parallel_loop3A_1162 : vector<16xi32>
        %parallel_loop3A_1164 = arith.constant 16 : i32
        %parallel_loop3A_1165 = vector.broadcast %parallel_loop3A_1164 : i32 to vector<16xi32>
        %parallel_loop3A_1166 = arith.addi %parallel_loop3A_1124, %parallel_loop3A_1165 : vector<16xi32>
        %parallel_loop3A_1167 = arith.select %parallel_loop3A_1163, %parallel_loop3A_1166, %parallel_loop3A_1124 : vector<16xi1>, vector<16xi32>
        %parallel_loop3A_1168 = vector.shape_cast %parallel_loop3A_1167 : vector<16xi32> to vector<16x1xi32>
        %parallel_loop3A_1169 = vector.shape_cast %parallel_loop3A_1168 : vector<16x1xi32> to vector<16xi32>
        %parallel_loop3A_1170 = tpu.dynamic_gather %get3A_13[%parallel_loop3A_1169] in [0] : vector<16xf32>, vector<16xi32> -> vector<16xf32>
        %parallel_loop3A_1171 = arith.constant 1 : i32
        %parallel_loop3A_1172 = arith.constant 2 : i32
        %parallel_loop3A_1173 = arith.index_cast %parallel_loop3A_1171 : i32 to index
        %parallel_loop3A_1174 = arith.index_cast %parallel_loop3A_1172 : i32 to index
        %parallel_loop3A_1175 = arith.index_cast %parallel_loop3A_430 : i32 to index
        %parallel_loop3A_1176 = arith.index_cast %parallel_loop3A_446 : i32 to index
        %parallel_loop3A_1177 = arith.constant 112 : index
        %parallel_loop3A_1178 = tpu.vector_load %arg6[%parallel_loop3A_1173, %parallel_loop3A_1174, %parallel_loop3A_1175, %parallel_loop3A_1176, %parallel_loop3A_1177] {strides = array<i32>} : memref<2x5x5x8x128xf32, #tpu.memory_space<vmem>>, vector<16xf32>,
        tpu.vector_store %arg6[%parallel_loop3A_1173, %parallel_loop3A_1174, %parallel_loop3A_1175, %parallel_loop3A_1176, %parallel_loop3A_1177], %parallel_loop3A_1170 {strides = array<i32>} : memref<2x5x5x8x128xf32, #tpu.memory_space<vmem>>, vector<16xf32>,
        %parallel_loop3A_1179 = arith.constant 0 : i32
        %parallel_loop3A_1180 = vector.broadcast %parallel_loop3A_1179 : i32 to vector<16xi32>
        %parallel_loop3A_1181 = arith.cmpi slt, %parallel_loop3A_1124, %parallel_loop3A_1180 : vector<16xi32>
        %parallel_loop3A_1182 = arith.constant 16 : i32
        %parallel_loop3A_1183 = vector.broadcast %parallel_loop3A_1182 : i32 to vector<16xi32>
        %parallel_loop3A_1184 = arith.addi %parallel_loop3A_1124, %parallel_loop3A_1183 : vector<16xi32>
        %parallel_loop3A_1185 = arith.select %parallel_loop3A_1181, %parallel_loop3A_1184, %parallel_loop3A_1124 : vector<16xi1>, vector<16xi32>
        %parallel_loop3A_1186 = vector.shape_cast %parallel_loop3A_1185 : vector<16xi32> to vector<16x1xi32>
        %parallel_loop3A_1187 = vector.shape_cast %parallel_loop3A_1186 : vector<16x1xi32> to vector<16xi32>
        %parallel_loop3A_1188 = tpu.dynamic_gather %get3A_17[%parallel_loop3A_1187] in [0] : vector<16xf32>, vector<16xi32> -> vector<16xf32>
        %parallel_loop3A_1189 = arith.constant 1 : i32
        %parallel_loop3A_1190 = arith.constant 3 : i32
        %parallel_loop3A_1191 = arith.index_cast %parallel_loop3A_1189 : i32 to index
        %parallel_loop3A_1192 = arith.index_cast %parallel_loop3A_1190 : i32 to index
        %parallel_loop3A_1193 = arith.index_cast %parallel_loop3A_430 : i32 to index
        %parallel_loop3A_1194 = arith.index_cast %parallel_loop3A_446 : i32 to index
        %parallel_loop3A_1195 = arith.constant 112 : index
        %parallel_loop3A_1196 = tpu.vector_load %arg6[%parallel_loop3A_1191, %parallel_loop3A_1192, %parallel_loop3A_1193, %parallel_loop3A_1194, %parallel_loop3A_1195] {strides = array<i32>} : memref<2x5x5x8x128xf32, #tpu.memory_space<vmem>>, vector<16xf32>,
        tpu.vector_store %arg6[%parallel_loop3A_1191, %parallel_loop3A_1192, %parallel_loop3A_1193, %parallel_loop3A_1194, %parallel_loop3A_1195], %parallel_loop3A_1188 {strides = array<i32>} : memref<2x5x5x8x128xf32, #tpu.memory_space<vmem>>, vector<16xf32>,
        %parallel_loop3A_1197 = arith.constant 0 : i32
        %parallel_loop3A_1198 = vector.broadcast %parallel_loop3A_1197 : i32 to vector<16xi32>
        %parallel_loop3A_1199 = arith.cmpi slt, %parallel_loop3A_1124, %parallel_loop3A_1198 : vector<16xi32>
        %parallel_loop3A_1200 = arith.constant 16 : i32
        %parallel_loop3A_1201 = vector.broadcast %parallel_loop3A_1200 : i32 to vector<16xi32>
        %parallel_loop3A_1202 = arith.addi %parallel_loop3A_1124, %parallel_loop3A_1201 : vector<16xi32>
        %parallel_loop3A_1203 = arith.select %parallel_loop3A_1199, %parallel_loop3A_1202, %parallel_loop3A_1124 : vector<16xi1>, vector<16xi32>
        %parallel_loop3A_1204 = vector.shape_cast %parallel_loop3A_1203 : vector<16xi32> to vector<16x1xi32>
        %parallel_loop3A_1205 = vector.shape_cast %parallel_loop3A_1204 : vector<16x1xi32> to vector<16xi32>
        %parallel_loop3A_1206 = tpu.dynamic_gather %get3A_21[%parallel_loop3A_1205] in [0] : vector<16xf32>, vector<16xi32> -> vector<16xf32>
        %parallel_loop3A_1207 = arith.constant 1 : i32
        %parallel_loop3A_1208 = arith.constant 4 : i32
        %parallel_loop3A_1209 = arith.index_cast %parallel_loop3A_1207 : i32 to index
        %parallel_loop3A_1210 = arith.index_cast %parallel_loop3A_1208 : i32 to index
        %parallel_loop3A_1211 = arith.index_cast %parallel_loop3A_430 : i32 to index
        %parallel_loop3A_1212 = arith.index_cast %parallel_loop3A_446 : i32 to index
        %parallel_loop3A_1213 = arith.constant 112 : index
        %parallel_loop3A_1214 = tpu.vector_load %arg6[%parallel_loop3A_1209, %parallel_loop3A_1210, %parallel_loop3A_1211, %parallel_loop3A_1212, %parallel_loop3A_1213] {strides = array<i32>} : memref<2x5x5x8x128xf32, #tpu.memory_space<vmem>>, vector<16xf32>,
        tpu.vector_store %arg6[%parallel_loop3A_1209, %parallel_loop3A_1210, %parallel_loop3A_1211, %parallel_loop3A_1212, %parallel_loop3A_1213], %parallel_loop3A_1206 {strides = array<i32>} : memref<2x5x5x8x128xf32, #tpu.memory_space<vmem>>, vector<16xf32>,
      } {sc.loop_unroll_factor = 4 : i64, sc.parallel_access}
      %jit3A_333 = arith.constant 5 : i32
      %div3A_334 = arith.divsi %add3A_262, %jit3A_333 : i32
      %sign3A_335 = arith.constant 0 : i32
      %sign3A_336 = arith.cmpi sgt, %add3A_262, %sign3A_335 : i32
      %sign3A_337 = arith.extui %sign3A_336 : i1 to i32
      %sign3A_338 = arith.constant 0 : i32
      %sign3A_339 = arith.cmpi slt, %add3A_262, %sign3A_338 : i32
      %sign3A_340 = arith.extui %sign3A_339 : i1 to i32
      %sign3A_341 = arith.subi %sign3A_337, %sign3A_340 : i32
      %sign3A_342 = arith.constant 0 : i32
      %sign3A_343 = arith.cmpi sgt, %jit3A_333, %sign3A_342 : i32
      %sign3A_344 = arith.extui %sign3A_343 : i1 to i32
      %sign3A_345 = arith.constant 0 : i32
      %sign3A_346 = arith.cmpi slt, %jit3A_333, %sign3A_345 : i32
      %sign3A_347 = arith.extui %sign3A_346 : i1 to i32
      %sign3A_348 = arith.subi %sign3A_344, %sign3A_347 : i32
      %ne3A_349 = arith.cmpi ne, %sign3A_341, %sign3A_348 : i32
      %rem3A_350 = arith.remsi %add3A_262, %jit3A_333 : i32
      %ne3A_351 = arith.constant 0 : i32
      %ne3A_352 = arith.cmpi ne, %rem3A_350, %ne3A_351 : i32
      %and3A_353 = arith.andi %ne3A_349, %ne3A_352 : i1
      %sub3A_354 = arith.constant 1 : i32
      %sub3A_355 = arith.subi %div3A_334, %sub3A_354 : i32
      %select_n3A_356 = arith.select %and3A_353, %sub3A_355, %div3A_334 : i32
      %add3A_357 = arith.addi %mul3A_2, %select_n3A_356 : i32
      %jit3A_358 = arith.constant 5 : i32
      %eq3A_359 = arith.constant 0 : i32
      %eq3A_360 = arith.cmpi eq, %jit3A_358, %eq3A_359 : i32
      %jit3A_361 = arith.constant 1 : i32
      %select_n3A_362 = arith.select %eq3A_360, %jit3A_361, %jit3A_358 : i32
      %rem3A_363 = arith.remsi %add3A_262, %select_n3A_362 : i32
      %ne3A_364 = arith.constant 0 : i32
      %ne3A_365 = arith.cmpi ne, %rem3A_363, %ne3A_364 : i32
      %lt3A_366 = arith.constant 0 : i32
      %lt3A_367 = arith.cmpi slt, %rem3A_363, %lt3A_366 : i32
      %lt3A_368 = arith.constant 0 : i32
      %lt3A_369 = arith.cmpi slt, %select_n3A_362, %lt3A_368 : i32
      %ne3A_370 = arith.xori %lt3A_367, %lt3A_369 : i1
      %and3A_371 = arith.andi %ne3A_370, %ne3A_365 : i1
      %add3A_372 = arith.addi %rem3A_363, %select_n3A_362 : i32
      %select_n3A_373 = arith.select %and3A_371, %add3A_372, %rem3A_363 : i32
      %mul3A_374 = arith.constant 5 : i32
      %mul3A_375 = arith.muli %select_n3A_373, %mul3A_374 : i32
      %dma_start3A_376 = arith.constant 1 : i32
      %dma_start3A_377 = arith.constant 0 : i32
      %dma_start3A_378 = arith.constant 0 : i32
      %dma_start3A_379 = arith.constant 0 : i32
      %dma_start3A_380 = arith.constant 0 : i32
      %dma_start3A_381 = tpu.memref_slice %arg6[%dma_start3A_376, %dma_start3A_377, %dma_start3A_378, %dma_start3A_379, %dma_start3A_380] : memref<2x5x5x8x128xf32, #tpu.memory_space<vmem>> -> memref<1x5x5x8x128xf32, #tpu.memory_space<vmem>>
      %dma_start3A_382 = tpu.memref_squeeze %dma_start3A_381 : memref<1x5x5x8x128xf32, #tpu.memory_space<vmem>> -> memref<5x5x8x128xf32, #tpu.memory_space<vmem>>
      %dma_start3A_383 = arith.constant 0 : i32
      %dma_start3A_384 = arith.constant 0 : i32
      %dma_start3A_385 = arith.constant 0 : i32
      %dma_start3A_386 = tpu.memref_slice %arg4[%dma_start3A_383, %mul3A_375, %add3A_357, %dma_start3A_384, %dma_start3A_385] : memref<5x25x128x8x128xf32, #tpu.memory_space<hbm>> -> memref<5x5x1x8x128xf32, #tpu.memory_space<hbm>>
      %dma_start3A_387 = tpu.memref_squeeze %dma_start3A_386 : memref<5x5x1x8x128xf32, #tpu.memory_space<hbm>> -> memref<5x5x8x128xf32, #tpu.memory_space<hbm>>
      %dma_start3A_388 = arith.constant 0 : i32
      %dma_start3A_389 = arith.constant 0 : i32
      %dma_start3A_390 = arith.constant 0 : i32
      %dma_start3A_391 = tpu.memref_slice %arg4[%dma_start3A_388, %mul3A_375, %add3A_357, %dma_start3A_389, %dma_start3A_390] : memref<5x25x128x8x128xf32, #tpu.memory_space<hbm>> -> memref<5x5x1x8x128xf32, #tpu.memory_space<hbm>>
      %dma_start3A_392 = tpu.memref_squeeze %dma_start3A_391 : memref<5x5x1x8x128xf32, #tpu.memory_space<hbm>> -> memref<5x5x8x128xf32, #tpu.memory_space<hbm>>
      %dma_start3A_393 = arith.constant 0 : i32
      %dma_start3A_394 = arith.constant 0 : i32
      %dma_start3A_395 = arith.constant 0 : i32
      %dma_start3A_396 = arith.constant 0 : i32
      %dma_start3A_397 = tpu.memref_slice %arg6[%dma_start3A_376, %dma_start3A_393, %dma_start3A_394, %dma_start3A_395, %dma_start3A_396] : memref<2x5x5x8x128xf32, #tpu.memory_space<vmem>> -> memref<1x5x5x8x128xf32, #tpu.memory_space<vmem>>
      %dma_start3A_398 = tpu.memref_squeeze %dma_start3A_397 : memref<1x5x5x8x128xf32, #tpu.memory_space<vmem>> -> memref<5x5x8x128xf32, #tpu.memory_space<vmem>>
      tpu.enqueue_dma source(%dma_start3A_398 : memref<5x5x8x128xf32, #tpu.memory_space<vmem>>) target(%dma_start3A_392 : memref<5x5x8x128xf32, #tpu.memory_space<hbm>>) target_semaphore(%arg11 : memref<!tpu.dma_semaphore, #tpu.memory_space<semaphore_mem>>)
      %add3A_399 = arith.constant 2 : i32
      %add3A_400 = arith.addi %add3A_262, %add3A_399 : i32
      %lt3A_401 = arith.constant 20 : i32
      %lt3A_402 = arith.cmpi slt, %add3A_400, %lt3A_401 : i32
      %convert_element_type3A_403 = arith.extui %lt3A_402 : i1 to i32
      %cond3A_404 = arith.constant 0 : i32
      %cond3A_405 = arith.cmpi ne, %convert_element_type3A_403, %cond3A_404 : i32
      scf.if %cond3A_405 {
        %add3A_406 = arith.constant 2 : i32
        %add3A_407 = arith.addi %add3A_262, %add3A_406 : i32
        %jit3A_408 = arith.constant 5 : i32
        %div3A_409 = arith.divsi %add3A_407, %jit3A_408 : i32
        %sign3A_410 = arith.constant 0 : i32
        %sign3A_411 = arith.cmpi sgt, %add3A_407, %sign3A_410 : i32
        %sign3A_412 = arith.extui %sign3A_411 : i1 to i32
        %sign3A_413 = arith.constant 0 : i32
        %sign3A_414 = arith.cmpi slt, %add3A_407, %sign3A_413 : i32
        %sign3A_415 = arith.extui %sign3A_414 : i1 to i32
        %sign3A_416 = arith.subi %sign3A_412, %sign3A_415 : i32
        %sign3A_417 = arith.constant 0 : i32
        %sign3A_418 = arith.cmpi sgt, %jit3A_408, %sign3A_417 : i32
        %sign3A_419 = arith.extui %sign3A_418 : i1 to i32
        %sign3A_420 = arith.constant 0 : i32
        %sign3A_421 = arith.cmpi slt, %jit3A_408, %sign3A_420 : i32
        %sign3A_422 = arith.extui %sign3A_421 : i1 to i32
        %sign3A_423 = arith.subi %sign3A_419, %sign3A_422 : i32
        %ne3A_424 = arith.cmpi ne, %sign3A_416, %sign3A_423 : i32
        %rem3A_425 = arith.remsi %add3A_407, %jit3A_408 : i32
        %ne3A_426 = arith.constant 0 : i32
        %ne3A_427 = arith.cmpi ne, %rem3A_425, %ne3A_426 : i32
        %and3A_428 = arith.andi %ne3A_424, %ne3A_427 : i1
        %sub3A_429 = arith.constant 1 : i32
        %sub3A_430 = arith.subi %div3A_409, %sub3A_429 : i32
        %select_n3A_431 = arith.select %and3A_428, %sub3A_430, %div3A_409 : i32
        %add3A_432 = arith.addi %mul3A_2, %select_n3A_431 : i32
        %jit3A_433 = arith.constant 5 : i32
        %eq3A_434 = arith.constant 0 : i32
        %eq3A_435 = arith.cmpi eq, %jit3A_433, %eq3A_434 : i32
        %jit3A_436 = arith.constant 1 : i32
        %select_n3A_437 = arith.select %eq3A_435, %jit3A_436, %jit3A_433 : i32
        %rem3A_438 = arith.remsi %add3A_407, %select_n3A_437 : i32
        %ne3A_439 = arith.constant 0 : i32
        %ne3A_440 = arith.cmpi ne, %rem3A_438, %ne3A_439 : i32
        %lt3A_441 = arith.constant 0 : i32
        %lt3A_442 = arith.cmpi slt, %rem3A_438, %lt3A_441 : i32
        %lt3A_443 = arith.constant 0 : i32
        %lt3A_444 = arith.cmpi slt, %select_n3A_437, %lt3A_443 : i32
        %ne3A_445 = arith.xori %lt3A_442, %lt3A_444 : i1
        %and3A_446 = arith.andi %ne3A_445, %ne3A_440 : i1
        %add3A_447 = arith.addi %rem3A_438, %select_n3A_437 : i32
        %select_n3A_448 = arith.select %and3A_446, %add3A_447, %rem3A_438 : i32
        %mul3A_449 = arith.constant 5 : i32
        %mul3A_450 = arith.muli %select_n3A_448, %mul3A_449 : i32
        %dma_start3A_451 = arith.constant 1 : i32
        %dma_start3A_452 = arith.constant 0 : i32
        %dma_start3A_453 = arith.constant 0 : i32
        %dma_start3A_454 = arith.constant 0 : i32
        %dma_start3A_455 = tpu.memref_slice %arg5[%dma_start3A_451, %dma_start3A_452, %dma_start3A_453, %dma_start3A_454] : memref<2x5x8x128xi32, #tpu.memory_space<vmem>> -> memref<1x5x8x128xi32, #tpu.memory_space<vmem>>
        %dma_start3A_456 = tpu.memref_squeeze %dma_start3A_455 : memref<1x5x8x128xi32, #tpu.memory_space<vmem>> -> memref<5x8x128xi32, #tpu.memory_space<vmem>>
        %dma_start3A_457 = arith.constant 0 : i32
        %dma_start3A_458 = arith.constant 0 : i32
        %dma_start3A_459 = tpu.memref_slice %arg3[%mul3A_450, %add3A_432, %dma_start3A_457, %dma_start3A_458] : memref<25x128x8x128xi32, #tpu.memory_space<hbm>> -> memref<5x1x8x128xi32, #tpu.memory_space<hbm>>
        %dma_start3A_460 = tpu.memref_squeeze %dma_start3A_459 : memref<5x1x8x128xi32, #tpu.memory_space<hbm>> -> memref<5x8x128xi32, #tpu.memory_space<hbm>>
        %dma_start3A_461 = arith.constant 0 : i32
        %dma_start3A_462 = arith.constant 0 : i32
        %dma_start3A_463 = arith.constant 0 : i32
        %dma_start3A_464 = tpu.memref_slice %arg5[%dma_start3A_451, %dma_start3A_461, %dma_start3A_462, %dma_start3A_463] : memref<2x5x8x128xi32, #tpu.memory_space<vmem>> -> memref<1x5x8x128xi32, #tpu.memory_space<vmem>>
        %dma_start3A_465 = tpu.memref_squeeze %dma_start3A_464 : memref<1x5x8x128xi32, #tpu.memory_space<vmem>> -> memref<5x8x128xi32, #tpu.memory_space<vmem>>
        %dma_start3A_466 = arith.constant 0 : i32
        %dma_start3A_467 = arith.constant 0 : i32
        %dma_start3A_468 = tpu.memref_slice %arg3[%mul3A_450, %add3A_432, %dma_start3A_466, %dma_start3A_467] : memref<25x128x8x128xi32, #tpu.memory_space<hbm>> -> memref<5x1x8x128xi32, #tpu.memory_space<hbm>>
        %dma_start3A_469 = tpu.memref_squeeze %dma_start3A_468 : memref<5x1x8x128xi32, #tpu.memory_space<hbm>> -> memref<5x8x128xi32, #tpu.memory_space<hbm>>
        tpu.enqueue_dma source(%dma_start3A_469 : memref<5x8x128xi32, #tpu.memory_space<hbm>>) target(%dma_start3A_465 : memref<5x8x128xi32, #tpu.memory_space<vmem>>) target_semaphore(%arg9 : memref<!tpu.dma_semaphore, #tpu.memory_space<semaphore_mem>>)
      } else {
      }
    }
    %scan3A_71 = arith.constant 10 : i32
    %add3A_72 = arith.constant 3 : i32
    %add3A_73 = arith.addi %mul3A_2, %add3A_72 : i32
    %dma_wait3A = arith.constant 0 : i32
    %dma_wait3A_74 = arith.constant 0 : i32
    %dma_wait3A_75 = arith.constant 0 : i32
    %dma_wait3A_76 = arith.constant 0 : i32
    %dma_wait3A_77 = arith.constant 0 : i32
    %dma_wait3A_78 = tpu.memref_slice %arg6[%dma_wait3A, %dma_wait3A_74, %dma_wait3A_75, %dma_wait3A_76, %dma_wait3A_77] : memref<2x5x5x8x128xf32, #tpu.memory_space<vmem>> -> memref<1x5x5x8x128xf32, #tpu.memory_space<vmem>>
    %dma_wait3A_79 = tpu.memref_squeeze %dma_wait3A_78 : memref<1x5x5x8x128xf32, #tpu.memory_space<vmem>> -> memref<5x5x8x128xf32, #tpu.memory_space<vmem>>
    %dma_wait3A_80 = arith.constant 0 : i32
    %dma_wait3A_81 = arith.constant 15 : i32
    %dma_wait3A_82 = arith.constant 0 : i32
    %dma_wait3A_83 = arith.constant 0 : i32
    %dma_wait3A_84 = tpu.memref_slice %arg4[%dma_wait3A_80, %dma_wait3A_81, %add3A_73, %dma_wait3A_82, %dma_wait3A_83] : memref<5x25x128x8x128xf32, #tpu.memory_space<hbm>> -> memref<5x5x1x8x128xf32, #tpu.memory_space<hbm>>
    %dma_wait3A_85 = tpu.memref_squeeze %dma_wait3A_84 : memref<5x5x1x8x128xf32, #tpu.memory_space<hbm>> -> memref<5x5x8x128xf32, #tpu.memory_space<hbm>>
    %dma_wait3A_86 = arith.constant 0 : i32
    %dma_wait3A_87 = arith.constant 15 : i32
    %dma_wait3A_88 = arith.constant 0 : i32
    %dma_wait3A_89 = arith.constant 0 : i32
    %dma_wait3A_90 = tpu.memref_slice %arg4[%dma_wait3A_86, %dma_wait3A_87, %add3A_73, %dma_wait3A_88, %dma_wait3A_89] : memref<5x25x128x8x128xf32, #tpu.memory_space<hbm>> -> memref<5x5x1x8x128xf32, #tpu.memory_space<hbm>>
    %dma_wait3A_91 = tpu.memref_squeeze %dma_wait3A_90 : memref<5x5x1x8x128xf32, #tpu.memory_space<hbm>> -> memref<5x5x8x128xf32, #tpu.memory_space<hbm>>
    %dma_wait3A_92 = arith.constant 0 : i32
    %dma_wait3A_93 = arith.constant 0 : i32
    %dma_wait3A_94 = arith.constant 0 : i32
    %dma_wait3A_95 = arith.constant 0 : i32
    %dma_wait3A_96 = tpu.memref_slice %arg6[%dma_wait3A, %dma_wait3A_92, %dma_wait3A_93, %dma_wait3A_94, %dma_wait3A_95] : memref<2x5x5x8x128xf32, #tpu.memory_space<vmem>> -> memref<1x5x5x8x128xf32, #tpu.memory_space<vmem>>
    %dma_wait3A_97 = tpu.memref_squeeze %dma_wait3A_96 : memref<1x5x5x8x128xf32, #tpu.memory_space<vmem>> -> memref<5x5x8x128xf32, #tpu.memory_space<vmem>>
    tpu.wait_dma2 semaphore(%arg10 : memref<!tpu.dma_semaphore, #tpu.memory_space<semaphore_mem>>) src(%dma_wait3A_97 : memref<5x5x8x128xf32, #tpu.memory_space<vmem>>) dst(%dma_wait3A_91 : memref<5x5x8x128xf32, #tpu.memory_space<hbm>>)
    %add3A_98 = arith.constant 3 : i32
    %add3A_99 = arith.addi %mul3A_2, %add3A_98 : i32
    %dma_wait3A_100 = arith.constant 1 : i32
    %dma_wait3A_101 = arith.constant 0 : i32
    %dma_wait3A_102 = arith.constant 0 : i32
    %dma_wait3A_103 = arith.constant 0 : i32
    %dma_wait3A_104 = arith.constant 0 : i32
    %dma_wait3A_105 = tpu.memref_slice %arg6[%dma_wait3A_100, %dma_wait3A_101, %dma_wait3A_102, %dma_wait3A_103, %dma_wait3A_104] : memref<2x5x5x8x128xf32, #tpu.memory_space<vmem>> -> memref<1x5x5x8x128xf32, #tpu.memory_space<vmem>>
    %dma_wait3A_106 = tpu.memref_squeeze %dma_wait3A_105 : memref<1x5x5x8x128xf32, #tpu.memory_space<vmem>> -> memref<5x5x8x128xf32, #tpu.memory_space<vmem>>
    %dma_wait3A_107 = arith.constant 0 : i32
    %dma_wait3A_108 = arith.constant 20 : i32
    %dma_wait3A_109 = arith.constant 0 : i32
    %dma_wait3A_110 = arith.constant 0 : i32
    %dma_wait3A_111 = tpu.memref_slice %arg4[%dma_wait3A_107, %dma_wait3A_108, %add3A_99, %dma_wait3A_109, %dma_wait3A_110] : memref<5x25x128x8x128xf32, #tpu.memory_space<hbm>> -> memref<5x5x1x8x128xf32, #tpu.memory_space<hbm>>
    %dma_wait3A_112 = tpu.memref_squeeze %dma_wait3A_111 : memref<5x5x1x8x128xf32, #tpu.memory_space<hbm>> -> memref<5x5x8x128xf32, #tpu.memory_space<hbm>>
    %dma_wait3A_113 = arith.constant 0 : i32
    %dma_wait3A_114 = arith.constant 20 : i32
    %dma_wait3A_115 = arith.constant 0 : i32
    %dma_wait3A_116 = arith.constant 0 : i32
    %dma_wait3A_117 = tpu.memref_slice %arg4[%dma_wait3A_113, %dma_wait3A_114, %add3A_99, %dma_wait3A_115, %dma_wait3A_116] : memref<5x25x128x8x128xf32, #tpu.memory_space<hbm>> -> memref<5x5x1x8x128xf32, #tpu.memory_space<hbm>>
    %dma_wait3A_118 = tpu.memref_squeeze %dma_wait3A_117 : memref<5x5x1x8x128xf32, #tpu.memory_space<hbm>> -> memref<5x5x8x128xf32, #tpu.memory_space<hbm>>
    %dma_wait3A_119 = arith.constant 0 : i32
    %dma_wait3A_120 = arith.constant 0 : i32
    %dma_wait3A_121 = arith.constant 0 : i32
    %dma_wait3A_122 = arith.constant 0 : i32
    %dma_wait3A_123 = tpu.memref_slice %arg6[%dma_wait3A_100, %dma_wait3A_119, %dma_wait3A_120, %dma_wait3A_121, %dma_wait3A_122] : memref<2x5x5x8x128xf32, #tpu.memory_space<vmem>> -> memref<1x5x5x8x128xf32, #tpu.memory_space<vmem>>
    %dma_wait3A_124 = tpu.memref_squeeze %dma_wait3A_123 : memref<1x5x5x8x128xf32, #tpu.memory_space<vmem>> -> memref<5x5x8x128xf32, #tpu.memory_space<vmem>>
    tpu.wait_dma2 semaphore(%arg11 : memref<!tpu.dma_semaphore, #tpu.memory_space<semaphore_mem>>) src(%dma_wait3A_124 : memref<5x5x8x128xf32, #tpu.memory_space<vmem>>) dst(%dma_wait3A_118 : memref<5x5x8x128xf32, #tpu.memory_space<hbm>>)
    return
  }
}

</mosaic_0001>

<sc_bundles>
// kernel: _embed.3.cloned.1.call-start
scs
__scs_entry_jumppad:
0x0: {  	(pc) =	sbr.rel $0x88, $3  }
0x1: {  	(tag) =	ssettag $0x0;
	lr =	simm.s32 $0x1  }
0x2: {  	[smem:$0x3F9F] =	sst lr;
	_ =	strace $0xD0000000  }
0x3: {  	_ = 	snop  }
0x4: {  	_ = 	snop  }
0x5: {  	_ = 	snop  }
0x6: {  	_ = 	snop  }
0x7: {  	_ = 	snop  }
__scs_overlays_trampoline_lowered:
0x8: {  	[smem:$0x3FAE] =	sst s0  }
0x9: {  	[smem:$0x3FAF] =	sst s1  }
0xa: {  	[smem:$0x3FB0] =	sst s2  }
0xb: {  	[smem:$0x3FB1] =	sst s3  }
0xc: {  	[smem:$0x3FB2] =	sst s4  }
0xd: {  	[smem:$0x3FB3] =	sst s5  }
0xe: {  	[smem:$0x3FB4] =	sst s6  }
0xf: {  	[smem:$0x3FB5] =	sst s7  }
0x10: {  	[smem:$0x3FB6] =	sst s8  }
0x11: {  	[smem:$0x3FB7] =	sst s9;
	s0 =	simm.s32 @!p0 $0x0  }
0x12: {  	s1 =	sld [smem:$0x3F9D];
	s0 =	simm.s32 @p0 $0x1  }
0x13: {  	[smem:$0x3FB8] =	sst s0;
	s0 =	simm.s32 @!p1 $0x0  }
0x14: {  	s2 =	sld [smem:$0x3F9C];
	s0 =	simm.s32 @p1 $0x1  }
0x15: {  	[smem:$0x3FB9] =	sst s0;
	s0 =	simm.s32 @!p2 $0x0  }
0x16: {  	s3 =	sld [smem:$0x3FDB];
	s0 =	simm.s32 @p2 $0x1  }
0x17: {  	s4 =	simm.s32 $0x1BF5;
	[smem:$0x3FBB] =	sst s0  }
0x18: {  	s0 =	sld [smem:$0x3F9E];
	_ =	swait.ge [sflag:s4], $0x0  }
0x19: {  	s7 =	sld [smem:$0x3F9F]  }
0x1a: {  	s8 =	sadd.s32 $0xFFFFE003, lr  }
0x1b: {  	s9 =	sadd.s32 $0xFFFFFEF7, lr;
	s5 =	simm.s32 $0xFFFFFFFF;
	p2 =	slt.u32 s8, $0xFFFFF086  }
0x1c: {  	p1 =	slt.u32 s9, $0xF7A;
	s5 =	simm.s32 @!p2 $0x0  }
0x1d: {  	s5 =	simm.s32 @p1 $0x1;
	p0 =	seq.s32 s7, s2  }
0x1e: {  	s7 =	smul.u32 @!p0 $0xF7A, s2;
	p2 =	seq.s32 @!p0 s5, $0x0  }
0x1f: {  	s9 =	smul.u32 $0xF7A, s1;
	s8 =	simm.s32 @!p0 $0x1BF5;
	p2 =	por !p2, p0  }
0x20: {  	[sflag:s8] =	ssyncset.s32 @!p0 $0xFFFFF086;
	s6 =	sadd.s32 @!p0 s3, s7;
	s7 =	simm.s32 @!p0 $0x108  }
0x21: {  	s3 =	sadd.s32 s3, s9;
	s6 =	sadd.s32 @!p0 $0x88, s6;
	s7 =	simm.s32 @p2 $0x1082  }
0x22: {  	[simem:s7], [sflag:s8] =	dma.local @!p0 [hbm:s6], $0xF7A  }
0x23: {  	s9 =	sor.u32 $0xD0000000, s2;
	s6 =	simm.s32 $0x108;
	_ =	swait.ge @!p0 [sflag:s8], $0x0  }
0x24: {  	s3 =	sadd.s32 $0x88, s3;
	s6 =	simm.s32 @!p1 $0x1082;
	[sflag:s4] =	ssyncset.s32 $0xFFFFF086  }
0x25: {  	[simem:s6], [sflag:s4] =	dma.local [hbm:s3], $0xF7A  }
0x26: {  	[smem:$0x3F9F] =	sst s1;
	(tag) =	ssettag s2;
	_ =	strace s9  }
0x27: {  	s1 =	sld [smem:$0x3FAF]  }
0x28: {  	s2 =	sld [smem:$0x3FB0]  }
0x29: {  	s4 =	sld [smem:$0x3FB2]  }
0x2a: {  	p0 =	seq.s32 s5, $0x0;
	s5 =	sld [smem:$0x3FB3]  }
0x2b: {  	s6 =	sld [smem:$0x3FB4]  }
0x2c: {  	s7 =	sld [smem:$0x3FB5]  }
0x2d: {  	s3 =	simm.s32 $0x108;
	s8 =	sld [smem:$0x3FB6]  }
0x2e: {  	s3 =	simm.s32 @!p0 $0x1082;
	s9 =	sld [smem:$0x3FB7]  }
0x2f: {  	lr =	sadd.s32 s0, s3;
	s0 =	sld [smem:$0x3FAE]  }
0x30: {  	s3 =	sld [smem:$0x3FB1]  }
0x31: {  	[smem:$0x3FBA] =	sst s10  }
0x32: {  	s10 =	sld [smem:$0x3FB8];
	_ =	sdelay $0x3  }
0x33: {  	p0 =	seq.s32 s10, $0x1;
	s10 =	sld [smem:$0x3FBA];
	_ =	sdelay $0x3  }
0x34: {  	[smem:$0x3FBA] =	sst s10  }
0x35: {  	s10 =	sld [smem:$0x3FB9];
	_ =	sdelay $0x3  }
0x36: {  	p1 =	seq.s32 s10, $0x1;
	s10 =	sld [smem:$0x3FBA];
	_ =	sdelay $0x3  }
0x37: {  	[smem:$0x3FBA] =	sst s10  }
0x38: {  	s10 =	sld [smem:$0x3FBB]  }
0x39: {  	_ = 	snop;
	(pc) =	sbr.ind lr, $3  }
0x3a: {  	_ = 	snop  }
0x3b: {  	_ = 	snop  }
0x3c: {  	p2 =	seq.s32 s10, $0x1;
	s10 =	sld [smem:$0x3FBA]  }
0x3d: {  	_ =	shalt  }
0x3e: {  	_ =	shalt  }
0x3f: {  	_ =	shalt  }
0x40: {  	_ =	shalt  }
0x41: {  	_ =	shalt  }
0x42: {  	_ =	shalt  }
0x43: {  	_ =	shalt  }
0x44: {  	_ =	shalt  }
0x45: {  	_ =	shalt  }
0x46: {  	_ =	shalt  }
0x47: {  	_ =	shalt  }
0x48: {  	_ =	shalt  }
0x49: {  	_ =	shalt  }
0x4a: {  	_ =	shalt  }
0x4b: {  	_ =	shalt  }
0x4c: {  	_ =	shalt  }
0x4d: {  	_ =	shalt  }
0x4e: {  	_ =	shalt  }
0x4f: {  	_ =	shalt  }
0x50: {  	_ =	shalt  }
0x51: {  	_ =	shalt  }
0x52: {  	_ =	shalt  }
0x53: {  	_ =	shalt  }
0x54: {  	_ =	shalt  }
0x55: {  	_ =	shalt  }
0x56: {  	_ =	shalt  }
0x57: {  	_ =	shalt  }
0x58: {  	_ =	shalt  }
0x59: {  	_ =	shalt  }
0x5a: {  	_ =	shalt  }
0x5b: {  	_ =	shalt  }
0x5c: {  	_ =	shalt  }
0x5d: {  	_ =	shalt  }
0x5e: {  	_ =	shalt  }
0x5f: {  	_ =	shalt  }
0x60: {  	_ =	shalt  }
0x61: {  	_ =	shalt  }
0x62: {  	_ =	shalt  }
0x63: {  	_ =	shalt  }
0x64: {  	_ =	shalt  }
0x65: {  	_ =	shalt  }
0x66: {  	_ =	shalt  }
0x67: {  	_ =	shalt  }
0x68: {  	_ =	shalt  }
0x69: {  	_ =	shalt  }
0x6a: {  	_ =	shalt  }
0x6b: {  	_ =	shalt  }
0x6c: {  	_ =	shalt  }
0x6d: {  	_ =	shalt  }
0x6e: {  	_ =	shalt  }
0x6f: {  	_ =	shalt  }
0x70: {  	_ =	shalt  }
0x71: {  	_ =	shalt  }
0x72: {  	_ =	shalt  }
0x73: {  	_ =	shalt  }
0x74: {  	_ =	shalt  }
0x75: {  	_ =	shalt  }
0x76: {  	_ =	shalt  }
0x77: {  	_ =	shalt  }
0x78: {  	_ =	shalt  }
0x79: {  	_ =	shalt  }
0x7a: {  	_ =	shalt  }
0x7b: {  	_ =	shalt  }
0x7c: {  	_ =	shalt  }
0x7d: {  	_ =	shalt  }
0x7e: {  	_ =	shalt  }
0x7f: {  	_ =	shalt  }
0x80: {  	_ =	shalt  }
0x81: {  	_ =	shalt  }
0x82: {  	_ =	shalt  }
0x83: {  	_ =	shalt  }
0x84: {  	_ =	shalt  }
0x85: {  	_ =	shalt  }
0x86: {  	_ =	shalt  }
0x87: {  	_ =	shalt  }
.Lfunc_end0:
.L_simem_size_0:
called_computation_lowered:
.L_overlay_start_0:
0x88: {  	s2 =	sld [smem:$0x3FD9]  }
0x89: {  	s3 =	sld [smem:$0x3FFE];
	_ =	sdelay $0x1  }
0x8a: {  	s1 =	srdreg.scid  }
0x8b: {  	s0 =	sand.u32 $0x1, s1  }
0x8c: {  	s17 =	sshll.u32 s0, $0xA;
	s2 =	sadd.s32 s3, s2  }
0x8d: {  	s2 =	sadd.s32 s2, s17  }
0x8e: {  	[smem:$0x3FC6] =	sst s2  }
0x8f: {  	_ = 	snop  }
0x90: {  	s2 =	sld [smem:$0x3FC9]  }
0x91: {  	s18 =	sld [smem:$0x3FD0];
	(tm) =	ssettm $0x1  }
0x92: {  	s4 =	sld [smem:$0x3FFB];
	_ =	sdelay $0x3  }
0x93: {  	_ =	strace s4  }
0x94: {  	s4 =	sld [smem:$0x3FFC];
	_ =	sdelay $0x3  }
0x95: {  	_ =	strace s4  }
0x96: {  	s4 =	sld [smem:$0x3FFD];
	_ =	sdelay $0x3  }
0x97: {  	_ =	strace s4  }
0x98: {  	_ =	strace $0x8FFFFFFF  }
0x99: {  	s19 =	sld [smem:$0x3FDB];
	_ =	sdelay $0x1  }
0x9a: {  	s5 =	simm.s32 $_scs_section_size  }
0x9b: {  	s6 =	simm.s32 $_size__tile_overlayer_lowered;
	s7 =	simm.s32 $_tile_overlayer_lowered  }
0x9c: {  	s22 =	simm.s32 $0x1BFF;
	s21 =	sshll.u32 s7, $0x1;
	s4 =	sadd.s32 s5, s19  }
0x9d: {  	s8 =	simm.s32 $0x0;
	s20 =	sshll.u32 s6, $0x1;
	s6 =	sadd.s32 s21, s4  }
0x9e: {  	[timem:s8], [sflag:s22] =	dma.local [hbm:s6], s20  }
0x9f: {  	_ =	swait.ge [sflag:s22], s20  }
0xa0: {  	s5 =	ssub.s32 $0x0, s20;
	[sflag:s22] =	ssyncset.done $0x0  }
0xa1: {  	[sflag:s22] =	ssyncadd.s32 s5;
	_ =	sdelay $0x1  }
0xa2: {  	s23 =	simm.s32 $0x1B8B  }
0xa3: {  	_ =	swait.ge [sflag:s23], $0x1  }
0xa4: {  	[sflag:s23] =	ssyncset.done $0x0  }
0xa5: {  	s25 =	simm.s32 $0x1B8E;
	s24 =	sld [smem:$0x3FFE];
	[sflag:s23] =	ssyncadd.s32 $0xFFFFFFFF  }
0xa6: {  	s26 =	simm.s32 $execute0_lowered;
	[smem:$0x3FD2] =	sst s25  }
0xa7: {  	s6 =	sshll.u32 s26, $0x1;
	_ =	strace $0x80000046;
	[dreg:$0x1] =	wrdreg $0xFFFFFFFF  }
0xa8: {  	s28 =	simm.s32 $_size_execute0_lowered;
	s4 =	sadd.s32 s4, s6;
	[dreg:$0x0] =	wrdreg $0x0  }
0xa9: {  	s6 =	sshll.u32 s28, $0x1;
	[dreg:$0x2] =	wrdreg s4  }
0xaa: {  	[dreg:$0x3] =	wrdreg s6  }
0xab: {  	[dreg:$0x4] =	wrdreg $0xC0  }
0xac: {  	_ =	task [dreg:s8], $0x5FFFF  }
0xad: {  	[dreg:$0x1] =	wrdreg $0xFFFFFFFF  }
0xae: {  	[dreg:$0x0] =	wrdreg $0x60  }
0xaf: {  	[dreg:$0x2] =	wrdreg s24  }
0xb0: {  	[dreg:$0x3] =	wrdreg s2  }
0xb1: {  	[dreg:$0x4] =	wrdreg s18  }
0xb2: {  	[dreg:$0x5] =	wrdreg $0x9  }
0xb3: {  	_ =	task.clear_ibuf [dreg:s8], $0x6FFFF;
	_ =	strace $0x90000046  }
0xb4: {  	s29 =	simm.s32 $0x9;
	_ =	strace $0x80000048  }
0xb5: {  	_ =	swait.ge [sflag:s29], $0x1  }
0xb6: {  	[sflag:s29] =	ssyncadd.s32 $0xFFFFFFFF  }
0xb7: {  	_ =	strace $0x90000048  }
0xb8: {  	_ =	sfence  }
0xb9: {  	s30 =	sld [smem:$0x0];
	_ =	sdelay $0x2  }
0xba: {  	s31 =	sshll.u32 s1, $0xD;
	s1 =	sshrl.u32 s1, $0x2  }
0xbb: {  	s3 =	sand.u32 $0x4000, s31;
	s1 =	sadd.s32 s1, s30  }
0xbc: {  	s0 =	sor.u32 s3, s0;
	s1 =	sshll.u32 s1, $0x11  }
0xbd: {  	s0 =	sor.u32 s1, s0  }
0xbe: {  	s0 =	sadd.s32 $0x8F2B, s0  }
0xbf: {  	[sflag:s0] =	ssyncadd.remote.s32 $0x1  }
0xc0: {  	_ =	sfence.sel $0xFFFF  }
0xc1: {  	[dreg:$0x0] =	wrdreg $0xFFFFFFFF;
	(pc) =	sbr.abs _section_cstart, $3  }
0xc2: {  	[dreg:$0x1] =	wrdreg $0xFFFFFFFF  }
0xc3: {  	_ =	task.clear_ibuf [dreg:s8], $0x2FFFF;
	_ =	strace $0x9FFFFFFF  }
0xc4: {  	(tm) =	ssettm $0x7FFFFFFF  }
0xc5: {  	_ =	shalt  }
tec
execute0_lowered:
.L_overlay_start_1:
0x0: {  	(tag) =	ssettag $0x1  }
0x1: {  	s0 =	rddreg [dreg:$0x0]  }
0x2: {  	s1 =	srdreg.scid;
	s4 =	rddreg [dreg:$0x1]  }
0x3: {  	s2 =	stileid.u32;
	s29 =	rddreg [dreg:$0x2];
	s5 =	simm.s32 $0x0  }
0x4: {  	s1 =	sand.u32 $0x1, s1;
	s2 =	sshll.u32 s2, $0x3;
	[smem:$0x7FF] =	sst s5  }
0x5: {  	s0 =	sadd.s32 $0x400, s0;
	s3 =	sshll.u32 s1, $0x2;
	s1 =	ssub.s32 $0x2, s1  }
0x6: {  	_ =	strace $0x80000047;
	[dreg:$0x6] =	wrdreg s0;
	s31 =	sor.u32 s3, s2  }
.Ltmp0:
0x7: {  	s25 =	sshrl.u32 s1, $0x1;
	s2 =	sshll.u32 s31, $0x7;
	(pc) =	sbr.rel .LBB2_1-.Ltmp0, $4  }
0x8: {  	s26 =	ssub.s32 s1, s25;
	[dreg:$0x4] =	wrdreg s31;
	s2 =	sadd.s32 s4, s2  }
0x9: {  	s0 =	smax.u32 s26, $0x1;
	[dreg:$0x5] =	wrdreg s2  }
0xa: {  	s30 =	simm.s32 $0x400;
	s28 =	sadd.s32 $0x14000, s2;
	[dreg:$0x8] =	wrdreg s0  }
0xb: {  	s3 =	simm.s32 $0x20000;
	s2 =	simm.s32 $0x0;
	[dreg:$0x7] =	wrdreg s28  }
.LBB2_11:
0xc: {  	s0 =	simm.s32 $0x3  }
0xd: {  	_ =	swait.ge [sflag:s0], $0x6400  }
0xe: {  	[sflag:s0] =	ssyncset.done $0x0  }
0xf: {  	s1 =	simm.s32 $0x4;
	[sflag:s0] =	ssyncadd.s32 $0xFFFF9C00  }
0x10: {  	_ =	swait.ge [sflag:s1], $0x6400  }
0x11: {  	s2 =	rddreg [dreg:$0x9]  }
0x12: {  	s28 =	rddreg [dreg:$0x8];
	s2 =	sadd.s32 $0x1, s2  }
0x13: {  	p0 =	sne.s32 s2, s28  }
.Ltmp1:
0x14: {  	_ = 	snop;
	(pc) =	sbr.rel @!p0 .LBB2_12-.Ltmp1, $3  }
0x15: {  	_ =	sdelay $0x1  }
0x16: {  	[sflag:s1] =	ssyncset.done $0x0  }
0x17: {  	[sflag:s1] =	ssyncadd.s32 $0xFFFF9C00  }
.LBB2_1:
0x18: {  	[dreg:$0x9] =	wrdreg s2;
	s0 =	simm.s32 $0x0  }
0x19: {  	s1 =	rddreg [dreg:$0x6];
	s23 =	simm.s32 $0xF000;
	s24 =	simm.s32 $0x5  }
0x1a: {  	[tilespmem:s23], [sflag:$0x5] =	stream.linear.gather [hbm4b:s1+s0], $0x50, $0x38;
	[tilespmem:$0xF050] =	vst v63  }
0x1b: {  	_ =	swait.ge [sflag:s24], $0x50  }
0x1c: {  	[sflag:s24] =	ssyncset.done $0x0  }
0x1d: {  	[sflag:s24] =	ssyncadd.s32 $0xFFFFFFB0  }
0x1e: {  	v0 =	vld [tilespmem:$0xF000]  }
0x1f: {  	v1 =	vld [tilespmem:$0xF010]  }
0x20: {  	v2 =	vld [tilespmem:$0xF020]  }
0x21: {  	s25 =	rddreg [dreg:$0x5];
	v3 =	vld [tilespmem:$0xF030]  }
0x22: {  	v4 =	vld [tilespmem:$0xF040];
	[tilespmem:s0], [sflag:$0x1] =	stream.strided.gather [hbm4b:s25+s30], $0x1400, s3, s30, $0x38  }
0x23: {  	s28 =	simm.s32 $0x1400;
	s22 =	simm.s32 $0x0;
	s26 =	rddreg [dreg:$0x7]  }
0x24: {  	[tilespmem:s28], [sflag:$0x2] =	stream.strided.gather [hbm4b:s26+s30], $0x1400, s3, s30, $0x38;
	[tilespmem:$0xF050] =	vst v63  }
.LBB2_2:
0x25: {  	p0 =	seq.s32 s22, $0x0  }
0x26: {  	s0 =	simm.s32 @!p0 $0x3  }
0x27: {  	_ =	swait.ge @!p0 [sflag:s0], $0x6400  }
0x28: {  	[sflag:s0] =	ssyncset.done @!p0 $0x0  }
0x29: {  	s1 =	simm.s32 $0x1;
	[sflag:s0] =	ssyncadd.s32 @!p0 $0xFFFF9C00  }
0x2a: {  	s21 =	simm.s32 $0x0;
	_ =	swait.ge [sflag:s1], $0x1400  }
0x2b: {  	s10 =	simm.s32 $0x40;
	s6 =	sand.u32 $0x200, s21;
	[sflag:s1] =	ssyncset.done $0x0  }
0x2c: {  	s2 =	sand.u32 $0x1C00, s21;
	s3 =	sor.u32 $0x180, s6;
	[sflag:s1] =	ssyncadd.s32 $0xFFFFEC00  }
0x2d: {  	s5 =	sor.u32 s2, s3;
	v5 =	vld [tilespmem:s10+$0xFFFFFFC0]  }
0x2e: {  	v6 =	vld [tilespmem:s5+$0x0];
	_ =	sdelay $0x2  }
0x2f: {  	s11 =	sor.u32 $0x80, s6  }
0x30: {  	s23 =	sor.u32 s2, s11;
	v7 =	vshrl.u32 v5, $0x1B  }
0x31: {  	v8 =	vld [tilespmem:s23+$0x0];
	v9 =	vshrl.u32 v6, $0x1B;
	v7 =	vand.u32 $0x10, v7  }
0x32: {  	v5 =	vadd.s32 v5, v7;
	v7 =	vand.u32 $0x10, v9  }
0x33: {  	v9 =	vperm.xlane v0, v5;
	v6 =	vadd.s32 v6, v7  }
0x34: {  	s13 =	sor.u32 $0x100, s6;
	s0 =	simm.s32 $0x2840;
	v7 =	vperm.xlane v0, v6  }
0x35: {  	s7 =	sadd.s32 $0x3C00, s2;
	s4 =	sor.u32 s2, s13;
	[tilespmem:s0+$0xFFFFFFC0] =	vst v9;
	v9 =	vperm.xlane v1, v6  }
0x36: {  	s8 =	sadd.s32 $0x5000, s2;
	s15 =	sor.u32 s3, s7;
	v10 =	vld [tilespmem:s4+$0x0];
	v11 =	vshrl.u32 v8, $0x1B;
	[tilespmem:s5+$0x2800] =	vst v7;
	v7 =	vperm.xlane v2, v6  }
0x37: {  	s9 =	sadd.s32 $0x6400, s2;
	s19 =	sor.u32 s3, s8;
	v11 =	vand.u32 $0x10, v11;
	[tilespmem:s15+$0x0] =	vst v9;
	v9 =	vperm.xlane v3, v6  }
0x38: {  	s12 =	sadd.s32 $0x7800, s2;
	s20 =	sor.u32 s3, s9;
	v8 =	vadd.s32 v8, v11;
	v6 =	vperm.xlane v4, v6;
	[tilespmem:s19+$0x0] =	vst v7  }
0x39: {  	s21 =	sor.u32 s3, s12;
	v7 =	vperm.xlane v0, v8;
	[tilespmem:s20+$0x0] =	vst v9  }
0x3a: {  	v9 =	vperm.xlane v1, v8;
	[tilespmem:s21+$0x0] =	vst v6  }
0x3b: {  	s24 =	sor.u32 s11, s7;
	v11 =	vperm.xlane v2, v8;
	v6 =	vshrl.u32 v10, $0x1B;
	[tilespmem:s23+$0x2800] =	vst v7;
	v7 =	vld [tilespmem:s5+$0x10]  }
0x3c: {  	s25 =	sor.u32 s11, s8;
	v12 =	vperm.xlane v3, v8;
	v6 =	vand.u32 $0x10, v6;
	[tilespmem:s24+$0x0] =	vst v9  }
0x3d: {  	s28 =	sor.u32 s11, s9;
	v8 =	vperm.xlane v4, v8;
	v6 =	vadd.s32 v10, v6;
	[tilespmem:s25+$0x0] =	vst v11  }
0x3e: {  	s18 =	sor.u32 s11, s12;
	v9 =	vperm.xlane v0, v6;
	[tilespmem:s28+$0x0] =	vst v12  }
0x3f: {  	v10 =	vperm.xlane v1, v6;
	[tilespmem:s18+$0x0] =	vst v8  }
0x40: {  	s17 =	sor.u32 s13, s7;
	v8 =	vperm.xlane v2, v6;
	[tilespmem:s4+$0x2800] =	vst v9;
	v9 =	vshrl.u32 v7, $0x1B  }
0x41: {  	s14 =	sor.u32 s13, s8;
	v11 =	vperm.xlane v3, v6;
	[tilespmem:s17+$0x0] =	vst v10;
	v9 =	vand.u32 $0x10, v9  }
0x42: {  	s11 =	sor.u32 s13, s9;
	v6 =	vperm.xlane v4, v6;
	[tilespmem:s14+$0x0] =	vst v8;
	v7 =	vadd.s32 v7, v9  }
0x43: {  	s16 =	sor.u32 s13, s12;
	[tilespmem:s11+$0x0] =	vst v11;
	v8 =	vperm.xlane v0, v7  }
0x44: {  	v9 =	vld [tilespmem:s23+$0x10];
	[tilespmem:s16+$0x0] =	vst v6;
	v6 =	vperm.xlane v1, v7  }
0x45: {  	[tilespmem:s5+$0x2810] =	vst v8;
	v8 =	vperm.xlane v2, v7  }
0x46: {  	[tilespmem:s15+$0x10] =	vst v6;
	v6 =	vperm.xlane v3, v7  }
0x47: {  	v7 =	vperm.xlane v4, v7;
	[tilespmem:s19+$0x10] =	vst v8  }
0x48: {  	v8 =	vperm.xlane v1, v5;
	[tilespmem:s20+$0x10] =	vst v6  }
0x49: {  	s7 =	sor.u32 s6, s7;
	v11 =	vperm.xlane v2, v5;
	v10 =	vld [tilespmem:s4+$0x10];
	v6 =	vshrl.u32 v9, $0x1B;
	[tilespmem:s21+$0x10] =	vst v7  }
0x4a: {  	s8 =	sor.u32 s6, s8;
	v6 =	vand.u32 $0x10, v6;
	[tilespmem:s7+$0x0] =	vst v8;
	v7 =	vperm.xlane v3, v5;
	v8 =	vld [tilespmem:s5+$0x20]  }
0x4b: {  	s9 =	sor.u32 s6, s9;
	v5 =	vperm.xlane v4, v5;
	v6 =	vadd.s32 v9, v6;
	[tilespmem:s8+$0x0] =	vst v11  }
0x4c: {  	s6 =	sor.u32 s6, s12;
	v9 =	vperm.xlane v0, v6;
	[tilespmem:s9+$0x0] =	vst v7  }
0x4d: {  	v7 =	vperm.xlane v1, v6;
	[tilespmem:s6+$0x0] =	vst v5  }
0x4e: {  	v11 =	vshrl.u32 v10, $0x1B;
	v5 =	vperm.xlane v2, v6;
	[tilespmem:s23+$0x2810] =	vst v9  }
0x4f: {  	v11 =	vand.u32 $0x10, v11;
	v9 =	vperm.xlane v3, v6;
	[tilespmem:s24+$0x10] =	vst v7;
	v7 =	vshrl.u32 v8, $0x1B  }
0x50: {  	v10 =	vadd.s32 v10, v11;
	v6 =	vperm.xlane v4, v6;
	[tilespmem:s25+$0x10] =	vst v5;
	v5 =	vand.u32 $0x10, v7  }
0x51: {  	v7 =	vperm.xlane v0, v10;
	[tilespmem:s28+$0x10] =	vst v9;
	v5 =	vadd.s32 v8, v5  }
0x52: {  	[tilespmem:s18+$0x10] =	vst v6;
	v6 =	vperm.xlane v0, v5  }
0x53: {  	v8 =	vld [tilespmem:s10+$0xFFFFFFD0];
	[tilespmem:s4+$0x2810] =	vst v7;
	v7 =	vperm.xlane v1, v5  }
0x54: {  	[tilespmem:s5+$0x2820] =	vst v6;
	v6 =	vperm.xlane v2, v5  }
0x55: {  	[tilespmem:s15+$0x20] =	vst v7;
	v7 =	vperm.xlane v3, v5  }
0x56: {  	v5 =	vperm.xlane v4, v5;
	[tilespmem:s19+$0x20] =	vst v6  }
0x57: {  	v6 =	vperm.xlane v1, v10;
	[tilespmem:s20+$0x20] =	vst v7  }
0x58: {  	v11 =	vld [tilespmem:s23+$0x20];
	v9 =	vshrl.u32 v8, $0x1B;
	v7 =	vperm.xlane v2, v10;
	[tilespmem:s21+$0x20] =	vst v5  }
0x59: {  	v9 =	vand.u32 $0x10, v9;
	v5 =	vperm.xlane v3, v10;
	[tilespmem:s17+$0x10] =	vst v6;
	v6 =	vld [tilespmem:s5+$0x30]  }
0x5a: {  	v10 =	vperm.xlane v4, v10;
	v8 =	vadd.s32 v8, v9;
	[tilespmem:s14+$0x10] =	vst v7  }
0x5b: {  	v7 =	vperm.xlane v0, v8;
	[tilespmem:s11+$0x10] =	vst v5  }
0x5c: {  	v5 =	vperm.xlane v1, v8;
	[tilespmem:s16+$0x10] =	vst v10  }
0x5d: {  	v9 =	vperm.xlane v2, v8;
	v10 =	vshrl.u32 v11, $0x1B;
	[tilespmem:s0+$0xFFFFFFD0] =	vst v7  }
0x5e: {  	v7 =	vperm.xlane v3, v8;
	v10 =	vand.u32 $0x10, v10;
	[tilespmem:s7+$0x10] =	vst v5;
	v5 =	vshrl.u32 v6, $0x1B  }
0x5f: {  	v8 =	vperm.xlane v4, v8;
	v10 =	vadd.s32 v11, v10;
	[tilespmem:s8+$0x10] =	vst v9;
	v5 =	vand.u32 $0x10, v5  }
0x60: {  	v9 =	vperm.xlane v0, v10;
	[tilespmem:s9+$0x10] =	vst v7;
	v5 =	vadd.s32 v6, v5  }
0x61: {  	[tilespmem:s6+$0x10] =	vst v8;
	v6 =	vperm.xlane v0, v5  }
0x62: {  	v7 =	vld [tilespmem:s4+$0x20];
	[tilespmem:s23+$0x2820] =	vst v9;
	v8 =	vperm.xlane v1, v5  }
0x63: {  	[tilespmem:s5+$0x2830] =	vst v6;
	v6 =	vperm.xlane v2, v5  }
0x64: {  	[tilespmem:s15+$0x30] =	vst v8;
	v8 =	vperm.xlane v3, v5  }
0x65: {  	v5 =	vperm.xlane v4, v5;
	[tilespmem:s19+$0x30] =	vst v6  }
0x66: {  	v6 =	vperm.xlane v1, v10;
	[tilespmem:s20+$0x30] =	vst v8  }
0x67: {  	v9 =	vld [tilespmem:s10+$0xFFFFFFE0];
	v11 =	vshrl.u32 v7, $0x1B;
	v8 =	vperm.xlane v2, v10;
	[tilespmem:s21+$0x30] =	vst v5  }
0x68: {  	v11 =	vand.u32 $0x10, v11;
	v5 =	vperm.xlane v3, v10;
	[tilespmem:s24+$0x20] =	vst v6;
	v6 =	vld [tilespmem:s5+$0x40]  }
0x69: {  	v7 =	vadd.s32 v7, v11;
	v10 =	vperm.xlane v4, v10;
	[tilespmem:s25+$0x20] =	vst v8  }
0x6a: {  	v8 =	vperm.xlane v0, v7;
	[tilespmem:s28+$0x20] =	vst v5  }
0x6b: {  	v5 =	vperm.xlane v1, v7;
	[tilespmem:s18+$0x20] =	vst v10  }
0x6c: {  	v11 =	vshrl.u32 v9, $0x1B;
	v10 =	vperm.xlane v2, v7;
	[tilespmem:s4+$0x2820] =	vst v8  }
0x6d: {  	v11 =	vand.u32 $0x10, v11;
	v8 =	vperm.xlane v3, v7;
	[tilespmem:s17+$0x20] =	vst v5;
	v5 =	vshrl.u32 v6, $0x1B  }
0x6e: {  	v9 =	vadd.s32 v9, v11;
	v7 =	vperm.xlane v4, v7;
	[tilespmem:s14+$0x20] =	vst v10;
	v5 =	vand.u32 $0x10, v5  }
0x6f: {  	v10 =	vperm.xlane v0, v9;
	[tilespmem:s11+$0x20] =	vst v8;
	v5 =	vadd.s32 v6, v5  }
0x70: {  	[tilespmem:s16+$0x20] =	vst v7;
	v6 =	vperm.xlane v0, v5  }
0x71: {  	v7 =	vld [tilespmem:s23+$0x30];
	[tilespmem:s0+$0xFFFFFFE0] =	vst v10;
	v8 =	vperm.xlane v1, v5  }
0x72: {  	[tilespmem:s5+$0x2840] =	vst v6;
	v6 =	vperm.xlane v2, v5  }
0x73: {  	[tilespmem:s15+$0x40] =	vst v8;
	v8 =	vperm.xlane v3, v5  }
0x74: {  	v5 =	vperm.xlane v4, v5;
	[tilespmem:s19+$0x40] =	vst v6  }
0x75: {  	v6 =	vperm.xlane v1, v9;
	[tilespmem:s20+$0x40] =	vst v8  }
0x76: {  	v11 =	vld [tilespmem:s4+$0x30];
	v10 =	vshrl.u32 v7, $0x1B;
	v8 =	vperm.xlane v2, v9;
	[tilespmem:s21+$0x40] =	vst v5  }
0x77: {  	v10 =	vand.u32 $0x10, v10;
	v5 =	vperm.xlane v3, v9;
	[tilespmem:s7+$0x20] =	vst v6;
	v6 =	vld [tilespmem:s5+$0x50]  }
0x78: {  	v7 =	vadd.s32 v7, v10;
	v9 =	vperm.xlane v4, v9;
	[tilespmem:s8+$0x20] =	vst v8  }
0x79: {  	v8 =	vperm.xlane v0, v7;
	[tilespmem:s9+$0x20] =	vst v5  }
0x7a: {  	v5 =	vperm.xlane v1, v7;
	[tilespmem:s6+$0x20] =	vst v9  }
0x7b: {  	v10 =	vshrl.u32 v11, $0x1B;
	v9 =	vperm.xlane v2, v7;
	[tilespmem:s23+$0x2830] =	vst v8  }
0x7c: {  	v10 =	vand.u32 $0x10, v10;
	v8 =	vperm.xlane v3, v7;
	[tilespmem:s24+$0x30] =	vst v5;
	v5 =	vshrl.u32 v6, $0x1B  }
0x7d: {  	v10 =	vadd.s32 v11, v10;
	v7 =	vperm.xlane v4, v7;
	[tilespmem:s25+$0x30] =	vst v9;
	v5 =	vand.u32 $0x10, v5  }
0x7e: {  	v9 =	vperm.xlane v0, v10;
	[tilespmem:s28+$0x30] =	vst v8;
	v5 =	vadd.s32 v6, v5  }
0x7f: {  	[tilespmem:s18+$0x30] =	vst v7;
	v6 =	vperm.xlane v0, v5  }
0x80: {  	v7 =	vld [tilespmem:s10+$0xFFFFFFF0];
	[tilespmem:s4+$0x2830] =	vst v9;
	v8 =	vperm.xlane v1, v5  }
0x81: {  	[tilespmem:s5+$0x2850] =	vst v6;
	v6 =	vperm.xlane v2, v5  }
0x82: {  	[tilespmem:s15+$0x50] =	vst v8;
	v8 =	vperm.xlane v3, v5  }
0x83: {  	v5 =	vperm.xlane v4, v5;
	[tilespmem:s19+$0x50] =	vst v6  }
0x84: {  	v6 =	vperm.xlane v1, v10;
	[tilespmem:s20+$0x50] =	vst v8  }
0x85: {  	v11 =	vld [tilespmem:s23+$0x40];
	v9 =	vshrl.u32 v7, $0x1B;
	v8 =	vperm.xlane v2, v10;
	[tilespmem:s21+$0x50] =	vst v5  }
0x86: {  	v9 =	vand.u32 $0x10, v9;
	v5 =	vperm.xlane v3, v10;
	[tilespmem:s17+$0x30] =	vst v6;
	v6 =	vld [tilespmem:s5+$0x60]  }
0x87: {  	v7 =	vadd.s32 v7, v9;
	v10 =	vperm.xlane v4, v10;
	[tilespmem:s14+$0x30] =	vst v8  }
0x88: {  	v8 =	vperm.xlane v0, v7;
	[tilespmem:s11+$0x30] =	vst v5  }
0x89: {  	v5 =	vperm.xlane v1, v7;
	[tilespmem:s16+$0x30] =	vst v10  }
0x8a: {  	v9 =	vperm.xlane v2, v7;
	v10 =	vshrl.u32 v11, $0x1B;
	[tilespmem:s0+$0xFFFFFFF0] =	vst v8  }
0x8b: {  	v8 =	vperm.xlane v3, v7;
	v10 =	vand.u32 $0x10, v10;
	[tilespmem:s7+$0x30] =	vst v5;
	v5 =	vshrl.u32 v6, $0x1B  }
0x8c: {  	v7 =	vperm.xlane v4, v7;
	v10 =	vadd.s32 v11, v10;
	[tilespmem:s8+$0x30] =	vst v9;
	v5 =	vand.u32 $0x10, v5  }
0x8d: {  	v9 =	vperm.xlane v0, v10;
	[tilespmem:s9+$0x30] =	vst v8;
	v5 =	vadd.s32 v6, v5  }
0x8e: {  	[tilespmem:s6+$0x30] =	vst v7;
	v6 =	vperm.xlane v0, v5  }
0x8f: {  	v7 =	vld [tilespmem:s4+$0x40];
	[tilespmem:s23+$0x2840] =	vst v9;
	v8 =	vperm.xlane v1, v5  }
0x90: {  	[tilespmem:s5+$0x2860] =	vst v6;
	v6 =	vperm.xlane v2, v5  }
0x91: {  	[tilespmem:s15+$0x60] =	vst v8;
	v8 =	vperm.xlane v3, v5  }
0x92: {  	v5 =	vperm.xlane v4, v5;
	[tilespmem:s19+$0x60] =	vst v6  }
0x93: {  	v6 =	vperm.xlane v1, v10;
	[tilespmem:s20+$0x60] =	vst v8  }
0x94: {  	v9 =	vld [tilespmem:s10+$0x0];
	v11 =	vshrl.u32 v7, $0x1B;
	v8 =	vperm.xlane v2, v10;
	[tilespmem:s21+$0x60] =	vst v5  }
0x95: {  	v11 =	vand.u32 $0x10, v11;
	v5 =	vperm.xlane v3, v10;
	[tilespmem:s24+$0x40] =	vst v6;
	v6 =	vld [tilespmem:s5+$0x70]  }
0x96: {  	v7 =	vadd.s32 v7, v11;
	v10 =	vperm.xlane v4, v10;
	[tilespmem:s25+$0x40] =	vst v8  }
0x97: {  	v8 =	vperm.xlane v0, v7;
	[tilespmem:s28+$0x40] =	vst v5  }
0x98: {  	v5 =	vperm.xlane v1, v7;
	[tilespmem:s18+$0x40] =	vst v10  }
0x99: {  	v11 =	vshrl.u32 v9, $0x1B;
	v10 =	vperm.xlane v2, v7;
	[tilespmem:s4+$0x2840] =	vst v8  }
0x9a: {  	v11 =	vand.u32 $0x10, v11;
	v8 =	vperm.xlane v3, v7;
	[tilespmem:s17+$0x40] =	vst v5;
	v5 =	vshrl.u32 v6, $0x1B  }
0x9b: {  	v9 =	vadd.s32 v9, v11;
	v7 =	vperm.xlane v4, v7;
	[tilespmem:s14+$0x40] =	vst v10;
	v5 =	vand.u32 $0x10, v5  }
0x9c: {  	v10 =	vperm.xlane v0, v9;
	[tilespmem:s11+$0x40] =	vst v8;
	v5 =	vadd.s32 v6, v5  }
0x9d: {  	[tilespmem:s16+$0x40] =	vst v7;
	v6 =	vperm.xlane v0, v5  }
0x9e: {  	v7 =	vld [tilespmem:s23+$0x50];
	[tilespmem:s0+$0x0] =	vst v10;
	v8 =	vperm.xlane v1, v5  }
0x9f: {  	[tilespmem:s5+$0x2870] =	vst v6;
	v6 =	vperm.xlane v2, v5  }
0xa0: {  	[tilespmem:s15+$0x70] =	vst v8;
	v8 =	vperm.xlane v3, v5  }
0xa1: {  	v5 =	vperm.xlane v4, v5;
	[tilespmem:s19+$0x70] =	vst v6  }
0xa2: {  	v6 =	vperm.xlane v1, v9;
	[tilespmem:s20+$0x70] =	vst v8  }
0xa3: {  	v11 =	vld [tilespmem:s4+$0x50];
	v10 =	vshrl.u32 v7, $0x1B;
	v8 =	vperm.xlane v2, v9;
	[tilespmem:s21+$0x70] =	vst v5  }
0xa4: {  	v10 =	vand.u32 $0x10, v10;
	v5 =	vperm.xlane v3, v9;
	[tilespmem:s7+$0x40] =	vst v6  }
0xa5: {  	v7 =	vadd.s32 v7, v10;
	v6 =	vperm.xlane v4, v9;
	[tilespmem:s8+$0x40] =	vst v8  }
0xa6: {  	v8 =	vperm.xlane v0, v7;
	[tilespmem:s9+$0x40] =	vst v5  }
0xa7: {  	v5 =	vperm.xlane v1, v7;
	[tilespmem:s6+$0x40] =	vst v6  }
0xa8: {  	v9 =	vshrl.u32 v11, $0x1B;
	v6 =	vperm.xlane v2, v7;
	[tilespmem:s23+$0x2850] =	vst v8;
	v10 =	vld [tilespmem:s10+$0x10]  }
0xa9: {  	v9 =	vand.u32 $0x10, v9;
	v8 =	vperm.xlane v3, v7;
	[tilespmem:s24+$0x50] =	vst v5  }
0xaa: {  	v5 =	vperm.xlane v4, v7;
	v7 =	vadd.s32 v11, v9;
	[tilespmem:s25+$0x50] =	vst v6  }
0xab: {  	v6 =	vperm.xlane v0, v7;
	[tilespmem:s28+$0x50] =	vst v8  }
0xac: {  	v8 =	vperm.xlane v1, v7;
	[tilespmem:s18+$0x50] =	vst v5  }
0xad: {  	v5 =	vperm.xlane v2, v7;
	[tilespmem:s4+$0x2850] =	vst v6;
	v11 =	vld [tilespmem:s23+$0x60];
	v9 =	vshrl.u32 v10, $0x1B  }
0xae: {  	v6 =	vperm.xlane v3, v7;
	[tilespmem:s17+$0x50] =	vst v8;
	v9 =	vand.u32 $0x10, v9  }
0xaf: {  	v7 =	vperm.xlane v4, v7;
	[tilespmem:s14+$0x50] =	vst v5;
	v8 =	vadd.s32 v10, v9  }
0xb0: {  	[tilespmem:s11+$0x50] =	vst v6;
	v5 =	vperm.xlane v0, v8  }
0xb1: {  	[tilespmem:s16+$0x50] =	vst v7;
	v6 =	vperm.xlane v1, v8  }
0xb2: {  	v7 =	vperm.xlane v2, v8;
	v9 =	vld [tilespmem:s4+$0x60];
	[tilespmem:s0+$0x10] =	vst v5;
	v5 =	vshrl.u32 v11, $0x1B  }
0xb3: {  	v10 =	vperm.xlane v3, v8;
	[tilespmem:s7+$0x50] =	vst v6;
	v5 =	vand.u32 $0x10, v5  }
0xb4: {  	v6 =	vperm.xlane v4, v8;
	[tilespmem:s8+$0x50] =	vst v7;
	v5 =	vadd.s32 v11, v5  }
0xb5: {  	[tilespmem:s9+$0x50] =	vst v10;
	v7 =	vperm.xlane v0, v5  }
0xb6: {  	v8 =	vperm.xlane v1, v5;
	[tilespmem:s6+$0x50] =	vst v6  }
0xb7: {  	v6 =	vperm.xlane v2, v5;
	v10 =	vld [tilespmem:s10+$0x20];
	[tilespmem:s23+$0x2860] =	vst v7;
	v7 =	vshrl.u32 v9, $0x1B  }
0xb8: {  	v11 =	vperm.xlane v3, v5;
	[tilespmem:s24+$0x60] =	vst v8;
	v7 =	vand.u32 $0x10, v7  }
0xb9: {  	v5 =	vperm.xlane v4, v5;
	[tilespmem:s25+$0x60] =	vst v6;
	v6 =	vadd.s32 v9, v7  }
0xba: {  	[tilespmem:s28+$0x60] =	vst v11;
	v7 =	vperm.xlane v0, v6  }
0xbb: {  	v8 =	vperm.xlane v1, v6;
	[tilespmem:s18+$0x60] =	vst v5  }
0xbc: {  	v5 =	vperm.xlane v2, v6;
	v9 =	vshrl.u32 v10, $0x1B;
	v11 =	vld [tilespmem:s23+$0x70];
	[tilespmem:s4+$0x2860] =	vst v7  }
0xbd: {  	v7 =	vperm.xlane v3, v6;
	v9 =	vand.u32 $0x10, v9;
	[tilespmem:s17+$0x60] =	vst v8  }
0xbe: {  	v6 =	vperm.xlane v4, v6;
	v8 =	vadd.s32 v10, v9;
	[tilespmem:s14+$0x60] =	vst v5  }
0xbf: {  	v5 =	vperm.xlane v0, v8;
	[tilespmem:s11+$0x60] =	vst v7  }
0xc0: {  	v7 =	vperm.xlane v1, v8;
	[tilespmem:s16+$0x60] =	vst v6  }
0xc1: {  	v6 =	vperm.xlane v2, v8;
	[tilespmem:s0+$0x20] =	vst v5;
	v5 =	vshrl.u32 v11, $0x1B  }
0xc2: {  	v10 =	vperm.xlane v3, v8;
	[tilespmem:s7+$0x60] =	vst v7;
	v5 =	vand.u32 $0x10, v5  }
0xc3: {  	v7 =	vperm.xlane v4, v8;
	[tilespmem:s8+$0x60] =	vst v6;
	v6 =	vadd.s32 v11, v5  }
0xc4: {  	v9 =	vld [tilespmem:s4+$0x70];
	[tilespmem:s9+$0x60] =	vst v10;
	v5 =	vperm.xlane v0, v6  }
0xc5: {  	v8 =	vperm.xlane v1, v6;
	[tilespmem:s6+$0x60] =	vst v7  }
0xc6: {  	[tilespmem:s23+$0x2870] =	vst v5  }
0xc7: {  	[tilespmem:s24+$0x70] =	vst v8  }
0xc8: {  	s26 =	sshll.u32 s22, $0x1;
	[dreg:$0xa] =	wrdreg s22  }
0xc9: {  	v5 =	vshrl.u32 v9, $0x1B;
	[dreg:$0xb] =	wrdreg s26  }
0xca: {  	v10 =	vperm.xlane v2, v6;
	v11 =	vand.u32 $0x10, v5;
	v5 =	vld [tilespmem:s10+$0x30]  }
0xcb: {  	v8 =	vperm.xlane v3, v6  }
0xcc: {  	s19 =	simm.s32 $0x0;
	s20 =	simm.s32 $0x200;
	v7 =	vperm.xlane v4, v6;
	v6 =	vadd.s32 v9, v11;
	[tilespmem:s25+$0x70] =	vst v10  }
.LBB2_3:
0xcd: {  	s5 =	sand.u32 $0x200, s20;
	[tilespmem:s28+$0x70] =	vst v8;
	v8 =	vperm.xlane v0, v6;
	v9 =	vperm.xlane v1, v6;
	s10 =	sadd.s32 $0x200, s10  }
0xce: {  	s15 =	sand.u32 $0x1C00, s20;
	v11 =	vperm.xlane v3, v6;
	v10 =	vld [tilespmem:s10+$0xFFFFFFC0];
	s13 =	sor.u32 $0x80, s5;
	s21 =	sor.u32 $0x180, s5;
	[tilespmem:s18+$0x70] =	vst v7;
	v7 =	vperm.xlane v2, v6  }
0xcf: {  	s12 =	sor.u32 $0x100, s5;
	v6 =	vperm.xlane v4, v6;
	s22 =	sor.u32 s15, s13;
	s25 =	sor.u32 s15, s21;
	v12 =	vshrl.u32 v5, $0x1B;
	[tilespmem:s4+$0x2870] =	vst v8  }
0xd0: {  	s4 =	sor.u32 s15, s12;
	v8 =	vld [tilespmem:s25+$0x0];
	v12 =	vand.u32 $0x10, v12;
	[tilespmem:s17+$0x70] =	vst v9  }
0xd1: {  	v9 =	vld [tilespmem:s22+$0x0];
	v5 =	vadd.s32 v5, v12;
	[tilespmem:s14+$0x70] =	vst v7  }
0xd2: {  	v7 =	vld [tilespmem:s4+$0x0];
	v12 =	vperm.xlane v0, v5;
	v13 =	vperm.xlane v1, v5;
	[tilespmem:s11+$0x70] =	vst v11  }
0xd3: {  	v14 =	vperm.xlane v2, v5;
	v15 =	vperm.xlane v3, v5;
	v11 =	vshrl.u32 v10, $0x1B;
	[tilespmem:s16+$0x70] =	vst v6  }
0xd4: {  	v5 =	vperm.xlane v4, v5;
	v6 =	vand.u32 $0x10, v11;
	[tilespmem:s0+$0x30] =	vst v12  }
0xd5: {  	v6 =	vadd.s32 v10, v6;
	v10 =	vshrl.u32 v8, $0x1B;
	[tilespmem:s7+$0x70] =	vst v13  }
0xd6: {  	v11 =	vperm.xlane v0, v6;
	v12 =	vshrl.u32 v9, $0x1B;
	v10 =	vand.u32 $0x10, v10;
	[tilespmem:s8+$0x70] =	vst v14  }
0xd7: {  	v12 =	vand.u32 $0x10, v12;
	v13 =	vshrl.u32 v7, $0x1B;
	v8 =	vadd.s32 v8, v10;
	[tilespmem:s9+$0x70] =	vst v15  }
0xd8: {  	s0 =	sadd.s32 $0x200, s0;
	v9 =	vadd.s32 v9, v12;
	v10 =	vand.u32 $0x10, v13;
	v12 =	vperm.xlane v0, v8;
	[tilespmem:s6+$0x70] =	vst v5  }
0xd9: {  	s11 =	sadd.s32 $0x3C00, s15;
	[tilespmem:s0+$0xFFFFFFC0] =	vst v11;
	v5 =	vperm.xlane v0, v9;
	v7 =	vadd.s32 v7, v10;
	v10 =	vperm.xlane v1, v8  }
0xda: {  	s14 =	sadd.s32 $0x5000, s15;
	s2 =	sor.u32 s21, s11;
	s7 =	sor.u32 s5, s11;
	v11 =	vperm.xlane v1, v9;
	[tilespmem:s25+$0x2800] =	vst v12;
	v12 =	vperm.xlane v2, v8  }
0xdb: {  	s3 =	sor.u32 s21, s14;
	s16 =	sadd.s32 $0x6400, s15;
	s8 =	sor.u32 s5, s14;
	v13 =	vperm.xlane v2, v9;
	[tilespmem:s2+$0x0] =	vst v10;
	v10 =	vperm.xlane v3, v8  }
0xdc: {  	s26 =	sadd.s32 $0x7800, s15;
	s15 =	sor.u32 s21, s16;
	s9 =	sor.u32 s5, s16;
	v14 =	vperm.xlane v3, v9;
	v8 =	vperm.xlane v4, v8;
	[tilespmem:s3+$0x0] =	vst v12  }
0xdd: {  	s23 =	sor.u32 s13, s11;
	s6 =	sor.u32 s5, s26;
	s5 =	sor.u32 s21, s26;
	v9 =	vperm.xlane v4, v9;
	v12 =	vperm.xlane v0, v7;
	[tilespmem:s15+$0x0] =	vst v10  }
0xde: {  	s18 =	sor.u32 s13, s26;
	s24 =	sor.u32 s13, s14;
	s28 =	sor.u32 s13, s16;
	v15 =	vperm.xlane v2, v7;
	v10 =	vperm.xlane v1, v7;
	[tilespmem:s5+$0x0] =	vst v8  }
0xdf: {  	s17 =	sor.u32 s12, s11;
	s11 =	sor.u32 s12, s16;
	s14 =	sor.u32 s12, s14;
	[tilespmem:s22+$0x2800] =	vst v5;
	v5 =	vperm.xlane v3, v7;
	v7 =	vperm.xlane v4, v7;
	v8 =	vld [tilespmem:s25+$0x10]  }
0xe0: {  	s16 =	sor.u32 s12, s26;
	[tilespmem:s23+$0x0] =	vst v11  }
0xe1: {  	[tilespmem:s24+$0x0] =	vst v13  }
0xe2: {  	[tilespmem:s28+$0x0] =	vst v14  }
0xe3: {  	[tilespmem:s18+$0x0] =	vst v9  }
0xe4: {  	v9 =	vld [tilespmem:s22+$0x10];
	[tilespmem:s4+$0x2800] =	vst v12;
	v11 =	vshrl.u32 v8, $0x1B  }
0xe5: {  	[tilespmem:s17+$0x0] =	vst v10;
	v10 =	vand.u32 $0x10, v11  }
0xe6: {  	[tilespmem:s14+$0x0] =	vst v15;
	v8 =	vadd.s32 v8, v10  }
0xe7: {  	[tilespmem:s11+$0x0] =	vst v5;
	v5 =	vperm.xlane v0, v8  }
0xe8: {  	[tilespmem:s16+$0x0] =	vst v7;
	v7 =	vperm.xlane v1, v8  }
0xe9: {  	v10 =	vshrl.u32 v9, $0x1B;
	v11 =	vld [tilespmem:s4+$0x10];
	[tilespmem:s25+$0x2810] =	vst v5;
	v5 =	vperm.xlane v2, v8  }
0xea: {  	v12 =	vperm.xlane v1, v6;
	v10 =	vand.u32 $0x10, v10;
	[tilespmem:s2+$0x10] =	vst v7;
	v7 =	vperm.xlane v3, v8  }
0xeb: {  	v13 =	vperm.xlane v2, v6;
	v9 =	vadd.s32 v9, v10;
	[tilespmem:s3+$0x10] =	vst v5;
	v5 =	vperm.xlane v4, v8  }
0xec: {  	v8 =	vperm.xlane v0, v9;
	v10 =	vperm.xlane v1, v9;
	[tilespmem:s15+$0x10] =	vst v7  }
0xed: {  	s19 =	sadd.s32 $0x4, s19;
	v7 =	vperm.xlane v2, v9;
	v14 =	vperm.xlane v3, v9;
	[tilespmem:s5+$0x10] =	vst v5  }
0xee: {  	p0 =	slt.u32 s19, $0x24;
	v9 =	vperm.xlane v4, v9;
	v5 =	vperm.xlane v3, v6;
	[tilespmem:s7+$0x0] =	vst v12;
	v12 =	vshrl.u32 v11, $0x1B;
	v15 =	vld [tilespmem:s25+$0x20]  }
0xef: {  	v6 =	vperm.xlane v4, v6;
	[tilespmem:s8+$0x0] =	vst v13;
	v12 =	vand.u32 $0x10, v12  }
0xf0: {  	[tilespmem:s9+$0x0] =	vst v5;
	v5 =	vadd.s32 v11, v12  }
0xf1: {  	[tilespmem:s6+$0x0] =	vst v6;
	v6 =	vperm.xlane v0, v5;
	v11 =	vperm.xlane v1, v5  }
0xf2: {  	v13 =	vperm.xlane v3, v5;
	v12 =	vld [tilespmem:s10+$0xFFFFFFD0];
	[tilespmem:s22+$0x2810] =	vst v8;
	v8 =	vperm.xlane v2, v5  }
0xf3: {  	v5 =	vperm.xlane v4, v5;
	[tilespmem:s23+$0x10] =	vst v10;
	v10 =	vshrl.u32 v15, $0x1B  }
0xf4: {  	[tilespmem:s24+$0x10] =	vst v7;
	v7 =	vand.u32 $0x10, v10  }
0xf5: {  	[tilespmem:s28+$0x10] =	vst v14;
	v7 =	vadd.s32 v15, v7  }
0xf6: {  	[tilespmem:s18+$0x10] =	vst v9;
	v9 =	vperm.xlane v0, v7  }
0xf7: {  	v10 =	vshrl.u32 v12, $0x1B;
	v14 =	vld [tilespmem:s22+$0x20];
	[tilespmem:s4+$0x2810] =	vst v6;
	v6 =	vperm.xlane v1, v7  }
0xf8: {  	v10 =	vand.u32 $0x10, v10;
	[tilespmem:s25+$0x2820] =	vst v9;
	v9 =	vperm.xlane v2, v7  }
0xf9: {  	v10 =	vadd.s32 v12, v10;
	[tilespmem:s2+$0x20] =	vst v6;
	v6 =	vperm.xlane v3, v7  }
0xfa: {  	v7 =	vperm.xlane v4, v7;
	v12 =	vperm.xlane v0, v10;
	[tilespmem:s3+$0x20] =	vst v9  }
0xfb: {  	v9 =	vperm.xlane v1, v10;
	v15 =	vperm.xlane v2, v10;
	[tilespmem:s15+$0x20] =	vst v6  }
0xfc: {  	v6 =	vperm.xlane v3, v10;
	v10 =	vperm.xlane v4, v10;
	v16 =	vshrl.u32 v14, $0x1B;
	[tilespmem:s5+$0x20] =	vst v7  }
0xfd: {  	v7 =	vand.u32 $0x10, v16;
	[tilespmem:s17+$0x10] =	vst v11;
	v11 =	vld [tilespmem:s25+$0x30]  }
0xfe: {  	v7 =	vadd.s32 v14, v7;
	[tilespmem:s14+$0x10] =	vst v8  }
0xff: {  	v8 =	vperm.xlane v0, v7;
	v14 =	vperm.xlane v1, v7;
	[tilespmem:s11+$0x10] =	vst v13  }
0x100: {  	v13 =	vperm.xlane v2, v7;
	v16 =	vperm.xlane v3, v7;
	[tilespmem:s16+$0x10] =	vst v5  }
0x101: {  	v5 =	vperm.xlane v4, v7;
	[tilespmem:s0+$0xFFFFFFD0] =	vst v12;
	v7 =	vld [tilespmem:s4+$0x20]  }
0x102: {  	[tilespmem:s7+$0x10] =	vst v9;
	v9 =	vshrl.u32 v11, $0x1B  }
0x103: {  	[tilespmem:s8+$0x10] =	vst v15;
	v9 =	vand.u32 $0x10, v9  }
0x104: {  	[tilespmem:s9+$0x10] =	vst v6;
	v6 =	vadd.s32 v11, v9  }
0x105: {  	[tilespmem:s6+$0x10] =	vst v10;
	v9 =	vperm.xlane v0, v6  }
0x106: {  	v11 =	vperm.xlane v1, v6;
	v10 =	vld [tilespmem:s10+$0xFFFFFFE0];
	[tilespmem:s22+$0x2820] =	vst v8;
	v8 =	vshrl.u32 v7, $0x1B  }
0x107: {  	v8 =	vand.u32 $0x10, v8;
	[tilespmem:s25+$0x2830] =	vst v9;
	v9 =	vperm.xlane v2, v6  }
0x108: {  	v7 =	vadd.s32 v7, v8;
	[tilespmem:s2+$0x30] =	vst v11;
	v8 =	vperm.xlane v3, v6  }
0x109: {  	v6 =	vperm.xlane v4, v6;
	v11 =	vperm.xlane v0, v7;
	[tilespmem:s3+$0x30] =	vst v9  }
0x10a: {  	v9 =	vperm.xlane v1, v7;
	v12 =	vperm.xlane v2, v7;
	[tilespmem:s15+$0x30] =	vst v8  }
0x10b: {  	v15 =	vperm.xlane v3, v7;
	v7 =	vperm.xlane v4, v7;
	v8 =	vshrl.u32 v10, $0x1B;
	[tilespmem:s5+$0x30] =	vst v6  }
0x10c: {  	v6 =	vand.u32 $0x10, v8;
	[tilespmem:s23+$0x20] =	vst v14;
	v8 =	vld [tilespmem:s25+$0x40]  }
0x10d: {  	v6 =	vadd.s32 v10, v6;
	[tilespmem:s24+$0x20] =	vst v13  }
0x10e: {  	v10 =	vperm.xlane v0, v6;
	v13 =	vperm.xlane v1, v6;
	[tilespmem:s28+$0x20] =	vst v16  }
0x10f: {  	v14 =	vperm.xlane v2, v6;
	v16 =	vperm.xlane v3, v6;
	[tilespmem:s18+$0x20] =	vst v5  }
0x110: {  	v5 =	vperm.xlane v4, v6;
	v6 =	vld [tilespmem:s22+$0x30];
	[tilespmem:s4+$0x2820] =	vst v11  }
0x111: {  	[tilespmem:s17+$0x20] =	vst v9;
	v9 =	vshrl.u32 v8, $0x1B  }
0x112: {  	[tilespmem:s14+$0x20] =	vst v12;
	v9 =	vand.u32 $0x10, v9  }
0x113: {  	[tilespmem:s11+$0x20] =	vst v15;
	v8 =	vadd.s32 v8, v9  }
0x114: {  	[tilespmem:s16+$0x20] =	vst v7;
	v7 =	vperm.xlane v0, v8  }
0x115: {  	v11 =	vperm.xlane v1, v8;
	[tilespmem:s0+$0xFFFFFFE0] =	vst v10;
	v9 =	vshrl.u32 v6, $0x1B;
	v10 =	vld [tilespmem:s4+$0x30]  }
0x116: {  	v9 =	vand.u32 $0x10, v9;
	[tilespmem:s25+$0x2840] =	vst v7;
	v7 =	vperm.xlane v2, v8  }
0x117: {  	v6 =	vadd.s32 v6, v9;
	[tilespmem:s2+$0x40] =	vst v11;
	v9 =	vperm.xlane v3, v8  }
0x118: {  	v11 =	vperm.xlane v0, v6;
	[tilespmem:s3+$0x40] =	vst v7;
	v7 =	vperm.xlane v4, v8  }
0x119: {  	v8 =	vperm.xlane v1, v6;
	v12 =	vperm.xlane v2, v6;
	[tilespmem:s15+$0x40] =	vst v9  }
0x11a: {  	v9 =	vperm.xlane v3, v6;
	v6 =	vperm.xlane v4, v6;
	v15 =	vshrl.u32 v10, $0x1B;
	[tilespmem:s5+$0x40] =	vst v7  }
0x11b: {  	[tilespmem:s7+$0x20] =	vst v13;
	v7 =	vand.u32 $0x10, v15;
	v13 =	vld [tilespmem:s25+$0x50]  }
0x11c: {  	[tilespmem:s8+$0x20] =	vst v14;
	v7 =	vadd.s32 v10, v7  }
0x11d: {  	[tilespmem:s9+$0x20] =	vst v16;
	v10 =	vperm.xlane v0, v7;
	v14 =	vperm.xlane v1, v7  }
0x11e: {  	v15 =	vperm.xlane v3, v7;
	[tilespmem:s6+$0x20] =	vst v5;
	v5 =	vperm.xlane v2, v7  }
0x11f: {  	v7 =	vperm.xlane v4, v7;
	v16 =	vld [tilespmem:s10+$0xFFFFFFF0];
	[tilespmem:s22+$0x2830] =	vst v11  }
0x120: {  	[tilespmem:s23+$0x30] =	vst v8;
	v8 =	vshrl.u32 v13, $0x1B  }
0x121: {  	[tilespmem:s24+$0x30] =	vst v12;
	v8 =	vand.u32 $0x10, v8  }
0x122: {  	[tilespmem:s28+$0x30] =	vst v9;
	v8 =	vadd.s32 v13, v8  }
0x123: {  	[tilespmem:s18+$0x30] =	vst v6;
	v6 =	vperm.xlane v0, v8  }
0x124: {  	v9 =	vshrl.u32 v16, $0x1B;
	v11 =	vld [tilespmem:s22+$0x40];
	[tilespmem:s4+$0x2830] =	vst v10;
	v10 =	vperm.xlane v1, v8  }
0x125: {  	v9 =	vand.u32 $0x10, v9;
	[tilespmem:s25+$0x2850] =	vst v6;
	v6 =	vperm.xlane v2, v8  }
0x126: {  	v9 =	vadd.s32 v16, v9;
	[tilespmem:s2+$0x50] =	vst v10;
	v10 =	vperm.xlane v3, v8  }
0x127: {  	v12 =	vperm.xlane v0, v9;
	[tilespmem:s3+$0x50] =	vst v6;
	v6 =	vperm.xlane v4, v8  }
0x128: {  	v8 =	vperm.xlane v1, v9;
	v13 =	vperm.xlane v2, v9;
	[tilespmem:s15+$0x50] =	vst v10  }
0x129: {  	v10 =	vperm.xlane v3, v9;
	v9 =	vperm.xlane v4, v9;
	v16 =	vshrl.u32 v11, $0x1B;
	[tilespmem:s5+$0x50] =	vst v6  }
0x12a: {  	v6 =	vand.u32 $0x10, v16;
	[tilespmem:s17+$0x30] =	vst v14;
	v14 =	vld [tilespmem:s25+$0x60]  }
0x12b: {  	v6 =	vadd.s32 v11, v6;
	[tilespmem:s14+$0x30] =	vst v5  }
0x12c: {  	v5 =	vperm.xlane v0, v6;
	v11 =	vperm.xlane v1, v6;
	[tilespmem:s11+$0x30] =	vst v15  }
0x12d: {  	v15 =	vperm.xlane v2, v6;
	v16 =	vperm.xlane v3, v6;
	[tilespmem:s16+$0x30] =	vst v7  }
0x12e: {  	v6 =	vperm.xlane v4, v6;
	[tilespmem:s0+$0xFFFFFFF0] =	vst v12;
	v7 =	vld [tilespmem:s4+$0x40]  }
0x12f: {  	[tilespmem:s7+$0x30] =	vst v8;
	v8 =	vshrl.u32 v14, $0x1B  }
0x130: {  	[tilespmem:s8+$0x30] =	vst v13;
	v8 =	vand.u32 $0x10, v8  }
0x131: {  	[tilespmem:s9+$0x30] =	vst v10;
	v8 =	vadd.s32 v14, v8  }
0x132: {  	[tilespmem:s6+$0x30] =	vst v9;
	v9 =	vperm.xlane v0, v8  }
0x133: {  	v12 =	vperm.xlane v1, v8;
	v10 =	vld [tilespmem:s10+$0x0];
	[tilespmem:s22+$0x2840] =	vst v5;
	v5 =	vshrl.u32 v7, $0x1B  }
0x134: {  	v5 =	vand.u32 $0x10, v5;
	[tilespmem:s25+$0x2860] =	vst v9;
	v9 =	vperm.xlane v2, v8  }
0x135: {  	v5 =	vadd.s32 v7, v5;
	[tilespmem:s2+$0x60] =	vst v12;
	v7 =	vperm.xlane v3, v8  }
0x136: {  	v8 =	vperm.xlane v4, v8;
	v12 =	vperm.xlane v0, v5;
	[tilespmem:s3+$0x60] =	vst v9  }
0x137: {  	v9 =	vperm.xlane v1, v5;
	v13 =	vperm.xlane v2, v5;
	[tilespmem:s15+$0x60] =	vst v7  }
0x138: {  	v14 =	vperm.xlane v3, v5;
	v5 =	vperm.xlane v4, v5;
	v7 =	vshrl.u32 v10, $0x1B;
	[tilespmem:s5+$0x60] =	vst v8  }
0x139: {  	v7 =	vand.u32 $0x10, v7;
	[tilespmem:s23+$0x40] =	vst v11;
	v8 =	vld [tilespmem:s25+$0x70]  }
0x13a: {  	v7 =	vadd.s32 v10, v7;
	[tilespmem:s24+$0x40] =	vst v15  }
0x13b: {  	v10 =	vperm.xlane v0, v7;
	v11 =	vperm.xlane v1, v7;
	[tilespmem:s28+$0x40] =	vst v16  }
0x13c: {  	v15 =	vperm.xlane v2, v7;
	v16 =	vperm.xlane v3, v7;
	[tilespmem:s18+$0x40] =	vst v6  }
0x13d: {  	v6 =	vperm.xlane v4, v7;
	v7 =	vld [tilespmem:s22+$0x50];
	[tilespmem:s4+$0x2840] =	vst v12  }
0x13e: {  	[tilespmem:s17+$0x40] =	vst v9;
	v9 =	vshrl.u32 v8, $0x1B  }
0x13f: {  	[tilespmem:s14+$0x40] =	vst v13;
	v9 =	vand.u32 $0x10, v9  }
0x140: {  	[tilespmem:s11+$0x40] =	vst v14;
	v8 =	vadd.s32 v8, v9  }
0x141: {  	[tilespmem:s16+$0x40] =	vst v5;
	v5 =	vperm.xlane v0, v8  }
0x142: {  	v12 =	vperm.xlane v1, v8;
	[tilespmem:s0+$0x0] =	vst v10;
	v9 =	vshrl.u32 v7, $0x1B;
	v10 =	vld [tilespmem:s4+$0x50]  }
0x143: {  	v9 =	vand.u32 $0x10, v9;
	[tilespmem:s25+$0x2870] =	vst v5;
	v5 =	vperm.xlane v2, v8  }
0x144: {  	v7 =	vadd.s32 v7, v9;
	[tilespmem:s2+$0x70] =	vst v12;
	v9 =	vperm.xlane v3, v8  }
0x145: {  	v12 =	vperm.xlane v0, v7;
	[tilespmem:s3+$0x70] =	vst v5;
	v5 =	vperm.xlane v4, v8  }
0x146: {  	v8 =	vperm.xlane v1, v7;
	v13 =	vperm.xlane v2, v7;
	[tilespmem:s15+$0x70] =	vst v9  }
0x147: {  	v9 =	vperm.xlane v3, v7;
	v7 =	vperm.xlane v4, v7;
	v14 =	vshrl.u32 v10, $0x1B;
	[tilespmem:s5+$0x70] =	vst v5  }
0x148: {  	[tilespmem:s7+$0x40] =	vst v11;
	v5 =	vand.u32 $0x10, v14  }
0x149: {  	[tilespmem:s8+$0x40] =	vst v15;
	v5 =	vadd.s32 v10, v5  }
0x14a: {  	[tilespmem:s9+$0x40] =	vst v16;
	v10 =	vperm.xlane v0, v5;
	v11 =	vperm.xlane v1, v5  }
0x14b: {  	v14 =	vperm.xlane v3, v5;
	[tilespmem:s6+$0x40] =	vst v6;
	v6 =	vperm.xlane v2, v5  }
0x14c: {  	v5 =	vperm.xlane v4, v5;
	v15 =	vld [tilespmem:s10+$0x10];
	[tilespmem:s22+$0x2850] =	vst v12  }
0x14d: {  	[tilespmem:s23+$0x50] =	vst v8  }
0x14e: {  	[tilespmem:s24+$0x50] =	vst v13  }
0x14f: {  	[tilespmem:s28+$0x50] =	vst v9  }
0x150: {  	[tilespmem:s18+$0x50] =	vst v7  }
0x151: {  	v7 =	vshrl.u32 v15, $0x1B;
	v8 =	vld [tilespmem:s22+$0x60];
	[tilespmem:s4+$0x2850] =	vst v10  }
0x152: {  	v7 =	vand.u32 $0x10, v7;
	[tilespmem:s17+$0x50] =	vst v11  }
0x153: {  	v7 =	vadd.s32 v15, v7;
	[tilespmem:s14+$0x50] =	vst v6  }
0x154: {  	v6 =	vperm.xlane v0, v7;
	v9 =	vperm.xlane v1, v7;
	[tilespmem:s11+$0x50] =	vst v14  }
0x155: {  	v10 =	vperm.xlane v2, v7;
	v11 =	vperm.xlane v3, v7;
	[tilespmem:s16+$0x50] =	vst v5  }
0x156: {  	v5 =	vperm.xlane v4, v7;
	[tilespmem:s0+$0x10] =	vst v6;
	v6 =	vshrl.u32 v8, $0x1B;
	v7 =	vld [tilespmem:s4+$0x60]  }
0x157: {  	[tilespmem:s7+$0x50] =	vst v9;
	v6 =	vand.u32 $0x10, v6  }
0x158: {  	[tilespmem:s8+$0x50] =	vst v10;
	v6 =	vadd.s32 v8, v6  }
0x159: {  	[tilespmem:s9+$0x50] =	vst v11;
	v8 =	vperm.xlane v0, v6;
	v9 =	vperm.xlane v1, v6  }
0x15a: {  	v10 =	vperm.xlane v3, v6;
	[tilespmem:s6+$0x50] =	vst v5;
	v5 =	vperm.xlane v2, v6  }
0x15b: {  	v6 =	vperm.xlane v4, v6;
	v11 =	vld [tilespmem:s10+$0x20];
	[tilespmem:s22+$0x2860] =	vst v8;
	v8 =	vshrl.u32 v7, $0x1B  }
0x15c: {  	[tilespmem:s23+$0x60] =	vst v9;
	v8 =	vand.u32 $0x10, v8  }
0x15d: {  	[tilespmem:s24+$0x60] =	vst v5;
	v5 =	vadd.s32 v7, v8  }
0x15e: {  	[tilespmem:s28+$0x60] =	vst v10;
	v7 =	vperm.xlane v0, v5;
	v8 =	vperm.xlane v1, v5  }
0x15f: {  	v9 =	vperm.xlane v3, v5;
	[tilespmem:s18+$0x60] =	vst v6;
	v6 =	vperm.xlane v2, v5  }
0x160: {  	v5 =	vperm.xlane v4, v5;
	v10 =	vshrl.u32 v11, $0x1B;
	v12 =	vld [tilespmem:s22+$0x70];
	[tilespmem:s4+$0x2860] =	vst v7  }
0x161: {  	v7 =	vand.u32 $0x10, v10;
	[tilespmem:s17+$0x60] =	vst v8  }
0x162: {  	v7 =	vadd.s32 v11, v7;
	[tilespmem:s14+$0x60] =	vst v6  }
0x163: {  	v6 =	vperm.xlane v0, v7;
	v8 =	vperm.xlane v1, v7;
	[tilespmem:s11+$0x60] =	vst v9  }
0x164: {  	v9 =	vperm.xlane v2, v7;
	v10 =	vperm.xlane v3, v7;
	[tilespmem:s16+$0x60] =	vst v5  }
0x165: {  	v5 =	vperm.xlane v4, v7;
	[tilespmem:s0+$0x20] =	vst v6;
	v6 =	vshrl.u32 v12, $0x1B;
	v11 =	vld [tilespmem:s4+$0x70]  }
0x166: {  	[tilespmem:s7+$0x60] =	vst v8;
	v6 =	vand.u32 $0x10, v6  }
0x167: {  	[tilespmem:s8+$0x60] =	vst v9;
	v6 =	vadd.s32 v12, v6  }
.Ltmp2:
0x168: {  	[tilespmem:s9+$0x60] =	vst v10;
	v7 =	vperm.xlane v0, v6;
	v9 =	vperm.xlane v1, v6;
	(pc) =	sbr.rel @p0 .LBB2_3-.Ltmp2, $4  }
0x169: {  	v10 =	vperm.xlane v2, v6;
	v8 =	vperm.xlane v3, v6;
	[tilespmem:s6+$0x60] =	vst v5  }
0x16a: {  	v5 =	vld [tilespmem:s10+$0x30];
	[tilespmem:s22+$0x2870] =	vst v7;
	v7 =	vperm.xlane v4, v6;
	v6 =	vshrl.u32 v11, $0x1B  }
0x16b: {  	[tilespmem:s23+$0x70] =	vst v9;
	v6 =	vand.u32 $0x10, v6  }
0x16c: {  	s20 =	sadd.s32 $0x200, s20;
	[tilespmem:s24+$0x70] =	vst v10;
	v6 =	vadd.s32 v11, v6  }
0x16d: {  	s10 =	rddreg [dreg:$0xb];
	[tilespmem:s28+$0x70] =	vst v8;
	v61 =	vperm.xlane v0, v6  }
0x16e: {  	v9 =	vperm.xlane v1, v6;
	s2 =	smul.u32 $0xCD, s10;
	[tilespmem:s18+$0x70] =	vst v7  }
0x16f: {  	v7 =	vperm.xlane v2, v6;
	v10 =	vshrl.u32 v5, $0x1B;
	[tilespmem:s4+$0x2870] =	vst v61  }
0x170: {  	v62 =	vperm.xlane v3, v6;
	s2 =	sshrl.u32 s2, $0xA;
	v10 =	vand.u32 $0x10, v10;
	[tilespmem:s17+$0x70] =	vst v9  }
0x171: {  	v6 =	vperm.xlane v4, v6;
	s2 =	sand.u32 $0x3F, s2;
	v5 =	vadd.s32 v5, v10;
	[tilespmem:s14+$0x70] =	vst v7  }
0x172: {  	s3 =	smul.u32 $0x5, s2;
	v7 =	vperm.xlane v0, v5;
	[tilespmem:s11+$0x70] =	vst v62  }
0x173: {  	v63 =	vperm.xlane v1, v5;
	[tilespmem:s16+$0x70] =	vst v6  }
0x174: {  	v6 =	vperm.xlane v2, v5;
	s3 =	ssub.s32 s10, s3;
	[tilespmem:s0+$0x30] =	vst v7  }
0x175: {  	v7 =	vperm.xlane v3, v5;
	s3 =	sand.u32 $0xFF, s3;
	[tilespmem:s7+$0x70] =	vst v63  }
0x176: {  	s20 =	sadd.s32 s2, s31;
	v5 =	vperm.xlane v4, v5;
	s21 =	smul.u32 $0xA0000, s3;
	[tilespmem:s8+$0x70] =	vst v6  }
0x177: {  	s0 =	sshll.u32 s20, $0xA;
	[tilespmem:s9+$0x70] =	vst v7  }
0x178: {  	s0 =	sadd.s32 s21, s0;
	[tilespmem:s6+$0x70] =	vst v5  }
0x179: {  	s1 =	simm.s32 $0x20000;
	s0 =	sshrl.u32 s0, $0x3;
	s6 =	rddreg [dreg:$0xa]  }
0x17a: {  	s22 =	simm.s32 $0x2800;
	s0 =	sadd.s32 s29, s0;
	p0 =	seq.s32 s6, $0x9  }
0x17b: {  	[hbm4b:s0+s30] =	stream.strided.scatter [tilespmem:s22], [sflag:$0x3], $0x1400, s1, s30, $0x38;
	[tilespmem:$0xF050] =	vst v63  }
0x17c: {  	s24 =	simm.s32 $0x3C00;
	s23 =	sadd.s32 $0x64000, s0;
	s2 =	sadd.s32 @!p0 $0x2, s10  }
0x17d: {  	[hbm4b:s23+s30] =	stream.strided.scatter [tilespmem:s24], [sflag:$0x3], $0x1400, s1, s30, $0x38;
	[tilespmem:$0xF050] =	vst v63  }
0x17e: {  	s26 =	simm.s32 $0x5000;
	s25 =	sadd.s32 $0xC8000, s0;
	s4 =	smulhi.u32 @!p0 $0x66666667, s2  }
0x17f: {  	[hbm4b:s25+s30] =	stream.strided.scatter [tilespmem:s26], [sflag:$0x3], $0x1400, s1, s30, $0x38;
	[tilespmem:$0xF050] =	vst v63  }
0x180: {  	s5 =	simm.s32 $0x6400;
	s28 =	sadd.s32 $0x12C000, s0;
	s3 =	sshrl.u32 @!p0 s4, $0x1  }
0x181: {  	[hbm4b:s28+s30] =	stream.strided.scatter [tilespmem:s5], [sflag:$0x3], $0x1400, s1, s30, $0x38;
	[tilespmem:$0xF050] =	vst v63  }
0x182: {  	s29 =	simm.s32 $0x7800;
	s0 =	sadd.s32 $0x190000, s0;
	s4 =	smul.u32 @!p0 $0x5, s3  }
0x183: {  	[hbm4b:s0+s30] =	stream.strided.scatter [tilespmem:s29], [sflag:$0x3], $0x1400, s1, s30, $0x38;
	[tilespmem:$0xF050] =	vst v63  }
0x184: {  	p1 =	seq.s32 @!p0 s6, $0x0;
	s0 =	ssub.s32 @!p0 s2, s4  }
0x185: {  	p1 =	por p0, !p1;
	s2 =	sadd.s32 @!p0 s31, s3;
	s0 =	smul.u32 @!p0 $0xA0000, s0  }
.Ltmp3:
0x186: {  	s2 =	sshll.u32 @!p0 s2, $0xA;
	(pc) =	sbr.rel @!p1 .LBB2_5-.Ltmp3, $4  }
0x187: {  	s1 =	rddreg [dreg:$0x1];
	s0 =	sadd.s32 @!p0 s0, s2  }
0x188: {  	s3 =	simm.s32 @!p0 $0x20000;
	s4 =	simm.s32 @!p0 $0x0;
	s0 =	sshrl.u32 @!p0 s0, $0x3  }
0x189: {  	s2 =	simm.s32 @!p0 $0x400;
	s0 =	sadd.s32 @!p0 s1, s0;
	s1 =	sor.u32 @!p0 $0x1, s10  }
0x18a: {  	[tilespmem:s4], [sflag:$0x1] =	stream.strided.gather @!p0 [hbm4b:s0+s2], $0x1400, s3, s2, $0x38;
	[tilespmem:$0xF050] =	vst v63  }
.Ltmp4:
0x18b: {  	(pc) =	sbr.rel .LBB2_7-.Ltmp4, $4  }
0x18c: {  	s0 =	simm.s32 $0x4  }
0x18d: {  	_ =	swait.ge [sflag:s0], $0x6400  }
0x18e: {  	s1 =	simm.s32 @p0 $0x13;
	[sflag:s0] =	ssyncset.done $0x0  }
0x18f: {  	[dreg:$0xc] =	wrdreg s1;
	[sflag:s0] =	ssyncadd.s32 $0xFFFF9C00  }
.LBB2_5:
0x190: {  	[dreg:$0xc] =	wrdreg s1  }
.LBB2_7:
0x191: {  	s2 =	simm.s32 $0x0;
	s0 =	simm.s32 $0x2  }
0x192: {  	_ =	swait.ge [sflag:s0], $0x1400;
	s4 =	sand.u32 $0x1C00, s2;
	s6 =	sand.u32 $0x200, s2  }
0x193: {  	[sflag:s0] =	ssyncset.done $0x0;
	s8 =	sadd.s32 $0x1400, s4;
	s5 =	sor.u32 $0x180, s6  }
0x194: {  	[sflag:s0] =	ssyncadd.s32 $0xFFFFEC00;
	s25 =	sor.u32 s5, s8  }
0x195: {  	v5 =	vld [tilespmem:s25+$0x0];
	_ =	sdelay $0x3  }
0x196: {  	s3 =	sor.u32 s6, s8  }
0x197: {  	v6 =	vld [tilespmem:s3+$0x0];
	v7 =	vshrl.u32 v5, $0x1B  }
0x198: {  	v7 =	vand.u32 $0x10, v7  }
0x199: {  	v5 =	vadd.s32 v5, v7  }
0x19a: {  	s7 =	sor.u32 $0x80, s6;
	s11 =	sadd.s32 $0x8C00, s4;
	v7 =	vperm.xlane v0, v5  }
0x19b: {  	s12 =	sor.u32 $0xA000, s4;
	s1 =	sor.u32 s7, s8;
	s19 =	sor.u32 s5, s11;
	v8 =	vperm.xlane v1, v5  }
0x19c: {  	s13 =	sadd.s32 $0xB400, s4;
	s21 =	sor.u32 s5, s12;
	v9 =	vld [tilespmem:s1+$0x0];
	v10 =	vshrl.u32 v6, $0x1B;
	[tilespmem:s19+$0x0] =	vst v7;
	v7 =	vperm.xlane v2, v5  }
0x19d: {  	s16 =	sadd.s32 $0x2800, s4;
	s22 =	sor.u32 s5, s13;
	v10 =	vand.u32 $0x10, v10;
	[tilespmem:s21+$0x0] =	vst v8;
	v8 =	vperm.xlane v3, v5  }
0x19e: {  	s26 =	sadd.s32 $0xDC00, s4;
	s23 =	sor.u32 s5, s16;
	v6 =	vadd.s32 v6, v10;
	v5 =	vperm.xlane v4, v5;
	[tilespmem:s22+$0x0] =	vst v7  }
0x19f: {  	s24 =	sor.u32 s5, s26;
	v7 =	vperm.xlane v0, v6;
	[tilespmem:s23+$0xA000] =	vst v8  }
0x1a0: {  	s15 =	sor.u32 s6, s11;
	v8 =	vperm.xlane v1, v6;
	[tilespmem:s24+$0x0] =	vst v5  }
0x1a1: {  	s31 =	sor.u32 s6, s12;
	v10 =	vperm.xlane v2, v6;
	v5 =	vshrl.u32 v9, $0x1B;
	[tilespmem:s15+$0x0] =	vst v7;
	v7 =	vld [tilespmem:s25+$0x10]  }
0x1a2: {  	s28 =	sor.u32 s6, s13;
	v11 =	vperm.xlane v3, v6;
	v5 =	vand.u32 $0x10, v5;
	[tilespmem:s31+$0x0] =	vst v8  }
0x1a3: {  	s4 =	simm.s32 $0xC870;
	v6 =	vperm.xlane v4, v6;
	v5 =	vadd.s32 v9, v5;
	[tilespmem:s28+$0x0] =	vst v10  }
0x1a4: {  	s29 =	sor.u32 $0x100, s6;
	s17 =	sor.u32 s6, s26;
	v8 =	vperm.xlane v0, v5;
	[tilespmem:s4+$0xFFFFFF90] =	vst v11  }
0x1a5: {  	s20 =	sor.u32 s29, s8;
	s6 =	sor.u32 s7, s11;
	v9 =	vperm.xlane v1, v5;
	[tilespmem:s17+$0x0] =	vst v6  }
0x1a6: {  	s8 =	sor.u32 s7, s12;
	v10 =	vperm.xlane v2, v5;
	v6 =	vld [tilespmem:s20+$0x0];
	[tilespmem:s6+$0x0] =	vst v8;
	v8 =	vshrl.u32 v7, $0x1B  }
0x1a7: {  	s10 =	sor.u32 s7, s13;
	v11 =	vperm.xlane v3, v5;
	[tilespmem:s8+$0x0] =	vst v9;
	v8 =	vand.u32 $0x10, v8  }
0x1a8: {  	s9 =	sor.u32 s7, s16;
	v5 =	vperm.xlane v4, v5;
	[tilespmem:s10+$0x0] =	vst v10;
	v7 =	vadd.s32 v7, v8  }
0x1a9: {  	s7 =	sor.u32 s7, s26;
	[tilespmem:s9+$0xA000] =	vst v11;
	v8 =	vperm.xlane v0, v7  }
0x1aa: {  	[tilespmem:s7+$0x0] =	vst v5;
	v5 =	vperm.xlane v1, v7  }
0x1ab: {  	v10 =	vld [tilespmem:s3+$0x10];
	v9 =	vshrl.u32 v6, $0x1B;
	[tilespmem:s19+$0x10] =	vst v8;
	v8 =	vperm.xlane v2, v7  }
0x1ac: {  	v9 =	vand.u32 $0x10, v9;
	[tilespmem:s21+$0x10] =	vst v5;
	v5 =	vperm.xlane v3, v7  }
0x1ad: {  	v6 =	vadd.s32 v6, v9;
	v7 =	vperm.xlane v4, v7;
	[tilespmem:s22+$0x10] =	vst v8  }
0x1ae: {  	v8 =	vperm.xlane v0, v6;
	[tilespmem:s23+$0xA010] =	vst v5  }
0x1af: {  	s18 =	sor.u32 s29, s11;
	v5 =	vperm.xlane v1, v6;
	[tilespmem:s24+$0x10] =	vst v7  }
0x1b0: {  	s14 =	sor.u32 s29, s12;
	v9 =	vshrl.u32 v10, $0x1B;
	v7 =	vperm.xlane v2, v6;
	[tilespmem:s18+$0x0] =	vst v8;
	v8 =	vld [tilespmem:s25+$0x20]  }
0x1b1: {  	s30 =	sor.u32 s29, s13;
	v11 =	vperm.xlane v3, v6;
	v9 =	vand.u32 $0x10, v9;
	[tilespmem:s14+$0x0] =	vst v5  }
0x1b2: {  	s16 =	sor.u32 s29, s16;
	v5 =	vperm.xlane v4, v6;
	v6 =	vadd.s32 v10, v9;
	[tilespmem:s30+$0x0] =	vst v7  }
0x1b3: {  	s11 =	sor.u32 s29, s26;
	v7 =	vperm.xlane v0, v6;
	[tilespmem:s16+$0xA000] =	vst v11  }
0x1b4: {  	v9 =	vperm.xlane v1, v6;
	[tilespmem:s11+$0x0] =	vst v5  }
0x1b5: {  	v10 =	vperm.xlane v2, v6;
	v5 =	vld [tilespmem:s1+$0x10];
	[tilespmem:s15+$0x10] =	vst v7;
	v7 =	vshrl.u32 v8, $0x1B  }
0x1b6: {  	v11 =	vperm.xlane v3, v6;
	[tilespmem:s31+$0x10] =	vst v9;
	v7 =	vand.u32 $0x10, v7  }
0x1b7: {  	v6 =	vperm.xlane v4, v6;
	[tilespmem:s28+$0x10] =	vst v10;
	v7 =	vadd.s32 v8, v7  }
0x1b8: {  	[tilespmem:s4+$0xFFFFFFA0] =	vst v11;
	v8 =	vperm.xlane v0, v7  }
0x1b9: {  	[tilespmem:s17+$0x10] =	vst v6;
	v6 =	vperm.xlane v1, v7  }
0x1ba: {  	v10 =	vld [tilespmem:s20+$0x10];
	v9 =	vshrl.u32 v5, $0x1B;
	[tilespmem:s19+$0x20] =	vst v8;
	v8 =	vperm.xlane v2, v7  }
0x1bb: {  	v9 =	vand.u32 $0x10, v9;
	[tilespmem:s21+$0x20] =	vst v6;
	v6 =	vperm.xlane v3, v7  }
0x1bc: {  	v5 =	vadd.s32 v5, v9;
	v7 =	vperm.xlane v4, v7;
	[tilespmem:s22+$0x20] =	vst v8  }
0x1bd: {  	v8 =	vperm.xlane v0, v5;
	[tilespmem:s23+$0xA020] =	vst v6  }
0x1be: {  	v6 =	vperm.xlane v1, v5;
	[tilespmem:s24+$0x20] =	vst v7  }
0x1bf: {  	v9 =	vshrl.u32 v10, $0x1B;
	v7 =	vperm.xlane v2, v5;
	[tilespmem:s6+$0x10] =	vst v8;
	v8 =	vld [tilespmem:s25+$0x30]  }
0x1c0: {  	v11 =	vperm.xlane v3, v5;
	v9 =	vand.u32 $0x10, v9;
	[tilespmem:s8+$0x10] =	vst v6  }
0x1c1: {  	v5 =	vperm.xlane v4, v5;
	v6 =	vadd.s32 v10, v9;
	[tilespmem:s10+$0x10] =	vst v7  }
0x1c2: {  	v7 =	vperm.xlane v0, v6;
	[tilespmem:s9+$0xA010] =	vst v11  }
0x1c3: {  	v9 =	vperm.xlane v1, v6;
	[tilespmem:s7+$0x10] =	vst v5  }
0x1c4: {  	v10 =	vperm.xlane v2, v6;
	v5 =	vld [tilespmem:s3+$0x20];
	[tilespmem:s18+$0x10] =	vst v7;
	v7 =	vshrl.u32 v8, $0x1B  }
0x1c5: {  	v11 =	vperm.xlane v3, v6;
	[tilespmem:s14+$0x10] =	vst v9;
	v7 =	vand.u32 $0x10, v7  }
0x1c6: {  	v6 =	vperm.xlane v4, v6;
	[tilespmem:s30+$0x10] =	vst v10;
	v7 =	vadd.s32 v8, v7  }
0x1c7: {  	[tilespmem:s16+$0xA010] =	vst v11;
	v8 =	vperm.xlane v0, v7  }
0x1c8: {  	[tilespmem:s11+$0x10] =	vst v6;
	v6 =	vperm.xlane v1, v7  }
0x1c9: {  	v10 =	vld [tilespmem:s1+$0x20];
	v9 =	vshrl.u32 v5, $0x1B;
	[tilespmem:s19+$0x30] =	vst v8;
	v8 =	vperm.xlane v2, v7  }
0x1ca: {  	v9 =	vand.u32 $0x10, v9;
	[tilespmem:s21+$0x30] =	vst v6;
	v6 =	vperm.xlane v3, v7  }
0x1cb: {  	v5 =	vadd.s32 v5, v9;
	v7 =	vperm.xlane v4, v7;
	[tilespmem:s22+$0x30] =	vst v8  }
0x1cc: {  	v8 =	vperm.xlane v0, v5;
	[tilespmem:s23+$0xA030] =	vst v6  }
0x1cd: {  	v6 =	vperm.xlane v1, v5;
	[tilespmem:s24+$0x30] =	vst v7  }
0x1ce: {  	v9 =	vshrl.u32 v10, $0x1B;
	v7 =	vperm.xlane v2, v5;
	[tilespmem:s15+$0x20] =	vst v8;
	v8 =	vld [tilespmem:s25+$0x40]  }
0x1cf: {  	v11 =	vperm.xlane v3, v5;
	v9 =	vand.u32 $0x10, v9;
	[tilespmem:s31+$0x20] =	vst v6  }
0x1d0: {  	v5 =	vperm.xlane v4, v5;
	v6 =	vadd.s32 v10, v9;
	[tilespmem:s28+$0x20] =	vst v7  }
0x1d1: {  	v7 =	vperm.xlane v0, v6;
	[tilespmem:s4+$0xFFFFFFB0] =	vst v11  }
0x1d2: {  	v9 =	vperm.xlane v1, v6;
	[tilespmem:s17+$0x20] =	vst v5  }
0x1d3: {  	v10 =	vperm.xlane v2, v6;
	v5 =	vld [tilespmem:s20+$0x20];
	[tilespmem:s6+$0x20] =	vst v7;
	v7 =	vshrl.u32 v8, $0x1B  }
0x1d4: {  	v11 =	vperm.xlane v3, v6;
	[tilespmem:s8+$0x20] =	vst v9;
	v7 =	vand.u32 $0x10, v7  }
0x1d5: {  	v6 =	vperm.xlane v4, v6;
	[tilespmem:s10+$0x20] =	vst v10;
	v7 =	vadd.s32 v8, v7  }
0x1d6: {  	[tilespmem:s9+$0xA020] =	vst v11;
	v8 =	vperm.xlane v0, v7  }
0x1d7: {  	[tilespmem:s7+$0x20] =	vst v6;
	v6 =	vperm.xlane v1, v7  }
0x1d8: {  	v10 =	vld [tilespmem:s3+$0x30];
	v9 =	vshrl.u32 v5, $0x1B;
	[tilespmem:s19+$0x40] =	vst v8;
	v8 =	vperm.xlane v2, v7  }
0x1d9: {  	v9 =	vand.u32 $0x10, v9;
	[tilespmem:s21+$0x40] =	vst v6;
	v6 =	vperm.xlane v3, v7  }
0x1da: {  	v5 =	vadd.s32 v5, v9;
	v7 =	vperm.xlane v4, v7;
	[tilespmem:s22+$0x40] =	vst v8  }
0x1db: {  	v8 =	vperm.xlane v0, v5;
	[tilespmem:s23+$0xA040] =	vst v6  }
0x1dc: {  	v6 =	vperm.xlane v1, v5;
	[tilespmem:s24+$0x40] =	vst v7  }
0x1dd: {  	v9 =	vshrl.u32 v10, $0x1B;
	v7 =	vperm.xlane v2, v5;
	[tilespmem:s18+$0x20] =	vst v8;
	v8 =	vld [tilespmem:s25+$0x50]  }
0x1de: {  	v11 =	vperm.xlane v3, v5;
	v9 =	vand.u32 $0x10, v9;
	[tilespmem:s14+$0x20] =	vst v6  }
0x1df: {  	v5 =	vperm.xlane v4, v5;
	v6 =	vadd.s32 v10, v9;
	[tilespmem:s30+$0x20] =	vst v7  }
0x1e0: {  	v7 =	vperm.xlane v0, v6;
	[tilespmem:s16+$0xA020] =	vst v11  }
0x1e1: {  	v9 =	vperm.xlane v1, v6;
	[tilespmem:s11+$0x20] =	vst v5  }
0x1e2: {  	v10 =	vperm.xlane v2, v6;
	v5 =	vld [tilespmem:s1+$0x30];
	[tilespmem:s15+$0x30] =	vst v7;
	v7 =	vshrl.u32 v8, $0x1B  }
0x1e3: {  	v11 =	vperm.xlane v3, v6;
	[tilespmem:s31+$0x30] =	vst v9;
	v7 =	vand.u32 $0x10, v7  }
0x1e4: {  	v6 =	vperm.xlane v4, v6;
	[tilespmem:s28+$0x30] =	vst v10;
	v7 =	vadd.s32 v8, v7  }
0x1e5: {  	[tilespmem:s4+$0xFFFFFFC0] =	vst v11;
	v8 =	vperm.xlane v0, v7  }
0x1e6: {  	[tilespmem:s17+$0x30] =	vst v6;
	v6 =	vperm.xlane v1, v7  }
0x1e7: {  	v10 =	vld [tilespmem:s20+$0x30];
	v9 =	vshrl.u32 v5, $0x1B;
	[tilespmem:s19+$0x50] =	vst v8;
	v8 =	vperm.xlane v2, v7  }
0x1e8: {  	v9 =	vand.u32 $0x10, v9;
	[tilespmem:s21+$0x50] =	vst v6;
	v6 =	vperm.xlane v3, v7  }
0x1e9: {  	v5 =	vadd.s32 v5, v9;
	v7 =	vperm.xlane v4, v7;
	[tilespmem:s22+$0x50] =	vst v8  }
0x1ea: {  	v8 =	vperm.xlane v0, v5;
	[tilespmem:s23+$0xA050] =	vst v6  }
0x1eb: {  	v6 =	vperm.xlane v1, v5;
	[tilespmem:s24+$0x50] =	vst v7  }
0x1ec: {  	v9 =	vshrl.u32 v10, $0x1B;
	v7 =	vperm.xlane v2, v5;
	[tilespmem:s6+$0x30] =	vst v8;
	v8 =	vld [tilespmem:s25+$0x60]  }
0x1ed: {  	v11 =	vperm.xlane v3, v5;
	v9 =	vand.u32 $0x10, v9;
	[tilespmem:s8+$0x30] =	vst v6  }
0x1ee: {  	v5 =	vperm.xlane v4, v5;
	v6 =	vadd.s32 v10, v9;
	[tilespmem:s10+$0x30] =	vst v7  }
0x1ef: {  	v7 =	vperm.xlane v0, v6;
	[tilespmem:s9+$0xA030] =	vst v11  }
0x1f0: {  	v9 =	vperm.xlane v1, v6;
	[tilespmem:s7+$0x30] =	vst v5  }
0x1f1: {  	v10 =	vperm.xlane v2, v6;
	v5 =	vld [tilespmem:s3+$0x40];
	[tilespmem:s18+$0x30] =	vst v7;
	v7 =	vshrl.u32 v8, $0x1B  }
0x1f2: {  	v11 =	vperm.xlane v3, v6;
	[tilespmem:s14+$0x30] =	vst v9;
	v7 =	vand.u32 $0x10, v7  }
0x1f3: {  	v6 =	vperm.xlane v4, v6;
	[tilespmem:s30+$0x30] =	vst v10;
	v7 =	vadd.s32 v8, v7  }
0x1f4: {  	[tilespmem:s16+$0xA030] =	vst v11;
	v8 =	vperm.xlane v0, v7  }
0x1f5: {  	[tilespmem:s11+$0x30] =	vst v6;
	v6 =	vperm.xlane v1, v7  }
0x1f6: {  	v10 =	vld [tilespmem:s1+$0x40];
	v9 =	vshrl.u32 v5, $0x1B;
	[tilespmem:s19+$0x60] =	vst v8;
	v8 =	vperm.xlane v2, v7  }
0x1f7: {  	v9 =	vand.u32 $0x10, v9;
	[tilespmem:s21+$0x60] =	vst v6;
	v6 =	vperm.xlane v3, v7  }
0x1f8: {  	v5 =	vadd.s32 v5, v9;
	v7 =	vperm.xlane v4, v7;
	[tilespmem:s22+$0x60] =	vst v8  }
0x1f9: {  	v8 =	vperm.xlane v0, v5;
	[tilespmem:s23+$0xA060] =	vst v6  }
0x1fa: {  	v6 =	vperm.xlane v1, v5;
	[tilespmem:s24+$0x60] =	vst v7  }
0x1fb: {  	v9 =	vshrl.u32 v10, $0x1B;
	v7 =	vperm.xlane v2, v5;
	[tilespmem:s15+$0x40] =	vst v8;
	v8 =	vld [tilespmem:s25+$0x70]  }
0x1fc: {  	v11 =	vperm.xlane v3, v5;
	v9 =	vand.u32 $0x10, v9;
	[tilespmem:s31+$0x40] =	vst v6  }
0x1fd: {  	v5 =	vperm.xlane v4, v5;
	v6 =	vadd.s32 v10, v9;
	[tilespmem:s28+$0x40] =	vst v7  }
0x1fe: {  	v7 =	vperm.xlane v0, v6;
	[tilespmem:s4+$0xFFFFFFD0] =	vst v11  }
0x1ff: {  	v9 =	vperm.xlane v1, v6;
	[tilespmem:s17+$0x40] =	vst v5  }
0x200: {  	v10 =	vperm.xlane v2, v6;
	v5 =	vld [tilespmem:s20+$0x40];
	[tilespmem:s6+$0x40] =	vst v7;
	v7 =	vshrl.u32 v8, $0x1B  }
0x201: {  	v11 =	vperm.xlane v3, v6;
	[tilespmem:s8+$0x40] =	vst v9;
	v7 =	vand.u32 $0x10, v7  }
0x202: {  	v6 =	vperm.xlane v4, v6;
	[tilespmem:s10+$0x40] =	vst v10;
	v7 =	vadd.s32 v8, v7  }
0x203: {  	[tilespmem:s9+$0xA040] =	vst v11;
	v8 =	vperm.xlane v0, v7  }
0x204: {  	[tilespmem:s7+$0x40] =	vst v6;
	v6 =	vperm.xlane v1, v7  }
0x205: {  	v10 =	vld [tilespmem:s3+$0x50];
	v9 =	vshrl.u32 v5, $0x1B;
	[tilespmem:s19+$0x70] =	vst v8;
	v8 =	vperm.xlane v2, v7  }
0x206: {  	v9 =	vand.u32 $0x10, v9;
	[tilespmem:s21+$0x70] =	vst v6;
	v6 =	vperm.xlane v3, v7  }
0x207: {  	v5 =	vadd.s32 v5, v9;
	v7 =	vperm.xlane v4, v7;
	[tilespmem:s22+$0x70] =	vst v8  }
0x208: {  	v8 =	vperm.xlane v0, v5;
	[tilespmem:s23+$0xA070] =	vst v6  }
0x209: {  	v6 =	vperm.xlane v1, v5;
	[tilespmem:s24+$0x70] =	vst v7  }
0x20a: {  	v11 =	vld [tilespmem:s1+$0x50];
	v9 =	vshrl.u32 v10, $0x1B;
	v7 =	vperm.xlane v2, v5;
	[tilespmem:s18+$0x40] =	vst v8  }
0x20b: {  	v9 =	vand.u32 $0x10, v9;
	v8 =	vperm.xlane v3, v5;
	[tilespmem:s14+$0x40] =	vst v6  }
0x20c: {  	v5 =	vperm.xlane v4, v5;
	v6 =	vadd.s32 v10, v9;
	[tilespmem:s30+$0x40] =	vst v7  }
0x20d: {  	v7 =	vperm.xlane v0, v6;
	[tilespmem:s16+$0xA040] =	vst v8  }
0x20e: {  	v8 =	vperm.xlane v1, v6;
	[tilespmem:s11+$0x40] =	vst v5  }
0x20f: {  	v9 =	vshrl.u32 v11, $0x1B;
	v5 =	vperm.xlane v2, v6;
	[tilespmem:s15+$0x50] =	vst v7;
	v7 =	vld [tilespmem:s20+$0x50]  }
0x210: {  	v10 =	vperm.xlane v3, v6;
	v9 =	vand.u32 $0x10, v9;
	[tilespmem:s31+$0x50] =	vst v8  }
0x211: {  	v6 =	vperm.xlane v4, v6;
	v8 =	vadd.s32 v11, v9;
	[tilespmem:s28+$0x50] =	vst v5  }
0x212: {  	v5 =	vperm.xlane v0, v8;
	[tilespmem:s4+$0xFFFFFFE0] =	vst v10  }
0x213: {  	v9 =	vperm.xlane v1, v8;
	[tilespmem:s17+$0x50] =	vst v6  }
0x214: {  	v6 =	vperm.xlane v2, v8;
	[tilespmem:s6+$0x50] =	vst v5;
	v10 =	vld [tilespmem:s3+$0x60];
	v5 =	vshrl.u32 v7, $0x1B  }
0x215: {  	v11 =	vperm.xlane v3, v8;
	[tilespmem:s8+$0x50] =	vst v9;
	v5 =	vand.u32 $0x10, v5  }
0x216: {  	v8 =	vperm.xlane v4, v8;
	[tilespmem:s10+$0x50] =	vst v6;
	v5 =	vadd.s32 v7, v5  }
0x217: {  	[tilespmem:s9+$0xA050] =	vst v11;
	v6 =	vperm.xlane v0, v5  }
0x218: {  	[tilespmem:s7+$0x50] =	vst v8;
	v7 =	vperm.xlane v1, v5  }
0x219: {  	v8 =	vperm.xlane v2, v5;
	v11 =	vld [tilespmem:s1+$0x60];
	v9 =	vshrl.u32 v10, $0x1B;
	[tilespmem:s18+$0x50] =	vst v6  }
0x21a: {  	v6 =	vperm.xlane v3, v5;
	v9 =	vand.u32 $0x10, v9;
	[tilespmem:s14+$0x50] =	vst v7  }
0x21b: {  	v5 =	vperm.xlane v4, v5;
	v7 =	vadd.s32 v10, v9;
	[tilespmem:s30+$0x50] =	vst v8  }
0x21c: {  	v8 =	vperm.xlane v0, v7;
	[tilespmem:s16+$0xA050] =	vst v6  }
0x21d: {  	v6 =	vperm.xlane v1, v7;
	[tilespmem:s11+$0x50] =	vst v5  }
0x21e: {  	v5 =	vperm.xlane v2, v7;
	[tilespmem:s15+$0x60] =	vst v8;
	v8 =	vshrl.u32 v11, $0x1B;
	v9 =	vld [tilespmem:s20+$0x60]  }
0x21f: {  	v10 =	vperm.xlane v3, v7;
	[tilespmem:s31+$0x60] =	vst v6;
	v6 =	vand.u32 $0x10, v8  }
0x220: {  	v7 =	vperm.xlane v4, v7;
	[tilespmem:s28+$0x60] =	vst v5;
	v5 =	vadd.s32 v11, v6  }
0x221: {  	[tilespmem:s4+$0xFFFFFFF0] =	vst v10;
	v6 =	vperm.xlane v0, v5  }
0x222: {  	v8 =	vperm.xlane v1, v5;
	[tilespmem:s17+$0x60] =	vst v7  }
0x223: {  	v7 =	vperm.xlane v2, v5;
	v10 =	vld [tilespmem:s3+$0x70];
	[tilespmem:s6+$0x60] =	vst v6;
	v6 =	vshrl.u32 v9, $0x1B  }
0x224: {  	v11 =	vperm.xlane v3, v5;
	[tilespmem:s8+$0x60] =	vst v8;
	v6 =	vand.u32 $0x10, v6  }
0x225: {  	v5 =	vperm.xlane v4, v5;
	[tilespmem:s10+$0x60] =	vst v7;
	v7 =	vadd.s32 v9, v6  }
0x226: {  	[tilespmem:s9+$0xA060] =	vst v11;
	v8 =	vperm.xlane v0, v7  }
0x227: {  	v9 =	vperm.xlane v1, v7;
	[tilespmem:s7+$0x60] =	vst v5  }
0x228: {  	v5 =	vperm.xlane v2, v7;
	v11 =	vshrl.u32 v10, $0x1B;
	v6 =	vld [tilespmem:s1+$0x70];
	[tilespmem:s18+$0x60] =	vst v8  }
0x229: {  	v8 =	vperm.xlane v3, v7;
	v11 =	vand.u32 $0x10, v11;
	[tilespmem:s14+$0x60] =	vst v9  }
0x22a: {  	v7 =	vperm.xlane v4, v7;
	v10 =	vadd.s32 v10, v11;
	[tilespmem:s30+$0x60] =	vst v5  }
0x22b: {  	v5 =	vperm.xlane v0, v10;
	[tilespmem:s16+$0xA060] =	vst v8  }
0x22c: {  	v11 =	vperm.xlane v1, v10;
	[tilespmem:s11+$0x60] =	vst v7  }
0x22d: {  	v9 =	vperm.xlane v2, v10;
	[tilespmem:s15+$0x70] =	vst v5;
	v12 =	vshrl.u32 v6, $0x1B;
	v5 =	vld [tilespmem:s20+$0x70]  }
0x22e: {  	s19 =	simm.s32 $0x0;
	v8 =	vperm.xlane v3, v10;
	v7 =	vperm.xlane v4, v10;
	[tilespmem:s31+$0x70] =	vst v11;
	v10 =	vand.u32 $0x10, v12;
	s20 =	simm.s32 $0x200  }
.LBB2_8:
0x22f: {  	s21 =	sand.u32 $0x1C00, s20;
	s5 =	sand.u32 $0x200, s20;
	[tilespmem:s28+$0x70] =	vst v9;
	v6 =	vadd.s32 v6, v10  }
0x230: {  	s3 =	sadd.s32 $0x1400, s21;
	s13 =	sor.u32 $0x80, s5;
	s31 =	sor.u32 $0x180, s5;
	[tilespmem:s4+$0x0] =	vst v8;
	v8 =	vperm.xlane v0, v6;
	v9 =	vperm.xlane v1, v6  }
0x231: {  	s12 =	sor.u32 $0x100, s5;
	v10 =	vperm.xlane v3, v6;
	s24 =	sor.u32 s5, s3;
	s2 =	sor.u32 s31, s3;
	[tilespmem:s17+$0x70] =	vst v7;
	v7 =	vperm.xlane v2, v6  }
0x232: {  	s23 =	sor.u32 s13, s3;
	s22 =	sor.u32 s12, s3;
	v6 =	vperm.xlane v4, v6;
	v11 =	vld [tilespmem:s2+$0x0];
	[tilespmem:s6+$0x70] =	vst v8;
	v8 =	vshrl.u32 v5, $0x1B  }
0x233: {  	v12 =	vld [tilespmem:s24+$0x0];
	[tilespmem:s8+$0x70] =	vst v9;
	v8 =	vand.u32 $0x10, v8  }
0x234: {  	v9 =	vld [tilespmem:s23+$0x0];
	[tilespmem:s10+$0x70] =	vst v7;
	v5 =	vadd.s32 v5, v8  }
0x235: {  	v7 =	vld [tilespmem:s22+$0x0];
	[tilespmem:s9+$0xA070] =	vst v10;
	v8 =	vperm.xlane v0, v5;
	v10 =	vperm.xlane v1, v5  }
0x236: {  	v13 =	vperm.xlane v3, v5;
	[tilespmem:s7+$0x70] =	vst v6;
	v6 =	vperm.xlane v2, v5  }
0x237: {  	v5 =	vperm.xlane v4, v5;
	v14 =	vshrl.u32 v11, $0x1B;
	[tilespmem:s18+$0x70] =	vst v8  }
0x238: {  	v8 =	vshrl.u32 v12, $0x1B;
	v14 =	vand.u32 $0x10, v14;
	[tilespmem:s14+$0x70] =	vst v10  }
0x239: {  	v8 =	vand.u32 $0x10, v8;
	v10 =	vshrl.u32 v9, $0x1B;
	v11 =	vadd.s32 v11, v14;
	[tilespmem:s30+$0x70] =	vst v6  }
0x23a: {  	s14 =	sadd.s32 $0x8C00, s21;
	v6 =	vand.u32 $0x10, v10;
	v10 =	vshrl.u32 v7, $0x1B;
	v14 =	vperm.xlane v0, v11;
	[tilespmem:s16+$0xA070] =	vst v13  }
0x23b: {  	s25 =	sor.u32 s5, s14;
	s29 =	sor.u32 s31, s14;
	v8 =	vadd.s32 v12, v8;
	s16 =	sor.u32 $0xA000, s21;
	v12 =	vperm.xlane v1, v11;
	v10 =	vand.u32 $0x10, v10;
	[tilespmem:s11+$0x70] =	vst v5  }
0x23c: {  	s26 =	sor.u32 s5, s16;
	s11 =	sadd.s32 $0xB400, s21;
	v5 =	vadd.s32 v9, v6;
	s3 =	sor.u32 s31, s16;
	v6 =	vadd.s32 v7, v10;
	[tilespmem:s29+$0x0] =	vst v14;
	v7 =	vperm.xlane v2, v11  }
0x23d: {  	s1 =	sadd.s32 $0x2800, s21;
	v9 =	vperm.xlane v0, v8;
	s28 =	sor.u32 s5, s11;
	s15 =	sor.u32 s31, s11;
	v10 =	vperm.xlane v3, v11;
	[tilespmem:s3+$0x0] =	vst v12  }
0x23e: {  	s0 =	sadd.s32 $0xDC00, s21;
	s6 =	sor.u32 s13, s14;
	s21 =	sor.u32 s31, s1;
	v12 =	vperm.xlane v1, v8;
	[tilespmem:s15+$0x0] =	vst v7;
	v7 =	vperm.xlane v4, v11  }
0x23f: {  	s17 =	sor.u32 s5, s0;
	v13 =	vperm.xlane v3, v8;
	s8 =	sor.u32 s13, s16;
	s5 =	sor.u32 s31, s0;
	v11 =	vperm.xlane v2, v8;
	[tilespmem:s21+$0xA000] =	vst v10  }
0x240: {  	s9 =	sor.u32 s13, s1;
	s7 =	sor.u32 s13, s0;
	s10 =	sor.u32 s13, s11;
	v8 =	vperm.xlane v4, v8;
	v10 =	vperm.xlane v0, v5;
	[tilespmem:s5+$0x0] =	vst v7  }
0x241: {  	s18 =	sor.u32 s12, s14;
	s14 =	sor.u32 s12, s16;
	s30 =	sor.u32 s12, s11;
	v7 =	vperm.xlane v1, v5;
	[tilespmem:s25+$0x0] =	vst v9;
	v9 =	vperm.xlane v2, v5;
	v14 =	vld [tilespmem:s2+$0x10]  }
0x242: {  	s16 =	sor.u32 s12, s1;
	s11 =	sor.u32 s12, s0;
	[tilespmem:s26+$0x0] =	vst v12;
	v12 =	vperm.xlane v3, v5;
	v5 =	vperm.xlane v4, v5  }
0x243: {  	s4 =	sadd.s32 $0x200, s4;
	v15 =	vperm.xlane v1, v6;
	[tilespmem:s28+$0x0] =	vst v11;
	v11 =	vperm.xlane v0, v6  }
0x244: {  	v16 =	vperm.xlane v3, v6;
	[tilespmem:s4+$0xFFFFFF90] =	vst v13;
	v13 =	vperm.xlane v2, v6  }
0x245: {  	v6 =	vperm.xlane v4, v6;
	[tilespmem:s17+$0x0] =	vst v8  }
0x246: {  	v8 =	vld [tilespmem:s24+$0x10];
	[tilespmem:s6+$0x0] =	vst v10;
	v10 =	vshrl.u32 v14, $0x1B  }
0x247: {  	[tilespmem:s8+$0x0] =	vst v7;
	v7 =	vand.u32 $0x10, v10  }
0x248: {  	[tilespmem:s10+$0x0] =	vst v9;
	v7 =	vadd.s32 v14, v7  }
0x249: {  	[tilespmem:s9+$0xA000] =	vst v12;
	v9 =	vperm.xlane v0, v7  }
0x24a: {  	[tilespmem:s7+$0x0] =	vst v5;
	v5 =	vperm.xlane v1, v7  }
0x24b: {  	v10 =	vshrl.u32 v8, $0x1B;
	v12 =	vld [tilespmem:s23+$0x10];
	[tilespmem:s29+$0x10] =	vst v9;
	v9 =	vperm.xlane v2, v7  }
0x24c: {  	v10 =	vand.u32 $0x10, v10;
	[tilespmem:s3+$0x10] =	vst v5;
	v5 =	vperm.xlane v3, v7  }
0x24d: {  	v7 =	vperm.xlane v4, v7;
	v8 =	vadd.s32 v8, v10;
	[tilespmem:s15+$0x10] =	vst v9  }
0x24e: {  	v9 =	vperm.xlane v0, v8;
	v10 =	vperm.xlane v1, v8;
	[tilespmem:s21+$0xA010] =	vst v5  }
0x24f: {  	s19 =	sadd.s32 $0x4, s19;
	v5 =	vperm.xlane v2, v8;
	v14 =	vperm.xlane v3, v8;
	[tilespmem:s5+$0x10] =	vst v7  }
0x250: {  	p1 =	slt.u32 s19, $0x24;
	v7 =	vperm.xlane v4, v8;
	v8 =	vshrl.u32 v12, $0x1B;
	[tilespmem:s18+$0x0] =	vst v11;
	v11 =	vld [tilespmem:s2+$0x20]  }
0x251: {  	v8 =	vand.u32 $0x10, v8;
	[tilespmem:s14+$0x0] =	vst v15  }
0x252: {  	v8 =	vadd.s32 v12, v8;
	[tilespmem:s30+$0x0] =	vst v13  }
0x253: {  	v12 =	vperm.xlane v0, v8;
	v13 =	vperm.xlane v1, v8;
	[tilespmem:s16+$0xA000] =	vst v16  }
0x254: {  	v15 =	vperm.xlane v2, v8;
	v16 =	vperm.xlane v3, v8;
	[tilespmem:s11+$0x0] =	vst v6  }
0x255: {  	v6 =	vperm.xlane v4, v8;
	[tilespmem:s25+$0x10] =	vst v9;
	v8 =	vld [tilespmem:s22+$0x10];
	v9 =	vshrl.u32 v11, $0x1B  }
0x256: {  	[tilespmem:s26+$0x10] =	vst v10;
	v9 =	vand.u32 $0x10, v9  }
0x257: {  	[tilespmem:s28+$0x10] =	vst v5;
	v5 =	vadd.s32 v11, v9  }
0x258: {  	[tilespmem:s4+$0xFFFFFFA0] =	vst v14;
	v9 =	vperm.xlane v0, v5  }
0x259: {  	[tilespmem:s17+$0x10] =	vst v7;
	v7 =	vperm.xlane v1, v5  }
0x25a: {  	v10 =	vld [tilespmem:s24+$0x20];
	v11 =	vshrl.u32 v8, $0x1B;
	[tilespmem:s29+$0x20] =	vst v9;
	v9 =	vperm.xlane v2, v5  }
0x25b: {  	v11 =	vand.u32 $0x10, v11;
	[tilespmem:s3+$0x20] =	vst v7;
	v7 =	vperm.xlane v3, v5  }
0x25c: {  	v5 =	vperm.xlane v4, v5;
	v8 =	vadd.s32 v8, v11;
	[tilespmem:s15+$0x20] =	vst v9  }
0x25d: {  	v9 =	vperm.xlane v0, v8;
	v11 =	vperm.xlane v1, v8;
	[tilespmem:s21+$0xA020] =	vst v7  }
0x25e: {  	v7 =	vperm.xlane v2, v8;
	v14 =	vperm.xlane v3, v8;
	[tilespmem:s5+$0x20] =	vst v5  }
0x25f: {  	v8 =	vperm.xlane v4, v8;
	v5 =	vshrl.u32 v10, $0x1B;
	[tilespmem:s6+$0x10] =	vst v12;
	v12 =	vld [tilespmem:s2+$0x30]  }
0x260: {  	v5 =	vand.u32 $0x10, v5;
	[tilespmem:s8+$0x10] =	vst v13  }
0x261: {  	v5 =	vadd.s32 v10, v5;
	[tilespmem:s10+$0x10] =	vst v15  }
0x262: {  	v10 =	vperm.xlane v0, v5;
	v13 =	vperm.xlane v1, v5;
	[tilespmem:s9+$0xA010] =	vst v16  }
0x263: {  	v15 =	vperm.xlane v2, v5;
	v16 =	vperm.xlane v3, v5;
	[tilespmem:s7+$0x10] =	vst v6  }
0x264: {  	v5 =	vperm.xlane v4, v5;
	v6 =	vld [tilespmem:s23+$0x20];
	[tilespmem:s18+$0x10] =	vst v9;
	v9 =	vshrl.u32 v12, $0x1B  }
0x265: {  	[tilespmem:s14+$0x10] =	vst v11;
	v9 =	vand.u32 $0x10, v9  }
0x266: {  	[tilespmem:s30+$0x10] =	vst v7;
	v7 =	vadd.s32 v12, v9  }
0x267: {  	[tilespmem:s16+$0xA010] =	vst v14;
	v9 =	vperm.xlane v0, v7  }
0x268: {  	[tilespmem:s11+$0x10] =	vst v8;
	v8 =	vperm.xlane v1, v7  }
0x269: {  	v11 =	vshrl.u32 v6, $0x1B;
	v12 =	vld [tilespmem:s22+$0x20];
	[tilespmem:s29+$0x30] =	vst v9;
	v9 =	vperm.xlane v2, v7  }
0x26a: {  	v11 =	vand.u32 $0x10, v11;
	[tilespmem:s3+$0x30] =	vst v8;
	v8 =	vperm.xlane v3, v7  }
0x26b: {  	v7 =	vperm.xlane v4, v7;
	v6 =	vadd.s32 v6, v11;
	[tilespmem:s15+$0x30] =	vst v9  }
0x26c: {  	v9 =	vperm.xlane v0, v6;
	v11 =	vperm.xlane v1, v6;
	[tilespmem:s21+$0xA030] =	vst v8  }
0x26d: {  	v8 =	vperm.xlane v2, v6;
	v14 =	vperm.xlane v3, v6;
	[tilespmem:s5+$0x30] =	vst v7  }
0x26e: {  	v6 =	vperm.xlane v4, v6;
	[tilespmem:s25+$0x20] =	vst v10;
	v7 =	vshrl.u32 v12, $0x1B;
	v10 =	vld [tilespmem:s2+$0x40]  }
0x26f: {  	[tilespmem:s26+$0x20] =	vst v13;
	v7 =	vand.u32 $0x10, v7  }
0x270: {  	[tilespmem:s28+$0x20] =	vst v15;
	v7 =	vadd.s32 v12, v7  }
0x271: {  	[tilespmem:s4+$0xFFFFFFB0] =	vst v16;
	v12 =	vperm.xlane v0, v7;
	v13 =	vperm.xlane v1, v7  }
0x272: {  	v15 =	vperm.xlane v3, v7;
	[tilespmem:s17+$0x20] =	vst v5;
	v5 =	vperm.xlane v2, v7  }
0x273: {  	v7 =	vperm.xlane v4, v7;
	v16 =	vld [tilespmem:s24+$0x30];
	[tilespmem:s6+$0x20] =	vst v9;
	v9 =	vshrl.u32 v10, $0x1B  }
0x274: {  	[tilespmem:s8+$0x20] =	vst v11;
	v9 =	vand.u32 $0x10, v9  }
0x275: {  	[tilespmem:s10+$0x20] =	vst v8;
	v8 =	vadd.s32 v10, v9  }
0x276: {  	[tilespmem:s9+$0xA020] =	vst v14;
	v9 =	vperm.xlane v0, v8  }
0x277: {  	[tilespmem:s7+$0x20] =	vst v6;
	v6 =	vperm.xlane v1, v8  }
0x278: {  	v10 =	vshrl.u32 v16, $0x1B;
	v11 =	vld [tilespmem:s23+$0x30];
	[tilespmem:s29+$0x40] =	vst v9;
	v9 =	vperm.xlane v2, v8  }
0x279: {  	v10 =	vand.u32 $0x10, v10;
	[tilespmem:s3+$0x40] =	vst v6;
	v6 =	vperm.xlane v3, v8  }
0x27a: {  	v8 =	vperm.xlane v4, v8;
	v10 =	vadd.s32 v16, v10;
	[tilespmem:s15+$0x40] =	vst v9  }
0x27b: {  	v9 =	vperm.xlane v0, v10;
	v14 =	vperm.xlane v1, v10;
	[tilespmem:s21+$0xA040] =	vst v6  }
0x27c: {  	v6 =	vperm.xlane v2, v10;
	v16 =	vperm.xlane v3, v10;
	[tilespmem:s5+$0x40] =	vst v8  }
0x27d: {  	v8 =	vperm.xlane v4, v10;
	v10 =	vshrl.u32 v11, $0x1B;
	[tilespmem:s18+$0x20] =	vst v12;
	v12 =	vld [tilespmem:s2+$0x50]  }
0x27e: {  	v10 =	vand.u32 $0x10, v10;
	[tilespmem:s14+$0x20] =	vst v13  }
0x27f: {  	v10 =	vadd.s32 v11, v10;
	[tilespmem:s30+$0x20] =	vst v5  }
0x280: {  	v5 =	vperm.xlane v0, v10;
	v11 =	vperm.xlane v1, v10;
	[tilespmem:s16+$0xA020] =	vst v15  }
0x281: {  	v13 =	vperm.xlane v2, v10;
	v15 =	vperm.xlane v3, v10;
	[tilespmem:s11+$0x20] =	vst v7  }
0x282: {  	v7 =	vperm.xlane v4, v10;
	[tilespmem:s25+$0x30] =	vst v9;
	v9 =	vld [tilespmem:s22+$0x30];
	v10 =	vshrl.u32 v12, $0x1B  }
0x283: {  	[tilespmem:s26+$0x30] =	vst v14;
	v10 =	vand.u32 $0x10, v10  }
0x284: {  	[tilespmem:s28+$0x30] =	vst v6;
	v6 =	vadd.s32 v12, v10  }
0x285: {  	[tilespmem:s4+$0xFFFFFFC0] =	vst v16;
	v10 =	vperm.xlane v0, v6  }
0x286: {  	[tilespmem:s17+$0x30] =	vst v8;
	v8 =	vperm.xlane v1, v6  }
0x287: {  	v12 =	vld [tilespmem:s24+$0x40];
	v14 =	vshrl.u32 v9, $0x1B;
	[tilespmem:s29+$0x50] =	vst v10;
	v10 =	vperm.xlane v2, v6  }
0x288: {  	v14 =	vand.u32 $0x10, v14;
	[tilespmem:s3+$0x50] =	vst v8;
	v8 =	vperm.xlane v3, v6  }
0x289: {  	v6 =	vperm.xlane v4, v6;
	v9 =	vadd.s32 v9, v14;
	[tilespmem:s15+$0x50] =	vst v10  }
0x28a: {  	v10 =	vperm.xlane v0, v9;
	v14 =	vperm.xlane v1, v9;
	[tilespmem:s21+$0xA050] =	vst v8  }
0x28b: {  	v8 =	vperm.xlane v2, v9;
	v16 =	vperm.xlane v3, v9;
	[tilespmem:s5+$0x50] =	vst v6  }
0x28c: {  	v6 =	vshrl.u32 v12, $0x1B;
	[tilespmem:s6+$0x30] =	vst v5;
	v5 =	vperm.xlane v4, v9;
	v9 =	vld [tilespmem:s2+$0x60]  }
0x28d: {  	v6 =	vand.u32 $0x10, v6;
	[tilespmem:s8+$0x30] =	vst v11  }
0x28e: {  	v6 =	vadd.s32 v12, v6;
	[tilespmem:s10+$0x30] =	vst v13  }
0x28f: {  	v11 =	vperm.xlane v0, v6;
	v12 =	vperm.xlane v1, v6;
	[tilespmem:s9+$0xA030] =	vst v15  }
0x290: {  	v13 =	vperm.xlane v2, v6;
	v15 =	vperm.xlane v3, v6;
	[tilespmem:s7+$0x30] =	vst v7  }
0x291: {  	v6 =	vperm.xlane v4, v6;
	v7 =	vld [tilespmem:s23+$0x40];
	[tilespmem:s18+$0x30] =	vst v10;
	v10 =	vshrl.u32 v9, $0x1B  }
0x292: {  	[tilespmem:s14+$0x30] =	vst v14;
	v10 =	vand.u32 $0x10, v10  }
0x293: {  	[tilespmem:s30+$0x30] =	vst v8;
	v8 =	vadd.s32 v9, v10  }
0x294: {  	[tilespmem:s16+$0xA030] =	vst v16;
	v9 =	vperm.xlane v0, v8  }
0x295: {  	[tilespmem:s11+$0x30] =	vst v5;
	v5 =	vperm.xlane v1, v8  }
0x296: {  	v10 =	vshrl.u32 v7, $0x1B;
	v14 =	vld [tilespmem:s22+$0x40];
	[tilespmem:s29+$0x60] =	vst v9;
	v9 =	vperm.xlane v2, v8  }
0x297: {  	v10 =	vand.u32 $0x10, v10;
	[tilespmem:s3+$0x60] =	vst v5;
	v5 =	vperm.xlane v3, v8  }
0x298: {  	v8 =	vperm.xlane v4, v8;
	v7 =	vadd.s32 v7, v10;
	[tilespmem:s15+$0x60] =	vst v9  }
0x299: {  	v9 =	vperm.xlane v0, v7;
	v10 =	vperm.xlane v1, v7;
	[tilespmem:s21+$0xA060] =	vst v5  }
0x29a: {  	v5 =	vperm.xlane v2, v7;
	v16 =	vperm.xlane v3, v7;
	[tilespmem:s5+$0x60] =	vst v8  }
0x29b: {  	v7 =	vperm.xlane v4, v7;
	[tilespmem:s25+$0x40] =	vst v11;
	v8 =	vshrl.u32 v14, $0x1B;
	v11 =	vld [tilespmem:s2+$0x70]  }
0x29c: {  	[tilespmem:s26+$0x40] =	vst v12;
	v8 =	vand.u32 $0x10, v8  }
0x29d: {  	[tilespmem:s28+$0x40] =	vst v13;
	v8 =	vadd.s32 v14, v8  }
0x29e: {  	[tilespmem:s4+$0xFFFFFFD0] =	vst v15;
	v12 =	vperm.xlane v0, v8;
	v13 =	vperm.xlane v1, v8  }
0x29f: {  	v14 =	vperm.xlane v3, v8;
	[tilespmem:s17+$0x40] =	vst v6;
	v6 =	vperm.xlane v2, v8  }
0x2a0: {  	v8 =	vperm.xlane v4, v8;
	v15 =	vld [tilespmem:s24+$0x50];
	[tilespmem:s6+$0x40] =	vst v9;
	v9 =	vshrl.u32 v11, $0x1B  }
0x2a1: {  	[tilespmem:s8+$0x40] =	vst v10;
	v9 =	vand.u32 $0x10, v9  }
0x2a2: {  	[tilespmem:s10+$0x40] =	vst v5;
	v5 =	vadd.s32 v11, v9  }
0x2a3: {  	[tilespmem:s9+$0xA040] =	vst v16;
	v9 =	vperm.xlane v0, v5  }
0x2a4: {  	[tilespmem:s7+$0x40] =	vst v7;
	v7 =	vperm.xlane v1, v5  }
0x2a5: {  	v10 =	vshrl.u32 v15, $0x1B;
	v11 =	vld [tilespmem:s23+$0x50];
	[tilespmem:s29+$0x70] =	vst v9;
	v9 =	vperm.xlane v2, v5  }
0x2a6: {  	v10 =	vand.u32 $0x10, v10;
	[tilespmem:s3+$0x70] =	vst v7;
	v7 =	vperm.xlane v3, v5  }
0x2a7: {  	v5 =	vperm.xlane v4, v5;
	v10 =	vadd.s32 v15, v10;
	[tilespmem:s15+$0x70] =	vst v9  }
0x2a8: {  	v9 =	vperm.xlane v0, v10;
	v15 =	vperm.xlane v1, v10;
	[tilespmem:s21+$0xA070] =	vst v7  }
0x2a9: {  	v7 =	vperm.xlane v2, v10;
	v16 =	vperm.xlane v3, v10;
	[tilespmem:s5+$0x70] =	vst v5  }
0x2aa: {  	v5 =	vperm.xlane v4, v10;
	v10 =	vshrl.u32 v11, $0x1B;
	[tilespmem:s18+$0x40] =	vst v12  }
0x2ab: {  	v10 =	vand.u32 $0x10, v10;
	[tilespmem:s14+$0x40] =	vst v13  }
0x2ac: {  	v10 =	vadd.s32 v11, v10;
	[tilespmem:s30+$0x40] =	vst v6  }
0x2ad: {  	v6 =	vperm.xlane v0, v10;
	v11 =	vperm.xlane v1, v10;
	[tilespmem:s16+$0xA040] =	vst v14  }
0x2ae: {  	v12 =	vperm.xlane v2, v10;
	v13 =	vperm.xlane v3, v10;
	[tilespmem:s11+$0x40] =	vst v8  }
0x2af: {  	v8 =	vperm.xlane v4, v10;
	[tilespmem:s25+$0x50] =	vst v9;
	v9 =	vld [tilespmem:s22+$0x50]  }
0x2b0: {  	[tilespmem:s26+$0x50] =	vst v15  }
0x2b1: {  	[tilespmem:s28+$0x50] =	vst v7  }
0x2b2: {  	[tilespmem:s4+$0xFFFFFFE0] =	vst v16  }
0x2b3: {  	[tilespmem:s17+$0x50] =	vst v5  }
0x2b4: {  	v5 =	vld [tilespmem:s24+$0x60];
	[tilespmem:s6+$0x50] =	vst v6;
	v6 =	vshrl.u32 v9, $0x1B  }
0x2b5: {  	[tilespmem:s8+$0x50] =	vst v11;
	v6 =	vand.u32 $0x10, v6  }
0x2b6: {  	[tilespmem:s10+$0x50] =	vst v12;
	v6 =	vadd.s32 v9, v6  }
0x2b7: {  	[tilespmem:s9+$0xA050] =	vst v13;
	v7 =	vperm.xlane v0, v6;
	v9 =	vperm.xlane v1, v6  }
0x2b8: {  	v10 =	vperm.xlane v3, v6;
	[tilespmem:s7+$0x50] =	vst v8;
	v8 =	vperm.xlane v2, v6  }
0x2b9: {  	v6 =	vperm.xlane v4, v6;
	v11 =	vshrl.u32 v5, $0x1B;
	v12 =	vld [tilespmem:s23+$0x60];
	[tilespmem:s18+$0x50] =	vst v7  }
0x2ba: {  	v7 =	vand.u32 $0x10, v11;
	[tilespmem:s14+$0x50] =	vst v9  }
0x2bb: {  	v5 =	vadd.s32 v5, v7;
	[tilespmem:s30+$0x50] =	vst v8  }
0x2bc: {  	v7 =	vperm.xlane v0, v5;
	v8 =	vperm.xlane v1, v5;
	[tilespmem:s16+$0xA050] =	vst v10  }
0x2bd: {  	v9 =	vperm.xlane v2, v5;
	v10 =	vperm.xlane v3, v5;
	[tilespmem:s11+$0x50] =	vst v6  }
0x2be: {  	v5 =	vperm.xlane v4, v5;
	[tilespmem:s25+$0x60] =	vst v7;
	v6 =	vshrl.u32 v12, $0x1B;
	v7 =	vld [tilespmem:s22+$0x60]  }
0x2bf: {  	[tilespmem:s26+$0x60] =	vst v8;
	v6 =	vand.u32 $0x10, v6  }
0x2c0: {  	[tilespmem:s28+$0x60] =	vst v9;
	v6 =	vadd.s32 v12, v6  }
0x2c1: {  	[tilespmem:s4+$0xFFFFFFF0] =	vst v10;
	v8 =	vperm.xlane v0, v6;
	v9 =	vperm.xlane v1, v6  }
0x2c2: {  	v10 =	vperm.xlane v3, v6;
	[tilespmem:s17+$0x60] =	vst v5;
	v5 =	vperm.xlane v2, v6  }
0x2c3: {  	v6 =	vperm.xlane v4, v6;
	v11 =	vld [tilespmem:s24+$0x70];
	[tilespmem:s6+$0x60] =	vst v8;
	v8 =	vshrl.u32 v7, $0x1B  }
0x2c4: {  	[tilespmem:s8+$0x60] =	vst v9;
	v8 =	vand.u32 $0x10, v8  }
0x2c5: {  	[tilespmem:s10+$0x60] =	vst v5;
	v5 =	vadd.s32 v7, v8  }
0x2c6: {  	[tilespmem:s9+$0xA060] =	vst v10;
	v7 =	vperm.xlane v0, v5;
	v8 =	vperm.xlane v1, v5  }
0x2c7: {  	v9 =	vperm.xlane v2, v5;
	v10 =	vperm.xlane v3, v5;
	[tilespmem:s7+$0x60] =	vst v6  }
0x2c8: {  	v5 =	vperm.xlane v4, v5;
	v12 =	vshrl.u32 v11, $0x1B;
	v6 =	vld [tilespmem:s23+$0x70];
	[tilespmem:s18+$0x60] =	vst v7  }
0x2c9: {  	v7 =	vand.u32 $0x10, v12;
	[tilespmem:s14+$0x60] =	vst v8  }
.Ltmp5:
0x2ca: {  	v7 =	vadd.s32 v11, v7;
	[tilespmem:s30+$0x60] =	vst v9;
	(pc) =	sbr.rel @p1 .LBB2_8-.Ltmp5, $4  }
0x2cb: {  	v11 =	vperm.xlane v0, v7;
	v12 =	vperm.xlane v1, v7;
	[tilespmem:s16+$0xA060] =	vst v10  }
0x2cc: {  	v9 =	vperm.xlane v2, v7;
	v8 =	vperm.xlane v3, v7;
	[tilespmem:s11+$0x60] =	vst v5  }
0x2cd: {  	v7 =	vperm.xlane v4, v7;
	[tilespmem:s25+$0x70] =	vst v11;
	v10 =	vshrl.u32 v6, $0x1B;
	v5 =	vld [tilespmem:s22+$0x70]  }
0x2ce: {  	s20 =	sadd.s32 $0x200, s20;
	[tilespmem:s26+$0x70] =	vst v12;
	v10 =	vand.u32 $0x10, v10  }
0x2cf: {  	[tilespmem:s28+$0x70] =	vst v9;
	v6 =	vadd.s32 v6, v10  }
0x2d0: {  	[tilespmem:s4+$0x0] =	vst v8;
	v61 =	vperm.xlane v0, v6  }
0x2d1: {  	v62 =	vperm.xlane v1, v6;
	[tilespmem:s17+$0x70] =	vst v7  }
0x2d2: {  	v7 =	vperm.xlane v2, v6;
	s2 =	rddreg [dreg:$0xc];
	[tilespmem:s6+$0x70] =	vst v61;
	v63 =	vshrl.u32 v5, $0x1B  }
0x2d3: {  	v10 =	vperm.xlane v3, v6;
	s0 =	smulhi.u32 $0x66666667, s2;
	[tilespmem:s8+$0x70] =	vst v62;
	v8 =	vand.u32 $0x10, v63  }
0x2d4: {  	v6 =	vperm.xlane v4, v6;
	[tilespmem:s10+$0x70] =	vst v7;
	v5 =	vadd.s32 v5, v8  }
0x2d5: {  	s0 =	sshrl.u32 s0, $0x1;
	[tilespmem:s9+$0xA070] =	vst v10;
	v7 =	vperm.xlane v0, v5  }
0x2d6: {  	s1 =	smul.u32 $0x5, s0;
	[tilespmem:s7+$0x70] =	vst v6  }
0x2d7: {  	[tilespmem:s18+$0x70] =	vst v7  }
0x2d8: {  	v8 =	vperm.xlane v1, v5;
	s1 =	ssub.s32 s2, s1;
	s31 =	rddreg [dreg:$0x4]  }
0x2d9: {  	v6 =	vperm.xlane v2, v5;
	s0 =	sadd.s32 s31, s0;
	s1 =	smul.u32 $0xA0000, s1  }
0x2da: {  	v7 =	vperm.xlane v3, v5;
	[tilespmem:s14+$0x70] =	vst v8;
	s0 =	sshll.u32 s0, $0xA  }
0x2db: {  	v5 =	vperm.xlane v4, v5;
	[tilespmem:s30+$0x70] =	vst v6;
	s0 =	sadd.s32 s1, s0  }
0x2dc: {  	s29 =	rddreg [dreg:$0x2];
	s3 =	simm.s32 $0x20000;
	[tilespmem:s16+$0xA070] =	vst v7;
	s0 =	sshrl.u32 s0, $0x3  }
0x2dd: {  	s20 =	simm.s32 $0x8C00;
	s30 =	simm.s32 $0x400;
	[tilespmem:s11+$0x70] =	vst v5;
	s0 =	sadd.s32 s29, s0  }
0x2de: {  	[hbm4b:s0+s30] =	stream.strided.scatter [tilespmem:s20], [sflag:$0x4], $0x1400, s3, s30, $0x38;
	[tilespmem:$0xF050] =	vst v63  }
0x2df: {  	s22 =	simm.s32 $0xA000;
	s21 =	sadd.s32 $0x64000, s0  }
0x2e0: {  	[hbm4b:s21+s30] =	stream.strided.scatter [tilespmem:s22], [sflag:$0x4], $0x1400, s3, s30, $0x38;
	[tilespmem:$0xF050] =	vst v63  }
0x2e1: {  	s24 =	simm.s32 $0xB400;
	s23 =	sadd.s32 $0xC8000, s0  }
0x2e2: {  	[hbm4b:s23+s30] =	stream.strided.scatter [tilespmem:s24], [sflag:$0x4], $0x1400, s3, s30, $0x38;
	[tilespmem:$0xF050] =	vst v63  }
.Ltmp6:
0x2e3: {  	_ = 	snop;
	(pc) =	sbr.rel @p0 .LBB2_11-.Ltmp6, $4  }
0x2e4: {  	s26 =	simm.s32 $0xC800;
	s25 =	sadd.s32 $0x12C000, s0  }
0x2e5: {  	[hbm4b:s25+s30] =	stream.strided.scatter [tilespmem:s26], [sflag:$0x4], $0x1400, s3, s30, $0x38;
	[tilespmem:$0xF050] =	vst v63  }
0x2e6: {  	s28 =	simm.s32 $0xDC00;
	s0 =	sadd.s32 $0x190000, s0  }
0x2e7: {  	[hbm4b:s0+s30] =	stream.strided.scatter [tilespmem:s28], [sflag:$0x4], $0x1400, s3, s30, $0x38;
	[tilespmem:$0xF050] =	vst v63  }
0x2e8: {  	s0 =	rddreg [dreg:$0xb]  }
0x2e9: {  	s0 =	sadd.s32 $0x3, s0  }
0x2ea: {  	s1 =	smulhi.u32 $0x66666667, s0;
	_ =	sdelay $0x1  }
0x2eb: {  	s1 =	sshrl.u32 s1, $0x1  }
0x2ec: {  	s2 =	smul.u32 $0x5, s1;
	_ =	sdelay $0x1  }
0x2ed: {  	s0 =	ssub.s32 s0, s2  }
0x2ee: {  	s1 =	sadd.s32 s31, s1;
	s0 =	smul.u32 $0xA0000, s0  }
.Ltmp7:
0x2ef: {  	s1 =	sshll.u32 s1, $0xA;
	(pc) =	sbr.rel .LBB2_2-.Ltmp7, $4  }
0x2f0: {  	s26 =	rddreg [dreg:$0x1];
	s0 =	sadd.s32 s0, s1  }
0x2f1: {  	s22 =	rddreg [dreg:$0xa];
	s0 =	sshrl.u32 s0, $0x3  }
0x2f2: {  	s28 =	simm.s32 $0x1400;
	s22 =	sadd.s32 $0x1, s22;
	s0 =	sadd.s32 s26, s0  }
0x2f3: {  	[tilespmem:s28], [sflag:$0x2] =	stream.strided.gather [hbm4b:s0+s30], $0x1400, s3, s30, $0x38;
	[tilespmem:$0xF050] =	vst v63  }
.LBB2_12:
0x2f4: {  	_ =	sfence.sel $0x180000  }
0x2f5: {  	[bflag:$0x0] =	sbarrier.arrive $0xFFFF  }
0x2f6: {  	_ =	strace $0x90000047  }
0x2f7: {  	s0 =	stileid.u32;
	[bflag:$0x2] =	sbarrier.arrive $0xFFFF  }
0x2f8: {  	p0 =	sne.s32 s0, $0x0;
	s0 =	rddreg [dreg:$0x3]  }
0x2f9: {  	s0 =	sadd.s32 @!p0 $0x100000, s0  }
0x2fa: {  	[sflag:s0] =	ssyncadd.tile.s32 @!p0 $0x1;
	_ =	shalt  }
.Lfunc_end2:
_tile_overlayer_lowered:
.L_overlay_start_2:
0x2fb: {  	(tag) =	ssettag $0x2  }
0x2fc: {  	s0 =	rddreg [dreg:$0x0];
	s2 =	stileid.u32  }
0x2fd: {  	s1 =	rddreg [dreg:$0x1];
	p0 =	sne.s32 s2, $0x0  }
0x2fe: {  	s3 =	rddreg [dreg:$0x2];
	[bflag:$0x3] =	sbarrier.arrive $0xFFFF;
	s2 =	simm.s32 @!p0 $0x1C05  }
0x2ff: {  	[timem:s3], [sflag:s2] =	dma.local @!p0 [hbm:s0], s1  }
0x300: {  	s0 =	simm.s32 @!p0 $0x5  }
0x301: {  	_ =	swait.ge @!p0 [sflag:s0], s1  }
0x302: {  	s1 =	ssub.s32 @!p0 $0x0, s1;
	[sflag:s0] =	ssyncset.done @!p0 $0x0  }
0x303: {  	[sflag:s0] =	ssyncadd.s32 @!p0 s1  }
0x304: {  	[bflag:$0x3] =	sbarrier.arrive $0xFFFF  }
0x305: {  	_ =	shalt  }

</sc_bundles>
